<compile_context>
chip_gen: v7x
topology: tpu7x:2x2x1
jax: 0.10.2.dev20260603
libtpu: 0.0.44.dev20260713+nightly
codegen_flags: <defaults>
</compile_context>

<pallas_src>
import functools

import jax
import jax.numpy as jnp
from jax import lax
from jax.experimental import pallas as pl
from jax.experimental.pallas import tpu as pltpu
from jax.experimental.pallas import tpu_sc as plsc

B = 4
H = 256
N = 2048
M = 2046
MP = 2048
L = 16
NC = 2
NS = 16
NW = NC * NS
WPB = NW // B

XA = 256
YA = 256
XVPW = XA // WPB // L
YVPW = YA // WPB // L
SCALE_X = 1.0 / (B * N)
SCALE_Y = 1.0 / (B * M)



def _tail_body(rows_ref, ldr_ref, out_ref, *, k_lo, k_hi, j_lo, j_hi):
    r = rows_ref[0, 0]
    c = r[5:6, :] + r[6:7, :] + r[7:8, :]
    c1 = pltpu.roll(c, N - 1, axis=1)
    c2 = pltpu.roll(c, N - 2, axis=1)
    mid = (c + c1 + c2) * (1.0 / 9.0)
    lane = lax.broadcasted_iota(jnp.int32, (1, MP), 1)
    mid = jnp.where(lane < M, mid, jnp.inf)

    ldT = jnp.transpose(ldr_ref[0], (1, 0))
    inf128 = jnp.full((128, 128), jnp.inf, jnp.float32)
    laneid = lax.broadcasted_iota(jnp.int32, (1, 128), 1)

    def _groups(lo, hi, g):
        ks = list(range(lo, hi))
        return [ks[i:i + g] for i in range(0, len(ks), g)]

    sx = jnp.float32(0.0)
    for grp in _groups(k_lo, k_hi, 14):
        xcs = [ldT[:, k:k + 1] for k in grp]
        accs = [inf128] * len(grp)
        for j in range(MP // 128):
            yb = mid[:, j * 128:(j + 1) * 128]
            accs = [jnp.minimum(a, (xc - yb) ** 2)
                    for a, xc in zip(accs, xcs)]
        for a in accs:
            sx = sx + jnp.sum(jnp.min(a, axis=1))

    sy = jnp.float32(0.0)
    for grp in _groups(j_lo, j_hi, 14):
        ybs = [mid[:, j * 128:(j + 1) * 128] for j in grp]
        accs = [inf128] * len(grp)
        for k in range(N // 128):
            xc = ldT[:, k:k + 1]
            accs = [jnp.minimum(a, (xc - yb) ** 2)
                    for a, yb in zip(accs, ybs)]
        for a, j in zip(accs, grp):
            v = jnp.min(a, axis=0, keepdims=True)
            v = jnp.where(laneid + j * 128 < M, v, 0.0)
            sy = sy + jnp.sum(v)

    val = sx * SCALE_X + sy * SCALE_Y
    subl = lax.broadcasted_iota(jnp.int32, (8, L), 0)
    lane8 = lax.broadcasted_iota(jnp.int32, (8, L), 1)
    out_ref[...] = jnp.where((subl == 0) & (lane8 == 0), val, 0.0)


def _tail(output, ldr, k_lo, k_hi, j_lo, j_hi):
    body = functools.partial(
        _tail_body, k_lo=k_lo, k_hi=k_hi, j_lo=j_lo, j_hi=j_hi
    )
    return pl.pallas_call(
        body,
        grid=(B,),
        in_specs=[
            pl.BlockSpec((1, 1, 8, N), lambda b: (b, 0, (H // 8) - 1, 0)),
            pl.BlockSpec((1, N // 128, 128), lambda b: (b, 0, 0)),
        ],
        out_specs=pl.BlockSpec((8, L), lambda b: (b, 0)),
        out_shape=jax.ShapeDtypeStruct((B * 8, L), jnp.float32),
    )(output, ldr)



def _iota16():
    return lax.iota(jnp.int32, L)


_GDN = lax.GatherDimensionNumbers(
    offset_dims=(), collapsed_slice_dims=(0,), start_index_map=(0,)
)


def _bcast_lane(v, l):
    idx = jnp.full((L, 1), l, jnp.int32)
    return lax.gather(v, idx, _GDN, (1,),
                      mode=lax.GatherScatterMode.PROMISE_IN_BOUNDS)


def _chamfer_body(out4_hbm, lidar_hbm, out_hbm, rows_v, c_v, midp_v, ld_v, out_v):
    wid = lax.axis_index("c") * NS + lax.axis_index("s")
    b = wid // WPB
    ci = wid % WPB

    pltpu.sync_copy(out4_hbm.at[b, 0, pl.ds(H - 3, 3)], rows_v)
    pltpu.sync_copy(lidar_hbm.at[b, 0], ld_v)

    iota = _iota16()
    inf_v = jnp.full((L,), jnp.inf, jnp.float32)

    def mid_step(i, _):
        idx = iota + i * L
        c = (plsc.load_gather(rows_v, [jnp.full((L,), 0, jnp.int32), idx])
             + plsc.load_gather(rows_v, [jnp.full((L,), 1, jnp.int32), idx])
             + plsc.load_gather(rows_v, [jnp.full((L,), 2, jnp.int32), idx]))
        plsc.store_scatter(c_v, [idx], c)
        return 0

    lax.fori_loop(0, MP // L, mid_step, 0)

    def mid_step2(i, _):
        idx = iota + i * L
        i1 = jnp.minimum(idx + 1, N - 1)
        i2 = jnp.minimum(idx + 2, N - 1)
        m = (plsc.load_gather(c_v, [idx])
             + plsc.load_gather(c_v, [i1])
             + plsc.load_gather(c_v, [i2])) * (1.0 / 9.0)
        m = jnp.where(idx < M, m, jnp.inf)
        plsc.store_scatter(midp_v, [idx], m)
        return 0

    lax.fori_loop(0, MP // L, mid_step2, 0)

    xbase = ci * (XA // WPB)
    xs = [plsc.load_gather(ld_v, [iota + (xbase + i * L)]) for i in range(XVPW)]

    def body_a(jc, accs):
        ych = plsc.load_gather(midp_v, [iota + jc * L])
        acc = list(accs)
        for l in range(L):
            yb = _bcast_lane(ych, l)
            for i in range(XVPW):
                d = xs[i] - yb
                acc[i] = jnp.minimum(acc[i], d * d)
        return tuple(acc)

    accs_a = lax.fori_loop(0, MP // L, body_a, (inf_v,) * XVPW)
    s_a = accs_a[0]
    for i in range(1, XVPW):
        s_a = s_a + accs_a[i]

    ybase = ci * (YA // WPB)
    ys = [plsc.load_gather(midp_v, [iota + (ybase + i * L)]) for i in range(YVPW)]

    def body_b(jc, accs):
        xch = plsc.load_gather(ld_v, [iota + jc * L])
        acc = list(accs)
        for l in range(L):
            xb = _bcast_lane(xch, l)
            for i in range(YVPW):
                d = ys[i] - xb
                acc[i] = jnp.minimum(acc[i], d * d)
        return tuple(acc)

    accs_b = lax.fori_loop(0, N // L, body_b, (inf_v,) * YVPW)
    s_b = accs_b[0]
    for i in range(1, YVPW):
        s_b = s_b + accs_b[i]

    out_v[...] = s_a * SCALE_X + s_b * SCALE_Y
    pltpu.sync_copy(out_v, out_hbm.at[wid])


def _chamfer_head(output, lidar):
    mesh = plsc.VectorSubcoreMesh(
        core_axis_name="c", subcore_axis_name="s", num_cores=NC, num_subcores=NS
    )
    f = pl.kernel(
        _chamfer_body,
        out_type=jax.ShapeDtypeStruct((NW, L), jnp.float32),
        mesh=mesh,
        compiler_params=pltpu.CompilerParams(needs_layout_passes=False),
        scratch_types=[
            pltpu.VMEM((3, N), jnp.float32),
            pltpu.VMEM((N,), jnp.float32),
            pltpu.VMEM((MP,), jnp.float32),
            pltpu.VMEM((N,), jnp.float32),
            pltpu.VMEM((L,), jnp.float32),
        ],
    )
    return f(output, lidar)


@jax.jit
def kernel(output, lidar):
    ldr = lidar.reshape(B, N // 128, 128)
    head = _chamfer_head(output, lidar)
    tail = _tail(output, ldr, XA // 128, N // 128, YA // 128, MP // 128)
    return jnp.sum(head + tail)

# --- scband reference (transcript-rebuilt; emitter-appended) ---
"""Pipeline reference for scband-li-dar-loss-4784593568318 (READ-ONLY COPY).

The authoritative reference and input builder live on the scoring server;
editing this copy changes nothing except your own understanding.
"""

import jax, jax.numpy as jnp
import numpy as np


def setup_inputs(seed: int = 0) -> dict:
    key = jax.random.key(seed)
    k1, k2 = jax.random.split(key)
    output = jax.random.normal(k1, (4, 1, 256, 2048), dtype=jnp.float32)
    lidar = jax.random.normal(k2, (4, 1, 2048), dtype=jnp.float32)
    return {"output": output, "lidar": lidar}


def _chamfer_distance(x, y):
    # x: [B, N, 1], y: [B, M, 1]; squared-distance chamfer, point_reduction='mean',
    # batch_reduction='mean' (pytorch3d defaults). Returns scalar cham_x + cham_y.
    d2 = jnp.sum((x[:, :, None, :] - y[:, None, :, :]) ** 2, axis=-1)  # [B, N, M]
    cham_x = jnp.min(d2, axis=2)  # [B, N] min over y for each x point
    cham_y = jnp.min(d2, axis=1)  # [B, M] min over x for each y point
    cham_x = jnp.mean(cham_x, axis=1)  # point reduction mean -> [B]
    cham_y = jnp.mean(cham_y, axis=1)  # [B]
    return jnp.mean(cham_x) + jnp.mean(cham_y)  # batch reduction mean


def reference(output, lidar):
    # output: [B, 1, H, W]; lidar: [B, 1, N]
    H = output.shape[2]
    # output[:, :, H-3:H+4, :] -> last 3 rows (slice end clipped), shape [B, 1, 3, W]
    mid = output[:, :, H - 3:H + 4, :]
    # F.avg_pool2d(mid, 3, 1): 3x3 window, stride 1 over [3, W] -> [B, 1, 1, W-2]
    mid = jnp.mean(mid, axis=2)  # vertical mean over the 3 rows -> [B, 1, W]
    mid = (mid[:, :, :-2] + mid[:, :, 1:-1] + mid[:, :, 2:]) / 3.0  # [B, 1, W-2]
    mid = jnp.squeeze(mid, axis=1)  # .squeeze() with B>1, C==1 -> [B, W-2]
    ld = jnp.squeeze(lidar, axis=1)  # [B, N]
    # chamfer_distance(x=ld.unsqueeze(2), y=mid.unsqueeze(2)) on 1-D point clouds
    loss = _chamfer_distance(ld[:, :, None], mid[:, :, None])
    return loss

if __name__ == "__main__":
    import jax
    _d = setup_inputs()
    print(jax.jit(kernel)(*tuple(_d.values())))

</pallas_src>

<mosaic_0001>
#map = affine_map<(d0, d1) -> (0, 0, 0, 0)>
#map1 = affine_map<(d0, d1) -> (0, 0, 0)>
#map2 = affine_map<(d0, d1) -> (0, 0)>
module attributes {stable_mosaic.version = 14 : i64} {
  func.func @_chamfer_body(%arg0: i32, %arg1: i32, %arg2: memref<4x1x256x2048xf32, #tpu.memory_space<hbm>>, %arg3: memref<4x1x2048xf32, #tpu.memory_space<hbm>>, %arg4: memref<32x16xf32, #tpu.memory_space<hbm>>, %arg5: memref<3x2048xf32, #tpu.memory_space<vmem>>, %arg6: memref<2048xf32, #tpu.memory_space<vmem>>, %arg7: memref<2048xf32, #tpu.memory_space<vmem>>, %arg8: memref<2048xf32, #tpu.memory_space<vmem>>, %arg9: memref<16xf32, #tpu.memory_space<vmem>>) attributes {dimension_semantics = [#tpu.dimension_semantics<core_parallel>, #tpu.dimension_semantics<subcore_parallel>], iteration_bounds = array<i64: 2, 16>, scalar_prefetch = 0 : i64, scratch_operands = 5 : i64, tpu.core_type = #tpu.core_type<sc_vector_subcore>, window_params = [{transform_indices = #map}, {transform_indices = #map1}, {transform_indices = #map2}]} {
    %mul3A = arith.constant 16 : i32
    %mul3A_0 = arith.muli %arg0, %mul3A : i32
    %add3A = arith.addi %mul3A_0, %arg1 : i32
    %jit3A = arith.constant 8 : i32
    %div3A = arith.divsi %add3A, %jit3A : i32
    %sign3A = arith.constant 0 : i32
    %sign3A_1 = arith.cmpi sgt, %add3A, %sign3A : i32
    %sign3A_2 = arith.extui %sign3A_1 : i1 to i32
    %sign3A_3 = arith.constant 0 : i32
    %sign3A_4 = arith.cmpi slt, %add3A, %sign3A_3 : i32
    %sign3A_5 = arith.extui %sign3A_4 : i1 to i32
    %sign3A_6 = arith.subi %sign3A_2, %sign3A_5 : i32
    %sign3A_7 = arith.constant 0 : i32
    %sign3A_8 = arith.cmpi sgt, %jit3A, %sign3A_7 : i32
    %sign3A_9 = arith.extui %sign3A_8 : i1 to i32
    %sign3A_10 = arith.constant 0 : i32
    %sign3A_11 = arith.cmpi slt, %jit3A, %sign3A_10 : i32
    %sign3A_12 = arith.extui %sign3A_11 : i1 to i32
    %sign3A_13 = arith.subi %sign3A_9, %sign3A_12 : i32
    %ne3A = arith.cmpi ne, %sign3A_6, %sign3A_13 : i32
    %rem3A = arith.remsi %add3A, %jit3A : i32
    %ne3A_14 = arith.constant 0 : i32
    %ne3A_15 = arith.cmpi ne, %rem3A, %ne3A_14 : i32
    %and3A = arith.andi %ne3A, %ne3A_15 : i1
    %sub3A = arith.constant 1 : i32
    %sub3A_16 = arith.subi %div3A, %sub3A : i32
    %select_n3A = arith.select %and3A, %sub3A_16, %div3A : i32
    %jit3A_17 = arith.constant 8 : i32
    %eq3A = arith.constant 0 : i32
    %eq3A_18 = arith.cmpi eq, %jit3A_17, %eq3A : i32
    %jit3A_19 = arith.constant 1 : i32
    %select_n3A_20 = arith.select %eq3A_18, %jit3A_19, %jit3A_17 : i32
    %rem3A_21 = arith.remsi %add3A, %select_n3A_20 : i32
    %ne3A_22 = arith.constant 0 : i32
    %ne3A_23 = arith.cmpi ne, %rem3A_21, %ne3A_22 : i32
    %lt3A = arith.constant 0 : i32
    %lt3A_24 = arith.cmpi slt, %rem3A_21, %lt3A : i32
    %lt3A_25 = arith.constant 0 : i32
    %lt3A_26 = arith.cmpi slt, %select_n3A_20, %lt3A_25 : i32
    %ne3A_27 = arith.xori %lt3A_24, %lt3A_26 : i1
    %and3A_28 = arith.andi %ne3A_27, %ne3A_23 : i1
    %add3A_29 = arith.addi %rem3A_21, %select_n3A_20 : i32
    %select_n3A_30 = arith.select %and3A_28, %add3A_29, %rem3A_21 : i32
    %run_scoped3A = arith.constant 0 : i32
    "tpu.region"() ({
      %run_scoped3A_91 = tpu.sem_alloc : memref<!tpu.dma_semaphore, #tpu.memory_space<semaphore_mem>>
      %dma_start3A = arith.constant 253 : i32
      %dma_start3A_92 = arith.constant 0 : i32
      %dma_start3A_93 = tpu.memref_slice %arg2[%select_n3A, %run_scoped3A, %dma_start3A, %dma_start3A_92] : memref<4x1x256x2048xf32, #tpu.memory_space<hbm>> -> memref<1x1x3x2048xf32, #tpu.memory_space<hbm>>
      %dma_start3A_94 = tpu.memref_squeeze %dma_start3A_93 : memref<1x1x3x2048xf32, #tpu.memory_space<hbm>> -> memref<3x2048xf32, #tpu.memory_space<hbm>>
      %dma_start3A_95 = arith.constant 253 : i32
      %dma_start3A_96 = arith.constant 0 : i32
      %dma_start3A_97 = tpu.memref_slice %arg2[%select_n3A, %run_scoped3A, %dma_start3A_95, %dma_start3A_96] : memref<4x1x256x2048xf32, #tpu.memory_space<hbm>> -> memref<1x1x3x2048xf32, #tpu.memory_space<hbm>>
      %dma_start3A_98 = tpu.memref_squeeze %dma_start3A_97 : memref<1x1x3x2048xf32, #tpu.memory_space<hbm>> -> memref<3x2048xf32, #tpu.memory_space<hbm>>
      tpu.enqueue_dma source(%dma_start3A_98 : memref<3x2048xf32, #tpu.memory_space<hbm>>) target(%arg5 : memref<3x2048xf32, #tpu.memory_space<vmem>>) target_semaphore(%run_scoped3A_91 : memref<!tpu.dma_semaphore, #tpu.memory_space<semaphore_mem>>)
      %dma_wait3A = arith.constant 253 : i32
      %dma_wait3A_99 = arith.constant 0 : i32
      %dma_wait3A_100 = tpu.memref_slice %arg2[%select_n3A, %run_scoped3A, %dma_wait3A, %dma_wait3A_99] : memref<4x1x256x2048xf32, #tpu.memory_space<hbm>> -> memref<1x1x3x2048xf32, #tpu.memory_space<hbm>>
      %dma_wait3A_101 = tpu.memref_squeeze %dma_wait3A_100 : memref<1x1x3x2048xf32, #tpu.memory_space<hbm>> -> memref<3x2048xf32, #tpu.memory_space<hbm>>
      %dma_wait3A_102 = arith.constant 253 : i32
      %dma_wait3A_103 = arith.constant 0 : i32
      %dma_wait3A_104 = tpu.memref_slice %arg2[%select_n3A, %run_scoped3A, %dma_wait3A_102, %dma_wait3A_103] : memref<4x1x256x2048xf32, #tpu.memory_space<hbm>> -> memref<1x1x3x2048xf32, #tpu.memory_space<hbm>>
      %dma_wait3A_105 = tpu.memref_squeeze %dma_wait3A_104 : memref<1x1x3x2048xf32, #tpu.memory_space<hbm>> -> memref<3x2048xf32, #tpu.memory_space<hbm>>
      tpu.wait_dma2 semaphore(%run_scoped3A_91 : memref<!tpu.dma_semaphore, #tpu.memory_space<semaphore_mem>>) src(%dma_wait3A_105 : memref<3x2048xf32, #tpu.memory_space<hbm>>) dst(%arg5 : memref<3x2048xf32, #tpu.memory_space<vmem>>)
      tpu.yield
    }) : () -> ()
    %run_scoped3A_31 = arith.constant 0 : i32
    "tpu.region"() ({
      %run_scoped3A_91 = tpu.sem_alloc : memref<!tpu.dma_semaphore, #tpu.memory_space<semaphore_mem>>
      %dma_start3A = arith.constant 0 : i32
      %dma_start3A_92 = tpu.memref_slice %arg3[%select_n3A, %run_scoped3A_31, %dma_start3A] : memref<4x1x2048xf32, #tpu.memory_space<hbm>> -> memref<1x1x2048xf32, #tpu.memory_space<hbm>>
      %dma_start3A_93 = tpu.memref_squeeze %dma_start3A_92 : memref<1x1x2048xf32, #tpu.memory_space<hbm>> -> memref<2048xf32, #tpu.memory_space<hbm>>
      %dma_start3A_94 = arith.constant 0 : i32
      %dma_start3A_95 = tpu.memref_slice %arg3[%select_n3A, %run_scoped3A_31, %dma_start3A_94] : memref<4x1x2048xf32, #tpu.memory_space<hbm>> -> memref<1x1x2048xf32, #tpu.memory_space<hbm>>
      %dma_start3A_96 = tpu.memref_squeeze %dma_start3A_95 : memref<1x1x2048xf32, #tpu.memory_space<hbm>> -> memref<2048xf32, #tpu.memory_space<hbm>>
      tpu.enqueue_dma source(%dma_start3A_96 : memref<2048xf32, #tpu.memory_space<hbm>>) target(%arg8 : memref<2048xf32, #tpu.memory_space<vmem>>) target_semaphore(%run_scoped3A_91 : memref<!tpu.dma_semaphore, #tpu.memory_space<semaphore_mem>>)
      %dma_wait3A = arith.constant 0 : i32
      %dma_wait3A_97 = tpu.memref_slice %arg3[%select_n3A, %run_scoped3A_31, %dma_wait3A] : memref<4x1x2048xf32, #tpu.memory_space<hbm>> -> memref<1x1x2048xf32, #tpu.memory_space<hbm>>
      %dma_wait3A_98 = tpu.memref_squeeze %dma_wait3A_97 : memref<1x1x2048xf32, #tpu.memory_space<hbm>> -> memref<2048xf32, #tpu.memory_space<hbm>>
      %dma_wait3A_99 = arith.constant 0 : i32
      %dma_wait3A_100 = tpu.memref_slice %arg3[%select_n3A, %run_scoped3A_31, %dma_wait3A_99] : memref<4x1x2048xf32, #tpu.memory_space<hbm>> -> memref<1x1x2048xf32, #tpu.memory_space<hbm>>
      %dma_wait3A_101 = tpu.memref_squeeze %dma_wait3A_100 : memref<1x1x2048xf32, #tpu.memory_space<hbm>> -> memref<2048xf32, #tpu.memory_space<hbm>>
      tpu.wait_dma2 semaphore(%run_scoped3A_91 : memref<!tpu.dma_semaphore, #tpu.memory_space<semaphore_mem>>) src(%dma_wait3A_101 : memref<2048xf32, #tpu.memory_space<hbm>>) dst(%arg8 : memref<2048xf32, #tpu.memory_space<vmem>>)
      tpu.yield
    }) : () -> ()
    %iota3A = tpu.iota {dimensions = array<i32: 0>} : vector<16xi32>
    %broadcast_in_dim3A = arith.constant 0x7F800000 : f32
    %broadcast_in_dim3A_32 = vector.broadcast %broadcast_in_dim3A : f32 to vector<16xf32>
    %scan3A = arith.constant 0 : i32
    %scan3A_33 = arith.constant 0 : i32
    %scan3A_34 = arith.constant 128 : i32
    %scan3A_35 = arith.addi %scan3A_33, %scan3A_34 : i32
    %scan3A_36 = arith.constant 1 : i32
    %scan3A_37 = scf.for %scan3A_91 = %scan3A_33 to %scan3A_35 step %scan3A_36 iter_args(%scan3A_92 = %scan3A) -> (i32)  : i32 {
      %mul3A_93 = arith.constant 16 : i32
      %mul3A_94 = arith.muli %scan3A_91, %mul3A_93 : i32
      %add3A_95 = vector.broadcast %mul3A_94 : i32 to vector<16xi32>
      %add3A_96 = arith.addi %iota3A, %add3A_95 : vector<16xi32>
      %broadcast_in_dim3A_97 = arith.constant 0 : i32
      %broadcast_in_dim3A_98 = vector.broadcast %broadcast_in_dim3A_97 : i32 to vector<16xi32>
      %gather3A_99 = tpu.vector_load_idx %arg5[%broadcast_in_dim3A_98, %add3A_96] : memref<3x2048xf32, #tpu.memory_space<vmem>>[vector<16xi32>, vector<16xi32>], vector<16xf32>,
      %broadcast_in_dim3A_100 = arith.constant 1 : i32
      %broadcast_in_dim3A_101 = vector.broadcast %broadcast_in_dim3A_100 : i32 to vector<16xi32>
      %gather3A_102 = tpu.vector_load_idx %arg5[%broadcast_in_dim3A_101, %add3A_96] : memref<3x2048xf32, #tpu.memory_space<vmem>>[vector<16xi32>, vector<16xi32>], vector<16xf32>,
      %add3A_103 = arith.addf %gather3A_99, %gather3A_102 : vector<16xf32>
      %broadcast_in_dim3A_104 = arith.constant 2 : i32
      %broadcast_in_dim3A_105 = vector.broadcast %broadcast_in_dim3A_104 : i32 to vector<16xi32>
      %gather3A_106 = tpu.vector_load_idx %arg5[%broadcast_in_dim3A_105, %add3A_96] : memref<3x2048xf32, #tpu.memory_space<vmem>>[vector<16xi32>, vector<16xi32>], vector<16xf32>,
      %add3A_107 = arith.addf %add3A_103, %gather3A_106 : vector<16xf32>
      tpu.vector_store_idx %arg6[%add3A_96], %add3A_107 : memref<2048xf32, #tpu.memory_space<vmem>>[vector<16xi32>], vector<16xf32>,
      %scan3A_108 = arith.constant 0 : i32
      scf.yield %scan3A_108 : i32
    }
    %scan3A_38 = arith.constant 128 : i32
    %scan3A_39 = arith.constant 0 : i32
    %scan3A_40 = arith.constant 0 : i32
    %scan3A_41 = arith.constant 128 : i32
    %scan3A_42 = arith.addi %scan3A_40, %scan3A_41 : i32
    %scan3A_43 = arith.constant 1 : i32
    %scan3A_44 = scf.for %scan3A_91 = %scan3A_40 to %scan3A_42 step %scan3A_43 iter_args(%scan3A_92 = %scan3A_39) -> (i32)  : i32 {
      %mul3A_93 = arith.constant 16 : i32
      %mul3A_94 = arith.muli %scan3A_91, %mul3A_93 : i32
      %add3A_95 = vector.broadcast %mul3A_94 : i32 to vector<16xi32>
      %add3A_96 = arith.addi %iota3A, %add3A_95 : vector<16xi32>
      %add3A_97 = arith.constant 1 : i32
      %add3A_98 = vector.broadcast %add3A_97 : i32 to vector<16xi32>
      %add3A_99 = arith.addi %add3A_96, %add3A_98 : vector<16xi32>
      %min3A = arith.constant 2047 : i32
      %min3A_100 = vector.broadcast %min3A : i32 to vector<16xi32>
      %min3A_101 = arith.minsi %add3A_99, %min3A_100 : vector<16xi32>
      %add3A_102 = arith.constant 2 : i32
      %add3A_103 = vector.broadcast %add3A_102 : i32 to vector<16xi32>
      %add3A_104 = arith.addi %add3A_96, %add3A_103 : vector<16xi32>
      %min3A_105 = arith.constant 2047 : i32
      %min3A_106 = vector.broadcast %min3A_105 : i32 to vector<16xi32>
      %min3A_107 = arith.minsi %add3A_104, %min3A_106 : vector<16xi32>
      %gather3A_108 = tpu.vector_load_idx %arg6[%add3A_96] : memref<2048xf32, #tpu.memory_space<vmem>>[vector<16xi32>], vector<16xf32>,
      %gather3A_109 = tpu.vector_load_idx %arg6[%min3A_101] : memref<2048xf32, #tpu.memory_space<vmem>>[vector<16xi32>], vector<16xf32>,
      %add3A_110 = arith.addf %gather3A_108, %gather3A_109 : vector<16xf32>
      %gather3A_111 = tpu.vector_load_idx %arg6[%min3A_107] : memref<2048xf32, #tpu.memory_space<vmem>>[vector<16xi32>], vector<16xf32>,
      %add3A_112 = arith.addf %add3A_110, %gather3A_111 : vector<16xf32>
      %mul3A_113 = arith.constant 0.111111112 : f32
      %mul3A_114 = vector.broadcast %mul3A_113 : f32 to vector<16xf32>
      %mul3A_115 = arith.mulf %add3A_112, %mul3A_114 : vector<16xf32>
      %lt3A_116 = arith.constant 2046 : i32
      %lt3A_117 = vector.broadcast %lt3A_116 : i32 to vector<16xi32>
      %lt3A_118 = arith.cmpi slt, %add3A_96, %lt3A_117 : vector<16xi32>
      %jit3A_119 = arith.constant 0x7F800000 : f32
      %broadcast_in_dim3A_120 = vector.broadcast %jit3A_119 : f32 to vector<16xf32>
      %select_n3A_121 = arith.select %lt3A_118, %mul3A_115, %broadcast_in_dim3A_120 : vector<16xi1>, vector<16xf32>
      tpu.vector_store_idx %arg7[%add3A_96], %select_n3A_121 : memref<2048xf32, #tpu.memory_space<vmem>>[vector<16xi32>], vector<16xf32>,
      %scan3A_122 = arith.constant 0 : i32
      scf.yield %scan3A_122 : i32
    }
    %scan3A_45 = arith.constant 128 : i32
    %mul3A_46 = arith.constant 32 : i32
    %mul3A_47 = arith.muli %select_n3A_30, %mul3A_46 : i32
    %add3A_48 = arith.constant 0 : i32
    %add3A_49 = arith.addi %mul3A_47, %add3A_48 : i32
    %add3A_50 = vector.broadcast %add3A_49 : i32 to vector<16xi32>
    %add3A_51 = arith.addi %iota3A, %add3A_50 : vector<16xi32>
    %gather3A = tpu.vector_load_idx %arg8[%add3A_51] : memref<2048xf32, #tpu.memory_space<vmem>>[vector<16xi32>], vector<16xf32>,
    %add3A_52 = arith.constant 16 : i32
    %add3A_53 = arith.addi %mul3A_47, %add3A_52 : i32
    %add3A_54 = vector.broadcast %add3A_53 : i32 to vector<16xi32>
    %add3A_55 = arith.addi %iota3A, %add3A_54 : vector<16xi32>
    %gather3A_56 = tpu.vector_load_idx %arg8[%add3A_55] : memref<2048xf32, #tpu.memory_space<vmem>>[vector<16xi32>], vector<16xf32>,
    %scan3A_57 = arith.constant 0 : i32
    %scan3A_58 = arith.constant 128 : i32
    %scan3A_59 = arith.addi %scan3A_57, %scan3A_58 : i32
    %scan3A_60 = arith.constant 1 : i32
    %scan3A_61:2 = scf.for %scan3A_91 = %scan3A_57 to %scan3A_59 step %scan3A_60 iter_args(%scan3A_92 = %broadcast_in_dim3A_32, %scan3A_93 = %broadcast_in_dim3A_32) -> (vector<16xf32>, vector<16xf32>)  : i32 {
      %mul3A_94 = arith.constant 16 : i32
      %mul3A_95 = arith.muli %scan3A_91, %mul3A_94 : i32
      %add3A_96 = vector.broadcast %mul3A_95 : i32 to vector<16xi32>
      %add3A_97 = arith.addi %iota3A, %add3A_96 : vector<16xi32>
      %gather3A_98 = tpu.vector_load_idx %arg7[%add3A_97] : memref<2048xf32, #tpu.memory_space<vmem>>[vector<16xi32>], vector<16xf32>,
      %broadcast_in_dim3A_99 = arith.constant 0 : i32
      %broadcast_in_dim3A_100 = vector.broadcast %broadcast_in_dim3A_99 : i32 to vector<16x1xi32>
      %gather3A_101 = vector.shape_cast %broadcast_in_dim3A_100 : vector<16x1xi32> to vector<16xi32>
      %gather3A_102 = tpu.dynamic_gather %gather3A_98[%gather3A_101] in [0] : vector<16xf32>, vector<16xi32> -> vector<16xf32>
      %sub3A_103 = arith.subf %gather3A, %gather3A_102 : vector<16xf32>
      %mul3A_104 = arith.mulf %sub3A_103, %sub3A_103 : vector<16xf32>
      %min3A = arith.minimumf %scan3A_92, %mul3A_104 : vector<16xf32>
      %sub3A_105 = arith.subf %gather3A_56, %gather3A_102 : vector<16xf32>
      %mul3A_106 = arith.mulf %sub3A_105, %sub3A_105 : vector<16xf32>
      %min3A_107 = arith.minimumf %scan3A_93, %mul3A_106 : vector<16xf32>
      %broadcast_in_dim3A_108 = arith.constant 1 : i32
      %broadcast_in_dim3A_109 = vector.broadcast %broadcast_in_dim3A_108 : i32 to vector<16x1xi32>
      %gather3A_110 = vector.shape_cast %broadcast_in_dim3A_109 : vector<16x1xi32> to vector<16xi32>
      %gather3A_111 = tpu.dynamic_gather %gather3A_98[%gather3A_110] in [0] : vector<16xf32>, vector<16xi32> -> vector<16xf32>
      %sub3A_112 = arith.subf %gather3A, %gather3A_111 : vector<16xf32>
      %mul3A_113 = arith.mulf %sub3A_112, %sub3A_112 : vector<16xf32>
      %min3A_114 = arith.minimumf %min3A, %mul3A_113 : vector<16xf32>
      %sub3A_115 = arith.subf %gather3A_56, %gather3A_111 : vector<16xf32>
      %mul3A_116 = arith.mulf %sub3A_115, %sub3A_115 : vector<16xf32>
      %min3A_117 = arith.minimumf %min3A_107, %mul3A_116 : vector<16xf32>
      %broadcast_in_dim3A_118 = arith.constant 2 : i32
      %broadcast_in_dim3A_119 = vector.broadcast %broadcast_in_dim3A_118 : i32 to vector<16x1xi32>
      %gather3A_120 = vector.shape_cast %broadcast_in_dim3A_119 : vector<16x1xi32> to vector<16xi32>
      %gather3A_121 = tpu.dynamic_gather %gather3A_98[%gather3A_120] in [0] : vector<16xf32>, vector<16xi32> -> vector<16xf32>
      %sub3A_122 = arith.subf %gather3A, %gather3A_121 : vector<16xf32>
      %mul3A_123 = arith.mulf %sub3A_122, %sub3A_122 : vector<16xf32>
      %min3A_124 = arith.minimumf %min3A_114, %mul3A_123 : vector<16xf32>
      %sub3A_125 = arith.subf %gather3A_56, %gather3A_121 : vector<16xf32>
      %mul3A_126 = arith.mulf %sub3A_125, %sub3A_125 : vector<16xf32>
      %min3A_127 = arith.minimumf %min3A_117, %mul3A_126 : vector<16xf32>
      %broadcast_in_dim3A_128 = arith.constant 3 : i32
      %broadcast_in_dim3A_129 = vector.broadcast %broadcast_in_dim3A_128 : i32 to vector<16x1xi32>
      %gather3A_130 = vector.shape_cast %broadcast_in_dim3A_129 : vector<16x1xi32> to vector<16xi32>
      %gather3A_131 = tpu.dynamic_gather %gather3A_98[%gather3A_130] in [0] : vector<16xf32>, vector<16xi32> -> vector<16xf32>
      %sub3A_132 = arith.subf %gather3A, %gather3A_131 : vector<16xf32>
      %mul3A_133 = arith.mulf %sub3A_132, %sub3A_132 : vector<16xf32>
      %min3A_134 = arith.minimumf %min3A_124, %mul3A_133 : vector<16xf32>
      %sub3A_135 = arith.subf %gather3A_56, %gather3A_131 : vector<16xf32>
      %mul3A_136 = arith.mulf %sub3A_135, %sub3A_135 : vector<16xf32>
      %min3A_137 = arith.minimumf %min3A_127, %mul3A_136 : vector<16xf32>
      %broadcast_in_dim3A_138 = arith.constant 4 : i32
      %broadcast_in_dim3A_139 = vector.broadcast %broadcast_in_dim3A_138 : i32 to vector<16x1xi32>
      %gather3A_140 = vector.shape_cast %broadcast_in_dim3A_139 : vector<16x1xi32> to vector<16xi32>
      %gather3A_141 = tpu.dynamic_gather %gather3A_98[%gather3A_140] in [0] : vector<16xf32>, vector<16xi32> -> vector<16xf32>
      %sub3A_142 = arith.subf %gather3A, %gather3A_141 : vector<16xf32>
      %mul3A_143 = arith.mulf %sub3A_142, %sub3A_142 : vector<16xf32>
      %min3A_144 = arith.minimumf %min3A_134, %mul3A_143 : vector<16xf32>
      %sub3A_145 = arith.subf %gather3A_56, %gather3A_141 : vector<16xf32>
      %mul3A_146 = arith.mulf %sub3A_145, %sub3A_145 : vector<16xf32>
      %min3A_147 = arith.minimumf %min3A_137, %mul3A_146 : vector<16xf32>
      %broadcast_in_dim3A_148 = arith.constant 5 : i32
      %broadcast_in_dim3A_149 = vector.broadcast %broadcast_in_dim3A_148 : i32 to vector<16x1xi32>
      %gather3A_150 = vector.shape_cast %broadcast_in_dim3A_149 : vector<16x1xi32> to vector<16xi32>
      %gather3A_151 = tpu.dynamic_gather %gather3A_98[%gather3A_150] in [0] : vector<16xf32>, vector<16xi32> -> vector<16xf32>
      %sub3A_152 = arith.subf %gather3A, %gather3A_151 : vector<16xf32>
      %mul3A_153 = arith.mulf %sub3A_152, %sub3A_152 : vector<16xf32>
      %min3A_154 = arith.minimumf %min3A_144, %mul3A_153 : vector<16xf32>
      %sub3A_155 = arith.subf %gather3A_56, %gather3A_151 : vector<16xf32>
      %mul3A_156 = arith.mulf %sub3A_155, %sub3A_155 : vector<16xf32>
      %min3A_157 = arith.minimumf %min3A_147, %mul3A_156 : vector<16xf32>
      %broadcast_in_dim3A_158 = arith.constant 6 : i32
      %broadcast_in_dim3A_159 = vector.broadcast %broadcast_in_dim3A_158 : i32 to vector<16x1xi32>
      %gather3A_160 = vector.shape_cast %broadcast_in_dim3A_159 : vector<16x1xi32> to vector<16xi32>
      %gather3A_161 = tpu.dynamic_gather %gather3A_98[%gather3A_160] in [0] : vector<16xf32>, vector<16xi32> -> vector<16xf32>
      %sub3A_162 = arith.subf %gather3A, %gather3A_161 : vector<16xf32>
      %mul3A_163 = arith.mulf %sub3A_162, %sub3A_162 : vector<16xf32>
      %min3A_164 = arith.minimumf %min3A_154, %mul3A_163 : vector<16xf32>
      %sub3A_165 = arith.subf %gather3A_56, %gather3A_161 : vector<16xf32>
      %mul3A_166 = arith.mulf %sub3A_165, %sub3A_165 : vector<16xf32>
      %min3A_167 = arith.minimumf %min3A_157, %mul3A_166 : vector<16xf32>
      %broadcast_in_dim3A_168 = arith.constant 7 : i32
      %broadcast_in_dim3A_169 = vector.broadcast %broadcast_in_dim3A_168 : i32 to vector<16x1xi32>
      %gather3A_170 = vector.shape_cast %broadcast_in_dim3A_169 : vector<16x1xi32> to vector<16xi32>
      %gather3A_171 = tpu.dynamic_gather %gather3A_98[%gather3A_170] in [0] : vector<16xf32>, vector<16xi32> -> vector<16xf32>
      %sub3A_172 = arith.subf %gather3A, %gather3A_171 : vector<16xf32>
      %mul3A_173 = arith.mulf %sub3A_172, %sub3A_172 : vector<16xf32>
      %min3A_174 = arith.minimumf %min3A_164, %mul3A_173 : vector<16xf32>
      %sub3A_175 = arith.subf %gather3A_56, %gather3A_171 : vector<16xf32>
      %mul3A_176 = arith.mulf %sub3A_175, %sub3A_175 : vector<16xf32>
      %min3A_177 = arith.minimumf %min3A_167, %mul3A_176 : vector<16xf32>
      %broadcast_in_dim3A_178 = arith.constant 8 : i32
      %broadcast_in_dim3A_179 = vector.broadcast %broadcast_in_dim3A_178 : i32 to vector<16x1xi32>
      %gather3A_180 = vector.shape_cast %broadcast_in_dim3A_179 : vector<16x1xi32> to vector<16xi32>
      %gather3A_181 = tpu.dynamic_gather %gather3A_98[%gather3A_180] in [0] : vector<16xf32>, vector<16xi32> -> vector<16xf32>
      %sub3A_182 = arith.subf %gather3A, %gather3A_181 : vector<16xf32>
      %mul3A_183 = arith.mulf %sub3A_182, %sub3A_182 : vector<16xf32>
      %min3A_184 = arith.minimumf %min3A_174, %mul3A_183 : vector<16xf32>
      %sub3A_185 = arith.subf %gather3A_56, %gather3A_181 : vector<16xf32>
      %mul3A_186 = arith.mulf %sub3A_185, %sub3A_185 : vector<16xf32>
      %min3A_187 = arith.minimumf %min3A_177, %mul3A_186 : vector<16xf32>
      %broadcast_in_dim3A_188 = arith.constant 9 : i32
      %broadcast_in_dim3A_189 = vector.broadcast %broadcast_in_dim3A_188 : i32 to vector<16x1xi32>
      %gather3A_190 = vector.shape_cast %broadcast_in_dim3A_189 : vector<16x1xi32> to vector<16xi32>
      %gather3A_191 = tpu.dynamic_gather %gather3A_98[%gather3A_190] in [0] : vector<16xf32>, vector<16xi32> -> vector<16xf32>
      %sub3A_192 = arith.subf %gather3A, %gather3A_191 : vector<16xf32>
      %mul3A_193 = arith.mulf %sub3A_192, %sub3A_192 : vector<16xf32>
      %min3A_194 = arith.minimumf %min3A_184, %mul3A_193 : vector<16xf32>
      %sub3A_195 = arith.subf %gather3A_56, %gather3A_191 : vector<16xf32>
      %mul3A_196 = arith.mulf %sub3A_195, %sub3A_195 : vector<16xf32>
      %min3A_197 = arith.minimumf %min3A_187, %mul3A_196 : vector<16xf32>
      %broadcast_in_dim3A_198 = arith.constant 10 : i32
      %broadcast_in_dim3A_199 = vector.broadcast %broadcast_in_dim3A_198 : i32 to vector<16x1xi32>
      %gather3A_200 = vector.shape_cast %broadcast_in_dim3A_199 : vector<16x1xi32> to vector<16xi32>
      %gather3A_201 = tpu.dynamic_gather %gather3A_98[%gather3A_200] in [0] : vector<16xf32>, vector<16xi32> -> vector<16xf32>
      %sub3A_202 = arith.subf %gather3A, %gather3A_201 : vector<16xf32>
      %mul3A_203 = arith.mulf %sub3A_202, %sub3A_202 : vector<16xf32>
      %min3A_204 = arith.minimumf %min3A_194, %mul3A_203 : vector<16xf32>
      %sub3A_205 = arith.subf %gather3A_56, %gather3A_201 : vector<16xf32>
      %mul3A_206 = arith.mulf %sub3A_205, %sub3A_205 : vector<16xf32>
      %min3A_207 = arith.minimumf %min3A_197, %mul3A_206 : vector<16xf32>
      %broadcast_in_dim3A_208 = arith.constant 11 : i32
      %broadcast_in_dim3A_209 = vector.broadcast %broadcast_in_dim3A_208 : i32 to vector<16x1xi32>
      %gather3A_210 = vector.shape_cast %broadcast_in_dim3A_209 : vector<16x1xi32> to vector<16xi32>
      %gather3A_211 = tpu.dynamic_gather %gather3A_98[%gather3A_210] in [0] : vector<16xf32>, vector<16xi32> -> vector<16xf32>
      %sub3A_212 = arith.subf %gather3A, %gather3A_211 : vector<16xf32>
      %mul3A_213 = arith.mulf %sub3A_212, %sub3A_212 : vector<16xf32>
      %min3A_214 = arith.minimumf %min3A_204, %mul3A_213 : vector<16xf32>
      %sub3A_215 = arith.subf %gather3A_56, %gather3A_211 : vector<16xf32>
      %mul3A_216 = arith.mulf %sub3A_215, %sub3A_215 : vector<16xf32>
      %min3A_217 = arith.minimumf %min3A_207, %mul3A_216 : vector<16xf32>
      %broadcast_in_dim3A_218 = arith.constant 12 : i32
      %broadcast_in_dim3A_219 = vector.broadcast %broadcast_in_dim3A_218 : i32 to vector<16x1xi32>
      %gather3A_220 = vector.shape_cast %broadcast_in_dim3A_219 : vector<16x1xi32> to vector<16xi32>
      %gather3A_221 = tpu.dynamic_gather %gather3A_98[%gather3A_220] in [0] : vector<16xf32>, vector<16xi32> -> vector<16xf32>
      %sub3A_222 = arith.subf %gather3A, %gather3A_221 : vector<16xf32>
      %mul3A_223 = arith.mulf %sub3A_222, %sub3A_222 : vector<16xf32>
      %min3A_224 = arith.minimumf %min3A_214, %mul3A_223 : vector<16xf32>
      %sub3A_225 = arith.subf %gather3A_56, %gather3A_221 : vector<16xf32>
      %mul3A_226 = arith.mulf %sub3A_225, %sub3A_225 : vector<16xf32>
      %min3A_227 = arith.minimumf %min3A_217, %mul3A_226 : vector<16xf32>
      %broadcast_in_dim3A_228 = arith.constant 13 : i32
      %broadcast_in_dim3A_229 = vector.broadcast %broadcast_in_dim3A_228 : i32 to vector<16x1xi32>
      %gather3A_230 = vector.shape_cast %broadcast_in_dim3A_229 : vector<16x1xi32> to vector<16xi32>
      %gather3A_231 = tpu.dynamic_gather %gather3A_98[%gather3A_230] in [0] : vector<16xf32>, vector<16xi32> -> vector<16xf32>
      %sub3A_232 = arith.subf %gather3A, %gather3A_231 : vector<16xf32>
      %mul3A_233 = arith.mulf %sub3A_232, %sub3A_232 : vector<16xf32>
      %min3A_234 = arith.minimumf %min3A_224, %mul3A_233 : vector<16xf32>
      %sub3A_235 = arith.subf %gather3A_56, %gather3A_231 : vector<16xf32>
      %mul3A_236 = arith.mulf %sub3A_235, %sub3A_235 : vector<16xf32>
      %min3A_237 = arith.minimumf %min3A_227, %mul3A_236 : vector<16xf32>
      %broadcast_in_dim3A_238 = arith.constant 14 : i32
      %broadcast_in_dim3A_239 = vector.broadcast %broadcast_in_dim3A_238 : i32 to vector<16x1xi32>
      %gather3A_240 = vector.shape_cast %broadcast_in_dim3A_239 : vector<16x1xi32> to vector<16xi32>
      %gather3A_241 = tpu.dynamic_gather %gather3A_98[%gather3A_240] in [0] : vector<16xf32>, vector<16xi32> -> vector<16xf32>
      %sub3A_242 = arith.subf %gather3A, %gather3A_241 : vector<16xf32>
      %mul3A_243 = arith.mulf %sub3A_242, %sub3A_242 : vector<16xf32>
      %min3A_244 = arith.minimumf %min3A_234, %mul3A_243 : vector<16xf32>
      %sub3A_245 = arith.subf %gather3A_56, %gather3A_241 : vector<16xf32>
      %mul3A_246 = arith.mulf %sub3A_245, %sub3A_245 : vector<16xf32>
      %min3A_247 = arith.minimumf %min3A_237, %mul3A_246 : vector<16xf32>
      %broadcast_in_dim3A_248 = arith.constant 15 : i32
      %broadcast_in_dim3A_249 = vector.broadcast %broadcast_in_dim3A_248 : i32 to vector<16x1xi32>
      %gather3A_250 = vector.shape_cast %broadcast_in_dim3A_249 : vector<16x1xi32> to vector<16xi32>
      %gather3A_251 = tpu.dynamic_gather %gather3A_98[%gather3A_250] in [0] : vector<16xf32>, vector<16xi32> -> vector<16xf32>
      %sub3A_252 = arith.subf %gather3A, %gather3A_251 : vector<16xf32>
      %mul3A_253 = arith.mulf %sub3A_252, %sub3A_252 : vector<16xf32>
      %min3A_254 = arith.minimumf %min3A_244, %mul3A_253 : vector<16xf32>
      %sub3A_255 = arith.subf %gather3A_56, %gather3A_251 : vector<16xf32>
      %mul3A_256 = arith.mulf %sub3A_255, %sub3A_255 : vector<16xf32>
      %min3A_257 = arith.minimumf %min3A_247, %mul3A_256 : vector<16xf32>
      scf.yield %min3A_254, %min3A_257 : vector<16xf32>, vector<16xf32>
    }
    %scan3A_62 = arith.constant 128 : i32
    %add3A_63 = arith.addf %scan3A_61#0, %scan3A_61#1 : vector<16xf32>
    %mul3A_64 = arith.constant 32 : i32
    %mul3A_65 = arith.muli %select_n3A_30, %mul3A_64 : i32
    %add3A_66 = arith.constant 0 : i32
    %add3A_67 = arith.addi %mul3A_65, %add3A_66 : i32
    %add3A_68 = vector.broadcast %add3A_67 : i32 to vector<16xi32>
    %add3A_69 = arith.addi %iota3A, %add3A_68 : vector<16xi32>
    %gather3A_70 = tpu.vector_load_idx %arg7[%add3A_69] : memref<2048xf32, #tpu.memory_space<vmem>>[vector<16xi32>], vector<16xf32>,
    %add3A_71 = arith.constant 16 : i32
    %add3A_72 = arith.addi %mul3A_65, %add3A_71 : i32
    %add3A_73 = vector.broadcast %add3A_72 : i32 to vector<16xi32>
    %add3A_74 = arith.addi %iota3A, %add3A_73 : vector<16xi32>
    %gather3A_75 = tpu.vector_load_idx %arg7[%add3A_74] : memref<2048xf32, #tpu.memory_space<vmem>>[vector<16xi32>], vector<16xf32>,
    %scan3A_76 = arith.constant 0 : i32
    %scan3A_77 = arith.constant 128 : i32
    %scan3A_78 = arith.addi %scan3A_76, %scan3A_77 : i32
    %scan3A_79 = arith.constant 1 : i32
    %scan3A_80:2 = scf.for %scan3A_91 = %scan3A_76 to %scan3A_78 step %scan3A_79 iter_args(%scan3A_92 = %broadcast_in_dim3A_32, %scan3A_93 = %broadcast_in_dim3A_32) -> (vector<16xf32>, vector<16xf32>)  : i32 {
      %mul3A_94 = arith.constant 16 : i32
      %mul3A_95 = arith.muli %scan3A_91, %mul3A_94 : i32
      %add3A_96 = vector.broadcast %mul3A_95 : i32 to vector<16xi32>
      %add3A_97 = arith.addi %iota3A, %add3A_96 : vector<16xi32>
      %gather3A_98 = tpu.vector_load_idx %arg8[%add3A_97] : memref<2048xf32, #tpu.memory_space<vmem>>[vector<16xi32>], vector<16xf32>,
      %broadcast_in_dim3A_99 = arith.constant 0 : i32
      %broadcast_in_dim3A_100 = vector.broadcast %broadcast_in_dim3A_99 : i32 to vector<16x1xi32>
      %gather3A_101 = vector.shape_cast %broadcast_in_dim3A_100 : vector<16x1xi32> to vector<16xi32>
      %gather3A_102 = tpu.dynamic_gather %gather3A_98[%gather3A_101] in [0] : vector<16xf32>, vector<16xi32> -> vector<16xf32>
      %sub3A_103 = arith.subf %gather3A_70, %gather3A_102 : vector<16xf32>
      %mul3A_104 = arith.mulf %sub3A_103, %sub3A_103 : vector<16xf32>
      %min3A = arith.minimumf %scan3A_92, %mul3A_104 : vector<16xf32>
      %sub3A_105 = arith.subf %gather3A_75, %gather3A_102 : vector<16xf32>
      %mul3A_106 = arith.mulf %sub3A_105, %sub3A_105 : vector<16xf32>
      %min3A_107 = arith.minimumf %scan3A_93, %mul3A_106 : vector<16xf32>
      %broadcast_in_dim3A_108 = arith.constant 1 : i32
      %broadcast_in_dim3A_109 = vector.broadcast %broadcast_in_dim3A_108 : i32 to vector<16x1xi32>
      %gather3A_110 = vector.shape_cast %broadcast_in_dim3A_109 : vector<16x1xi32> to vector<16xi32>
      %gather3A_111 = tpu.dynamic_gather %gather3A_98[%gather3A_110] in [0] : vector<16xf32>, vector<16xi32> -> vector<16xf32>
      %sub3A_112 = arith.subf %gather3A_70, %gather3A_111 : vector<16xf32>
      %mul3A_113 = arith.mulf %sub3A_112, %sub3A_112 : vector<16xf32>
      %min3A_114 = arith.minimumf %min3A, %mul3A_113 : vector<16xf32>
      %sub3A_115 = arith.subf %gather3A_75, %gather3A_111 : vector<16xf32>
      %mul3A_116 = arith.mulf %sub3A_115, %sub3A_115 : vector<16xf32>
      %min3A_117 = arith.minimumf %min3A_107, %mul3A_116 : vector<16xf32>
      %broadcast_in_dim3A_118 = arith.constant 2 : i32
      %broadcast_in_dim3A_119 = vector.broadcast %broadcast_in_dim3A_118 : i32 to vector<16x1xi32>
      %gather3A_120 = vector.shape_cast %broadcast_in_dim3A_119 : vector<16x1xi32> to vector<16xi32>
      %gather3A_121 = tpu.dynamic_gather %gather3A_98[%gather3A_120] in [0] : vector<16xf32>, vector<16xi32> -> vector<16xf32>
      %sub3A_122 = arith.subf %gather3A_70, %gather3A_121 : vector<16xf32>
      %mul3A_123 = arith.mulf %sub3A_122, %sub3A_122 : vector<16xf32>
      %min3A_124 = arith.minimumf %min3A_114, %mul3A_123 : vector<16xf32>
      %sub3A_125 = arith.subf %gather3A_75, %gather3A_121 : vector<16xf32>
      %mul3A_126 = arith.mulf %sub3A_125, %sub3A_125 : vector<16xf32>
      %min3A_127 = arith.minimumf %min3A_117, %mul3A_126 : vector<16xf32>
      %broadcast_in_dim3A_128 = arith.constant 3 : i32
      %broadcast_in_dim3A_129 = vector.broadcast %broadcast_in_dim3A_128 : i32 to vector<16x1xi32>
      %gather3A_130 = vector.shape_cast %broadcast_in_dim3A_129 : vector<16x1xi32> to vector<16xi32>
      %gather3A_131 = tpu.dynamic_gather %gather3A_98[%gather3A_130] in [0] : vector<16xf32>, vector<16xi32> -> vector<16xf32>
      %sub3A_132 = arith.subf %gather3A_70, %gather3A_131 : vector<16xf32>
      %mul3A_133 = arith.mulf %sub3A_132, %sub3A_132 : vector<16xf32>
      %min3A_134 = arith.minimumf %min3A_124, %mul3A_133 : vector<16xf32>
      %sub3A_135 = arith.subf %gather3A_75, %gather3A_131 : vector<16xf32>
      %mul3A_136 = arith.mulf %sub3A_135, %sub3A_135 : vector<16xf32>
      %min3A_137 = arith.minimumf %min3A_127, %mul3A_136 : vector<16xf32>
      %broadcast_in_dim3A_138 = arith.constant 4 : i32
      %broadcast_in_dim3A_139 = vector.broadcast %broadcast_in_dim3A_138 : i32 to vector<16x1xi32>
      %gather3A_140 = vector.shape_cast %broadcast_in_dim3A_139 : vector<16x1xi32> to vector<16xi32>
      %gather3A_141 = tpu.dynamic_gather %gather3A_98[%gather3A_140] in [0] : vector<16xf32>, vector<16xi32> -> vector<16xf32>
      %sub3A_142 = arith.subf %gather3A_70, %gather3A_141 : vector<16xf32>
      %mul3A_143 = arith.mulf %sub3A_142, %sub3A_142 : vector<16xf32>
      %min3A_144 = arith.minimumf %min3A_134, %mul3A_143 : vector<16xf32>
      %sub3A_145 = arith.subf %gather3A_75, %gather3A_141 : vector<16xf32>
      %mul3A_146 = arith.mulf %sub3A_145, %sub3A_145 : vector<16xf32>
      %min3A_147 = arith.minimumf %min3A_137, %mul3A_146 : vector<16xf32>
      %broadcast_in_dim3A_148 = arith.constant 5 : i32
      %broadcast_in_dim3A_149 = vector.broadcast %broadcast_in_dim3A_148 : i32 to vector<16x1xi32>
      %gather3A_150 = vector.shape_cast %broadcast_in_dim3A_149 : vector<16x1xi32> to vector<16xi32>
      %gather3A_151 = tpu.dynamic_gather %gather3A_98[%gather3A_150] in [0] : vector<16xf32>, vector<16xi32> -> vector<16xf32>
      %sub3A_152 = arith.subf %gather3A_70, %gather3A_151 : vector<16xf32>
      %mul3A_153 = arith.mulf %sub3A_152, %sub3A_152 : vector<16xf32>
      %min3A_154 = arith.minimumf %min3A_144, %mul3A_153 : vector<16xf32>
      %sub3A_155 = arith.subf %gather3A_75, %gather3A_151 : vector<16xf32>
      %mul3A_156 = arith.mulf %sub3A_155, %sub3A_155 : vector<16xf32>
      %min3A_157 = arith.minimumf %min3A_147, %mul3A_156 : vector<16xf32>
      %broadcast_in_dim3A_158 = arith.constant 6 : i32
      %broadcast_in_dim3A_159 = vector.broadcast %broadcast_in_dim3A_158 : i32 to vector<16x1xi32>
      %gather3A_160 = vector.shape_cast %broadcast_in_dim3A_159 : vector<16x1xi32> to vector<16xi32>
      %gather3A_161 = tpu.dynamic_gather %gather3A_98[%gather3A_160] in [0] : vector<16xf32>, vector<16xi32> -> vector<16xf32>
      %sub3A_162 = arith.subf %gather3A_70, %gather3A_161 : vector<16xf32>
      %mul3A_163 = arith.mulf %sub3A_162, %sub3A_162 : vector<16xf32>
      %min3A_164 = arith.minimumf %min3A_154, %mul3A_163 : vector<16xf32>
      %sub3A_165 = arith.subf %gather3A_75, %gather3A_161 : vector<16xf32>
      %mul3A_166 = arith.mulf %sub3A_165, %sub3A_165 : vector<16xf32>
      %min3A_167 = arith.minimumf %min3A_157, %mul3A_166 : vector<16xf32>
      %broadcast_in_dim3A_168 = arith.constant 7 : i32
      %broadcast_in_dim3A_169 = vector.broadcast %broadcast_in_dim3A_168 : i32 to vector<16x1xi32>
      %gather3A_170 = vector.shape_cast %broadcast_in_dim3A_169 : vector<16x1xi32> to vector<16xi32>
      %gather3A_171 = tpu.dynamic_gather %gather3A_98[%gather3A_170] in [0] : vector<16xf32>, vector<16xi32> -> vector<16xf32>
      %sub3A_172 = arith.subf %gather3A_70, %gather3A_171 : vector<16xf32>
      %mul3A_173 = arith.mulf %sub3A_172, %sub3A_172 : vector<16xf32>
      %min3A_174 = arith.minimumf %min3A_164, %mul3A_173 : vector<16xf32>
      %sub3A_175 = arith.subf %gather3A_75, %gather3A_171 : vector<16xf32>
      %mul3A_176 = arith.mulf %sub3A_175, %sub3A_175 : vector<16xf32>
      %min3A_177 = arith.minimumf %min3A_167, %mul3A_176 : vector<16xf32>
      %broadcast_in_dim3A_178 = arith.constant 8 : i32
      %broadcast_in_dim3A_179 = vector.broadcast %broadcast_in_dim3A_178 : i32 to vector<16x1xi32>
      %gather3A_180 = vector.shape_cast %broadcast_in_dim3A_179 : vector<16x1xi32> to vector<16xi32>
      %gather3A_181 = tpu.dynamic_gather %gather3A_98[%gather3A_180] in [0] : vector<16xf32>, vector<16xi32> -> vector<16xf32>
      %sub3A_182 = arith.subf %gather3A_70, %gather3A_181 : vector<16xf32>
      %mul3A_183 = arith.mulf %sub3A_182, %sub3A_182 : vector<16xf32>
      %min3A_184 = arith.minimumf %min3A_174, %mul3A_183 : vector<16xf32>
      %sub3A_185 = arith.subf %gather3A_75, %gather3A_181 : vector<16xf32>
      %mul3A_186 = arith.mulf %sub3A_185, %sub3A_185 : vector<16xf32>
      %min3A_187 = arith.minimumf %min3A_177, %mul3A_186 : vector<16xf32>
      %broadcast_in_dim3A_188 = arith.constant 9 : i32
      %broadcast_in_dim3A_189 = vector.broadcast %broadcast_in_dim3A_188 : i32 to vector<16x1xi32>
      %gather3A_190 = vector.shape_cast %broadcast_in_dim3A_189 : vector<16x1xi32> to vector<16xi32>
      %gather3A_191 = tpu.dynamic_gather %gather3A_98[%gather3A_190] in [0] : vector<16xf32>, vector<16xi32> -> vector<16xf32>
      %sub3A_192 = arith.subf %gather3A_70, %gather3A_191 : vector<16xf32>
      %mul3A_193 = arith.mulf %sub3A_192, %sub3A_192 : vector<16xf32>
      %min3A_194 = arith.minimumf %min3A_184, %mul3A_193 : vector<16xf32>
      %sub3A_195 = arith.subf %gather3A_75, %gather3A_191 : vector<16xf32>
      %mul3A_196 = arith.mulf %sub3A_195, %sub3A_195 : vector<16xf32>
      %min3A_197 = arith.minimumf %min3A_187, %mul3A_196 : vector<16xf32>
      %broadcast_in_dim3A_198 = arith.constant 10 : i32
      %broadcast_in_dim3A_199 = vector.broadcast %broadcast_in_dim3A_198 : i32 to vector<16x1xi32>
      %gather3A_200 = vector.shape_cast %broadcast_in_dim3A_199 : vector<16x1xi32> to vector<16xi32>
      %gather3A_201 = tpu.dynamic_gather %gather3A_98[%gather3A_200] in [0] : vector<16xf32>, vector<16xi32> -> vector<16xf32>
      %sub3A_202 = arith.subf %gather3A_70, %gather3A_201 : vector<16xf32>
      %mul3A_203 = arith.mulf %sub3A_202, %sub3A_202 : vector<16xf32>
      %min3A_204 = arith.minimumf %min3A_194, %mul3A_203 : vector<16xf32>
      %sub3A_205 = arith.subf %gather3A_75, %gather3A_201 : vector<16xf32>
      %mul3A_206 = arith.mulf %sub3A_205, %sub3A_205 : vector<16xf32>
      %min3A_207 = arith.minimumf %min3A_197, %mul3A_206 : vector<16xf32>
      %broadcast_in_dim3A_208 = arith.constant 11 : i32
      %broadcast_in_dim3A_209 = vector.broadcast %broadcast_in_dim3A_208 : i32 to vector<16x1xi32>
      %gather3A_210 = vector.shape_cast %broadcast_in_dim3A_209 : vector<16x1xi32> to vector<16xi32>
      %gather3A_211 = tpu.dynamic_gather %gather3A_98[%gather3A_210] in [0] : vector<16xf32>, vector<16xi32> -> vector<16xf32>
      %sub3A_212 = arith.subf %gather3A_70, %gather3A_211 : vector<16xf32>
      %mul3A_213 = arith.mulf %sub3A_212, %sub3A_212 : vector<16xf32>
      %min3A_214 = arith.minimumf %min3A_204, %mul3A_213 : vector<16xf32>
      %sub3A_215 = arith.subf %gather3A_75, %gather3A_211 : vector<16xf32>
      %mul3A_216 = arith.mulf %sub3A_215, %sub3A_215 : vector<16xf32>
      %min3A_217 = arith.minimumf %min3A_207, %mul3A_216 : vector<16xf32>
      %broadcast_in_dim3A_218 = arith.constant 12 : i32
      %broadcast_in_dim3A_219 = vector.broadcast %broadcast_in_dim3A_218 : i32 to vector<16x1xi32>
      %gather3A_220 = vector.shape_cast %broadcast_in_dim3A_219 : vector<16x1xi32> to vector<16xi32>
      %gather3A_221 = tpu.dynamic_gather %gather3A_98[%gather3A_220] in [0] : vector<16xf32>, vector<16xi32> -> vector<16xf32>
      %sub3A_222 = arith.subf %gather3A_70, %gather3A_221 : vector<16xf32>
      %mul3A_223 = arith.mulf %sub3A_222, %sub3A_222 : vector<16xf32>
      %min3A_224 = arith.minimumf %min3A_214, %mul3A_223 : vector<16xf32>
      %sub3A_225 = arith.subf %gather3A_75, %gather3A_221 : vector<16xf32>
      %mul3A_226 = arith.mulf %sub3A_225, %sub3A_225 : vector<16xf32>
      %min3A_227 = arith.minimumf %min3A_217, %mul3A_226 : vector<16xf32>
      %broadcast_in_dim3A_228 = arith.constant 13 : i32
      %broadcast_in_dim3A_229 = vector.broadcast %broadcast_in_dim3A_228 : i32 to vector<16x1xi32>
      %gather3A_230 = vector.shape_cast %broadcast_in_dim3A_229 : vector<16x1xi32> to vector<16xi32>
      %gather3A_231 = tpu.dynamic_gather %gather3A_98[%gather3A_230] in [0] : vector<16xf32>, vector<16xi32> -> vector<16xf32>
      %sub3A_232 = arith.subf %gather3A_70, %gather3A_231 : vector<16xf32>
      %mul3A_233 = arith.mulf %sub3A_232, %sub3A_232 : vector<16xf32>
      %min3A_234 = arith.minimumf %min3A_224, %mul3A_233 : vector<16xf32>
      %sub3A_235 = arith.subf %gather3A_75, %gather3A_231 : vector<16xf32>
      %mul3A_236 = arith.mulf %sub3A_235, %sub3A_235 : vector<16xf32>
      %min3A_237 = arith.minimumf %min3A_227, %mul3A_236 : vector<16xf32>
      %broadcast_in_dim3A_238 = arith.constant 14 : i32
      %broadcast_in_dim3A_239 = vector.broadcast %broadcast_in_dim3A_238 : i32 to vector<16x1xi32>
      %gather3A_240 = vector.shape_cast %broadcast_in_dim3A_239 : vector<16x1xi32> to vector<16xi32>
      %gather3A_241 = tpu.dynamic_gather %gather3A_98[%gather3A_240] in [0] : vector<16xf32>, vector<16xi32> -> vector<16xf32>
      %sub3A_242 = arith.subf %gather3A_70, %gather3A_241 : vector<16xf32>
      %mul3A_243 = arith.mulf %sub3A_242, %sub3A_242 : vector<16xf32>
      %min3A_244 = arith.minimumf %min3A_234, %mul3A_243 : vector<16xf32>
      %sub3A_245 = arith.subf %gather3A_75, %gather3A_241 : vector<16xf32>
      %mul3A_246 = arith.mulf %sub3A_245, %sub3A_245 : vector<16xf32>
      %min3A_247 = arith.minimumf %min3A_237, %mul3A_246 : vector<16xf32>
      %broadcast_in_dim3A_248 = arith.constant 15 : i32
      %broadcast_in_dim3A_249 = vector.broadcast %broadcast_in_dim3A_248 : i32 to vector<16x1xi32>
      %gather3A_250 = vector.shape_cast %broadcast_in_dim3A_249 : vector<16x1xi32> to vector<16xi32>
      %gather3A_251 = tpu.dynamic_gather %gather3A_98[%gather3A_250] in [0] : vector<16xf32>, vector<16xi32> -> vector<16xf32>
      %sub3A_252 = arith.subf %gather3A_70, %gather3A_251 : vector<16xf32>
      %mul3A_253 = arith.mulf %sub3A_252, %sub3A_252 : vector<16xf32>
      %min3A_254 = arith.minimumf %min3A_244, %mul3A_253 : vector<16xf32>
      %sub3A_255 = arith.subf %gather3A_75, %gather3A_251 : vector<16xf32>
      %mul3A_256 = arith.mulf %sub3A_255, %sub3A_255 : vector<16xf32>
      %min3A_257 = arith.minimumf %min3A_247, %mul3A_256 : vector<16xf32>
      scf.yield %min3A_254, %min3A_257 : vector<16xf32>, vector<16xf32>
    }
    %scan3A_81 = arith.constant 128 : i32
    %add3A_82 = arith.addf %scan3A_80#0, %scan3A_80#1 : vector<16xf32>
    %mul3A_83 = arith.constant 1.22070313E-4 : f32
    %mul3A_84 = vector.broadcast %mul3A_83 : f32 to vector<16xf32>
    %mul3A_85 = arith.mulf %add3A_63, %mul3A_84 : vector<16xf32>
    %mul3A_86 = arith.constant 1.22189638E-4 : f32
    %mul3A_87 = vector.broadcast %mul3A_86 : f32 to vector<16xf32>
    %mul3A_88 = arith.mulf %add3A_82, %mul3A_87 : vector<16xf32>
    %add3A_89 = arith.addf %mul3A_85, %mul3A_88 : vector<16xf32>
    %swap3A = arith.constant 0 : index
    %swap3A_90 = tpu.vector_load %arg9[%swap3A] {strides = array<i32>} : memref<16xf32, #tpu.memory_space<vmem>>, vector<16xf32>,
    tpu.vector_store %arg9[%swap3A], %add3A_89 {strides = array<i32>} : memref<16xf32, #tpu.memory_space<vmem>>, vector<16xf32>,
    "tpu.region"() ({
      %run_scoped3A_91 = tpu.sem_alloc : memref<!tpu.dma_semaphore, #tpu.memory_space<semaphore_mem>>
      %dma_start3A = arith.constant 0 : i32
      %dma_start3A_92 = tpu.memref_slice %arg4[%add3A, %dma_start3A] : memref<32x16xf32, #tpu.memory_space<hbm>> -> memref<1x16xf32, #tpu.memory_space<hbm>>
      %dma_start3A_93 = tpu.memref_squeeze %dma_start3A_92 : memref<1x16xf32, #tpu.memory_space<hbm>> -> memref<16xf32, #tpu.memory_space<hbm>>
      %dma_start3A_94 = arith.constant 0 : i32
      %dma_start3A_95 = tpu.memref_slice %arg4[%add3A, %dma_start3A_94] : memref<32x16xf32, #tpu.memory_space<hbm>> -> memref<1x16xf32, #tpu.memory_space<hbm>>
      %dma_start3A_96 = tpu.memref_squeeze %dma_start3A_95 : memref<1x16xf32, #tpu.memory_space<hbm>> -> memref<16xf32, #tpu.memory_space<hbm>>
      tpu.enqueue_dma source(%arg9 : memref<16xf32, #tpu.memory_space<vmem>>) target(%dma_start3A_96 : memref<16xf32, #tpu.memory_space<hbm>>) target_semaphore(%run_scoped3A_91 : memref<!tpu.dma_semaphore, #tpu.memory_space<semaphore_mem>>)
      %dma_wait3A = arith.constant 0 : i32
      %dma_wait3A_97 = tpu.memref_slice %arg4[%add3A, %dma_wait3A] : memref<32x16xf32, #tpu.memory_space<hbm>> -> memref<1x16xf32, #tpu.memory_space<hbm>>
      %dma_wait3A_98 = tpu.memref_squeeze %dma_wait3A_97 : memref<1x16xf32, #tpu.memory_space<hbm>> -> memref<16xf32, #tpu.memory_space<hbm>>
      %dma_wait3A_99 = arith.constant 0 : i32
      %dma_wait3A_100 = tpu.memref_slice %arg4[%add3A, %dma_wait3A_99] : memref<32x16xf32, #tpu.memory_space<hbm>> -> memref<1x16xf32, #tpu.memory_space<hbm>>
      %dma_wait3A_101 = tpu.memref_squeeze %dma_wait3A_100 : memref<1x16xf32, #tpu.memory_space<hbm>> -> memref<16xf32, #tpu.memory_space<hbm>>
      tpu.wait_dma2 semaphore(%run_scoped3A_91 : memref<!tpu.dma_semaphore, #tpu.memory_space<semaphore_mem>>) src(%arg9 : memref<16xf32, #tpu.memory_space<vmem>>) dst(%dma_wait3A_101 : memref<16xf32, #tpu.memory_space<hbm>>)
      tpu.yield
    }) : () -> ()
    return
  }
}

module attributes {stable_mosaic.version = 14 : i64} {
  func.func @_tail_body(%arg0: i32, %arg1: memref<1x1x8x2048xf32, #tpu.memory_space<vmem>>, %arg2: memref<1x16x128xf32, #tpu.memory_space<vmem>>, %arg3: memref<8x16xf32, #tpu.memory_space<vmem>>) attributes {dimension_semantics = [#tpu.dimension_semantics<arbitrary>], iteration_bounds = array<i64: 4>, scalar_prefetch = 0 : i64, scratch_operands = 0 : i64, tpu.core_type = #tpu.core_type<tc>, window_params = [{transform_indices = @transform_0, window_bounds = array<i64: 1, 1, 8, 2048>}, {transform_indices = @transform_1, window_bounds = array<i64: 1, 16, 128>}, {transform_indices = @transform_2, window_bounds = array<i64: 8, 16>}]} {
    %get3A = arith.constant 0 : index
    %get3A_0 = arith.constant 0 : index
    %get3A_1 = arith.constant 0 : index
    %get3A_2 = arith.constant 0 : index
    %get3A_3 = vector.load %arg1[%get3A, %get3A_0, %get3A_1, %get3A_2] : memref<1x1x8x2048xf32, #tpu.memory_space<vmem>>, vector<1x1x8x2048xf32>
    %get3A_4 = vector.shape_cast %get3A_3 : vector<1x1x8x2048xf32> to vector<8x2048xf32>
    %slice3A = vector.extract_strided_slice %get3A_4 {offsets = [5, 0], sizes = [1, 2048], strides = [1, 1]} : vector<8x2048xf32> to vector<1x2048xf32>
    %slice3A_5 = vector.extract_strided_slice %get3A_4 {offsets = [6, 0], sizes = [1, 2048], strides = [1, 1]} : vector<8x2048xf32> to vector<1x2048xf32>
    %add3A = arith.addf %slice3A, %slice3A_5 : vector<1x2048xf32>
    %slice3A_6 = vector.extract_strided_slice %get3A_4 {offsets = [7, 0], sizes = [1, 2048], strides = [1, 1]} : vector<8x2048xf32> to vector<1x2048xf32>
    %add3A_7 = arith.addf %add3A, %slice3A_6 : vector<1x2048xf32>
    %roll3A = arith.constant 2047 : i32
    %roll3A_8 = tpu.dynamic_rotate %add3A_7 by %roll3A dim 1 : vector<1x2048xf32>, i32 -> vector<1x2048xf32>
    %roll3A_9 = arith.constant 2046 : i32
    %roll3A_10 = tpu.dynamic_rotate %add3A_7 by %roll3A_9 dim 1 : vector<1x2048xf32>, i32 -> vector<1x2048xf32>
    %add3A_11 = arith.addf %add3A_7, %roll3A_8 : vector<1x2048xf32>
    %add3A_12 = arith.addf %add3A_11, %roll3A_10 : vector<1x2048xf32>
    %mul3A = arith.constant 0.111111112 : f32
    %mul3A_13 = vector.broadcast %mul3A : f32 to vector<1x2048xf32>
    %mul3A_14 = arith.mulf %add3A_12, %mul3A_13 : vector<1x2048xf32>
    %iota3A = tpu.iota {dimensions = array<i32: 1>} : vector<1x2048xi32>
    %lt3A = arith.constant 2046 : i32
    %lt3A_15 = vector.broadcast %lt3A : i32 to vector<1x2048xi32>
    %lt3A_16 = arith.cmpi slt, %iota3A, %lt3A_15 : vector<1x2048xi32>
    %jit3A = arith.constant 0x7F800000 : f32
    %broadcast_in_dim3A = vector.broadcast %jit3A : f32 to vector<1x2048xf32>
    %select_n3A = arith.select %lt3A_16, %mul3A_14, %broadcast_in_dim3A : vector<1x2048xi1>, vector<1x2048xf32>
    %get3A_17 = arith.constant 0 : index
    %get3A_18 = arith.constant 0 : index
    %get3A_19 = arith.constant 0 : index
    %get3A_20 = vector.load %arg2[%get3A_17, %get3A_18, %get3A_19] : memref<1x16x128xf32, #tpu.memory_space<vmem>>, vector<1x16x128xf32>
    %get3A_21 = vector.shape_cast %get3A_20 : vector<1x16x128xf32> to vector<16x128xf32>
    %transpose3A = tpu.transpose %get3A_21, [1, 0] : vector<16x128xf32> -> vector<128x16xf32>
    %broadcast_in_dim3A_22 = arith.constant 0x7F800000 : f32
    %broadcast_in_dim3A_23 = vector.broadcast %broadcast_in_dim3A_22 : f32 to vector<128x128xf32>
    %iota3A_24 = tpu.iota {dimensions = array<i32: 1>} : vector<1x128xi32>
    %slice3A_25 = vector.extract_strided_slice %transpose3A {offsets = [0, 2], sizes = [128, 1], strides = [1, 1]} : vector<128x16xf32> to vector<128x1xf32>
    %slice3A_26 = vector.extract_strided_slice %transpose3A {offsets = [0, 3], sizes = [128, 1], strides = [1, 1]} : vector<128x16xf32> to vector<128x1xf32>
    %slice3A_27 = vector.extract_strided_slice %transpose3A {offsets = [0, 4], sizes = [128, 1], strides = [1, 1]} : vector<128x16xf32> to vector<128x1xf32>
    %slice3A_28 = vector.extract_strided_slice %transpose3A {offsets = [0, 5], sizes = [128, 1], strides = [1, 1]} : vector<128x16xf32> to vector<128x1xf32>
    %slice3A_29 = vector.extract_strided_slice %transpose3A {offsets = [0, 6], sizes = [128, 1], strides = [1, 1]} : vector<128x16xf32> to vector<128x1xf32>
    %slice3A_30 = vector.extract_strided_slice %transpose3A {offsets = [0, 7], sizes = [128, 1], strides = [1, 1]} : vector<128x16xf32> to vector<128x1xf32>
    %slice3A_31 = vector.extract_strided_slice %transpose3A {offsets = [0, 8], sizes = [128, 1], strides = [1, 1]} : vector<128x16xf32> to vector<128x1xf32>
    %slice3A_32 = vector.extract_strided_slice %transpose3A {offsets = [0, 9], sizes = [128, 1], strides = [1, 1]} : vector<128x16xf32> to vector<128x1xf32>
    %slice3A_33 = vector.extract_strided_slice %transpose3A {offsets = [0, 10], sizes = [128, 1], strides = [1, 1]} : vector<128x16xf32> to vector<128x1xf32>
    %slice3A_34 = vector.extract_strided_slice %transpose3A {offsets = [0, 11], sizes = [128, 1], strides = [1, 1]} : vector<128x16xf32> to vector<128x1xf32>
    %slice3A_35 = vector.extract_strided_slice %transpose3A {offsets = [0, 12], sizes = [128, 1], strides = [1, 1]} : vector<128x16xf32> to vector<128x1xf32>
    %slice3A_36 = vector.extract_strided_slice %transpose3A {offsets = [0, 13], sizes = [128, 1], strides = [1, 1]} : vector<128x16xf32> to vector<128x1xf32>
    %slice3A_37 = vector.extract_strided_slice %transpose3A {offsets = [0, 14], sizes = [128, 1], strides = [1, 1]} : vector<128x16xf32> to vector<128x1xf32>
    %slice3A_38 = vector.extract_strided_slice %transpose3A {offsets = [0, 15], sizes = [128, 1], strides = [1, 1]} : vector<128x16xf32> to vector<128x1xf32>
    %slice3A_39 = vector.extract_strided_slice %select_n3A {offsets = [0, 0], sizes = [1, 128], strides = [1, 1]} : vector<1x2048xf32> to vector<1x128xf32>
    %sub3A = vector.broadcast %slice3A_25 : vector<128x1xf32> to vector<128x128xf32>
    %sub3A_40 = vector.broadcast %slice3A_39 : vector<1x128xf32> to vector<128x128xf32>
    %sub3A_41 = arith.subf %sub3A, %sub3A_40 : vector<128x128xf32>
    %integer_pow3A = arith.mulf %sub3A_41, %sub3A_41 : vector<128x128xf32>
    %min3A = arith.minimumf %broadcast_in_dim3A_23, %integer_pow3A : vector<128x128xf32>
    %sub3A_42 = vector.broadcast %slice3A_26 : vector<128x1xf32> to vector<128x128xf32>
    %sub3A_43 = vector.broadcast %slice3A_39 : vector<1x128xf32> to vector<128x128xf32>
    %sub3A_44 = arith.subf %sub3A_42, %sub3A_43 : vector<128x128xf32>
    %integer_pow3A_45 = arith.mulf %sub3A_44, %sub3A_44 : vector<128x128xf32>
    %min3A_46 = arith.minimumf %broadcast_in_dim3A_23, %integer_pow3A_45 : vector<128x128xf32>
    %sub3A_47 = vector.broadcast %slice3A_27 : vector<128x1xf32> to vector<128x128xf32>
    %sub3A_48 = vector.broadcast %slice3A_39 : vector<1x128xf32> to vector<128x128xf32>
    %sub3A_49 = arith.subf %sub3A_47, %sub3A_48 : vector<128x128xf32>
    %integer_pow3A_50 = arith.mulf %sub3A_49, %sub3A_49 : vector<128x128xf32>
    %min3A_51 = arith.minimumf %broadcast_in_dim3A_23, %integer_pow3A_50 : vector<128x128xf32>
    %sub3A_52 = vector.broadcast %slice3A_28 : vector<128x1xf32> to vector<128x128xf32>
    %sub3A_53 = vector.broadcast %slice3A_39 : vector<1x128xf32> to vector<128x128xf32>
    %sub3A_54 = arith.subf %sub3A_52, %sub3A_53 : vector<128x128xf32>
    %integer_pow3A_55 = arith.mulf %sub3A_54, %sub3A_54 : vector<128x128xf32>
    %min3A_56 = arith.minimumf %broadcast_in_dim3A_23, %integer_pow3A_55 : vector<128x128xf32>
    %sub3A_57 = vector.broadcast %slice3A_29 : vector<128x1xf32> to vector<128x128xf32>
    %sub3A_58 = vector.broadcast %slice3A_39 : vector<1x128xf32> to vector<128x128xf32>
    %sub3A_59 = arith.subf %sub3A_57, %sub3A_58 : vector<128x128xf32>
    %integer_pow3A_60 = arith.mulf %sub3A_59, %sub3A_59 : vector<128x128xf32>
    %min3A_61 = arith.minimumf %broadcast_in_dim3A_23, %integer_pow3A_60 : vector<128x128xf32>
    %sub3A_62 = vector.broadcast %slice3A_30 : vector<128x1xf32> to vector<128x128xf32>
    %sub3A_63 = vector.broadcast %slice3A_39 : vector<1x128xf32> to vector<128x128xf32>
    %sub3A_64 = arith.subf %sub3A_62, %sub3A_63 : vector<128x128xf32>
    %integer_pow3A_65 = arith.mulf %sub3A_64, %sub3A_64 : vector<128x128xf32>
    %min3A_66 = arith.minimumf %broadcast_in_dim3A_23, %integer_pow3A_65 : vector<128x128xf32>
    %sub3A_67 = vector.broadcast %slice3A_31 : vector<128x1xf32> to vector<128x128xf32>
    %sub3A_68 = vector.broadcast %slice3A_39 : vector<1x128xf32> to vector<128x128xf32>
    %sub3A_69 = arith.subf %sub3A_67, %sub3A_68 : vector<128x128xf32>
    %integer_pow3A_70 = arith.mulf %sub3A_69, %sub3A_69 : vector<128x128xf32>
    %min3A_71 = arith.minimumf %broadcast_in_dim3A_23, %integer_pow3A_70 : vector<128x128xf32>
    %sub3A_72 = vector.broadcast %slice3A_32 : vector<128x1xf32> to vector<128x128xf32>
    %sub3A_73 = vector.broadcast %slice3A_39 : vector<1x128xf32> to vector<128x128xf32>
    %sub3A_74 = arith.subf %sub3A_72, %sub3A_73 : vector<128x128xf32>
    %integer_pow3A_75 = arith.mulf %sub3A_74, %sub3A_74 : vector<128x128xf32>
    %min3A_76 = arith.minimumf %broadcast_in_dim3A_23, %integer_pow3A_75 : vector<128x128xf32>
    %sub3A_77 = vector.broadcast %slice3A_33 : vector<128x1xf32> to vector<128x128xf32>
    %sub3A_78 = vector.broadcast %slice3A_39 : vector<1x128xf32> to vector<128x128xf32>
    %sub3A_79 = arith.subf %sub3A_77, %sub3A_78 : vector<128x128xf32>
    %integer_pow3A_80 = arith.mulf %sub3A_79, %sub3A_79 : vector<128x128xf32>
    %min3A_81 = arith.minimumf %broadcast_in_dim3A_23, %integer_pow3A_80 : vector<128x128xf32>
    %sub3A_82 = vector.broadcast %slice3A_34 : vector<128x1xf32> to vector<128x128xf32>
    %sub3A_83 = vector.broadcast %slice3A_39 : vector<1x128xf32> to vector<128x128xf32>
    %sub3A_84 = arith.subf %sub3A_82, %sub3A_83 : vector<128x128xf32>
    %integer_pow3A_85 = arith.mulf %sub3A_84, %sub3A_84 : vector<128x128xf32>
    %min3A_86 = arith.minimumf %broadcast_in_dim3A_23, %integer_pow3A_85 : vector<128x128xf32>
    %sub3A_87 = vector.broadcast %slice3A_35 : vector<128x1xf32> to vector<128x128xf32>
    %sub3A_88 = vector.broadcast %slice3A_39 : vector<1x128xf32> to vector<128x128xf32>
    %sub3A_89 = arith.subf %sub3A_87, %sub3A_88 : vector<128x128xf32>
    %integer_pow3A_90 = arith.mulf %sub3A_89, %sub3A_89 : vector<128x128xf32>
    %min3A_91 = arith.minimumf %broadcast_in_dim3A_23, %integer_pow3A_90 : vector<128x128xf32>
    %sub3A_92 = vector.broadcast %slice3A_36 : vector<128x1xf32> to vector<128x128xf32>
    %sub3A_93 = vector.broadcast %slice3A_39 : vector<1x128xf32> to vector<128x128xf32>
    %sub3A_94 = arith.subf %sub3A_92, %sub3A_93 : vector<128x128xf32>
    %integer_pow3A_95 = arith.mulf %sub3A_94, %sub3A_94 : vector<128x128xf32>
    %min3A_96 = arith.minimumf %broadcast_in_dim3A_23, %integer_pow3A_95 : vector<128x128xf32>
    %sub3A_97 = vector.broadcast %slice3A_37 : vector<128x1xf32> to vector<128x128xf32>
    %sub3A_98 = vector.broadcast %slice3A_39 : vector<1x128xf32> to vector<128x128xf32>
    %sub3A_99 = arith.subf %sub3A_97, %sub3A_98 : vector<128x128xf32>
    %integer_pow3A_100 = arith.mulf %sub3A_99, %sub3A_99 : vector<128x128xf32>
    %min3A_101 = arith.minimumf %broadcast_in_dim3A_23, %integer_pow3A_100 : vector<128x128xf32>
    %sub3A_102 = vector.broadcast %slice3A_38 : vector<128x1xf32> to vector<128x128xf32>
    %sub3A_103 = vector.broadcast %slice3A_39 : vector<1x128xf32> to vector<128x128xf32>
    %sub3A_104 = arith.subf %sub3A_102, %sub3A_103 : vector<128x128xf32>
    %integer_pow3A_105 = arith.mulf %sub3A_104, %sub3A_104 : vector<128x128xf32>
    %min3A_106 = arith.minimumf %broadcast_in_dim3A_23, %integer_pow3A_105 : vector<128x128xf32>
    %slice3A_107 = vector.extract_strided_slice %select_n3A {offsets = [0, 128], sizes = [1, 128], strides = [1, 1]} : vector<1x2048xf32> to vector<1x128xf32>
    %sub3A_108 = vector.broadcast %slice3A_25 : vector<128x1xf32> to vector<128x128xf32>
    %sub3A_109 = vector.broadcast %slice3A_107 : vector<1x128xf32> to vector<128x128xf32>
    %sub3A_110 = arith.subf %sub3A_108, %sub3A_109 : vector<128x128xf32>
    %integer_pow3A_111 = arith.mulf %sub3A_110, %sub3A_110 : vector<128x128xf32>
    %min3A_112 = arith.minimumf %min3A, %integer_pow3A_111 : vector<128x128xf32>
    %sub3A_113 = vector.broadcast %slice3A_26 : vector<128x1xf32> to vector<128x128xf32>
    %sub3A_114 = vector.broadcast %slice3A_107 : vector<1x128xf32> to vector<128x128xf32>
    %sub3A_115 = arith.subf %sub3A_113, %sub3A_114 : vector<128x128xf32>
    %integer_pow3A_116 = arith.mulf %sub3A_115, %sub3A_115 : vector<128x128xf32>
    %min3A_117 = arith.minimumf %min3A_46, %integer_pow3A_116 : vector<128x128xf32>
    %sub3A_118 = vector.broadcast %slice3A_27 : vector<128x1xf32> to vector<128x128xf32>
    %sub3A_119 = vector.broadcast %slice3A_107 : vector<1x128xf32> to vector<128x128xf32>
    %sub3A_120 = arith.subf %sub3A_118, %sub3A_119 : vector<128x128xf32>
    %integer_pow3A_121 = arith.mulf %sub3A_120, %sub3A_120 : vector<128x128xf32>
    %min3A_122 = arith.minimumf %min3A_51, %integer_pow3A_121 : vector<128x128xf32>
    %sub3A_123 = vector.broadcast %slice3A_28 : vector<128x1xf32> to vector<128x128xf32>
    %sub3A_124 = vector.broadcast %slice3A_107 : vector<1x128xf32> to vector<128x128xf32>
    %sub3A_125 = arith.subf %sub3A_123, %sub3A_124 : vector<128x128xf32>
    %integer_pow3A_126 = arith.mulf %sub3A_125, %sub3A_125 : vector<128x128xf32>
    %min3A_127 = arith.minimumf %min3A_56, %integer_pow3A_126 : vector<128x128xf32>
    %sub3A_128 = vector.broadcast %slice3A_29 : vector<128x1xf32> to vector<128x128xf32>
    %sub3A_129 = vector.broadcast %slice3A_107 : vector<1x128xf32> to vector<128x128xf32>
    %sub3A_130 = arith.subf %sub3A_128, %sub3A_129 : vector<128x128xf32>
    %integer_pow3A_131 = arith.mulf %sub3A_130, %sub3A_130 : vector<128x128xf32>
    %min3A_132 = arith.minimumf %min3A_61, %integer_pow3A_131 : vector<128x128xf32>
    %sub3A_133 = vector.broadcast %slice3A_30 : vector<128x1xf32> to vector<128x128xf32>
    %sub3A_134 = vector.broadcast %slice3A_107 : vector<1x128xf32> to vector<128x128xf32>
    %sub3A_135 = arith.subf %sub3A_133, %sub3A_134 : vector<128x128xf32>
    %integer_pow3A_136 = arith.mulf %sub3A_135, %sub3A_135 : vector<128x128xf32>
    %min3A_137 = arith.minimumf %min3A_66, %integer_pow3A_136 : vector<128x128xf32>
    %sub3A_138 = vector.broadcast %slice3A_31 : vector<128x1xf32> to vector<128x128xf32>
    %sub3A_139 = vector.broadcast %slice3A_107 : vector<1x128xf32> to vector<128x128xf32>
    %sub3A_140 = arith.subf %sub3A_138, %sub3A_139 : vector<128x128xf32>
    %integer_pow3A_141 = arith.mulf %sub3A_140, %sub3A_140 : vector<128x128xf32>
    %min3A_142 = arith.minimumf %min3A_71, %integer_pow3A_141 : vector<128x128xf32>
    %sub3A_143 = vector.broadcast %slice3A_32 : vector<128x1xf32> to vector<128x128xf32>
    %sub3A_144 = vector.broadcast %slice3A_107 : vector<1x128xf32> to vector<128x128xf32>
    %sub3A_145 = arith.subf %sub3A_143, %sub3A_144 : vector<128x128xf32>
    %integer_pow3A_146 = arith.mulf %sub3A_145, %sub3A_145 : vector<128x128xf32>
    %min3A_147 = arith.minimumf %min3A_76, %integer_pow3A_146 : vector<128x128xf32>
    %sub3A_148 = vector.broadcast %slice3A_33 : vector<128x1xf32> to vector<128x128xf32>
    %sub3A_149 = vector.broadcast %slice3A_107 : vector<1x128xf32> to vector<128x128xf32>
    %sub3A_150 = arith.subf %sub3A_148, %sub3A_149 : vector<128x128xf32>
    %integer_pow3A_151 = arith.mulf %sub3A_150, %sub3A_150 : vector<128x128xf32>
    %min3A_152 = arith.minimumf %min3A_81, %integer_pow3A_151 : vector<128x128xf32>
    %sub3A_153 = vector.broadcast %slice3A_34 : vector<128x1xf32> to vector<128x128xf32>
    %sub3A_154 = vector.broadcast %slice3A_107 : vector<1x128xf32> to vector<128x128xf32>
    %sub3A_155 = arith.subf %sub3A_153, %sub3A_154 : vector<128x128xf32>
    %integer_pow3A_156 = arith.mulf %sub3A_155, %sub3A_155 : vector<128x128xf32>
    %min3A_157 = arith.minimumf %min3A_86, %integer_pow3A_156 : vector<128x128xf32>
    %sub3A_158 = vector.broadcast %slice3A_35 : vector<128x1xf32> to vector<128x128xf32>
    %sub3A_159 = vector.broadcast %slice3A_107 : vector<1x128xf32> to vector<128x128xf32>
    %sub3A_160 = arith.subf %sub3A_158, %sub3A_159 : vector<128x128xf32>
    %integer_pow3A_161 = arith.mulf %sub3A_160, %sub3A_160 : vector<128x128xf32>
    %min3A_162 = arith.minimumf %min3A_91, %integer_pow3A_161 : vector<128x128xf32>
    %sub3A_163 = vector.broadcast %slice3A_36 : vector<128x1xf32> to vector<128x128xf32>
    %sub3A_164 = vector.broadcast %slice3A_107 : vector<1x128xf32> to vector<128x128xf32>
    %sub3A_165 = arith.subf %sub3A_163, %sub3A_164 : vector<128x128xf32>
    %integer_pow3A_166 = arith.mulf %sub3A_165, %sub3A_165 : vector<128x128xf32>
    %min3A_167 = arith.minimumf %min3A_96, %integer_pow3A_166 : vector<128x128xf32>
    %sub3A_168 = vector.broadcast %slice3A_37 : vector<128x1xf32> to vector<128x128xf32>
    %sub3A_169 = vector.broadcast %slice3A_107 : vector<1x128xf32> to vector<128x128xf32>
    %sub3A_170 = arith.subf %sub3A_168, %sub3A_169 : vector<128x128xf32>
    %integer_pow3A_171 = arith.mulf %sub3A_170, %sub3A_170 : vector<128x128xf32>
    %min3A_172 = arith.minimumf %min3A_101, %integer_pow3A_171 : vector<128x128xf32>
    %sub3A_173 = vector.broadcast %slice3A_38 : vector<128x1xf32> to vector<128x128xf32>
    %sub3A_174 = vector.broadcast %slice3A_107 : vector<1x128xf32> to vector<128x128xf32>
    %sub3A_175 = arith.subf %sub3A_173, %sub3A_174 : vector<128x128xf32>
    %integer_pow3A_176 = arith.mulf %sub3A_175, %sub3A_175 : vector<128x128xf32>
    %min3A_177 = arith.minimumf %min3A_106, %integer_pow3A_176 : vector<128x128xf32>
    %slice3A_178 = vector.extract_strided_slice %select_n3A {offsets = [0, 256], sizes = [1, 128], strides = [1, 1]} : vector<1x2048xf32> to vector<1x128xf32>
    %sub3A_179 = vector.broadcast %slice3A_25 : vector<128x1xf32> to vector<128x128xf32>
    %sub3A_180 = vector.broadcast %slice3A_178 : vector<1x128xf32> to vector<128x128xf32>
    %sub3A_181 = arith.subf %sub3A_179, %sub3A_180 : vector<128x128xf32>
    %integer_pow3A_182 = arith.mulf %sub3A_181, %sub3A_181 : vector<128x128xf32>
    %min3A_183 = arith.minimumf %min3A_112, %integer_pow3A_182 : vector<128x128xf32>
    %sub3A_184 = vector.broadcast %slice3A_26 : vector<128x1xf32> to vector<128x128xf32>
    %sub3A_185 = vector.broadcast %slice3A_178 : vector<1x128xf32> to vector<128x128xf32>
    %sub3A_186 = arith.subf %sub3A_184, %sub3A_185 : vector<128x128xf32>
    %integer_pow3A_187 = arith.mulf %sub3A_186, %sub3A_186 : vector<128x128xf32>
    %min3A_188 = arith.minimumf %min3A_117, %integer_pow3A_187 : vector<128x128xf32>
    %sub3A_189 = vector.broadcast %slice3A_27 : vector<128x1xf32> to vector<128x128xf32>
    %sub3A_190 = vector.broadcast %slice3A_178 : vector<1x128xf32> to vector<128x128xf32>
    %sub3A_191 = arith.subf %sub3A_189, %sub3A_190 : vector<128x128xf32>
    %integer_pow3A_192 = arith.mulf %sub3A_191, %sub3A_191 : vector<128x128xf32>
    %min3A_193 = arith.minimumf %min3A_122, %integer_pow3A_192 : vector<128x128xf32>
    %sub3A_194 = vector.broadcast %slice3A_28 : vector<128x1xf32> to vector<128x128xf32>
    %sub3A_195 = vector.broadcast %slice3A_178 : vector<1x128xf32> to vector<128x128xf32>
    %sub3A_196 = arith.subf %sub3A_194, %sub3A_195 : vector<128x128xf32>
    %integer_pow3A_197 = arith.mulf %sub3A_196, %sub3A_196 : vector<128x128xf32>
    %min3A_198 = arith.minimumf %min3A_127, %integer_pow3A_197 : vector<128x128xf32>
    %sub3A_199 = vector.broadcast %slice3A_29 : vector<128x1xf32> to vector<128x128xf32>
    %sub3A_200 = vector.broadcast %slice3A_178 : vector<1x128xf32> to vector<128x128xf32>
    %sub3A_201 = arith.subf %sub3A_199, %sub3A_200 : vector<128x128xf32>
    %integer_pow3A_202 = arith.mulf %sub3A_201, %sub3A_201 : vector<128x128xf32>
    %min3A_203 = arith.minimumf %min3A_132, %integer_pow3A_202 : vector<128x128xf32>
    %sub3A_204 = vector.broadcast %slice3A_30 : vector<128x1xf32> to vector<128x128xf32>
    %sub3A_205 = vector.broadcast %slice3A_178 : vector<1x128xf32> to vector<128x128xf32>
    %sub3A_206 = arith.subf %sub3A_204, %sub3A_205 : vector<128x128xf32>
    %integer_pow3A_207 = arith.mulf %sub3A_206, %sub3A_206 : vector<128x128xf32>
    %min3A_208 = arith.minimumf %min3A_137, %integer_pow3A_207 : vector<128x128xf32>
    %sub3A_209 = vector.broadcast %slice3A_31 : vector<128x1xf32> to vector<128x128xf32>
    %sub3A_210 = vector.broadcast %slice3A_178 : vector<1x128xf32> to vector<128x128xf32>
    %sub3A_211 = arith.subf %sub3A_209, %sub3A_210 : vector<128x128xf32>
    %integer_pow3A_212 = arith.mulf %sub3A_211, %sub3A_211 : vector<128x128xf32>
    %min3A_213 = arith.minimumf %min3A_142, %integer_pow3A_212 : vector<128x128xf32>
    %sub3A_214 = vector.broadcast %slice3A_32 : vector<128x1xf32> to vector<128x128xf32>
    %sub3A_215 = vector.broadcast %slice3A_178 : vector<1x128xf32> to vector<128x128xf32>
    %sub3A_216 = arith.subf %sub3A_214, %sub3A_215 : vector<128x128xf32>
    %integer_pow3A_217 = arith.mulf %sub3A_216, %sub3A_216 : vector<128x128xf32>
    %min3A_218 = arith.minimumf %min3A_147, %integer_pow3A_217 : vector<128x128xf32>
    %sub3A_219 = vector.broadcast %slice3A_33 : vector<128x1xf32> to vector<128x128xf32>
    %sub3A_220 = vector.broadcast %slice3A_178 : vector<1x128xf32> to vector<128x128xf32>
    %sub3A_221 = arith.subf %sub3A_219, %sub3A_220 : vector<128x128xf32>
    %integer_pow3A_222 = arith.mulf %sub3A_221, %sub3A_221 : vector<128x128xf32>
    %min3A_223 = arith.minimumf %min3A_152, %integer_pow3A_222 : vector<128x128xf32>
    %sub3A_224 = vector.broadcast %slice3A_34 : vector<128x1xf32> to vector<128x128xf32>
    %sub3A_225 = vector.broadcast %slice3A_178 : vector<1x128xf32> to vector<128x128xf32>
    %sub3A_226 = arith.subf %sub3A_224, %sub3A_225 : vector<128x128xf32>
    %integer_pow3A_227 = arith.mulf %sub3A_226, %sub3A_226 : vector<128x128xf32>
    %min3A_228 = arith.minimumf %min3A_157, %integer_pow3A_227 : vector<128x128xf32>
    %sub3A_229 = vector.broadcast %slice3A_35 : vector<128x1xf32> to vector<128x128xf32>
    %sub3A_230 = vector.broadcast %slice3A_178 : vector<1x128xf32> to vector<128x128xf32>
    %sub3A_231 = arith.subf %sub3A_229, %sub3A_230 : vector<128x128xf32>
    %integer_pow3A_232 = arith.mulf %sub3A_231, %sub3A_231 : vector<128x128xf32>
    %min3A_233 = arith.minimumf %min3A_162, %integer_pow3A_232 : vector<128x128xf32>
    %sub3A_234 = vector.broadcast %slice3A_36 : vector<128x1xf32> to vector<128x128xf32>
    %sub3A_235 = vector.broadcast %slice3A_178 : vector<1x128xf32> to vector<128x128xf32>
    %sub3A_236 = arith.subf %sub3A_234, %sub3A_235 : vector<128x128xf32>
    %integer_pow3A_237 = arith.mulf %sub3A_236, %sub3A_236 : vector<128x128xf32>
    %min3A_238 = arith.minimumf %min3A_167, %integer_pow3A_237 : vector<128x128xf32>
    %sub3A_239 = vector.broadcast %slice3A_37 : vector<128x1xf32> to vector<128x128xf32>
    %sub3A_240 = vector.broadcast %slice3A_178 : vector<1x128xf32> to vector<128x128xf32>
    %sub3A_241 = arith.subf %sub3A_239, %sub3A_240 : vector<128x128xf32>
    %integer_pow3A_242 = arith.mulf %sub3A_241, %sub3A_241 : vector<128x128xf32>
    %min3A_243 = arith.minimumf %min3A_172, %integer_pow3A_242 : vector<128x128xf32>
    %sub3A_244 = vector.broadcast %slice3A_38 : vector<128x1xf32> to vector<128x128xf32>
    %sub3A_245 = vector.broadcast %slice3A_178 : vector<1x128xf32> to vector<128x128xf32>
    %sub3A_246 = arith.subf %sub3A_244, %sub3A_245 : vector<128x128xf32>
    %integer_pow3A_247 = arith.mulf %sub3A_246, %sub3A_246 : vector<128x128xf32>
    %min3A_248 = arith.minimumf %min3A_177, %integer_pow3A_247 : vector<128x128xf32>
    %slice3A_249 = vector.extract_strided_slice %select_n3A {offsets = [0, 384], sizes = [1, 128], strides = [1, 1]} : vector<1x2048xf32> to vector<1x128xf32>
    %sub3A_250 = vector.broadcast %slice3A_25 : vector<128x1xf32> to vector<128x128xf32>
    %sub3A_251 = vector.broadcast %slice3A_249 : vector<1x128xf32> to vector<128x128xf32>
    %sub3A_252 = arith.subf %sub3A_250, %sub3A_251 : vector<128x128xf32>
    %integer_pow3A_253 = arith.mulf %sub3A_252, %sub3A_252 : vector<128x128xf32>
    %min3A_254 = arith.minimumf %min3A_183, %integer_pow3A_253 : vector<128x128xf32>
    %sub3A_255 = vector.broadcast %slice3A_26 : vector<128x1xf32> to vector<128x128xf32>
    %sub3A_256 = vector.broadcast %slice3A_249 : vector<1x128xf32> to vector<128x128xf32>
    %sub3A_257 = arith.subf %sub3A_255, %sub3A_256 : vector<128x128xf32>
    %integer_pow3A_258 = arith.mulf %sub3A_257, %sub3A_257 : vector<128x128xf32>
    %min3A_259 = arith.minimumf %min3A_188, %integer_pow3A_258 : vector<128x128xf32>
    %sub3A_260 = vector.broadcast %slice3A_27 : vector<128x1xf32> to vector<128x128xf32>
    %sub3A_261 = vector.broadcast %slice3A_249 : vector<1x128xf32> to vector<128x128xf32>
    %sub3A_262 = arith.subf %sub3A_260, %sub3A_261 : vector<128x128xf32>
    %integer_pow3A_263 = arith.mulf %sub3A_262, %sub3A_262 : vector<128x128xf32>
    %min3A_264 = arith.minimumf %min3A_193, %integer_pow3A_263 : vector<128x128xf32>
    %sub3A_265 = vector.broadcast %slice3A_28 : vector<128x1xf32> to vector<128x128xf32>
    %sub3A_266 = vector.broadcast %slice3A_249 : vector<1x128xf32> to vector<128x128xf32>
    %sub3A_267 = arith.subf %sub3A_265, %sub3A_266 : vector<128x128xf32>
    %integer_pow3A_268 = arith.mulf %sub3A_267, %sub3A_267 : vector<128x128xf32>
    %min3A_269 = arith.minimumf %min3A_198, %integer_pow3A_268 : vector<128x128xf32>
    %sub3A_270 = vector.broadcast %slice3A_29 : vector<128x1xf32> to vector<128x128xf32>
    %sub3A_271 = vector.broadcast %slice3A_249 : vector<1x128xf32> to vector<128x128xf32>
    %sub3A_272 = arith.subf %sub3A_270, %sub3A_271 : vector<128x128xf32>
    %integer_pow3A_273 = arith.mulf %sub3A_272, %sub3A_272 : vector<128x128xf32>
    %min3A_274 = arith.minimumf %min3A_203, %integer_pow3A_273 : vector<128x128xf32>
    %sub3A_275 = vector.broadcast %slice3A_30 : vector<128x1xf32> to vector<128x128xf32>
    %sub3A_276 = vector.broadcast %slice3A_249 : vector<1x128xf32> to vector<128x128xf32>
    %sub3A_277 = arith.subf %sub3A_275, %sub3A_276 : vector<128x128xf32>
    %integer_pow3A_278 = arith.mulf %sub3A_277, %sub3A_277 : vector<128x128xf32>
    %min3A_279 = arith.minimumf %min3A_208, %integer_pow3A_278 : vector<128x128xf32>
    %sub3A_280 = vector.broadcast %slice3A_31 : vector<128x1xf32> to vector<128x128xf32>
    %sub3A_281 = vector.broadcast %slice3A_249 : vector<1x128xf32> to vector<128x128xf32>
    %sub3A_282 = arith.subf %sub3A_280, %sub3A_281 : vector<128x128xf32>
    %integer_pow3A_283 = arith.mulf %sub3A_282, %sub3A_282 : vector<128x128xf32>
    %min3A_284 = arith.minimumf %min3A_213, %integer_pow3A_283 : vector<128x128xf32>
    %sub3A_285 = vector.broadcast %slice3A_32 : vector<128x1xf32> to vector<128x128xf32>
    %sub3A_286 = vector.broadcast %slice3A_249 : vector<1x128xf32> to vector<128x128xf32>
    %sub3A_287 = arith.subf %sub3A_285, %sub3A_286 : vector<128x128xf32>
    %integer_pow3A_288 = arith.mulf %sub3A_287, %sub3A_287 : vector<128x128xf32>
    %min3A_289 = arith.minimumf %min3A_218, %integer_pow3A_288 : vector<128x128xf32>
    %sub3A_290 = vector.broadcast %slice3A_33 : vector<128x1xf32> to vector<128x128xf32>
    %sub3A_291 = vector.broadcast %slice3A_249 : vector<1x128xf32> to vector<128x128xf32>
    %sub3A_292 = arith.subf %sub3A_290, %sub3A_291 : vector<128x128xf32>
    %integer_pow3A_293 = arith.mulf %sub3A_292, %sub3A_292 : vector<128x128xf32>
    %min3A_294 = arith.minimumf %min3A_223, %integer_pow3A_293 : vector<128x128xf32>
    %sub3A_295 = vector.broadcast %slice3A_34 : vector<128x1xf32> to vector<128x128xf32>
    %sub3A_296 = vector.broadcast %slice3A_249 : vector<1x128xf32> to vector<128x128xf32>
    %sub3A_297 = arith.subf %sub3A_295, %sub3A_296 : vector<128x128xf32>
    %integer_pow3A_298 = arith.mulf %sub3A_297, %sub3A_297 : vector<128x128xf32>
    %min3A_299 = arith.minimumf %min3A_228, %integer_pow3A_298 : vector<128x128xf32>
    %sub3A_300 = vector.broadcast %slice3A_35 : vector<128x1xf32> to vector<128x128xf32>
    %sub3A_301 = vector.broadcast %slice3A_249 : vector<1x128xf32> to vector<128x128xf32>
    %sub3A_302 = arith.subf %sub3A_300, %sub3A_301 : vector<128x128xf32>
    %integer_pow3A_303 = arith.mulf %sub3A_302, %sub3A_302 : vector<128x128xf32>
    %min3A_304 = arith.minimumf %min3A_233, %integer_pow3A_303 : vector<128x128xf32>
    %sub3A_305 = vector.broadcast %slice3A_36 : vector<128x1xf32> to vector<128x128xf32>
    %sub3A_306 = vector.broadcast %slice3A_249 : vector<1x128xf32> to vector<128x128xf32>
    %sub3A_307 = arith.subf %sub3A_305, %sub3A_306 : vector<128x128xf32>
    %integer_pow3A_308 = arith.mulf %sub3A_307, %sub3A_307 : vector<128x128xf32>
    %min3A_309 = arith.minimumf %min3A_238, %integer_pow3A_308 : vector<128x128xf32>
    %sub3A_310 = vector.broadcast %slice3A_37 : vector<128x1xf32> to vector<128x128xf32>
    %sub3A_311 = vector.broadcast %slice3A_249 : vector<1x128xf32> to vector<128x128xf32>
    %sub3A_312 = arith.subf %sub3A_310, %sub3A_311 : vector<128x128xf32>
    %integer_pow3A_313 = arith.mulf %sub3A_312, %sub3A_312 : vector<128x128xf32>
    %min3A_314 = arith.minimumf %min3A_243, %integer_pow3A_313 : vector<128x128xf32>
    %sub3A_315 = vector.broadcast %slice3A_38 : vector<128x1xf32> to vector<128x128xf32>
    %sub3A_316 = vector.broadcast %slice3A_249 : vector<1x128xf32> to vector<128x128xf32>
    %sub3A_317 = arith.subf %sub3A_315, %sub3A_316 : vector<128x128xf32>
    %integer_pow3A_318 = arith.mulf %sub3A_317, %sub3A_317 : vector<128x128xf32>
    %min3A_319 = arith.minimumf %min3A_248, %integer_pow3A_318 : vector<128x128xf32>
    %slice3A_320 = vector.extract_strided_slice %select_n3A {offsets = [0, 512], sizes = [1, 128], strides = [1, 1]} : vector<1x2048xf32> to vector<1x128xf32>
    %sub3A_321 = vector.broadcast %slice3A_25 : vector<128x1xf32> to vector<128x128xf32>
    %sub3A_322 = vector.broadcast %slice3A_320 : vector<1x128xf32> to vector<128x128xf32>
    %sub3A_323 = arith.subf %sub3A_321, %sub3A_322 : vector<128x128xf32>
    %integer_pow3A_324 = arith.mulf %sub3A_323, %sub3A_323 : vector<128x128xf32>
    %min3A_325 = arith.minimumf %min3A_254, %integer_pow3A_324 : vector<128x128xf32>
    %sub3A_326 = vector.broadcast %slice3A_26 : vector<128x1xf32> to vector<128x128xf32>
    %sub3A_327 = vector.broadcast %slice3A_320 : vector<1x128xf32> to vector<128x128xf32>
    %sub3A_328 = arith.subf %sub3A_326, %sub3A_327 : vector<128x128xf32>
    %integer_pow3A_329 = arith.mulf %sub3A_328, %sub3A_328 : vector<128x128xf32>
    %min3A_330 = arith.minimumf %min3A_259, %integer_pow3A_329 : vector<128x128xf32>
    %sub3A_331 = vector.broadcast %slice3A_27 : vector<128x1xf32> to vector<128x128xf32>
    %sub3A_332 = vector.broadcast %slice3A_320 : vector<1x128xf32> to vector<128x128xf32>
    %sub3A_333 = arith.subf %sub3A_331, %sub3A_332 : vector<128x128xf32>
    %integer_pow3A_334 = arith.mulf %sub3A_333, %sub3A_333 : vector<128x128xf32>
    %min3A_335 = arith.minimumf %min3A_264, %integer_pow3A_334 : vector<128x128xf32>
    %sub3A_336 = vector.broadcast %slice3A_28 : vector<128x1xf32> to vector<128x128xf32>
    %sub3A_337 = vector.broadcast %slice3A_320 : vector<1x128xf32> to vector<128x128xf32>
    %sub3A_338 = arith.subf %sub3A_336, %sub3A_337 : vector<128x128xf32>
    %integer_pow3A_339 = arith.mulf %sub3A_338, %sub3A_338 : vector<128x128xf32>
    %min3A_340 = arith.minimumf %min3A_269, %integer_pow3A_339 : vector<128x128xf32>
    %sub3A_341 = vector.broadcast %slice3A_29 : vector<128x1xf32> to vector<128x128xf32>
    %sub3A_342 = vector.broadcast %slice3A_320 : vector<1x128xf32> to vector<128x128xf32>
    %sub3A_343 = arith.subf %sub3A_341, %sub3A_342 : vector<128x128xf32>
    %integer_pow3A_344 = arith.mulf %sub3A_343, %sub3A_343 : vector<128x128xf32>
    %min3A_345 = arith.minimumf %min3A_274, %integer_pow3A_344 : vector<128x128xf32>
    %sub3A_346 = vector.broadcast %slice3A_30 : vector<128x1xf32> to vector<128x128xf32>
    %sub3A_347 = vector.broadcast %slice3A_320 : vector<1x128xf32> to vector<128x128xf32>
    %sub3A_348 = arith.subf %sub3A_346, %sub3A_347 : vector<128x128xf32>
    %integer_pow3A_349 = arith.mulf %sub3A_348, %sub3A_348 : vector<128x128xf32>
    %min3A_350 = arith.minimumf %min3A_279, %integer_pow3A_349 : vector<128x128xf32>
    %sub3A_351 = vector.broadcast %slice3A_31 : vector<128x1xf32> to vector<128x128xf32>
    %sub3A_352 = vector.broadcast %slice3A_320 : vector<1x128xf32> to vector<128x128xf32>
    %sub3A_353 = arith.subf %sub3A_351, %sub3A_352 : vector<128x128xf32>
    %integer_pow3A_354 = arith.mulf %sub3A_353, %sub3A_353 : vector<128x128xf32>
    %min3A_355 = arith.minimumf %min3A_284, %integer_pow3A_354 : vector<128x128xf32>
    %sub3A_356 = vector.broadcast %slice3A_32 : vector<128x1xf32> to vector<128x128xf32>
    %sub3A_357 = vector.broadcast %slice3A_320 : vector<1x128xf32> to vector<128x128xf32>
    %sub3A_358 = arith.subf %sub3A_356, %sub3A_357 : vector<128x128xf32>
    %integer_pow3A_359 = arith.mulf %sub3A_358, %sub3A_358 : vector<128x128xf32>
    %min3A_360 = arith.minimumf %min3A_289, %integer_pow3A_359 : vector<128x128xf32>
    %sub3A_361 = vector.broadcast %slice3A_33 : vector<128x1xf32> to vector<128x128xf32>
    %sub3A_362 = vector.broadcast %slice3A_320 : vector<1x128xf32> to vector<128x128xf32>
    %sub3A_363 = arith.subf %sub3A_361, %sub3A_362 : vector<128x128xf32>
    %integer_pow3A_364 = arith.mulf %sub3A_363, %sub3A_363 : vector<128x128xf32>
    %min3A_365 = arith.minimumf %min3A_294, %integer_pow3A_364 : vector<128x128xf32>
    %sub3A_366 = vector.broadcast %slice3A_34 : vector<128x1xf32> to vector<128x128xf32>
    %sub3A_367 = vector.broadcast %slice3A_320 : vector<1x128xf32> to vector<128x128xf32>
    %sub3A_368 = arith.subf %sub3A_366, %sub3A_367 : vector<128x128xf32>
    %integer_pow3A_369 = arith.mulf %sub3A_368, %sub3A_368 : vector<128x128xf32>
    %min3A_370 = arith.minimumf %min3A_299, %integer_pow3A_369 : vector<128x128xf32>
    %sub3A_371 = vector.broadcast %slice3A_35 : vector<128x1xf32> to vector<128x128xf32>
    %sub3A_372 = vector.broadcast %slice3A_320 : vector<1x128xf32> to vector<128x128xf32>
    %sub3A_373 = arith.subf %sub3A_371, %sub3A_372 : vector<128x128xf32>
    %integer_pow3A_374 = arith.mulf %sub3A_373, %sub3A_373 : vector<128x128xf32>
    %min3A_375 = arith.minimumf %min3A_304, %integer_pow3A_374 : vector<128x128xf32>
    %sub3A_376 = vector.broadcast %slice3A_36 : vector<128x1xf32> to vector<128x128xf32>
    %sub3A_377 = vector.broadcast %slice3A_320 : vector<1x128xf32> to vector<128x128xf32>
    %sub3A_378 = arith.subf %sub3A_376, %sub3A_377 : vector<128x128xf32>
    %integer_pow3A_379 = arith.mulf %sub3A_378, %sub3A_378 : vector<128x128xf32>
    %min3A_380 = arith.minimumf %min3A_309, %integer_pow3A_379 : vector<128x128xf32>
    %sub3A_381 = vector.broadcast %slice3A_37 : vector<128x1xf32> to vector<128x128xf32>
    %sub3A_382 = vector.broadcast %slice3A_320 : vector<1x128xf32> to vector<128x128xf32>
    %sub3A_383 = arith.subf %sub3A_381, %sub3A_382 : vector<128x128xf32>
    %integer_pow3A_384 = arith.mulf %sub3A_383, %sub3A_383 : vector<128x128xf32>
    %min3A_385 = arith.minimumf %min3A_314, %integer_pow3A_384 : vector<128x128xf32>
    %sub3A_386 = vector.broadcast %slice3A_38 : vector<128x1xf32> to vector<128x128xf32>
    %sub3A_387 = vector.broadcast %slice3A_320 : vector<1x128xf32> to vector<128x128xf32>
    %sub3A_388 = arith.subf %sub3A_386, %sub3A_387 : vector<128x128xf32>
    %integer_pow3A_389 = arith.mulf %sub3A_388, %sub3A_388 : vector<128x128xf32>
    %min3A_390 = arith.minimumf %min3A_319, %integer_pow3A_389 : vector<128x128xf32>
    %slice3A_391 = vector.extract_strided_slice %select_n3A {offsets = [0, 640], sizes = [1, 128], strides = [1, 1]} : vector<1x2048xf32> to vector<1x128xf32>
    %sub3A_392 = vector.broadcast %slice3A_25 : vector<128x1xf32> to vector<128x128xf32>
    %sub3A_393 = vector.broadcast %slice3A_391 : vector<1x128xf32> to vector<128x128xf32>
    %sub3A_394 = arith.subf %sub3A_392, %sub3A_393 : vector<128x128xf32>
    %integer_pow3A_395 = arith.mulf %sub3A_394, %sub3A_394 : vector<128x128xf32>
    %min3A_396 = arith.minimumf %min3A_325, %integer_pow3A_395 : vector<128x128xf32>
    %sub3A_397 = vector.broadcast %slice3A_26 : vector<128x1xf32> to vector<128x128xf32>
    %sub3A_398 = vector.broadcast %slice3A_391 : vector<1x128xf32> to vector<128x128xf32>
    %sub3A_399 = arith.subf %sub3A_397, %sub3A_398 : vector<128x128xf32>
    %integer_pow3A_400 = arith.mulf %sub3A_399, %sub3A_399 : vector<128x128xf32>
    %min3A_401 = arith.minimumf %min3A_330, %integer_pow3A_400 : vector<128x128xf32>
    %sub3A_402 = vector.broadcast %slice3A_27 : vector<128x1xf32> to vector<128x128xf32>
    %sub3A_403 = vector.broadcast %slice3A_391 : vector<1x128xf32> to vector<128x128xf32>
    %sub3A_404 = arith.subf %sub3A_402, %sub3A_403 : vector<128x128xf32>
    %integer_pow3A_405 = arith.mulf %sub3A_404, %sub3A_404 : vector<128x128xf32>
    %min3A_406 = arith.minimumf %min3A_335, %integer_pow3A_405 : vector<128x128xf32>
    %sub3A_407 = vector.broadcast %slice3A_28 : vector<128x1xf32> to vector<128x128xf32>
    %sub3A_408 = vector.broadcast %slice3A_391 : vector<1x128xf32> to vector<128x128xf32>
    %sub3A_409 = arith.subf %sub3A_407, %sub3A_408 : vector<128x128xf32>
    %integer_pow3A_410 = arith.mulf %sub3A_409, %sub3A_409 : vector<128x128xf32>
    %min3A_411 = arith.minimumf %min3A_340, %integer_pow3A_410 : vector<128x128xf32>
    %sub3A_412 = vector.broadcast %slice3A_29 : vector<128x1xf32> to vector<128x128xf32>
    %sub3A_413 = vector.broadcast %slice3A_391 : vector<1x128xf32> to vector<128x128xf32>
    %sub3A_414 = arith.subf %sub3A_412, %sub3A_413 : vector<128x128xf32>
    %integer_pow3A_415 = arith.mulf %sub3A_414, %sub3A_414 : vector<128x128xf32>
    %min3A_416 = arith.minimumf %min3A_345, %integer_pow3A_415 : vector<128x128xf32>
    %sub3A_417 = vector.broadcast %slice3A_30 : vector<128x1xf32> to vector<128x128xf32>
    %sub3A_418 = vector.broadcast %slice3A_391 : vector<1x128xf32> to vector<128x128xf32>
    %sub3A_419 = arith.subf %sub3A_417, %sub3A_418 : vector<128x128xf32>
    %integer_pow3A_420 = arith.mulf %sub3A_419, %sub3A_419 : vector<128x128xf32>
    %min3A_421 = arith.minimumf %min3A_350, %integer_pow3A_420 : vector<128x128xf32>
    %sub3A_422 = vector.broadcast %slice3A_31 : vector<128x1xf32> to vector<128x128xf32>
    %sub3A_423 = vector.broadcast %slice3A_391 : vector<1x128xf32> to vector<128x128xf32>
    %sub3A_424 = arith.subf %sub3A_422, %sub3A_423 : vector<128x128xf32>
    %integer_pow3A_425 = arith.mulf %sub3A_424, %sub3A_424 : vector<128x128xf32>
    %min3A_426 = arith.minimumf %min3A_355, %integer_pow3A_425 : vector<128x128xf32>
    %sub3A_427 = vector.broadcast %slice3A_32 : vector<128x1xf32> to vector<128x128xf32>
    %sub3A_428 = vector.broadcast %slice3A_391 : vector<1x128xf32> to vector<128x128xf32>
    %sub3A_429 = arith.subf %sub3A_427, %sub3A_428 : vector<128x128xf32>
    %integer_pow3A_430 = arith.mulf %sub3A_429, %sub3A_429 : vector<128x128xf32>
    %min3A_431 = arith.minimumf %min3A_360, %integer_pow3A_430 : vector<128x128xf32>
    %sub3A_432 = vector.broadcast %slice3A_33 : vector<128x1xf32> to vector<128x128xf32>
    %sub3A_433 = vector.broadcast %slice3A_391 : vector<1x128xf32> to vector<128x128xf32>
    %sub3A_434 = arith.subf %sub3A_432, %sub3A_433 : vector<128x128xf32>
    %integer_pow3A_435 = arith.mulf %sub3A_434, %sub3A_434 : vector<128x128xf32>
    %min3A_436 = arith.minimumf %min3A_365, %integer_pow3A_435 : vector<128x128xf32>
    %sub3A_437 = vector.broadcast %slice3A_34 : vector<128x1xf32> to vector<128x128xf32>
    %sub3A_438 = vector.broadcast %slice3A_391 : vector<1x128xf32> to vector<128x128xf32>
    %sub3A_439 = arith.subf %sub3A_437, %sub3A_438 : vector<128x128xf32>
    %integer_pow3A_440 = arith.mulf %sub3A_439, %sub3A_439 : vector<128x128xf32>
    %min3A_441 = arith.minimumf %min3A_370, %integer_pow3A_440 : vector<128x128xf32>
    %sub3A_442 = vector.broadcast %slice3A_35 : vector<128x1xf32> to vector<128x128xf32>
    %sub3A_443 = vector.broadcast %slice3A_391 : vector<1x128xf32> to vector<128x128xf32>
    %sub3A_444 = arith.subf %sub3A_442, %sub3A_443 : vector<128x128xf32>
    %integer_pow3A_445 = arith.mulf %sub3A_444, %sub3A_444 : vector<128x128xf32>
    %min3A_446 = arith.minimumf %min3A_375, %integer_pow3A_445 : vector<128x128xf32>
    %sub3A_447 = vector.broadcast %slice3A_36 : vector<128x1xf32> to vector<128x128xf32>
    %sub3A_448 = vector.broadcast %slice3A_391 : vector<1x128xf32> to vector<128x128xf32>
    %sub3A_449 = arith.subf %sub3A_447, %sub3A_448 : vector<128x128xf32>
    %integer_pow3A_450 = arith.mulf %sub3A_449, %sub3A_449 : vector<128x128xf32>
    %min3A_451 = arith.minimumf %min3A_380, %integer_pow3A_450 : vector<128x128xf32>
    %sub3A_452 = vector.broadcast %slice3A_37 : vector<128x1xf32> to vector<128x128xf32>
    %sub3A_453 = vector.broadcast %slice3A_391 : vector<1x128xf32> to vector<128x128xf32>
    %sub3A_454 = arith.subf %sub3A_452, %sub3A_453 : vector<128x128xf32>
    %integer_pow3A_455 = arith.mulf %sub3A_454, %sub3A_454 : vector<128x128xf32>
    %min3A_456 = arith.minimumf %min3A_385, %integer_pow3A_455 : vector<128x128xf32>
    %sub3A_457 = vector.broadcast %slice3A_38 : vector<128x1xf32> to vector<128x128xf32>
    %sub3A_458 = vector.broadcast %slice3A_391 : vector<1x128xf32> to vector<128x128xf32>
    %sub3A_459 = arith.subf %sub3A_457, %sub3A_458 : vector<128x128xf32>
    %integer_pow3A_460 = arith.mulf %sub3A_459, %sub3A_459 : vector<128x128xf32>
    %min3A_461 = arith.minimumf %min3A_390, %integer_pow3A_460 : vector<128x128xf32>
    %slice3A_462 = vector.extract_strided_slice %select_n3A {offsets = [0, 768], sizes = [1, 128], strides = [1, 1]} : vector<1x2048xf32> to vector<1x128xf32>
    %sub3A_463 = vector.broadcast %slice3A_25 : vector<128x1xf32> to vector<128x128xf32>
    %sub3A_464 = vector.broadcast %slice3A_462 : vector<1x128xf32> to vector<128x128xf32>
    %sub3A_465 = arith.subf %sub3A_463, %sub3A_464 : vector<128x128xf32>
    %integer_pow3A_466 = arith.mulf %sub3A_465, %sub3A_465 : vector<128x128xf32>
    %min3A_467 = arith.minimumf %min3A_396, %integer_pow3A_466 : vector<128x128xf32>
    %sub3A_468 = vector.broadcast %slice3A_26 : vector<128x1xf32> to vector<128x128xf32>
    %sub3A_469 = vector.broadcast %slice3A_462 : vector<1x128xf32> to vector<128x128xf32>
    %sub3A_470 = arith.subf %sub3A_468, %sub3A_469 : vector<128x128xf32>
    %integer_pow3A_471 = arith.mulf %sub3A_470, %sub3A_470 : vector<128x128xf32>
    %min3A_472 = arith.minimumf %min3A_401, %integer_pow3A_471 : vector<128x128xf32>
    %sub3A_473 = vector.broadcast %slice3A_27 : vector<128x1xf32> to vector<128x128xf32>
    %sub3A_474 = vector.broadcast %slice3A_462 : vector<1x128xf32> to vector<128x128xf32>
    %sub3A_475 = arith.subf %sub3A_473, %sub3A_474 : vector<128x128xf32>
    %integer_pow3A_476 = arith.mulf %sub3A_475, %sub3A_475 : vector<128x128xf32>
    %min3A_477 = arith.minimumf %min3A_406, %integer_pow3A_476 : vector<128x128xf32>
    %sub3A_478 = vector.broadcast %slice3A_28 : vector<128x1xf32> to vector<128x128xf32>
    %sub3A_479 = vector.broadcast %slice3A_462 : vector<1x128xf32> to vector<128x128xf32>
    %sub3A_480 = arith.subf %sub3A_478, %sub3A_479 : vector<128x128xf32>
    %integer_pow3A_481 = arith.mulf %sub3A_480, %sub3A_480 : vector<128x128xf32>
    %min3A_482 = arith.minimumf %min3A_411, %integer_pow3A_481 : vector<128x128xf32>
    %sub3A_483 = vector.broadcast %slice3A_29 : vector<128x1xf32> to vector<128x128xf32>
    %sub3A_484 = vector.broadcast %slice3A_462 : vector<1x128xf32> to vector<128x128xf32>
    %sub3A_485 = arith.subf %sub3A_483, %sub3A_484 : vector<128x128xf32>
    %integer_pow3A_486 = arith.mulf %sub3A_485, %sub3A_485 : vector<128x128xf32>
    %min3A_487 = arith.minimumf %min3A_416, %integer_pow3A_486 : vector<128x128xf32>
    %sub3A_488 = vector.broadcast %slice3A_30 : vector<128x1xf32> to vector<128x128xf32>
    %sub3A_489 = vector.broadcast %slice3A_462 : vector<1x128xf32> to vector<128x128xf32>
    %sub3A_490 = arith.subf %sub3A_488, %sub3A_489 : vector<128x128xf32>
    %integer_pow3A_491 = arith.mulf %sub3A_490, %sub3A_490 : vector<128x128xf32>
    %min3A_492 = arith.minimumf %min3A_421, %integer_pow3A_491 : vector<128x128xf32>
    %sub3A_493 = vector.broadcast %slice3A_31 : vector<128x1xf32> to vector<128x128xf32>
    %sub3A_494 = vector.broadcast %slice3A_462 : vector<1x128xf32> to vector<128x128xf32>
    %sub3A_495 = arith.subf %sub3A_493, %sub3A_494 : vector<128x128xf32>
    %integer_pow3A_496 = arith.mulf %sub3A_495, %sub3A_495 : vector<128x128xf32>
    %min3A_497 = arith.minimumf %min3A_426, %integer_pow3A_496 : vector<128x128xf32>
    %sub3A_498 = vector.broadcast %slice3A_32 : vector<128x1xf32> to vector<128x128xf32>
    %sub3A_499 = vector.broadcast %slice3A_462 : vector<1x128xf32> to vector<128x128xf32>
    %sub3A_500 = arith.subf %sub3A_498, %sub3A_499 : vector<128x128xf32>
    %integer_pow3A_501 = arith.mulf %sub3A_500, %sub3A_500 : vector<128x128xf32>
    %min3A_502 = arith.minimumf %min3A_431, %integer_pow3A_501 : vector<128x128xf32>
    %sub3A_503 = vector.broadcast %slice3A_33 : vector<128x1xf32> to vector<128x128xf32>
    %sub3A_504 = vector.broadcast %slice3A_462 : vector<1x128xf32> to vector<128x128xf32>
    %sub3A_505 = arith.subf %sub3A_503, %sub3A_504 : vector<128x128xf32>
    %integer_pow3A_506 = arith.mulf %sub3A_505, %sub3A_505 : vector<128x128xf32>
    %min3A_507 = arith.minimumf %min3A_436, %integer_pow3A_506 : vector<128x128xf32>
    %sub3A_508 = vector.broadcast %slice3A_34 : vector<128x1xf32> to vector<128x128xf32>
    %sub3A_509 = vector.broadcast %slice3A_462 : vector<1x128xf32> to vector<128x128xf32>
    %sub3A_510 = arith.subf %sub3A_508, %sub3A_509 : vector<128x128xf32>
    %integer_pow3A_511 = arith.mulf %sub3A_510, %sub3A_510 : vector<128x128xf32>
    %min3A_512 = arith.minimumf %min3A_441, %integer_pow3A_511 : vector<128x128xf32>
    %sub3A_513 = vector.broadcast %slice3A_35 : vector<128x1xf32> to vector<128x128xf32>
    %sub3A_514 = vector.broadcast %slice3A_462 : vector<1x128xf32> to vector<128x128xf32>
    %sub3A_515 = arith.subf %sub3A_513, %sub3A_514 : vector<128x128xf32>
    %integer_pow3A_516 = arith.mulf %sub3A_515, %sub3A_515 : vector<128x128xf32>
    %min3A_517 = arith.minimumf %min3A_446, %integer_pow3A_516 : vector<128x128xf32>
    %sub3A_518 = vector.broadcast %slice3A_36 : vector<128x1xf32> to vector<128x128xf32>
    %sub3A_519 = vector.broadcast %slice3A_462 : vector<1x128xf32> to vector<128x128xf32>
    %sub3A_520 = arith.subf %sub3A_518, %sub3A_519 : vector<128x128xf32>
    %integer_pow3A_521 = arith.mulf %sub3A_520, %sub3A_520 : vector<128x128xf32>
    %min3A_522 = arith.minimumf %min3A_451, %integer_pow3A_521 : vector<128x128xf32>
    %sub3A_523 = vector.broadcast %slice3A_37 : vector<128x1xf32> to vector<128x128xf32>
    %sub3A_524 = vector.broadcast %slice3A_462 : vector<1x128xf32> to vector<128x128xf32>
    %sub3A_525 = arith.subf %sub3A_523, %sub3A_524 : vector<128x128xf32>
    %integer_pow3A_526 = arith.mulf %sub3A_525, %sub3A_525 : vector<128x128xf32>
    %min3A_527 = arith.minimumf %min3A_456, %integer_pow3A_526 : vector<128x128xf32>
    %sub3A_528 = vector.broadcast %slice3A_38 : vector<128x1xf32> to vector<128x128xf32>
    %sub3A_529 = vector.broadcast %slice3A_462 : vector<1x128xf32> to vector<128x128xf32>
    %sub3A_530 = arith.subf %sub3A_528, %sub3A_529 : vector<128x128xf32>
    %integer_pow3A_531 = arith.mulf %sub3A_530, %sub3A_530 : vector<128x128xf32>
    %min3A_532 = arith.minimumf %min3A_461, %integer_pow3A_531 : vector<128x128xf32>
    %slice3A_533 = vector.extract_strided_slice %select_n3A {offsets = [0, 896], sizes = [1, 128], strides = [1, 1]} : vector<1x2048xf32> to vector<1x128xf32>
    %sub3A_534 = vector.broadcast %slice3A_25 : vector<128x1xf32> to vector<128x128xf32>
    %sub3A_535 = vector.broadcast %slice3A_533 : vector<1x128xf32> to vector<128x128xf32>
    %sub3A_536 = arith.subf %sub3A_534, %sub3A_535 : vector<128x128xf32>
    %integer_pow3A_537 = arith.mulf %sub3A_536, %sub3A_536 : vector<128x128xf32>
    %min3A_538 = arith.minimumf %min3A_467, %integer_pow3A_537 : vector<128x128xf32>
    %sub3A_539 = vector.broadcast %slice3A_26 : vector<128x1xf32> to vector<128x128xf32>
    %sub3A_540 = vector.broadcast %slice3A_533 : vector<1x128xf32> to vector<128x128xf32>
    %sub3A_541 = arith.subf %sub3A_539, %sub3A_540 : vector<128x128xf32>
    %integer_pow3A_542 = arith.mulf %sub3A_541, %sub3A_541 : vector<128x128xf32>
    %min3A_543 = arith.minimumf %min3A_472, %integer_pow3A_542 : vector<128x128xf32>
    %sub3A_544 = vector.broadcast %slice3A_27 : vector<128x1xf32> to vector<128x128xf32>
    %sub3A_545 = vector.broadcast %slice3A_533 : vector<1x128xf32> to vector<128x128xf32>
    %sub3A_546 = arith.subf %sub3A_544, %sub3A_545 : vector<128x128xf32>
    %integer_pow3A_547 = arith.mulf %sub3A_546, %sub3A_546 : vector<128x128xf32>
    %min3A_548 = arith.minimumf %min3A_477, %integer_pow3A_547 : vector<128x128xf32>
    %sub3A_549 = vector.broadcast %slice3A_28 : vector<128x1xf32> to vector<128x128xf32>
    %sub3A_550 = vector.broadcast %slice3A_533 : vector<1x128xf32> to vector<128x128xf32>
    %sub3A_551 = arith.subf %sub3A_549, %sub3A_550 : vector<128x128xf32>
    %integer_pow3A_552 = arith.mulf %sub3A_551, %sub3A_551 : vector<128x128xf32>
    %min3A_553 = arith.minimumf %min3A_482, %integer_pow3A_552 : vector<128x128xf32>
    %sub3A_554 = vector.broadcast %slice3A_29 : vector<128x1xf32> to vector<128x128xf32>
    %sub3A_555 = vector.broadcast %slice3A_533 : vector<1x128xf32> to vector<128x128xf32>
    %sub3A_556 = arith.subf %sub3A_554, %sub3A_555 : vector<128x128xf32>
    %integer_pow3A_557 = arith.mulf %sub3A_556, %sub3A_556 : vector<128x128xf32>
    %min3A_558 = arith.minimumf %min3A_487, %integer_pow3A_557 : vector<128x128xf32>
    %sub3A_559 = vector.broadcast %slice3A_30 : vector<128x1xf32> to vector<128x128xf32>
    %sub3A_560 = vector.broadcast %slice3A_533 : vector<1x128xf32> to vector<128x128xf32>
    %sub3A_561 = arith.subf %sub3A_559, %sub3A_560 : vector<128x128xf32>
    %integer_pow3A_562 = arith.mulf %sub3A_561, %sub3A_561 : vector<128x128xf32>
    %min3A_563 = arith.minimumf %min3A_492, %integer_pow3A_562 : vector<128x128xf32>
    %sub3A_564 = vector.broadcast %slice3A_31 : vector<128x1xf32> to vector<128x128xf32>
    %sub3A_565 = vector.broadcast %slice3A_533 : vector<1x128xf32> to vector<128x128xf32>
    %sub3A_566 = arith.subf %sub3A_564, %sub3A_565 : vector<128x128xf32>
    %integer_pow3A_567 = arith.mulf %sub3A_566, %sub3A_566 : vector<128x128xf32>
    %min3A_568 = arith.minimumf %min3A_497, %integer_pow3A_567 : vector<128x128xf32>
    %sub3A_569 = vector.broadcast %slice3A_32 : vector<128x1xf32> to vector<128x128xf32>
    %sub3A_570 = vector.broadcast %slice3A_533 : vector<1x128xf32> to vector<128x128xf32>
    %sub3A_571 = arith.subf %sub3A_569, %sub3A_570 : vector<128x128xf32>
    %integer_pow3A_572 = arith.mulf %sub3A_571, %sub3A_571 : vector<128x128xf32>
    %min3A_573 = arith.minimumf %min3A_502, %integer_pow3A_572 : vector<128x128xf32>
    %sub3A_574 = vector.broadcast %slice3A_33 : vector<128x1xf32> to vector<128x128xf32>
    %sub3A_575 = vector.broadcast %slice3A_533 : vector<1x128xf32> to vector<128x128xf32>
    %sub3A_576 = arith.subf %sub3A_574, %sub3A_575 : vector<128x128xf32>
    %integer_pow3A_577 = arith.mulf %sub3A_576, %sub3A_576 : vector<128x128xf32>
    %min3A_578 = arith.minimumf %min3A_507, %integer_pow3A_577 : vector<128x128xf32>
    %sub3A_579 = vector.broadcast %slice3A_34 : vector<128x1xf32> to vector<128x128xf32>
    %sub3A_580 = vector.broadcast %slice3A_533 : vector<1x128xf32> to vector<128x128xf32>
    %sub3A_581 = arith.subf %sub3A_579, %sub3A_580 : vector<128x128xf32>
    %integer_pow3A_582 = arith.mulf %sub3A_581, %sub3A_581 : vector<128x128xf32>
    %min3A_583 = arith.minimumf %min3A_512, %integer_pow3A_582 : vector<128x128xf32>
    %sub3A_584 = vector.broadcast %slice3A_35 : vector<128x1xf32> to vector<128x128xf32>
    %sub3A_585 = vector.broadcast %slice3A_533 : vector<1x128xf32> to vector<128x128xf32>
    %sub3A_586 = arith.subf %sub3A_584, %sub3A_585 : vector<128x128xf32>
    %integer_pow3A_587 = arith.mulf %sub3A_586, %sub3A_586 : vector<128x128xf32>
    %min3A_588 = arith.minimumf %min3A_517, %integer_pow3A_587 : vector<128x128xf32>
    %sub3A_589 = vector.broadcast %slice3A_36 : vector<128x1xf32> to vector<128x128xf32>
    %sub3A_590 = vector.broadcast %slice3A_533 : vector<1x128xf32> to vector<128x128xf32>
    %sub3A_591 = arith.subf %sub3A_589, %sub3A_590 : vector<128x128xf32>
    %integer_pow3A_592 = arith.mulf %sub3A_591, %sub3A_591 : vector<128x128xf32>
    %min3A_593 = arith.minimumf %min3A_522, %integer_pow3A_592 : vector<128x128xf32>
    %sub3A_594 = vector.broadcast %slice3A_37 : vector<128x1xf32> to vector<128x128xf32>
    %sub3A_595 = vector.broadcast %slice3A_533 : vector<1x128xf32> to vector<128x128xf32>
    %sub3A_596 = arith.subf %sub3A_594, %sub3A_595 : vector<128x128xf32>
    %integer_pow3A_597 = arith.mulf %sub3A_596, %sub3A_596 : vector<128x128xf32>
    %min3A_598 = arith.minimumf %min3A_527, %integer_pow3A_597 : vector<128x128xf32>
    %sub3A_599 = vector.broadcast %slice3A_38 : vector<128x1xf32> to vector<128x128xf32>
    %sub3A_600 = vector.broadcast %slice3A_533 : vector<1x128xf32> to vector<128x128xf32>
    %sub3A_601 = arith.subf %sub3A_599, %sub3A_600 : vector<128x128xf32>
    %integer_pow3A_602 = arith.mulf %sub3A_601, %sub3A_601 : vector<128x128xf32>
    %min3A_603 = arith.minimumf %min3A_532, %integer_pow3A_602 : vector<128x128xf32>
    %slice3A_604 = vector.extract_strided_slice %select_n3A {offsets = [0, 1024], sizes = [1, 128], strides = [1, 1]} : vector<1x2048xf32> to vector<1x128xf32>
    %sub3A_605 = vector.broadcast %slice3A_25 : vector<128x1xf32> to vector<128x128xf32>
    %sub3A_606 = vector.broadcast %slice3A_604 : vector<1x128xf32> to vector<128x128xf32>
    %sub3A_607 = arith.subf %sub3A_605, %sub3A_606 : vector<128x128xf32>
    %integer_pow3A_608 = arith.mulf %sub3A_607, %sub3A_607 : vector<128x128xf32>
    %min3A_609 = arith.minimumf %min3A_538, %integer_pow3A_608 : vector<128x128xf32>
    %sub3A_610 = vector.broadcast %slice3A_26 : vector<128x1xf32> to vector<128x128xf32>
    %sub3A_611 = vector.broadcast %slice3A_604 : vector<1x128xf32> to vector<128x128xf32>
    %sub3A_612 = arith.subf %sub3A_610, %sub3A_611 : vector<128x128xf32>
    %integer_pow3A_613 = arith.mulf %sub3A_612, %sub3A_612 : vector<128x128xf32>
    %min3A_614 = arith.minimumf %min3A_543, %integer_pow3A_613 : vector<128x128xf32>
    %sub3A_615 = vector.broadcast %slice3A_27 : vector<128x1xf32> to vector<128x128xf32>
    %sub3A_616 = vector.broadcast %slice3A_604 : vector<1x128xf32> to vector<128x128xf32>
    %sub3A_617 = arith.subf %sub3A_615, %sub3A_616 : vector<128x128xf32>
    %integer_pow3A_618 = arith.mulf %sub3A_617, %sub3A_617 : vector<128x128xf32>
    %min3A_619 = arith.minimumf %min3A_548, %integer_pow3A_618 : vector<128x128xf32>
    %sub3A_620 = vector.broadcast %slice3A_28 : vector<128x1xf32> to vector<128x128xf32>
    %sub3A_621 = vector.broadcast %slice3A_604 : vector<1x128xf32> to vector<128x128xf32>
    %sub3A_622 = arith.subf %sub3A_620, %sub3A_621 : vector<128x128xf32>
    %integer_pow3A_623 = arith.mulf %sub3A_622, %sub3A_622 : vector<128x128xf32>
    %min3A_624 = arith.minimumf %min3A_553, %integer_pow3A_623 : vector<128x128xf32>
    %sub3A_625 = vector.broadcast %slice3A_29 : vector<128x1xf32> to vector<128x128xf32>
    %sub3A_626 = vector.broadcast %slice3A_604 : vector<1x128xf32> to vector<128x128xf32>
    %sub3A_627 = arith.subf %sub3A_625, %sub3A_626 : vector<128x128xf32>
    %integer_pow3A_628 = arith.mulf %sub3A_627, %sub3A_627 : vector<128x128xf32>
    %min3A_629 = arith.minimumf %min3A_558, %integer_pow3A_628 : vector<128x128xf32>
    %sub3A_630 = vector.broadcast %slice3A_30 : vector<128x1xf32> to vector<128x128xf32>
    %sub3A_631 = vector.broadcast %slice3A_604 : vector<1x128xf32> to vector<128x128xf32>
    %sub3A_632 = arith.subf %sub3A_630, %sub3A_631 : vector<128x128xf32>
    %integer_pow3A_633 = arith.mulf %sub3A_632, %sub3A_632 : vector<128x128xf32>
    %min3A_634 = arith.minimumf %min3A_563, %integer_pow3A_633 : vector<128x128xf32>
    %sub3A_635 = vector.broadcast %slice3A_31 : vector<128x1xf32> to vector<128x128xf32>
    %sub3A_636 = vector.broadcast %slice3A_604 : vector<1x128xf32> to vector<128x128xf32>
    %sub3A_637 = arith.subf %sub3A_635, %sub3A_636 : vector<128x128xf32>
    %integer_pow3A_638 = arith.mulf %sub3A_637, %sub3A_637 : vector<128x128xf32>
    %min3A_639 = arith.minimumf %min3A_568, %integer_pow3A_638 : vector<128x128xf32>
    %sub3A_640 = vector.broadcast %slice3A_32 : vector<128x1xf32> to vector<128x128xf32>
    %sub3A_641 = vector.broadcast %slice3A_604 : vector<1x128xf32> to vector<128x128xf32>
    %sub3A_642 = arith.subf %sub3A_640, %sub3A_641 : vector<128x128xf32>
    %integer_pow3A_643 = arith.mulf %sub3A_642, %sub3A_642 : vector<128x128xf32>
    %min3A_644 = arith.minimumf %min3A_573, %integer_pow3A_643 : vector<128x128xf32>
    %sub3A_645 = vector.broadcast %slice3A_33 : vector<128x1xf32> to vector<128x128xf32>
    %sub3A_646 = vector.broadcast %slice3A_604 : vector<1x128xf32> to vector<128x128xf32>
    %sub3A_647 = arith.subf %sub3A_645, %sub3A_646 : vector<128x128xf32>
    %integer_pow3A_648 = arith.mulf %sub3A_647, %sub3A_647 : vector<128x128xf32>
    %min3A_649 = arith.minimumf %min3A_578, %integer_pow3A_648 : vector<128x128xf32>
    %sub3A_650 = vector.broadcast %slice3A_34 : vector<128x1xf32> to vector<128x128xf32>
    %sub3A_651 = vector.broadcast %slice3A_604 : vector<1x128xf32> to vector<128x128xf32>
    %sub3A_652 = arith.subf %sub3A_650, %sub3A_651 : vector<128x128xf32>
    %integer_pow3A_653 = arith.mulf %sub3A_652, %sub3A_652 : vector<128x128xf32>
    %min3A_654 = arith.minimumf %min3A_583, %integer_pow3A_653 : vector<128x128xf32>
    %sub3A_655 = vector.broadcast %slice3A_35 : vector<128x1xf32> to vector<128x128xf32>
    %sub3A_656 = vector.broadcast %slice3A_604 : vector<1x128xf32> to vector<128x128xf32>
    %sub3A_657 = arith.subf %sub3A_655, %sub3A_656 : vector<128x128xf32>
    %integer_pow3A_658 = arith.mulf %sub3A_657, %sub3A_657 : vector<128x128xf32>
    %min3A_659 = arith.minimumf %min3A_588, %integer_pow3A_658 : vector<128x128xf32>
    %sub3A_660 = vector.broadcast %slice3A_36 : vector<128x1xf32> to vector<128x128xf32>
    %sub3A_661 = vector.broadcast %slice3A_604 : vector<1x128xf32> to vector<128x128xf32>
    %sub3A_662 = arith.subf %sub3A_660, %sub3A_661 : vector<128x128xf32>
    %integer_pow3A_663 = arith.mulf %sub3A_662, %sub3A_662 : vector<128x128xf32>
    %min3A_664 = arith.minimumf %min3A_593, %integer_pow3A_663 : vector<128x128xf32>
    %sub3A_665 = vector.broadcast %slice3A_37 : vector<128x1xf32> to vector<128x128xf32>
    %sub3A_666 = vector.broadcast %slice3A_604 : vector<1x128xf32> to vector<128x128xf32>
    %sub3A_667 = arith.subf %sub3A_665, %sub3A_666 : vector<128x128xf32>
    %integer_pow3A_668 = arith.mulf %sub3A_667, %sub3A_667 : vector<128x128xf32>
    %min3A_669 = arith.minimumf %min3A_598, %integer_pow3A_668 : vector<128x128xf32>
    %sub3A_670 = vector.broadcast %slice3A_38 : vector<128x1xf32> to vector<128x128xf32>
    %sub3A_671 = vector.broadcast %slice3A_604 : vector<1x128xf32> to vector<128x128xf32>
    %sub3A_672 = arith.subf %sub3A_670, %sub3A_671 : vector<128x128xf32>
    %integer_pow3A_673 = arith.mulf %sub3A_672, %sub3A_672 : vector<128x128xf32>
    %min3A_674 = arith.minimumf %min3A_603, %integer_pow3A_673 : vector<128x128xf32>
    %slice3A_675 = vector.extract_strided_slice %select_n3A {offsets = [0, 1152], sizes = [1, 128], strides = [1, 1]} : vector<1x2048xf32> to vector<1x128xf32>
    %sub3A_676 = vector.broadcast %slice3A_25 : vector<128x1xf32> to vector<128x128xf32>
    %sub3A_677 = vector.broadcast %slice3A_675 : vector<1x128xf32> to vector<128x128xf32>
    %sub3A_678 = arith.subf %sub3A_676, %sub3A_677 : vector<128x128xf32>
    %integer_pow3A_679 = arith.mulf %sub3A_678, %sub3A_678 : vector<128x128xf32>
    %min3A_680 = arith.minimumf %min3A_609, %integer_pow3A_679 : vector<128x128xf32>
    %sub3A_681 = vector.broadcast %slice3A_26 : vector<128x1xf32> to vector<128x128xf32>
    %sub3A_682 = vector.broadcast %slice3A_675 : vector<1x128xf32> to vector<128x128xf32>
    %sub3A_683 = arith.subf %sub3A_681, %sub3A_682 : vector<128x128xf32>
    %integer_pow3A_684 = arith.mulf %sub3A_683, %sub3A_683 : vector<128x128xf32>
    %min3A_685 = arith.minimumf %min3A_614, %integer_pow3A_684 : vector<128x128xf32>
    %sub3A_686 = vector.broadcast %slice3A_27 : vector<128x1xf32> to vector<128x128xf32>
    %sub3A_687 = vector.broadcast %slice3A_675 : vector<1x128xf32> to vector<128x128xf32>
    %sub3A_688 = arith.subf %sub3A_686, %sub3A_687 : vector<128x128xf32>
    %integer_pow3A_689 = arith.mulf %sub3A_688, %sub3A_688 : vector<128x128xf32>
    %min3A_690 = arith.minimumf %min3A_619, %integer_pow3A_689 : vector<128x128xf32>
    %sub3A_691 = vector.broadcast %slice3A_28 : vector<128x1xf32> to vector<128x128xf32>
    %sub3A_692 = vector.broadcast %slice3A_675 : vector<1x128xf32> to vector<128x128xf32>
    %sub3A_693 = arith.subf %sub3A_691, %sub3A_692 : vector<128x128xf32>
    %integer_pow3A_694 = arith.mulf %sub3A_693, %sub3A_693 : vector<128x128xf32>
    %min3A_695 = arith.minimumf %min3A_624, %integer_pow3A_694 : vector<128x128xf32>
    %sub3A_696 = vector.broadcast %slice3A_29 : vector<128x1xf32> to vector<128x128xf32>
    %sub3A_697 = vector.broadcast %slice3A_675 : vector<1x128xf32> to vector<128x128xf32>
    %sub3A_698 = arith.subf %sub3A_696, %sub3A_697 : vector<128x128xf32>
    %integer_pow3A_699 = arith.mulf %sub3A_698, %sub3A_698 : vector<128x128xf32>
    %min3A_700 = arith.minimumf %min3A_629, %integer_pow3A_699 : vector<128x128xf32>
    %sub3A_701 = vector.broadcast %slice3A_30 : vector<128x1xf32> to vector<128x128xf32>
    %sub3A_702 = vector.broadcast %slice3A_675 : vector<1x128xf32> to vector<128x128xf32>
    %sub3A_703 = arith.subf %sub3A_701, %sub3A_702 : vector<128x128xf32>
    %integer_pow3A_704 = arith.mulf %sub3A_703, %sub3A_703 : vector<128x128xf32>
    %min3A_705 = arith.minimumf %min3A_634, %integer_pow3A_704 : vector<128x128xf32>
    %sub3A_706 = vector.broadcast %slice3A_31 : vector<128x1xf32> to vector<128x128xf32>
    %sub3A_707 = vector.broadcast %slice3A_675 : vector<1x128xf32> to vector<128x128xf32>
    %sub3A_708 = arith.subf %sub3A_706, %sub3A_707 : vector<128x128xf32>
    %integer_pow3A_709 = arith.mulf %sub3A_708, %sub3A_708 : vector<128x128xf32>
    %min3A_710 = arith.minimumf %min3A_639, %integer_pow3A_709 : vector<128x128xf32>
    %sub3A_711 = vector.broadcast %slice3A_32 : vector<128x1xf32> to vector<128x128xf32>
    %sub3A_712 = vector.broadcast %slice3A_675 : vector<1x128xf32> to vector<128x128xf32>
    %sub3A_713 = arith.subf %sub3A_711, %sub3A_712 : vector<128x128xf32>
    %integer_pow3A_714 = arith.mulf %sub3A_713, %sub3A_713 : vector<128x128xf32>
    %min3A_715 = arith.minimumf %min3A_644, %integer_pow3A_714 : vector<128x128xf32>
    %sub3A_716 = vector.broadcast %slice3A_33 : vector<128x1xf32> to vector<128x128xf32>
    %sub3A_717 = vector.broadcast %slice3A_675 : vector<1x128xf32> to vector<128x128xf32>
    %sub3A_718 = arith.subf %sub3A_716, %sub3A_717 : vector<128x128xf32>
    %integer_pow3A_719 = arith.mulf %sub3A_718, %sub3A_718 : vector<128x128xf32>
    %min3A_720 = arith.minimumf %min3A_649, %integer_pow3A_719 : vector<128x128xf32>
    %sub3A_721 = vector.broadcast %slice3A_34 : vector<128x1xf32> to vector<128x128xf32>
    %sub3A_722 = vector.broadcast %slice3A_675 : vector<1x128xf32> to vector<128x128xf32>
    %sub3A_723 = arith.subf %sub3A_721, %sub3A_722 : vector<128x128xf32>
    %integer_pow3A_724 = arith.mulf %sub3A_723, %sub3A_723 : vector<128x128xf32>
    %min3A_725 = arith.minimumf %min3A_654, %integer_pow3A_724 : vector<128x128xf32>
    %sub3A_726 = vector.broadcast %slice3A_35 : vector<128x1xf32> to vector<128x128xf32>
    %sub3A_727 = vector.broadcast %slice3A_675 : vector<1x128xf32> to vector<128x128xf32>
    %sub3A_728 = arith.subf %sub3A_726, %sub3A_727 : vector<128x128xf32>
    %integer_pow3A_729 = arith.mulf %sub3A_728, %sub3A_728 : vector<128x128xf32>
    %min3A_730 = arith.minimumf %min3A_659, %integer_pow3A_729 : vector<128x128xf32>
    %sub3A_731 = vector.broadcast %slice3A_36 : vector<128x1xf32> to vector<128x128xf32>
    %sub3A_732 = vector.broadcast %slice3A_675 : vector<1x128xf32> to vector<128x128xf32>
    %sub3A_733 = arith.subf %sub3A_731, %sub3A_732 : vector<128x128xf32>
    %integer_pow3A_734 = arith.mulf %sub3A_733, %sub3A_733 : vector<128x128xf32>
    %min3A_735 = arith.minimumf %min3A_664, %integer_pow3A_734 : vector<128x128xf32>
    %sub3A_736 = vector.broadcast %slice3A_37 : vector<128x1xf32> to vector<128x128xf32>
    %sub3A_737 = vector.broadcast %slice3A_675 : vector<1x128xf32> to vector<128x128xf32>
    %sub3A_738 = arith.subf %sub3A_736, %sub3A_737 : vector<128x128xf32>
    %integer_pow3A_739 = arith.mulf %sub3A_738, %sub3A_738 : vector<128x128xf32>
    %min3A_740 = arith.minimumf %min3A_669, %integer_pow3A_739 : vector<128x128xf32>
    %sub3A_741 = vector.broadcast %slice3A_38 : vector<128x1xf32> to vector<128x128xf32>
    %sub3A_742 = vector.broadcast %slice3A_675 : vector<1x128xf32> to vector<128x128xf32>
    %sub3A_743 = arith.subf %sub3A_741, %sub3A_742 : vector<128x128xf32>
    %integer_pow3A_744 = arith.mulf %sub3A_743, %sub3A_743 : vector<128x128xf32>
    %min3A_745 = arith.minimumf %min3A_674, %integer_pow3A_744 : vector<128x128xf32>
    %slice3A_746 = vector.extract_strided_slice %select_n3A {offsets = [0, 1280], sizes = [1, 128], strides = [1, 1]} : vector<1x2048xf32> to vector<1x128xf32>
    %sub3A_747 = vector.broadcast %slice3A_25 : vector<128x1xf32> to vector<128x128xf32>
    %sub3A_748 = vector.broadcast %slice3A_746 : vector<1x128xf32> to vector<128x128xf32>
    %sub3A_749 = arith.subf %sub3A_747, %sub3A_748 : vector<128x128xf32>
    %integer_pow3A_750 = arith.mulf %sub3A_749, %sub3A_749 : vector<128x128xf32>
    %min3A_751 = arith.minimumf %min3A_680, %integer_pow3A_750 : vector<128x128xf32>
    %sub3A_752 = vector.broadcast %slice3A_26 : vector<128x1xf32> to vector<128x128xf32>
    %sub3A_753 = vector.broadcast %slice3A_746 : vector<1x128xf32> to vector<128x128xf32>
    %sub3A_754 = arith.subf %sub3A_752, %sub3A_753 : vector<128x128xf32>
    %integer_pow3A_755 = arith.mulf %sub3A_754, %sub3A_754 : vector<128x128xf32>
    %min3A_756 = arith.minimumf %min3A_685, %integer_pow3A_755 : vector<128x128xf32>
    %sub3A_757 = vector.broadcast %slice3A_27 : vector<128x1xf32> to vector<128x128xf32>
    %sub3A_758 = vector.broadcast %slice3A_746 : vector<1x128xf32> to vector<128x128xf32>
    %sub3A_759 = arith.subf %sub3A_757, %sub3A_758 : vector<128x128xf32>
    %integer_pow3A_760 = arith.mulf %sub3A_759, %sub3A_759 : vector<128x128xf32>
    %min3A_761 = arith.minimumf %min3A_690, %integer_pow3A_760 : vector<128x128xf32>
    %sub3A_762 = vector.broadcast %slice3A_28 : vector<128x1xf32> to vector<128x128xf32>
    %sub3A_763 = vector.broadcast %slice3A_746 : vector<1x128xf32> to vector<128x128xf32>
    %sub3A_764 = arith.subf %sub3A_762, %sub3A_763 : vector<128x128xf32>
    %integer_pow3A_765 = arith.mulf %sub3A_764, %sub3A_764 : vector<128x128xf32>
    %min3A_766 = arith.minimumf %min3A_695, %integer_pow3A_765 : vector<128x128xf32>
    %sub3A_767 = vector.broadcast %slice3A_29 : vector<128x1xf32> to vector<128x128xf32>
    %sub3A_768 = vector.broadcast %slice3A_746 : vector<1x128xf32> to vector<128x128xf32>
    %sub3A_769 = arith.subf %sub3A_767, %sub3A_768 : vector<128x128xf32>
    %integer_pow3A_770 = arith.mulf %sub3A_769, %sub3A_769 : vector<128x128xf32>
    %min3A_771 = arith.minimumf %min3A_700, %integer_pow3A_770 : vector<128x128xf32>
    %sub3A_772 = vector.broadcast %slice3A_30 : vector<128x1xf32> to vector<128x128xf32>
    %sub3A_773 = vector.broadcast %slice3A_746 : vector<1x128xf32> to vector<128x128xf32>
    %sub3A_774 = arith.subf %sub3A_772, %sub3A_773 : vector<128x128xf32>
    %integer_pow3A_775 = arith.mulf %sub3A_774, %sub3A_774 : vector<128x128xf32>
    %min3A_776 = arith.minimumf %min3A_705, %integer_pow3A_775 : vector<128x128xf32>
    %sub3A_777 = vector.broadcast %slice3A_31 : vector<128x1xf32> to vector<128x128xf32>
    %sub3A_778 = vector.broadcast %slice3A_746 : vector<1x128xf32> to vector<128x128xf32>
    %sub3A_779 = arith.subf %sub3A_777, %sub3A_778 : vector<128x128xf32>
    %integer_pow3A_780 = arith.mulf %sub3A_779, %sub3A_779 : vector<128x128xf32>
    %min3A_781 = arith.minimumf %min3A_710, %integer_pow3A_780 : vector<128x128xf32>
    %sub3A_782 = vector.broadcast %slice3A_32 : vector<128x1xf32> to vector<128x128xf32>
    %sub3A_783 = vector.broadcast %slice3A_746 : vector<1x128xf32> to vector<128x128xf32>
    %sub3A_784 = arith.subf %sub3A_782, %sub3A_783 : vector<128x128xf32>
    %integer_pow3A_785 = arith.mulf %sub3A_784, %sub3A_784 : vector<128x128xf32>
    %min3A_786 = arith.minimumf %min3A_715, %integer_pow3A_785 : vector<128x128xf32>
    %sub3A_787 = vector.broadcast %slice3A_33 : vector<128x1xf32> to vector<128x128xf32>
    %sub3A_788 = vector.broadcast %slice3A_746 : vector<1x128xf32> to vector<128x128xf32>
    %sub3A_789 = arith.subf %sub3A_787, %sub3A_788 : vector<128x128xf32>
    %integer_pow3A_790 = arith.mulf %sub3A_789, %sub3A_789 : vector<128x128xf32>
    %min3A_791 = arith.minimumf %min3A_720, %integer_pow3A_790 : vector<128x128xf32>
    %sub3A_792 = vector.broadcast %slice3A_34 : vector<128x1xf32> to vector<128x128xf32>
    %sub3A_793 = vector.broadcast %slice3A_746 : vector<1x128xf32> to vector<128x128xf32>
    %sub3A_794 = arith.subf %sub3A_792, %sub3A_793 : vector<128x128xf32>
    %integer_pow3A_795 = arith.mulf %sub3A_794, %sub3A_794 : vector<128x128xf32>
    %min3A_796 = arith.minimumf %min3A_725, %integer_pow3A_795 : vector<128x128xf32>
    %sub3A_797 = vector.broadcast %slice3A_35 : vector<128x1xf32> to vector<128x128xf32>
    %sub3A_798 = vector.broadcast %slice3A_746 : vector<1x128xf32> to vector<128x128xf32>
    %sub3A_799 = arith.subf %sub3A_797, %sub3A_798 : vector<128x128xf32>
    %integer_pow3A_800 = arith.mulf %sub3A_799, %sub3A_799 : vector<128x128xf32>
    %min3A_801 = arith.minimumf %min3A_730, %integer_pow3A_800 : vector<128x128xf32>
    %sub3A_802 = vector.broadcast %slice3A_36 : vector<128x1xf32> to vector<128x128xf32>
    %sub3A_803 = vector.broadcast %slice3A_746 : vector<1x128xf32> to vector<128x128xf32>
    %sub3A_804 = arith.subf %sub3A_802, %sub3A_803 : vector<128x128xf32>
    %integer_pow3A_805 = arith.mulf %sub3A_804, %sub3A_804 : vector<128x128xf32>
    %min3A_806 = arith.minimumf %min3A_735, %integer_pow3A_805 : vector<128x128xf32>
    %sub3A_807 = vector.broadcast %slice3A_37 : vector<128x1xf32> to vector<128x128xf32>
    %sub3A_808 = vector.broadcast %slice3A_746 : vector<1x128xf32> to vector<128x128xf32>
    %sub3A_809 = arith.subf %sub3A_807, %sub3A_808 : vector<128x128xf32>
    %integer_pow3A_810 = arith.mulf %sub3A_809, %sub3A_809 : vector<128x128xf32>
    %min3A_811 = arith.minimumf %min3A_740, %integer_pow3A_810 : vector<128x128xf32>
    %sub3A_812 = vector.broadcast %slice3A_38 : vector<128x1xf32> to vector<128x128xf32>
    %sub3A_813 = vector.broadcast %slice3A_746 : vector<1x128xf32> to vector<128x128xf32>
    %sub3A_814 = arith.subf %sub3A_812, %sub3A_813 : vector<128x128xf32>
    %integer_pow3A_815 = arith.mulf %sub3A_814, %sub3A_814 : vector<128x128xf32>
    %min3A_816 = arith.minimumf %min3A_745, %integer_pow3A_815 : vector<128x128xf32>
    %slice3A_817 = vector.extract_strided_slice %select_n3A {offsets = [0, 1408], sizes = [1, 128], strides = [1, 1]} : vector<1x2048xf32> to vector<1x128xf32>
    %sub3A_818 = vector.broadcast %slice3A_25 : vector<128x1xf32> to vector<128x128xf32>
    %sub3A_819 = vector.broadcast %slice3A_817 : vector<1x128xf32> to vector<128x128xf32>
    %sub3A_820 = arith.subf %sub3A_818, %sub3A_819 : vector<128x128xf32>
    %integer_pow3A_821 = arith.mulf %sub3A_820, %sub3A_820 : vector<128x128xf32>
    %min3A_822 = arith.minimumf %min3A_751, %integer_pow3A_821 : vector<128x128xf32>
    %sub3A_823 = vector.broadcast %slice3A_26 : vector<128x1xf32> to vector<128x128xf32>
    %sub3A_824 = vector.broadcast %slice3A_817 : vector<1x128xf32> to vector<128x128xf32>
    %sub3A_825 = arith.subf %sub3A_823, %sub3A_824 : vector<128x128xf32>
    %integer_pow3A_826 = arith.mulf %sub3A_825, %sub3A_825 : vector<128x128xf32>
    %min3A_827 = arith.minimumf %min3A_756, %integer_pow3A_826 : vector<128x128xf32>
    %sub3A_828 = vector.broadcast %slice3A_27 : vector<128x1xf32> to vector<128x128xf32>
    %sub3A_829 = vector.broadcast %slice3A_817 : vector<1x128xf32> to vector<128x128xf32>
    %sub3A_830 = arith.subf %sub3A_828, %sub3A_829 : vector<128x128xf32>
    %integer_pow3A_831 = arith.mulf %sub3A_830, %sub3A_830 : vector<128x128xf32>
    %min3A_832 = arith.minimumf %min3A_761, %integer_pow3A_831 : vector<128x128xf32>
    %sub3A_833 = vector.broadcast %slice3A_28 : vector<128x1xf32> to vector<128x128xf32>
    %sub3A_834 = vector.broadcast %slice3A_817 : vector<1x128xf32> to vector<128x128xf32>
    %sub3A_835 = arith.subf %sub3A_833, %sub3A_834 : vector<128x128xf32>
    %integer_pow3A_836 = arith.mulf %sub3A_835, %sub3A_835 : vector<128x128xf32>
    %min3A_837 = arith.minimumf %min3A_766, %integer_pow3A_836 : vector<128x128xf32>
    %sub3A_838 = vector.broadcast %slice3A_29 : vector<128x1xf32> to vector<128x128xf32>
    %sub3A_839 = vector.broadcast %slice3A_817 : vector<1x128xf32> to vector<128x128xf32>
    %sub3A_840 = arith.subf %sub3A_838, %sub3A_839 : vector<128x128xf32>
    %integer_pow3A_841 = arith.mulf %sub3A_840, %sub3A_840 : vector<128x128xf32>
    %min3A_842 = arith.minimumf %min3A_771, %integer_pow3A_841 : vector<128x128xf32>
    %sub3A_843 = vector.broadcast %slice3A_30 : vector<128x1xf32> to vector<128x128xf32>
    %sub3A_844 = vector.broadcast %slice3A_817 : vector<1x128xf32> to vector<128x128xf32>
    %sub3A_845 = arith.subf %sub3A_843, %sub3A_844 : vector<128x128xf32>
    %integer_pow3A_846 = arith.mulf %sub3A_845, %sub3A_845 : vector<128x128xf32>
    %min3A_847 = arith.minimumf %min3A_776, %integer_pow3A_846 : vector<128x128xf32>
    %sub3A_848 = vector.broadcast %slice3A_31 : vector<128x1xf32> to vector<128x128xf32>
    %sub3A_849 = vector.broadcast %slice3A_817 : vector<1x128xf32> to vector<128x128xf32>
    %sub3A_850 = arith.subf %sub3A_848, %sub3A_849 : vector<128x128xf32>
    %integer_pow3A_851 = arith.mulf %sub3A_850, %sub3A_850 : vector<128x128xf32>
    %min3A_852 = arith.minimumf %min3A_781, %integer_pow3A_851 : vector<128x128xf32>
    %sub3A_853 = vector.broadcast %slice3A_32 : vector<128x1xf32> to vector<128x128xf32>
    %sub3A_854 = vector.broadcast %slice3A_817 : vector<1x128xf32> to vector<128x128xf32>
    %sub3A_855 = arith.subf %sub3A_853, %sub3A_854 : vector<128x128xf32>
    %integer_pow3A_856 = arith.mulf %sub3A_855, %sub3A_855 : vector<128x128xf32>
    %min3A_857 = arith.minimumf %min3A_786, %integer_pow3A_856 : vector<128x128xf32>
    %sub3A_858 = vector.broadcast %slice3A_33 : vector<128x1xf32> to vector<128x128xf32>
    %sub3A_859 = vector.broadcast %slice3A_817 : vector<1x128xf32> to vector<128x128xf32>
    %sub3A_860 = arith.subf %sub3A_858, %sub3A_859 : vector<128x128xf32>
    %integer_pow3A_861 = arith.mulf %sub3A_860, %sub3A_860 : vector<128x128xf32>
    %min3A_862 = arith.minimumf %min3A_791, %integer_pow3A_861 : vector<128x128xf32>
    %sub3A_863 = vector.broadcast %slice3A_34 : vector<128x1xf32> to vector<128x128xf32>
    %sub3A_864 = vector.broadcast %slice3A_817 : vector<1x128xf32> to vector<128x128xf32>
    %sub3A_865 = arith.subf %sub3A_863, %sub3A_864 : vector<128x128xf32>
    %integer_pow3A_866 = arith.mulf %sub3A_865, %sub3A_865 : vector<128x128xf32>
    %min3A_867 = arith.minimumf %min3A_796, %integer_pow3A_866 : vector<128x128xf32>
    %sub3A_868 = vector.broadcast %slice3A_35 : vector<128x1xf32> to vector<128x128xf32>
    %sub3A_869 = vector.broadcast %slice3A_817 : vector<1x128xf32> to vector<128x128xf32>
    %sub3A_870 = arith.subf %sub3A_868, %sub3A_869 : vector<128x128xf32>
    %integer_pow3A_871 = arith.mulf %sub3A_870, %sub3A_870 : vector<128x128xf32>
    %min3A_872 = arith.minimumf %min3A_801, %integer_pow3A_871 : vector<128x128xf32>
    %sub3A_873 = vector.broadcast %slice3A_36 : vector<128x1xf32> to vector<128x128xf32>
    %sub3A_874 = vector.broadcast %slice3A_817 : vector<1x128xf32> to vector<128x128xf32>
    %sub3A_875 = arith.subf %sub3A_873, %sub3A_874 : vector<128x128xf32>
    %integer_pow3A_876 = arith.mulf %sub3A_875, %sub3A_875 : vector<128x128xf32>
    %min3A_877 = arith.minimumf %min3A_806, %integer_pow3A_876 : vector<128x128xf32>
    %sub3A_878 = vector.broadcast %slice3A_37 : vector<128x1xf32> to vector<128x128xf32>
    %sub3A_879 = vector.broadcast %slice3A_817 : vector<1x128xf32> to vector<128x128xf32>
    %sub3A_880 = arith.subf %sub3A_878, %sub3A_879 : vector<128x128xf32>
    %integer_pow3A_881 = arith.mulf %sub3A_880, %sub3A_880 : vector<128x128xf32>
    %min3A_882 = arith.minimumf %min3A_811, %integer_pow3A_881 : vector<128x128xf32>
    %sub3A_883 = vector.broadcast %slice3A_38 : vector<128x1xf32> to vector<128x128xf32>
    %sub3A_884 = vector.broadcast %slice3A_817 : vector<1x128xf32> to vector<128x128xf32>
    %sub3A_885 = arith.subf %sub3A_883, %sub3A_884 : vector<128x128xf32>
    %integer_pow3A_886 = arith.mulf %sub3A_885, %sub3A_885 : vector<128x128xf32>
    %min3A_887 = arith.minimumf %min3A_816, %integer_pow3A_886 : vector<128x128xf32>
    %slice3A_888 = vector.extract_strided_slice %select_n3A {offsets = [0, 1536], sizes = [1, 128], strides = [1, 1]} : vector<1x2048xf32> to vector<1x128xf32>
    %sub3A_889 = vector.broadcast %slice3A_25 : vector<128x1xf32> to vector<128x128xf32>
    %sub3A_890 = vector.broadcast %slice3A_888 : vector<1x128xf32> to vector<128x128xf32>
    %sub3A_891 = arith.subf %sub3A_889, %sub3A_890 : vector<128x128xf32>
    %integer_pow3A_892 = arith.mulf %sub3A_891, %sub3A_891 : vector<128x128xf32>
    %min3A_893 = arith.minimumf %min3A_822, %integer_pow3A_892 : vector<128x128xf32>
    %sub3A_894 = vector.broadcast %slice3A_26 : vector<128x1xf32> to vector<128x128xf32>
    %sub3A_895 = vector.broadcast %slice3A_888 : vector<1x128xf32> to vector<128x128xf32>
    %sub3A_896 = arith.subf %sub3A_894, %sub3A_895 : vector<128x128xf32>
    %integer_pow3A_897 = arith.mulf %sub3A_896, %sub3A_896 : vector<128x128xf32>
    %min3A_898 = arith.minimumf %min3A_827, %integer_pow3A_897 : vector<128x128xf32>
    %sub3A_899 = vector.broadcast %slice3A_27 : vector<128x1xf32> to vector<128x128xf32>
    %sub3A_900 = vector.broadcast %slice3A_888 : vector<1x128xf32> to vector<128x128xf32>
    %sub3A_901 = arith.subf %sub3A_899, %sub3A_900 : vector<128x128xf32>
    %integer_pow3A_902 = arith.mulf %sub3A_901, %sub3A_901 : vector<128x128xf32>
    %min3A_903 = arith.minimumf %min3A_832, %integer_pow3A_902 : vector<128x128xf32>
    %sub3A_904 = vector.broadcast %slice3A_28 : vector<128x1xf32> to vector<128x128xf32>
    %sub3A_905 = vector.broadcast %slice3A_888 : vector<1x128xf32> to vector<128x128xf32>
    %sub3A_906 = arith.subf %sub3A_904, %sub3A_905 : vector<128x128xf32>
    %integer_pow3A_907 = arith.mulf %sub3A_906, %sub3A_906 : vector<128x128xf32>
    %min3A_908 = arith.minimumf %min3A_837, %integer_pow3A_907 : vector<128x128xf32>
    %sub3A_909 = vector.broadcast %slice3A_29 : vector<128x1xf32> to vector<128x128xf32>
    %sub3A_910 = vector.broadcast %slice3A_888 : vector<1x128xf32> to vector<128x128xf32>
    %sub3A_911 = arith.subf %sub3A_909, %sub3A_910 : vector<128x128xf32>
    %integer_pow3A_912 = arith.mulf %sub3A_911, %sub3A_911 : vector<128x128xf32>
    %min3A_913 = arith.minimumf %min3A_842, %integer_pow3A_912 : vector<128x128xf32>
    %sub3A_914 = vector.broadcast %slice3A_30 : vector<128x1xf32> to vector<128x128xf32>
    %sub3A_915 = vector.broadcast %slice3A_888 : vector<1x128xf32> to vector<128x128xf32>
    %sub3A_916 = arith.subf %sub3A_914, %sub3A_915 : vector<128x128xf32>
    %integer_pow3A_917 = arith.mulf %sub3A_916, %sub3A_916 : vector<128x128xf32>
    %min3A_918 = arith.minimumf %min3A_847, %integer_pow3A_917 : vector<128x128xf32>
    %sub3A_919 = vector.broadcast %slice3A_31 : vector<128x1xf32> to vector<128x128xf32>
    %sub3A_920 = vector.broadcast %slice3A_888 : vector<1x128xf32> to vector<128x128xf32>
    %sub3A_921 = arith.subf %sub3A_919, %sub3A_920 : vector<128x128xf32>
    %integer_pow3A_922 = arith.mulf %sub3A_921, %sub3A_921 : vector<128x128xf32>
    %min3A_923 = arith.minimumf %min3A_852, %integer_pow3A_922 : vector<128x128xf32>
    %sub3A_924 = vector.broadcast %slice3A_32 : vector<128x1xf32> to vector<128x128xf32>
    %sub3A_925 = vector.broadcast %slice3A_888 : vector<1x128xf32> to vector<128x128xf32>
    %sub3A_926 = arith.subf %sub3A_924, %sub3A_925 : vector<128x128xf32>
    %integer_pow3A_927 = arith.mulf %sub3A_926, %sub3A_926 : vector<128x128xf32>
    %min3A_928 = arith.minimumf %min3A_857, %integer_pow3A_927 : vector<128x128xf32>
    %sub3A_929 = vector.broadcast %slice3A_33 : vector<128x1xf32> to vector<128x128xf32>
    %sub3A_930 = vector.broadcast %slice3A_888 : vector<1x128xf32> to vector<128x128xf32>
    %sub3A_931 = arith.subf %sub3A_929, %sub3A_930 : vector<128x128xf32>
    %integer_pow3A_932 = arith.mulf %sub3A_931, %sub3A_931 : vector<128x128xf32>
    %min3A_933 = arith.minimumf %min3A_862, %integer_pow3A_932 : vector<128x128xf32>
    %sub3A_934 = vector.broadcast %slice3A_34 : vector<128x1xf32> to vector<128x128xf32>
    %sub3A_935 = vector.broadcast %slice3A_888 : vector<1x128xf32> to vector<128x128xf32>
    %sub3A_936 = arith.subf %sub3A_934, %sub3A_935 : vector<128x128xf32>
    %integer_pow3A_937 = arith.mulf %sub3A_936, %sub3A_936 : vector<128x128xf32>
    %min3A_938 = arith.minimumf %min3A_867, %integer_pow3A_937 : vector<128x128xf32>
    %sub3A_939 = vector.broadcast %slice3A_35 : vector<128x1xf32> to vector<128x128xf32>
    %sub3A_940 = vector.broadcast %slice3A_888 : vector<1x128xf32> to vector<128x128xf32>
    %sub3A_941 = arith.subf %sub3A_939, %sub3A_940 : vector<128x128xf32>
    %integer_pow3A_942 = arith.mulf %sub3A_941, %sub3A_941 : vector<128x128xf32>
    %min3A_943 = arith.minimumf %min3A_872, %integer_pow3A_942 : vector<128x128xf32>
    %sub3A_944 = vector.broadcast %slice3A_36 : vector<128x1xf32> to vector<128x128xf32>
    %sub3A_945 = vector.broadcast %slice3A_888 : vector<1x128xf32> to vector<128x128xf32>
    %sub3A_946 = arith.subf %sub3A_944, %sub3A_945 : vector<128x128xf32>
    %integer_pow3A_947 = arith.mulf %sub3A_946, %sub3A_946 : vector<128x128xf32>
    %min3A_948 = arith.minimumf %min3A_877, %integer_pow3A_947 : vector<128x128xf32>
    %sub3A_949 = vector.broadcast %slice3A_37 : vector<128x1xf32> to vector<128x128xf32>
    %sub3A_950 = vector.broadcast %slice3A_888 : vector<1x128xf32> to vector<128x128xf32>
    %sub3A_951 = arith.subf %sub3A_949, %sub3A_950 : vector<128x128xf32>
    %integer_pow3A_952 = arith.mulf %sub3A_951, %sub3A_951 : vector<128x128xf32>
    %min3A_953 = arith.minimumf %min3A_882, %integer_pow3A_952 : vector<128x128xf32>
    %sub3A_954 = vector.broadcast %slice3A_38 : vector<128x1xf32> to vector<128x128xf32>
    %sub3A_955 = vector.broadcast %slice3A_888 : vector<1x128xf32> to vector<128x128xf32>
    %sub3A_956 = arith.subf %sub3A_954, %sub3A_955 : vector<128x128xf32>
    %integer_pow3A_957 = arith.mulf %sub3A_956, %sub3A_956 : vector<128x128xf32>
    %min3A_958 = arith.minimumf %min3A_887, %integer_pow3A_957 : vector<128x128xf32>
    %slice3A_959 = vector.extract_strided_slice %select_n3A {offsets = [0, 1664], sizes = [1, 128], strides = [1, 1]} : vector<1x2048xf32> to vector<1x128xf32>
    %sub3A_960 = vector.broadcast %slice3A_25 : vector<128x1xf32> to vector<128x128xf32>
    %sub3A_961 = vector.broadcast %slice3A_959 : vector<1x128xf32> to vector<128x128xf32>
    %sub3A_962 = arith.subf %sub3A_960, %sub3A_961 : vector<128x128xf32>
    %integer_pow3A_963 = arith.mulf %sub3A_962, %sub3A_962 : vector<128x128xf32>
    %min3A_964 = arith.minimumf %min3A_893, %integer_pow3A_963 : vector<128x128xf32>
    %sub3A_965 = vector.broadcast %slice3A_26 : vector<128x1xf32> to vector<128x128xf32>
    %sub3A_966 = vector.broadcast %slice3A_959 : vector<1x128xf32> to vector<128x128xf32>
    %sub3A_967 = arith.subf %sub3A_965, %sub3A_966 : vector<128x128xf32>
    %integer_pow3A_968 = arith.mulf %sub3A_967, %sub3A_967 : vector<128x128xf32>
    %min3A_969 = arith.minimumf %min3A_898, %integer_pow3A_968 : vector<128x128xf32>
    %sub3A_970 = vector.broadcast %slice3A_27 : vector<128x1xf32> to vector<128x128xf32>
    %sub3A_971 = vector.broadcast %slice3A_959 : vector<1x128xf32> to vector<128x128xf32>
    %sub3A_972 = arith.subf %sub3A_970, %sub3A_971 : vector<128x128xf32>
    %integer_pow3A_973 = arith.mulf %sub3A_972, %sub3A_972 : vector<128x128xf32>
    %min3A_974 = arith.minimumf %min3A_903, %integer_pow3A_973 : vector<128x128xf32>
    %sub3A_975 = vector.broadcast %slice3A_28 : vector<128x1xf32> to vector<128x128xf32>
    %sub3A_976 = vector.broadcast %slice3A_959 : vector<1x128xf32> to vector<128x128xf32>
    %sub3A_977 = arith.subf %sub3A_975, %sub3A_976 : vector<128x128xf32>
    %integer_pow3A_978 = arith.mulf %sub3A_977, %sub3A_977 : vector<128x128xf32>
    %min3A_979 = arith.minimumf %min3A_908, %integer_pow3A_978 : vector<128x128xf32>
    %sub3A_980 = vector.broadcast %slice3A_29 : vector<128x1xf32> to vector<128x128xf32>
    %sub3A_981 = vector.broadcast %slice3A_959 : vector<1x128xf32> to vector<128x128xf32>
    %sub3A_982 = arith.subf %sub3A_980, %sub3A_981 : vector<128x128xf32>
    %integer_pow3A_983 = arith.mulf %sub3A_982, %sub3A_982 : vector<128x128xf32>
    %min3A_984 = arith.minimumf %min3A_913, %integer_pow3A_983 : vector<128x128xf32>
    %sub3A_985 = vector.broadcast %slice3A_30 : vector<128x1xf32> to vector<128x128xf32>
    %sub3A_986 = vector.broadcast %slice3A_959 : vector<1x128xf32> to vector<128x128xf32>
    %sub3A_987 = arith.subf %sub3A_985, %sub3A_986 : vector<128x128xf32>
    %integer_pow3A_988 = arith.mulf %sub3A_987, %sub3A_987 : vector<128x128xf32>
    %min3A_989 = arith.minimumf %min3A_918, %integer_pow3A_988 : vector<128x128xf32>
    %sub3A_990 = vector.broadcast %slice3A_31 : vector<128x1xf32> to vector<128x128xf32>
    %sub3A_991 = vector.broadcast %slice3A_959 : vector<1x128xf32> to vector<128x128xf32>
    %sub3A_992 = arith.subf %sub3A_990, %sub3A_991 : vector<128x128xf32>
    %integer_pow3A_993 = arith.mulf %sub3A_992, %sub3A_992 : vector<128x128xf32>
    %min3A_994 = arith.minimumf %min3A_923, %integer_pow3A_993 : vector<128x128xf32>
    %sub3A_995 = vector.broadcast %slice3A_32 : vector<128x1xf32> to vector<128x128xf32>
    %sub3A_996 = vector.broadcast %slice3A_959 : vector<1x128xf32> to vector<128x128xf32>
    %sub3A_997 = arith.subf %sub3A_995, %sub3A_996 : vector<128x128xf32>
    %integer_pow3A_998 = arith.mulf %sub3A_997, %sub3A_997 : vector<128x128xf32>
    %min3A_999 = arith.minimumf %min3A_928, %integer_pow3A_998 : vector<128x128xf32>
    %sub3A_1000 = vector.broadcast %slice3A_33 : vector<128x1xf32> to vector<128x128xf32>
    %sub3A_1001 = vector.broadcast %slice3A_959 : vector<1x128xf32> to vector<128x128xf32>
    %sub3A_1002 = arith.subf %sub3A_1000, %sub3A_1001 : vector<128x128xf32>
    %integer_pow3A_1003 = arith.mulf %sub3A_1002, %sub3A_1002 : vector<128x128xf32>
    %min3A_1004 = arith.minimumf %min3A_933, %integer_pow3A_1003 : vector<128x128xf32>
    %sub3A_1005 = vector.broadcast %slice3A_34 : vector<128x1xf32> to vector<128x128xf32>
    %sub3A_1006 = vector.broadcast %slice3A_959 : vector<1x128xf32> to vector<128x128xf32>
    %sub3A_1007 = arith.subf %sub3A_1005, %sub3A_1006 : vector<128x128xf32>
    %integer_pow3A_1008 = arith.mulf %sub3A_1007, %sub3A_1007 : vector<128x128xf32>
    %min3A_1009 = arith.minimumf %min3A_938, %integer_pow3A_1008 : vector<128x128xf32>
    %sub3A_1010 = vector.broadcast %slice3A_35 : vector<128x1xf32> to vector<128x128xf32>
    %sub3A_1011 = vector.broadcast %slice3A_959 : vector<1x128xf32> to vector<128x128xf32>
    %sub3A_1012 = arith.subf %sub3A_1010, %sub3A_1011 : vector<128x128xf32>
    %integer_pow3A_1013 = arith.mulf %sub3A_1012, %sub3A_1012 : vector<128x128xf32>
    %min3A_1014 = arith.minimumf %min3A_943, %integer_pow3A_1013 : vector<128x128xf32>
    %sub3A_1015 = vector.broadcast %slice3A_36 : vector<128x1xf32> to vector<128x128xf32>
    %sub3A_1016 = vector.broadcast %slice3A_959 : vector<1x128xf32> to vector<128x128xf32>
    %sub3A_1017 = arith.subf %sub3A_1015, %sub3A_1016 : vector<128x128xf32>
    %integer_pow3A_1018 = arith.mulf %sub3A_1017, %sub3A_1017 : vector<128x128xf32>
    %min3A_1019 = arith.minimumf %min3A_948, %integer_pow3A_1018 : vector<128x128xf32>
    %sub3A_1020 = vector.broadcast %slice3A_37 : vector<128x1xf32> to vector<128x128xf32>
    %sub3A_1021 = vector.broadcast %slice3A_959 : vector<1x128xf32> to vector<128x128xf32>
    %sub3A_1022 = arith.subf %sub3A_1020, %sub3A_1021 : vector<128x128xf32>
    %integer_pow3A_1023 = arith.mulf %sub3A_1022, %sub3A_1022 : vector<128x128xf32>
    %min3A_1024 = arith.minimumf %min3A_953, %integer_pow3A_1023 : vector<128x128xf32>
    %sub3A_1025 = vector.broadcast %slice3A_38 : vector<128x1xf32> to vector<128x128xf32>
    %sub3A_1026 = vector.broadcast %slice3A_959 : vector<1x128xf32> to vector<128x128xf32>
    %sub3A_1027 = arith.subf %sub3A_1025, %sub3A_1026 : vector<128x128xf32>
    %integer_pow3A_1028 = arith.mulf %sub3A_1027, %sub3A_1027 : vector<128x128xf32>
    %min3A_1029 = arith.minimumf %min3A_958, %integer_pow3A_1028 : vector<128x128xf32>
    %slice3A_1030 = vector.extract_strided_slice %select_n3A {offsets = [0, 1792], sizes = [1, 128], strides = [1, 1]} : vector<1x2048xf32> to vector<1x128xf32>
    %sub3A_1031 = vector.broadcast %slice3A_25 : vector<128x1xf32> to vector<128x128xf32>
    %sub3A_1032 = vector.broadcast %slice3A_1030 : vector<1x128xf32> to vector<128x128xf32>
    %sub3A_1033 = arith.subf %sub3A_1031, %sub3A_1032 : vector<128x128xf32>
    %integer_pow3A_1034 = arith.mulf %sub3A_1033, %sub3A_1033 : vector<128x128xf32>
    %min3A_1035 = arith.minimumf %min3A_964, %integer_pow3A_1034 : vector<128x128xf32>
    %sub3A_1036 = vector.broadcast %slice3A_26 : vector<128x1xf32> to vector<128x128xf32>
    %sub3A_1037 = vector.broadcast %slice3A_1030 : vector<1x128xf32> to vector<128x128xf32>
    %sub3A_1038 = arith.subf %sub3A_1036, %sub3A_1037 : vector<128x128xf32>
    %integer_pow3A_1039 = arith.mulf %sub3A_1038, %sub3A_1038 : vector<128x128xf32>
    %min3A_1040 = arith.minimumf %min3A_969, %integer_pow3A_1039 : vector<128x128xf32>
    %sub3A_1041 = vector.broadcast %slice3A_27 : vector<128x1xf32> to vector<128x128xf32>
    %sub3A_1042 = vector.broadcast %slice3A_1030 : vector<1x128xf32> to vector<128x128xf32>
    %sub3A_1043 = arith.subf %sub3A_1041, %sub3A_1042 : vector<128x128xf32>
    %integer_pow3A_1044 = arith.mulf %sub3A_1043, %sub3A_1043 : vector<128x128xf32>
    %min3A_1045 = arith.minimumf %min3A_974, %integer_pow3A_1044 : vector<128x128xf32>
    %sub3A_1046 = vector.broadcast %slice3A_28 : vector<128x1xf32> to vector<128x128xf32>
    %sub3A_1047 = vector.broadcast %slice3A_1030 : vector<1x128xf32> to vector<128x128xf32>
    %sub3A_1048 = arith.subf %sub3A_1046, %sub3A_1047 : vector<128x128xf32>
    %integer_pow3A_1049 = arith.mulf %sub3A_1048, %sub3A_1048 : vector<128x128xf32>
    %min3A_1050 = arith.minimumf %min3A_979, %integer_pow3A_1049 : vector<128x128xf32>
    %sub3A_1051 = vector.broadcast %slice3A_29 : vector<128x1xf32> to vector<128x128xf32>
    %sub3A_1052 = vector.broadcast %slice3A_1030 : vector<1x128xf32> to vector<128x128xf32>
    %sub3A_1053 = arith.subf %sub3A_1051, %sub3A_1052 : vector<128x128xf32>
    %integer_pow3A_1054 = arith.mulf %sub3A_1053, %sub3A_1053 : vector<128x128xf32>
    %min3A_1055 = arith.minimumf %min3A_984, %integer_pow3A_1054 : vector<128x128xf32>
    %sub3A_1056 = vector.broadcast %slice3A_30 : vector<128x1xf32> to vector<128x128xf32>
    %sub3A_1057 = vector.broadcast %slice3A_1030 : vector<1x128xf32> to vector<128x128xf32>
    %sub3A_1058 = arith.subf %sub3A_1056, %sub3A_1057 : vector<128x128xf32>
    %integer_pow3A_1059 = arith.mulf %sub3A_1058, %sub3A_1058 : vector<128x128xf32>
    %min3A_1060 = arith.minimumf %min3A_989, %integer_pow3A_1059 : vector<128x128xf32>
    %sub3A_1061 = vector.broadcast %slice3A_31 : vector<128x1xf32> to vector<128x128xf32>
    %sub3A_1062 = vector.broadcast %slice3A_1030 : vector<1x128xf32> to vector<128x128xf32>
    %sub3A_1063 = arith.subf %sub3A_1061, %sub3A_1062 : vector<128x128xf32>
    %integer_pow3A_1064 = arith.mulf %sub3A_1063, %sub3A_1063 : vector<128x128xf32>
    %min3A_1065 = arith.minimumf %min3A_994, %integer_pow3A_1064 : vector<128x128xf32>
    %sub3A_1066 = vector.broadcast %slice3A_32 : vector<128x1xf32> to vector<128x128xf32>
    %sub3A_1067 = vector.broadcast %slice3A_1030 : vector<1x128xf32> to vector<128x128xf32>
    %sub3A_1068 = arith.subf %sub3A_1066, %sub3A_1067 : vector<128x128xf32>
    %integer_pow3A_1069 = arith.mulf %sub3A_1068, %sub3A_1068 : vector<128x128xf32>
    %min3A_1070 = arith.minimumf %min3A_999, %integer_pow3A_1069 : vector<128x128xf32>
    %sub3A_1071 = vector.broadcast %slice3A_33 : vector<128x1xf32> to vector<128x128xf32>
    %sub3A_1072 = vector.broadcast %slice3A_1030 : vector<1x128xf32> to vector<128x128xf32>
    %sub3A_1073 = arith.subf %sub3A_1071, %sub3A_1072 : vector<128x128xf32>
    %integer_pow3A_1074 = arith.mulf %sub3A_1073, %sub3A_1073 : vector<128x128xf32>
    %min3A_1075 = arith.minimumf %min3A_1004, %integer_pow3A_1074 : vector<128x128xf32>
    %sub3A_1076 = vector.broadcast %slice3A_34 : vector<128x1xf32> to vector<128x128xf32>
    %sub3A_1077 = vector.broadcast %slice3A_1030 : vector<1x128xf32> to vector<128x128xf32>
    %sub3A_1078 = arith.subf %sub3A_1076, %sub3A_1077 : vector<128x128xf32>
    %integer_pow3A_1079 = arith.mulf %sub3A_1078, %sub3A_1078 : vector<128x128xf32>
    %min3A_1080 = arith.minimumf %min3A_1009, %integer_pow3A_1079 : vector<128x128xf32>
    %sub3A_1081 = vector.broadcast %slice3A_35 : vector<128x1xf32> to vector<128x128xf32>
    %sub3A_1082 = vector.broadcast %slice3A_1030 : vector<1x128xf32> to vector<128x128xf32>
    %sub3A_1083 = arith.subf %sub3A_1081, %sub3A_1082 : vector<128x128xf32>
    %integer_pow3A_1084 = arith.mulf %sub3A_1083, %sub3A_1083 : vector<128x128xf32>
    %min3A_1085 = arith.minimumf %min3A_1014, %integer_pow3A_1084 : vector<128x128xf32>
    %sub3A_1086 = vector.broadcast %slice3A_36 : vector<128x1xf32> to vector<128x128xf32>
    %sub3A_1087 = vector.broadcast %slice3A_1030 : vector<1x128xf32> to vector<128x128xf32>
    %sub3A_1088 = arith.subf %sub3A_1086, %sub3A_1087 : vector<128x128xf32>
    %integer_pow3A_1089 = arith.mulf %sub3A_1088, %sub3A_1088 : vector<128x128xf32>
    %min3A_1090 = arith.minimumf %min3A_1019, %integer_pow3A_1089 : vector<128x128xf32>
    %sub3A_1091 = vector.broadcast %slice3A_37 : vector<128x1xf32> to vector<128x128xf32>
    %sub3A_1092 = vector.broadcast %slice3A_1030 : vector<1x128xf32> to vector<128x128xf32>
    %sub3A_1093 = arith.subf %sub3A_1091, %sub3A_1092 : vector<128x128xf32>
    %integer_pow3A_1094 = arith.mulf %sub3A_1093, %sub3A_1093 : vector<128x128xf32>
    %min3A_1095 = arith.minimumf %min3A_1024, %integer_pow3A_1094 : vector<128x128xf32>
    %sub3A_1096 = vector.broadcast %slice3A_38 : vector<128x1xf32> to vector<128x128xf32>
    %sub3A_1097 = vector.broadcast %slice3A_1030 : vector<1x128xf32> to vector<128x128xf32>
    %sub3A_1098 = arith.subf %sub3A_1096, %sub3A_1097 : vector<128x128xf32>
    %integer_pow3A_1099 = arith.mulf %sub3A_1098, %sub3A_1098 : vector<128x128xf32>
    %min3A_1100 = arith.minimumf %min3A_1029, %integer_pow3A_1099 : vector<128x128xf32>
    %slice3A_1101 = vector.extract_strided_slice %select_n3A {offsets = [0, 1920], sizes = [1, 128], strides = [1, 1]} : vector<1x2048xf32> to vector<1x128xf32>
    %sub3A_1102 = vector.broadcast %slice3A_25 : vector<128x1xf32> to vector<128x128xf32>
    %sub3A_1103 = vector.broadcast %slice3A_1101 : vector<1x128xf32> to vector<128x128xf32>
    %sub3A_1104 = arith.subf %sub3A_1102, %sub3A_1103 : vector<128x128xf32>
    %integer_pow3A_1105 = arith.mulf %sub3A_1104, %sub3A_1104 : vector<128x128xf32>
    %min3A_1106 = arith.minimumf %min3A_1035, %integer_pow3A_1105 : vector<128x128xf32>
    %sub3A_1107 = vector.broadcast %slice3A_26 : vector<128x1xf32> to vector<128x128xf32>
    %sub3A_1108 = vector.broadcast %slice3A_1101 : vector<1x128xf32> to vector<128x128xf32>
    %sub3A_1109 = arith.subf %sub3A_1107, %sub3A_1108 : vector<128x128xf32>
    %integer_pow3A_1110 = arith.mulf %sub3A_1109, %sub3A_1109 : vector<128x128xf32>
    %min3A_1111 = arith.minimumf %min3A_1040, %integer_pow3A_1110 : vector<128x128xf32>
    %sub3A_1112 = vector.broadcast %slice3A_27 : vector<128x1xf32> to vector<128x128xf32>
    %sub3A_1113 = vector.broadcast %slice3A_1101 : vector<1x128xf32> to vector<128x128xf32>
    %sub3A_1114 = arith.subf %sub3A_1112, %sub3A_1113 : vector<128x128xf32>
    %integer_pow3A_1115 = arith.mulf %sub3A_1114, %sub3A_1114 : vector<128x128xf32>
    %min3A_1116 = arith.minimumf %min3A_1045, %integer_pow3A_1115 : vector<128x128xf32>
    %sub3A_1117 = vector.broadcast %slice3A_28 : vector<128x1xf32> to vector<128x128xf32>
    %sub3A_1118 = vector.broadcast %slice3A_1101 : vector<1x128xf32> to vector<128x128xf32>
    %sub3A_1119 = arith.subf %sub3A_1117, %sub3A_1118 : vector<128x128xf32>
    %integer_pow3A_1120 = arith.mulf %sub3A_1119, %sub3A_1119 : vector<128x128xf32>
    %min3A_1121 = arith.minimumf %min3A_1050, %integer_pow3A_1120 : vector<128x128xf32>
    %sub3A_1122 = vector.broadcast %slice3A_29 : vector<128x1xf32> to vector<128x128xf32>
    %sub3A_1123 = vector.broadcast %slice3A_1101 : vector<1x128xf32> to vector<128x128xf32>
    %sub3A_1124 = arith.subf %sub3A_1122, %sub3A_1123 : vector<128x128xf32>
    %integer_pow3A_1125 = arith.mulf %sub3A_1124, %sub3A_1124 : vector<128x128xf32>
    %min3A_1126 = arith.minimumf %min3A_1055, %integer_pow3A_1125 : vector<128x128xf32>
    %sub3A_1127 = vector.broadcast %slice3A_30 : vector<128x1xf32> to vector<128x128xf32>
    %sub3A_1128 = vector.broadcast %slice3A_1101 : vector<1x128xf32> to vector<128x128xf32>
    %sub3A_1129 = arith.subf %sub3A_1127, %sub3A_1128 : vector<128x128xf32>
    %integer_pow3A_1130 = arith.mulf %sub3A_1129, %sub3A_1129 : vector<128x128xf32>
    %min3A_1131 = arith.minimumf %min3A_1060, %integer_pow3A_1130 : vector<128x128xf32>
    %sub3A_1132 = vector.broadcast %slice3A_31 : vector<128x1xf32> to vector<128x128xf32>
    %sub3A_1133 = vector.broadcast %slice3A_1101 : vector<1x128xf32> to vector<128x128xf32>
    %sub3A_1134 = arith.subf %sub3A_1132, %sub3A_1133 : vector<128x128xf32>
    %integer_pow3A_1135 = arith.mulf %sub3A_1134, %sub3A_1134 : vector<128x128xf32>
    %min3A_1136 = arith.minimumf %min3A_1065, %integer_pow3A_1135 : vector<128x128xf32>
    %sub3A_1137 = vector.broadcast %slice3A_32 : vector<128x1xf32> to vector<128x128xf32>
    %sub3A_1138 = vector.broadcast %slice3A_1101 : vector<1x128xf32> to vector<128x128xf32>
    %sub3A_1139 = arith.subf %sub3A_1137, %sub3A_1138 : vector<128x128xf32>
    %integer_pow3A_1140 = arith.mulf %sub3A_1139, %sub3A_1139 : vector<128x128xf32>
    %min3A_1141 = arith.minimumf %min3A_1070, %integer_pow3A_1140 : vector<128x128xf32>
    %sub3A_1142 = vector.broadcast %slice3A_33 : vector<128x1xf32> to vector<128x128xf32>
    %sub3A_1143 = vector.broadcast %slice3A_1101 : vector<1x128xf32> to vector<128x128xf32>
    %sub3A_1144 = arith.subf %sub3A_1142, %sub3A_1143 : vector<128x128xf32>
    %integer_pow3A_1145 = arith.mulf %sub3A_1144, %sub3A_1144 : vector<128x128xf32>
    %min3A_1146 = arith.minimumf %min3A_1075, %integer_pow3A_1145 : vector<128x128xf32>
    %sub3A_1147 = vector.broadcast %slice3A_34 : vector<128x1xf32> to vector<128x128xf32>
    %sub3A_1148 = vector.broadcast %slice3A_1101 : vector<1x128xf32> to vector<128x128xf32>
    %sub3A_1149 = arith.subf %sub3A_1147, %sub3A_1148 : vector<128x128xf32>
    %integer_pow3A_1150 = arith.mulf %sub3A_1149, %sub3A_1149 : vector<128x128xf32>
    %min3A_1151 = arith.minimumf %min3A_1080, %integer_pow3A_1150 : vector<128x128xf32>
    %sub3A_1152 = vector.broadcast %slice3A_35 : vector<128x1xf32> to vector<128x128xf32>
    %sub3A_1153 = vector.broadcast %slice3A_1101 : vector<1x128xf32> to vector<128x128xf32>
    %sub3A_1154 = arith.subf %sub3A_1152, %sub3A_1153 : vector<128x128xf32>
    %integer_pow3A_1155 = arith.mulf %sub3A_1154, %sub3A_1154 : vector<128x128xf32>
    %min3A_1156 = arith.minimumf %min3A_1085, %integer_pow3A_1155 : vector<128x128xf32>
    %sub3A_1157 = vector.broadcast %slice3A_36 : vector<128x1xf32> to vector<128x128xf32>
    %sub3A_1158 = vector.broadcast %slice3A_1101 : vector<1x128xf32> to vector<128x128xf32>
    %sub3A_1159 = arith.subf %sub3A_1157, %sub3A_1158 : vector<128x128xf32>
    %integer_pow3A_1160 = arith.mulf %sub3A_1159, %sub3A_1159 : vector<128x128xf32>
    %min3A_1161 = arith.minimumf %min3A_1090, %integer_pow3A_1160 : vector<128x128xf32>
    %sub3A_1162 = vector.broadcast %slice3A_37 : vector<128x1xf32> to vector<128x128xf32>
    %sub3A_1163 = vector.broadcast %slice3A_1101 : vector<1x128xf32> to vector<128x128xf32>
    %sub3A_1164 = arith.subf %sub3A_1162, %sub3A_1163 : vector<128x128xf32>
    %integer_pow3A_1165 = arith.mulf %sub3A_1164, %sub3A_1164 : vector<128x128xf32>
    %min3A_1166 = arith.minimumf %min3A_1095, %integer_pow3A_1165 : vector<128x128xf32>
    %sub3A_1167 = vector.broadcast %slice3A_38 : vector<128x1xf32> to vector<128x128xf32>
    %sub3A_1168 = vector.broadcast %slice3A_1101 : vector<1x128xf32> to vector<128x128xf32>
    %sub3A_1169 = arith.subf %sub3A_1167, %sub3A_1168 : vector<128x128xf32>
    %integer_pow3A_1170 = arith.mulf %sub3A_1169, %sub3A_1169 : vector<128x128xf32>
    %min3A_1171 = arith.minimumf %min3A_1100, %integer_pow3A_1170 : vector<128x128xf32>
    %reduce_min3A = arith.constant dense<0x7F800000> : vector<128xf32>
    %reduce_min3A_1172 = vector.multi_reduction <minimumf>, %min3A_1106, %reduce_min3A [1] : vector<128x128xf32> to vector<128xf32>
    %reduce_sum3A = vector.shape_cast %reduce_min3A_1172 : vector<128xf32> to vector<1x128xf32>
    %reduce_sum3A_1173 = arith.constant dense<0.000000e+00> : vector<1xf32>
    %reduce_sum3A_1174 = vector.multi_reduction <add>, %reduce_sum3A, %reduce_sum3A_1173 [1] : vector<1x128xf32> to vector<1xf32>
    %reduce_sum3A_1175 = vector.shape_cast %reduce_sum3A_1174 : vector<1xf32> to vector<1x1xf32>
    %reduce_sum3A_1176 = vector.extract %reduce_sum3A_1175[0, 0] : f32 from vector<1x1xf32>
    %add3A_1177 = arith.constant 0.000000e+00 : f32
    %add3A_1178 = arith.addf %add3A_1177, %reduce_sum3A_1176 : f32
    %reduce_min3A_1179 = arith.constant dense<0x7F800000> : vector<128xf32>
    %reduce_min3A_1180 = vector.multi_reduction <minimumf>, %min3A_1111, %reduce_min3A_1179 [1] : vector<128x128xf32> to vector<128xf32>
    %reduce_sum3A_1181 = vector.shape_cast %reduce_min3A_1180 : vector<128xf32> to vector<1x128xf32>
    %reduce_sum3A_1182 = arith.constant dense<0.000000e+00> : vector<1xf32>
    %reduce_sum3A_1183 = vector.multi_reduction <add>, %reduce_sum3A_1181, %reduce_sum3A_1182 [1] : vector<1x128xf32> to vector<1xf32>
    %reduce_sum3A_1184 = vector.shape_cast %reduce_sum3A_1183 : vector<1xf32> to vector<1x1xf32>
    %reduce_sum3A_1185 = vector.extract %reduce_sum3A_1184[0, 0] : f32 from vector<1x1xf32>
    %add3A_1186 = arith.addf %add3A_1178, %reduce_sum3A_1185 : f32
    %reduce_min3A_1187 = arith.constant dense<0x7F800000> : vector<128xf32>
    %reduce_min3A_1188 = vector.multi_reduction <minimumf>, %min3A_1116, %reduce_min3A_1187 [1] : vector<128x128xf32> to vector<128xf32>
    %reduce_sum3A_1189 = vector.shape_cast %reduce_min3A_1188 : vector<128xf32> to vector<1x128xf32>
    %reduce_sum3A_1190 = arith.constant dense<0.000000e+00> : vector<1xf32>
    %reduce_sum3A_1191 = vector.multi_reduction <add>, %reduce_sum3A_1189, %reduce_sum3A_1190 [1] : vector<1x128xf32> to vector<1xf32>
    %reduce_sum3A_1192 = vector.shape_cast %reduce_sum3A_1191 : vector<1xf32> to vector<1x1xf32>
    %reduce_sum3A_1193 = vector.extract %reduce_sum3A_1192[0, 0] : f32 from vector<1x1xf32>
    %add3A_1194 = arith.addf %add3A_1186, %reduce_sum3A_1193 : f32
    %reduce_min3A_1195 = arith.constant dense<0x7F800000> : vector<128xf32>
    %reduce_min3A_1196 = vector.multi_reduction <minimumf>, %min3A_1121, %reduce_min3A_1195 [1] : vector<128x128xf32> to vector<128xf32>
    %reduce_sum3A_1197 = vector.shape_cast %reduce_min3A_1196 : vector<128xf32> to vector<1x128xf32>
    %reduce_sum3A_1198 = arith.constant dense<0.000000e+00> : vector<1xf32>
    %reduce_sum3A_1199 = vector.multi_reduction <add>, %reduce_sum3A_1197, %reduce_sum3A_1198 [1] : vector<1x128xf32> to vector<1xf32>
    %reduce_sum3A_1200 = vector.shape_cast %reduce_sum3A_1199 : vector<1xf32> to vector<1x1xf32>
    %reduce_sum3A_1201 = vector.extract %reduce_sum3A_1200[0, 0] : f32 from vector<1x1xf32>
    %add3A_1202 = arith.addf %add3A_1194, %reduce_sum3A_1201 : f32
    %reduce_min3A_1203 = arith.constant dense<0x7F800000> : vector<128xf32>
    %reduce_min3A_1204 = vector.multi_reduction <minimumf>, %min3A_1126, %reduce_min3A_1203 [1] : vector<128x128xf32> to vector<128xf32>
    %reduce_sum3A_1205 = vector.shape_cast %reduce_min3A_1204 : vector<128xf32> to vector<1x128xf32>
    %reduce_sum3A_1206 = arith.constant dense<0.000000e+00> : vector<1xf32>
    %reduce_sum3A_1207 = vector.multi_reduction <add>, %reduce_sum3A_1205, %reduce_sum3A_1206 [1] : vector<1x128xf32> to vector<1xf32>
    %reduce_sum3A_1208 = vector.shape_cast %reduce_sum3A_1207 : vector<1xf32> to vector<1x1xf32>
    %reduce_sum3A_1209 = vector.extract %reduce_sum3A_1208[0, 0] : f32 from vector<1x1xf32>
    %add3A_1210 = arith.addf %add3A_1202, %reduce_sum3A_1209 : f32
    %reduce_min3A_1211 = arith.constant dense<0x7F800000> : vector<128xf32>
    %reduce_min3A_1212 = vector.multi_reduction <minimumf>, %min3A_1131, %reduce_min3A_1211 [1] : vector<128x128xf32> to vector<128xf32>
    %reduce_sum3A_1213 = vector.shape_cast %reduce_min3A_1212 : vector<128xf32> to vector<1x128xf32>
    %reduce_sum3A_1214 = arith.constant dense<0.000000e+00> : vector<1xf32>
    %reduce_sum3A_1215 = vector.multi_reduction <add>, %reduce_sum3A_1213, %reduce_sum3A_1214 [1] : vector<1x128xf32> to vector<1xf32>
    %reduce_sum3A_1216 = vector.shape_cast %reduce_sum3A_1215 : vector<1xf32> to vector<1x1xf32>
    %reduce_sum3A_1217 = vector.extract %reduce_sum3A_1216[0, 0] : f32 from vector<1x1xf32>
    %add3A_1218 = arith.addf %add3A_1210, %reduce_sum3A_1217 : f32
    %reduce_min3A_1219 = arith.constant dense<0x7F800000> : vector<128xf32>
    %reduce_min3A_1220 = vector.multi_reduction <minimumf>, %min3A_1136, %reduce_min3A_1219 [1] : vector<128x128xf32> to vector<128xf32>
    %reduce_sum3A_1221 = vector.shape_cast %reduce_min3A_1220 : vector<128xf32> to vector<1x128xf32>
    %reduce_sum3A_1222 = arith.constant dense<0.000000e+00> : vector<1xf32>
    %reduce_sum3A_1223 = vector.multi_reduction <add>, %reduce_sum3A_1221, %reduce_sum3A_1222 [1] : vector<1x128xf32> to vector<1xf32>
    %reduce_sum3A_1224 = vector.shape_cast %reduce_sum3A_1223 : vector<1xf32> to vector<1x1xf32>
    %reduce_sum3A_1225 = vector.extract %reduce_sum3A_1224[0, 0] : f32 from vector<1x1xf32>
    %add3A_1226 = arith.addf %add3A_1218, %reduce_sum3A_1225 : f32
    %reduce_min3A_1227 = arith.constant dense<0x7F800000> : vector<128xf32>
    %reduce_min3A_1228 = vector.multi_reduction <minimumf>, %min3A_1141, %reduce_min3A_1227 [1] : vector<128x128xf32> to vector<128xf32>
    %reduce_sum3A_1229 = vector.shape_cast %reduce_min3A_1228 : vector<128xf32> to vector<1x128xf32>
    %reduce_sum3A_1230 = arith.constant dense<0.000000e+00> : vector<1xf32>
    %reduce_sum3A_1231 = vector.multi_reduction <add>, %reduce_sum3A_1229, %reduce_sum3A_1230 [1] : vector<1x128xf32> to vector<1xf32>
    %reduce_sum3A_1232 = vector.shape_cast %reduce_sum3A_1231 : vector<1xf32> to vector<1x1xf32>
    %reduce_sum3A_1233 = vector.extract %reduce_sum3A_1232[0, 0] : f32 from vector<1x1xf32>
    %add3A_1234 = arith.addf %add3A_1226, %reduce_sum3A_1233 : f32
    %reduce_min3A_1235 = arith.constant dense<0x7F800000> : vector<128xf32>
    %reduce_min3A_1236 = vector.multi_reduction <minimumf>, %min3A_1146, %reduce_min3A_1235 [1] : vector<128x128xf32> to vector<128xf32>
    %reduce_sum3A_1237 = vector.shape_cast %reduce_min3A_1236 : vector<128xf32> to vector<1x128xf32>
    %reduce_sum3A_1238 = arith.constant dense<0.000000e+00> : vector<1xf32>
    %reduce_sum3A_1239 = vector.multi_reduction <add>, %reduce_sum3A_1237, %reduce_sum3A_1238 [1] : vector<1x128xf32> to vector<1xf32>
    %reduce_sum3A_1240 = vector.shape_cast %reduce_sum3A_1239 : vector<1xf32> to vector<1x1xf32>
    %reduce_sum3A_1241 = vector.extract %reduce_sum3A_1240[0, 0] : f32 from vector<1x1xf32>
    %add3A_1242 = arith.addf %add3A_1234, %reduce_sum3A_1241 : f32
    %reduce_min3A_1243 = arith.constant dense<0x7F800000> : vector<128xf32>
    %reduce_min3A_1244 = vector.multi_reduction <minimumf>, %min3A_1151, %reduce_min3A_1243 [1] : vector<128x128xf32> to vector<128xf32>
    %reduce_sum3A_1245 = vector.shape_cast %reduce_min3A_1244 : vector<128xf32> to vector<1x128xf32>
    %reduce_sum3A_1246 = arith.constant dense<0.000000e+00> : vector<1xf32>
    %reduce_sum3A_1247 = vector.multi_reduction <add>, %reduce_sum3A_1245, %reduce_sum3A_1246 [1] : vector<1x128xf32> to vector<1xf32>
    %reduce_sum3A_1248 = vector.shape_cast %reduce_sum3A_1247 : vector<1xf32> to vector<1x1xf32>
    %reduce_sum3A_1249 = vector.extract %reduce_sum3A_1248[0, 0] : f32 from vector<1x1xf32>
    %add3A_1250 = arith.addf %add3A_1242, %reduce_sum3A_1249 : f32
    %reduce_min3A_1251 = arith.constant dense<0x7F800000> : vector<128xf32>
    %reduce_min3A_1252 = vector.multi_reduction <minimumf>, %min3A_1156, %reduce_min3A_1251 [1] : vector<128x128xf32> to vector<128xf32>
    %reduce_sum3A_1253 = vector.shape_cast %reduce_min3A_1252 : vector<128xf32> to vector<1x128xf32>
    %reduce_sum3A_1254 = arith.constant dense<0.000000e+00> : vector<1xf32>
    %reduce_sum3A_1255 = vector.multi_reduction <add>, %reduce_sum3A_1253, %reduce_sum3A_1254 [1] : vector<1x128xf32> to vector<1xf32>
    %reduce_sum3A_1256 = vector.shape_cast %reduce_sum3A_1255 : vector<1xf32> to vector<1x1xf32>
    %reduce_sum3A_1257 = vector.extract %reduce_sum3A_1256[0, 0] : f32 from vector<1x1xf32>
    %add3A_1258 = arith.addf %add3A_1250, %reduce_sum3A_1257 : f32
    %reduce_min3A_1259 = arith.constant dense<0x7F800000> : vector<128xf32>
    %reduce_min3A_1260 = vector.multi_reduction <minimumf>, %min3A_1161, %reduce_min3A_1259 [1] : vector<128x128xf32> to vector<128xf32>
    %reduce_sum3A_1261 = vector.shape_cast %reduce_min3A_1260 : vector<128xf32> to vector<1x128xf32>
    %reduce_sum3A_1262 = arith.constant dense<0.000000e+00> : vector<1xf32>
    %reduce_sum3A_1263 = vector.multi_reduction <add>, %reduce_sum3A_1261, %reduce_sum3A_1262 [1] : vector<1x128xf32> to vector<1xf32>
    %reduce_sum3A_1264 = vector.shape_cast %reduce_sum3A_1263 : vector<1xf32> to vector<1x1xf32>
    %reduce_sum3A_1265 = vector.extract %reduce_sum3A_1264[0, 0] : f32 from vector<1x1xf32>
    %add3A_1266 = arith.addf %add3A_1258, %reduce_sum3A_1265 : f32
    %reduce_min3A_1267 = arith.constant dense<0x7F800000> : vector<128xf32>
    %reduce_min3A_1268 = vector.multi_reduction <minimumf>, %min3A_1166, %reduce_min3A_1267 [1] : vector<128x128xf32> to vector<128xf32>
    %reduce_sum3A_1269 = vector.shape_cast %reduce_min3A_1268 : vector<128xf32> to vector<1x128xf32>
    %reduce_sum3A_1270 = arith.constant dense<0.000000e+00> : vector<1xf32>
    %reduce_sum3A_1271 = vector.multi_reduction <add>, %reduce_sum3A_1269, %reduce_sum3A_1270 [1] : vector<1x128xf32> to vector<1xf32>
    %reduce_sum3A_1272 = vector.shape_cast %reduce_sum3A_1271 : vector<1xf32> to vector<1x1xf32>
    %reduce_sum3A_1273 = vector.extract %reduce_sum3A_1272[0, 0] : f32 from vector<1x1xf32>
    %add3A_1274 = arith.addf %add3A_1266, %reduce_sum3A_1273 : f32
    %reduce_min3A_1275 = arith.constant dense<0x7F800000> : vector<128xf32>
    %reduce_min3A_1276 = vector.multi_reduction <minimumf>, %min3A_1171, %reduce_min3A_1275 [1] : vector<128x128xf32> to vector<128xf32>
    %reduce_sum3A_1277 = vector.shape_cast %reduce_min3A_1276 : vector<128xf32> to vector<1x128xf32>
    %reduce_sum3A_1278 = arith.constant dense<0.000000e+00> : vector<1xf32>
    %reduce_sum3A_1279 = vector.multi_reduction <add>, %reduce_sum3A_1277, %reduce_sum3A_1278 [1] : vector<1x128xf32> to vector<1xf32>
    %reduce_sum3A_1280 = vector.shape_cast %reduce_sum3A_1279 : vector<1xf32> to vector<1x1xf32>
    %reduce_sum3A_1281 = vector.extract %reduce_sum3A_1280[0, 0] : f32 from vector<1x1xf32>
    %add3A_1282 = arith.addf %add3A_1274, %reduce_sum3A_1281 : f32
    %slice3A_1283 = vector.extract_strided_slice %select_n3A {offsets = [0, 256], sizes = [1, 128], strides = [1, 1]} : vector<1x2048xf32> to vector<1x128xf32>
    %slice3A_1284 = vector.extract_strided_slice %select_n3A {offsets = [0, 384], sizes = [1, 128], strides = [1, 1]} : vector<1x2048xf32> to vector<1x128xf32>
    %slice3A_1285 = vector.extract_strided_slice %select_n3A {offsets = [0, 512], sizes = [1, 128], strides = [1, 1]} : vector<1x2048xf32> to vector<1x128xf32>
    %slice3A_1286 = vector.extract_strided_slice %select_n3A {offsets = [0, 640], sizes = [1, 128], strides = [1, 1]} : vector<1x2048xf32> to vector<1x128xf32>
    %slice3A_1287 = vector.extract_strided_slice %select_n3A {offsets = [0, 768], sizes = [1, 128], strides = [1, 1]} : vector<1x2048xf32> to vector<1x128xf32>
    %slice3A_1288 = vector.extract_strided_slice %select_n3A {offsets = [0, 896], sizes = [1, 128], strides = [1, 1]} : vector<1x2048xf32> to vector<1x128xf32>
    %slice3A_1289 = vector.extract_strided_slice %select_n3A {offsets = [0, 1024], sizes = [1, 128], strides = [1, 1]} : vector<1x2048xf32> to vector<1x128xf32>
    %slice3A_1290 = vector.extract_strided_slice %select_n3A {offsets = [0, 1152], sizes = [1, 128], strides = [1, 1]} : vector<1x2048xf32> to vector<1x128xf32>
    %slice3A_1291 = vector.extract_strided_slice %select_n3A {offsets = [0, 1280], sizes = [1, 128], strides = [1, 1]} : vector<1x2048xf32> to vector<1x128xf32>
    %slice3A_1292 = vector.extract_strided_slice %select_n3A {offsets = [0, 1408], sizes = [1, 128], strides = [1, 1]} : vector<1x2048xf32> to vector<1x128xf32>
    %slice3A_1293 = vector.extract_strided_slice %select_n3A {offsets = [0, 1536], sizes = [1, 128], strides = [1, 1]} : vector<1x2048xf32> to vector<1x128xf32>
    %slice3A_1294 = vector.extract_strided_slice %select_n3A {offsets = [0, 1664], sizes = [1, 128], strides = [1, 1]} : vector<1x2048xf32> to vector<1x128xf32>
    %slice3A_1295 = vector.extract_strided_slice %select_n3A {offsets = [0, 1792], sizes = [1, 128], strides = [1, 1]} : vector<1x2048xf32> to vector<1x128xf32>
    %slice3A_1296 = vector.extract_strided_slice %select_n3A {offsets = [0, 1920], sizes = [1, 128], strides = [1, 1]} : vector<1x2048xf32> to vector<1x128xf32>
    %slice3A_1297 = vector.extract_strided_slice %transpose3A {offsets = [0, 0], sizes = [128, 1], strides = [1, 1]} : vector<128x16xf32> to vector<128x1xf32>
    %sub3A_1298 = vector.broadcast %slice3A_1297 : vector<128x1xf32> to vector<128x128xf32>
    %sub3A_1299 = vector.broadcast %slice3A_1283 : vector<1x128xf32> to vector<128x128xf32>
    %sub3A_1300 = arith.subf %sub3A_1298, %sub3A_1299 : vector<128x128xf32>
    %integer_pow3A_1301 = arith.mulf %sub3A_1300, %sub3A_1300 : vector<128x128xf32>
    %min3A_1302 = arith.minimumf %broadcast_in_dim3A_23, %integer_pow3A_1301 : vector<128x128xf32>
    %sub3A_1303 = vector.broadcast %slice3A_1297 : vector<128x1xf32> to vector<128x128xf32>
    %sub3A_1304 = vector.broadcast %slice3A_1284 : vector<1x128xf32> to vector<128x128xf32>
    %sub3A_1305 = arith.subf %sub3A_1303, %sub3A_1304 : vector<128x128xf32>
    %integer_pow3A_1306 = arith.mulf %sub3A_1305, %sub3A_1305 : vector<128x128xf32>
    %min3A_1307 = arith.minimumf %broadcast_in_dim3A_23, %integer_pow3A_1306 : vector<128x128xf32>
    %sub3A_1308 = vector.broadcast %slice3A_1297 : vector<128x1xf32> to vector<128x128xf32>
    %sub3A_1309 = vector.broadcast %slice3A_1285 : vector<1x128xf32> to vector<128x128xf32>
    %sub3A_1310 = arith.subf %sub3A_1308, %sub3A_1309 : vector<128x128xf32>
    %integer_pow3A_1311 = arith.mulf %sub3A_1310, %sub3A_1310 : vector<128x128xf32>
    %min3A_1312 = arith.minimumf %broadcast_in_dim3A_23, %integer_pow3A_1311 : vector<128x128xf32>
    %sub3A_1313 = vector.broadcast %slice3A_1297 : vector<128x1xf32> to vector<128x128xf32>
    %sub3A_1314 = vector.broadcast %slice3A_1286 : vector<1x128xf32> to vector<128x128xf32>
    %sub3A_1315 = arith.subf %sub3A_1313, %sub3A_1314 : vector<128x128xf32>
    %integer_pow3A_1316 = arith.mulf %sub3A_1315, %sub3A_1315 : vector<128x128xf32>
    %min3A_1317 = arith.minimumf %broadcast_in_dim3A_23, %integer_pow3A_1316 : vector<128x128xf32>
    %sub3A_1318 = vector.broadcast %slice3A_1297 : vector<128x1xf32> to vector<128x128xf32>
    %sub3A_1319 = vector.broadcast %slice3A_1287 : vector<1x128xf32> to vector<128x128xf32>
    %sub3A_1320 = arith.subf %sub3A_1318, %sub3A_1319 : vector<128x128xf32>
    %integer_pow3A_1321 = arith.mulf %sub3A_1320, %sub3A_1320 : vector<128x128xf32>
    %min3A_1322 = arith.minimumf %broadcast_in_dim3A_23, %integer_pow3A_1321 : vector<128x128xf32>
    %sub3A_1323 = vector.broadcast %slice3A_1297 : vector<128x1xf32> to vector<128x128xf32>
    %sub3A_1324 = vector.broadcast %slice3A_1288 : vector<1x128xf32> to vector<128x128xf32>
    %sub3A_1325 = arith.subf %sub3A_1323, %sub3A_1324 : vector<128x128xf32>
    %integer_pow3A_1326 = arith.mulf %sub3A_1325, %sub3A_1325 : vector<128x128xf32>
    %min3A_1327 = arith.minimumf %broadcast_in_dim3A_23, %integer_pow3A_1326 : vector<128x128xf32>
    %sub3A_1328 = vector.broadcast %slice3A_1297 : vector<128x1xf32> to vector<128x128xf32>
    %sub3A_1329 = vector.broadcast %slice3A_1289 : vector<1x128xf32> to vector<128x128xf32>
    %sub3A_1330 = arith.subf %sub3A_1328, %sub3A_1329 : vector<128x128xf32>
    %integer_pow3A_1331 = arith.mulf %sub3A_1330, %sub3A_1330 : vector<128x128xf32>
    %min3A_1332 = arith.minimumf %broadcast_in_dim3A_23, %integer_pow3A_1331 : vector<128x128xf32>
    %sub3A_1333 = vector.broadcast %slice3A_1297 : vector<128x1xf32> to vector<128x128xf32>
    %sub3A_1334 = vector.broadcast %slice3A_1290 : vector<1x128xf32> to vector<128x128xf32>
    %sub3A_1335 = arith.subf %sub3A_1333, %sub3A_1334 : vector<128x128xf32>
    %integer_pow3A_1336 = arith.mulf %sub3A_1335, %sub3A_1335 : vector<128x128xf32>
    %min3A_1337 = arith.minimumf %broadcast_in_dim3A_23, %integer_pow3A_1336 : vector<128x128xf32>
    %sub3A_1338 = vector.broadcast %slice3A_1297 : vector<128x1xf32> to vector<128x128xf32>
    %sub3A_1339 = vector.broadcast %slice3A_1291 : vector<1x128xf32> to vector<128x128xf32>
    %sub3A_1340 = arith.subf %sub3A_1338, %sub3A_1339 : vector<128x128xf32>
    %integer_pow3A_1341 = arith.mulf %sub3A_1340, %sub3A_1340 : vector<128x128xf32>
    %min3A_1342 = arith.minimumf %broadcast_in_dim3A_23, %integer_pow3A_1341 : vector<128x128xf32>
    %sub3A_1343 = vector.broadcast %slice3A_1297 : vector<128x1xf32> to vector<128x128xf32>
    %sub3A_1344 = vector.broadcast %slice3A_1292 : vector<1x128xf32> to vector<128x128xf32>
    %sub3A_1345 = arith.subf %sub3A_1343, %sub3A_1344 : vector<128x128xf32>
    %integer_pow3A_1346 = arith.mulf %sub3A_1345, %sub3A_1345 : vector<128x128xf32>
    %min3A_1347 = arith.minimumf %broadcast_in_dim3A_23, %integer_pow3A_1346 : vector<128x128xf32>
    %sub3A_1348 = vector.broadcast %slice3A_1297 : vector<128x1xf32> to vector<128x128xf32>
    %sub3A_1349 = vector.broadcast %slice3A_1293 : vector<1x128xf32> to vector<128x128xf32>
    %sub3A_1350 = arith.subf %sub3A_1348, %sub3A_1349 : vector<128x128xf32>
    %integer_pow3A_1351 = arith.mulf %sub3A_1350, %sub3A_1350 : vector<128x128xf32>
    %min3A_1352 = arith.minimumf %broadcast_in_dim3A_23, %integer_pow3A_1351 : vector<128x128xf32>
    %sub3A_1353 = vector.broadcast %slice3A_1297 : vector<128x1xf32> to vector<128x128xf32>
    %sub3A_1354 = vector.broadcast %slice3A_1294 : vector<1x128xf32> to vector<128x128xf32>
    %sub3A_1355 = arith.subf %sub3A_1353, %sub3A_1354 : vector<128x128xf32>
    %integer_pow3A_1356 = arith.mulf %sub3A_1355, %sub3A_1355 : vector<128x128xf32>
    %min3A_1357 = arith.minimumf %broadcast_in_dim3A_23, %integer_pow3A_1356 : vector<128x128xf32>
    %sub3A_1358 = vector.broadcast %slice3A_1297 : vector<128x1xf32> to vector<128x128xf32>
    %sub3A_1359 = vector.broadcast %slice3A_1295 : vector<1x128xf32> to vector<128x128xf32>
    %sub3A_1360 = arith.subf %sub3A_1358, %sub3A_1359 : vector<128x128xf32>
    %integer_pow3A_1361 = arith.mulf %sub3A_1360, %sub3A_1360 : vector<128x128xf32>
    %min3A_1362 = arith.minimumf %broadcast_in_dim3A_23, %integer_pow3A_1361 : vector<128x128xf32>
    %sub3A_1363 = vector.broadcast %slice3A_1297 : vector<128x1xf32> to vector<128x128xf32>
    %sub3A_1364 = vector.broadcast %slice3A_1296 : vector<1x128xf32> to vector<128x128xf32>
    %sub3A_1365 = arith.subf %sub3A_1363, %sub3A_1364 : vector<128x128xf32>
    %integer_pow3A_1366 = arith.mulf %sub3A_1365, %sub3A_1365 : vector<128x128xf32>
    %min3A_1367 = arith.minimumf %broadcast_in_dim3A_23, %integer_pow3A_1366 : vector<128x128xf32>
    %slice3A_1368 = vector.extract_strided_slice %transpose3A {offsets = [0, 1], sizes = [128, 1], strides = [1, 1]} : vector<128x16xf32> to vector<128x1xf32>
    %sub3A_1369 = vector.broadcast %slice3A_1368 : vector<128x1xf32> to vector<128x128xf32>
    %sub3A_1370 = vector.broadcast %slice3A_1283 : vector<1x128xf32> to vector<128x128xf32>
    %sub3A_1371 = arith.subf %sub3A_1369, %sub3A_1370 : vector<128x128xf32>
    %integer_pow3A_1372 = arith.mulf %sub3A_1371, %sub3A_1371 : vector<128x128xf32>
    %min3A_1373 = arith.minimumf %min3A_1302, %integer_pow3A_1372 : vector<128x128xf32>
    %sub3A_1374 = vector.broadcast %slice3A_1368 : vector<128x1xf32> to vector<128x128xf32>
    %sub3A_1375 = vector.broadcast %slice3A_1284 : vector<1x128xf32> to vector<128x128xf32>
    %sub3A_1376 = arith.subf %sub3A_1374, %sub3A_1375 : vector<128x128xf32>
    %integer_pow3A_1377 = arith.mulf %sub3A_1376, %sub3A_1376 : vector<128x128xf32>
    %min3A_1378 = arith.minimumf %min3A_1307, %integer_pow3A_1377 : vector<128x128xf32>
    %sub3A_1379 = vector.broadcast %slice3A_1368 : vector<128x1xf32> to vector<128x128xf32>
    %sub3A_1380 = vector.broadcast %slice3A_1285 : vector<1x128xf32> to vector<128x128xf32>
    %sub3A_1381 = arith.subf %sub3A_1379, %sub3A_1380 : vector<128x128xf32>
    %integer_pow3A_1382 = arith.mulf %sub3A_1381, %sub3A_1381 : vector<128x128xf32>
    %min3A_1383 = arith.minimumf %min3A_1312, %integer_pow3A_1382 : vector<128x128xf32>
    %sub3A_1384 = vector.broadcast %slice3A_1368 : vector<128x1xf32> to vector<128x128xf32>
    %sub3A_1385 = vector.broadcast %slice3A_1286 : vector<1x128xf32> to vector<128x128xf32>
    %sub3A_1386 = arith.subf %sub3A_1384, %sub3A_1385 : vector<128x128xf32>
    %integer_pow3A_1387 = arith.mulf %sub3A_1386, %sub3A_1386 : vector<128x128xf32>
    %min3A_1388 = arith.minimumf %min3A_1317, %integer_pow3A_1387 : vector<128x128xf32>
    %sub3A_1389 = vector.broadcast %slice3A_1368 : vector<128x1xf32> to vector<128x128xf32>
    %sub3A_1390 = vector.broadcast %slice3A_1287 : vector<1x128xf32> to vector<128x128xf32>
    %sub3A_1391 = arith.subf %sub3A_1389, %sub3A_1390 : vector<128x128xf32>
    %integer_pow3A_1392 = arith.mulf %sub3A_1391, %sub3A_1391 : vector<128x128xf32>
    %min3A_1393 = arith.minimumf %min3A_1322, %integer_pow3A_1392 : vector<128x128xf32>
    %sub3A_1394 = vector.broadcast %slice3A_1368 : vector<128x1xf32> to vector<128x128xf32>
    %sub3A_1395 = vector.broadcast %slice3A_1288 : vector<1x128xf32> to vector<128x128xf32>
    %sub3A_1396 = arith.subf %sub3A_1394, %sub3A_1395 : vector<128x128xf32>
    %integer_pow3A_1397 = arith.mulf %sub3A_1396, %sub3A_1396 : vector<128x128xf32>
    %min3A_1398 = arith.minimumf %min3A_1327, %integer_pow3A_1397 : vector<128x128xf32>
    %sub3A_1399 = vector.broadcast %slice3A_1368 : vector<128x1xf32> to vector<128x128xf32>
    %sub3A_1400 = vector.broadcast %slice3A_1289 : vector<1x128xf32> to vector<128x128xf32>
    %sub3A_1401 = arith.subf %sub3A_1399, %sub3A_1400 : vector<128x128xf32>
    %integer_pow3A_1402 = arith.mulf %sub3A_1401, %sub3A_1401 : vector<128x128xf32>
    %min3A_1403 = arith.minimumf %min3A_1332, %integer_pow3A_1402 : vector<128x128xf32>
    %sub3A_1404 = vector.broadcast %slice3A_1368 : vector<128x1xf32> to vector<128x128xf32>
    %sub3A_1405 = vector.broadcast %slice3A_1290 : vector<1x128xf32> to vector<128x128xf32>
    %sub3A_1406 = arith.subf %sub3A_1404, %sub3A_1405 : vector<128x128xf32>
    %integer_pow3A_1407 = arith.mulf %sub3A_1406, %sub3A_1406 : vector<128x128xf32>
    %min3A_1408 = arith.minimumf %min3A_1337, %integer_pow3A_1407 : vector<128x128xf32>
    %sub3A_1409 = vector.broadcast %slice3A_1368 : vector<128x1xf32> to vector<128x128xf32>
    %sub3A_1410 = vector.broadcast %slice3A_1291 : vector<1x128xf32> to vector<128x128xf32>
    %sub3A_1411 = arith.subf %sub3A_1409, %sub3A_1410 : vector<128x128xf32>
    %integer_pow3A_1412 = arith.mulf %sub3A_1411, %sub3A_1411 : vector<128x128xf32>
    %min3A_1413 = arith.minimumf %min3A_1342, %integer_pow3A_1412 : vector<128x128xf32>
    %sub3A_1414 = vector.broadcast %slice3A_1368 : vector<128x1xf32> to vector<128x128xf32>
    %sub3A_1415 = vector.broadcast %slice3A_1292 : vector<1x128xf32> to vector<128x128xf32>
    %sub3A_1416 = arith.subf %sub3A_1414, %sub3A_1415 : vector<128x128xf32>
    %integer_pow3A_1417 = arith.mulf %sub3A_1416, %sub3A_1416 : vector<128x128xf32>
    %min3A_1418 = arith.minimumf %min3A_1347, %integer_pow3A_1417 : vector<128x128xf32>
    %sub3A_1419 = vector.broadcast %slice3A_1368 : vector<128x1xf32> to vector<128x128xf32>
    %sub3A_1420 = vector.broadcast %slice3A_1293 : vector<1x128xf32> to vector<128x128xf32>
    %sub3A_1421 = arith.subf %sub3A_1419, %sub3A_1420 : vector<128x128xf32>
    %integer_pow3A_1422 = arith.mulf %sub3A_1421, %sub3A_1421 : vector<128x128xf32>
    %min3A_1423 = arith.minimumf %min3A_1352, %integer_pow3A_1422 : vector<128x128xf32>
    %sub3A_1424 = vector.broadcast %slice3A_1368 : vector<128x1xf32> to vector<128x128xf32>
    %sub3A_1425 = vector.broadcast %slice3A_1294 : vector<1x128xf32> to vector<128x128xf32>
    %sub3A_1426 = arith.subf %sub3A_1424, %sub3A_1425 : vector<128x128xf32>
    %integer_pow3A_1427 = arith.mulf %sub3A_1426, %sub3A_1426 : vector<128x128xf32>
    %min3A_1428 = arith.minimumf %min3A_1357, %integer_pow3A_1427 : vector<128x128xf32>
    %sub3A_1429 = vector.broadcast %slice3A_1368 : vector<128x1xf32> to vector<128x128xf32>
    %sub3A_1430 = vector.broadcast %slice3A_1295 : vector<1x128xf32> to vector<128x128xf32>
    %sub3A_1431 = arith.subf %sub3A_1429, %sub3A_1430 : vector<128x128xf32>
    %integer_pow3A_1432 = arith.mulf %sub3A_1431, %sub3A_1431 : vector<128x128xf32>
    %min3A_1433 = arith.minimumf %min3A_1362, %integer_pow3A_1432 : vector<128x128xf32>
    %sub3A_1434 = vector.broadcast %slice3A_1368 : vector<128x1xf32> to vector<128x128xf32>
    %sub3A_1435 = vector.broadcast %slice3A_1296 : vector<1x128xf32> to vector<128x128xf32>
    %sub3A_1436 = arith.subf %sub3A_1434, %sub3A_1435 : vector<128x128xf32>
    %integer_pow3A_1437 = arith.mulf %sub3A_1436, %sub3A_1436 : vector<128x128xf32>
    %min3A_1438 = arith.minimumf %min3A_1367, %integer_pow3A_1437 : vector<128x128xf32>
    %slice3A_1439 = vector.extract_strided_slice %transpose3A {offsets = [0, 2], sizes = [128, 1], strides = [1, 1]} : vector<128x16xf32> to vector<128x1xf32>
    %sub3A_1440 = vector.broadcast %slice3A_1439 : vector<128x1xf32> to vector<128x128xf32>
    %sub3A_1441 = vector.broadcast %slice3A_1283 : vector<1x128xf32> to vector<128x128xf32>
    %sub3A_1442 = arith.subf %sub3A_1440, %sub3A_1441 : vector<128x128xf32>
    %integer_pow3A_1443 = arith.mulf %sub3A_1442, %sub3A_1442 : vector<128x128xf32>
    %min3A_1444 = arith.minimumf %min3A_1373, %integer_pow3A_1443 : vector<128x128xf32>
    %sub3A_1445 = vector.broadcast %slice3A_1439 : vector<128x1xf32> to vector<128x128xf32>
    %sub3A_1446 = vector.broadcast %slice3A_1284 : vector<1x128xf32> to vector<128x128xf32>
    %sub3A_1447 = arith.subf %sub3A_1445, %sub3A_1446 : vector<128x128xf32>
    %integer_pow3A_1448 = arith.mulf %sub3A_1447, %sub3A_1447 : vector<128x128xf32>
    %min3A_1449 = arith.minimumf %min3A_1378, %integer_pow3A_1448 : vector<128x128xf32>
    %sub3A_1450 = vector.broadcast %slice3A_1439 : vector<128x1xf32> to vector<128x128xf32>
    %sub3A_1451 = vector.broadcast %slice3A_1285 : vector<1x128xf32> to vector<128x128xf32>
    %sub3A_1452 = arith.subf %sub3A_1450, %sub3A_1451 : vector<128x128xf32>
    %integer_pow3A_1453 = arith.mulf %sub3A_1452, %sub3A_1452 : vector<128x128xf32>
    %min3A_1454 = arith.minimumf %min3A_1383, %integer_pow3A_1453 : vector<128x128xf32>
    %sub3A_1455 = vector.broadcast %slice3A_1439 : vector<128x1xf32> to vector<128x128xf32>
    %sub3A_1456 = vector.broadcast %slice3A_1286 : vector<1x128xf32> to vector<128x128xf32>
    %sub3A_1457 = arith.subf %sub3A_1455, %sub3A_1456 : vector<128x128xf32>
    %integer_pow3A_1458 = arith.mulf %sub3A_1457, %sub3A_1457 : vector<128x128xf32>
    %min3A_1459 = arith.minimumf %min3A_1388, %integer_pow3A_1458 : vector<128x128xf32>
    %sub3A_1460 = vector.broadcast %slice3A_1439 : vector<128x1xf32> to vector<128x128xf32>
    %sub3A_1461 = vector.broadcast %slice3A_1287 : vector<1x128xf32> to vector<128x128xf32>
    %sub3A_1462 = arith.subf %sub3A_1460, %sub3A_1461 : vector<128x128xf32>
    %integer_pow3A_1463 = arith.mulf %sub3A_1462, %sub3A_1462 : vector<128x128xf32>
    %min3A_1464 = arith.minimumf %min3A_1393, %integer_pow3A_1463 : vector<128x128xf32>
    %sub3A_1465 = vector.broadcast %slice3A_1439 : vector<128x1xf32> to vector<128x128xf32>
    %sub3A_1466 = vector.broadcast %slice3A_1288 : vector<1x128xf32> to vector<128x128xf32>
    %sub3A_1467 = arith.subf %sub3A_1465, %sub3A_1466 : vector<128x128xf32>
    %integer_pow3A_1468 = arith.mulf %sub3A_1467, %sub3A_1467 : vector<128x128xf32>
    %min3A_1469 = arith.minimumf %min3A_1398, %integer_pow3A_1468 : vector<128x128xf32>
    %sub3A_1470 = vector.broadcast %slice3A_1439 : vector<128x1xf32> to vector<128x128xf32>
    %sub3A_1471 = vector.broadcast %slice3A_1289 : vector<1x128xf32> to vector<128x128xf32>
    %sub3A_1472 = arith.subf %sub3A_1470, %sub3A_1471 : vector<128x128xf32>
    %integer_pow3A_1473 = arith.mulf %sub3A_1472, %sub3A_1472 : vector<128x128xf32>
    %min3A_1474 = arith.minimumf %min3A_1403, %integer_pow3A_1473 : vector<128x128xf32>
    %sub3A_1475 = vector.broadcast %slice3A_1439 : vector<128x1xf32> to vector<128x128xf32>
    %sub3A_1476 = vector.broadcast %slice3A_1290 : vector<1x128xf32> to vector<128x128xf32>
    %sub3A_1477 = arith.subf %sub3A_1475, %sub3A_1476 : vector<128x128xf32>
    %integer_pow3A_1478 = arith.mulf %sub3A_1477, %sub3A_1477 : vector<128x128xf32>
    %min3A_1479 = arith.minimumf %min3A_1408, %integer_pow3A_1478 : vector<128x128xf32>
    %sub3A_1480 = vector.broadcast %slice3A_1439 : vector<128x1xf32> to vector<128x128xf32>
    %sub3A_1481 = vector.broadcast %slice3A_1291 : vector<1x128xf32> to vector<128x128xf32>
    %sub3A_1482 = arith.subf %sub3A_1480, %sub3A_1481 : vector<128x128xf32>
    %integer_pow3A_1483 = arith.mulf %sub3A_1482, %sub3A_1482 : vector<128x128xf32>
    %min3A_1484 = arith.minimumf %min3A_1413, %integer_pow3A_1483 : vector<128x128xf32>
    %sub3A_1485 = vector.broadcast %slice3A_1439 : vector<128x1xf32> to vector<128x128xf32>
    %sub3A_1486 = vector.broadcast %slice3A_1292 : vector<1x128xf32> to vector<128x128xf32>
    %sub3A_1487 = arith.subf %sub3A_1485, %sub3A_1486 : vector<128x128xf32>
    %integer_pow3A_1488 = arith.mulf %sub3A_1487, %sub3A_1487 : vector<128x128xf32>
    %min3A_1489 = arith.minimumf %min3A_1418, %integer_pow3A_1488 : vector<128x128xf32>
    %sub3A_1490 = vector.broadcast %slice3A_1439 : vector<128x1xf32> to vector<128x128xf32>
    %sub3A_1491 = vector.broadcast %slice3A_1293 : vector<1x128xf32> to vector<128x128xf32>
    %sub3A_1492 = arith.subf %sub3A_1490, %sub3A_1491 : vector<128x128xf32>
    %integer_pow3A_1493 = arith.mulf %sub3A_1492, %sub3A_1492 : vector<128x128xf32>
    %min3A_1494 = arith.minimumf %min3A_1423, %integer_pow3A_1493 : vector<128x128xf32>
    %sub3A_1495 = vector.broadcast %slice3A_1439 : vector<128x1xf32> to vector<128x128xf32>
    %sub3A_1496 = vector.broadcast %slice3A_1294 : vector<1x128xf32> to vector<128x128xf32>
    %sub3A_1497 = arith.subf %sub3A_1495, %sub3A_1496 : vector<128x128xf32>
    %integer_pow3A_1498 = arith.mulf %sub3A_1497, %sub3A_1497 : vector<128x128xf32>
    %min3A_1499 = arith.minimumf %min3A_1428, %integer_pow3A_1498 : vector<128x128xf32>
    %sub3A_1500 = vector.broadcast %slice3A_1439 : vector<128x1xf32> to vector<128x128xf32>
    %sub3A_1501 = vector.broadcast %slice3A_1295 : vector<1x128xf32> to vector<128x128xf32>
    %sub3A_1502 = arith.subf %sub3A_1500, %sub3A_1501 : vector<128x128xf32>
    %integer_pow3A_1503 = arith.mulf %sub3A_1502, %sub3A_1502 : vector<128x128xf32>
    %min3A_1504 = arith.minimumf %min3A_1433, %integer_pow3A_1503 : vector<128x128xf32>
    %sub3A_1505 = vector.broadcast %slice3A_1439 : vector<128x1xf32> to vector<128x128xf32>
    %sub3A_1506 = vector.broadcast %slice3A_1296 : vector<1x128xf32> to vector<128x128xf32>
    %sub3A_1507 = arith.subf %sub3A_1505, %sub3A_1506 : vector<128x128xf32>
    %integer_pow3A_1508 = arith.mulf %sub3A_1507, %sub3A_1507 : vector<128x128xf32>
    %min3A_1509 = arith.minimumf %min3A_1438, %integer_pow3A_1508 : vector<128x128xf32>
    %slice3A_1510 = vector.extract_strided_slice %transpose3A {offsets = [0, 3], sizes = [128, 1], strides = [1, 1]} : vector<128x16xf32> to vector<128x1xf32>
    %sub3A_1511 = vector.broadcast %slice3A_1510 : vector<128x1xf32> to vector<128x128xf32>
    %sub3A_1512 = vector.broadcast %slice3A_1283 : vector<1x128xf32> to vector<128x128xf32>
    %sub3A_1513 = arith.subf %sub3A_1511, %sub3A_1512 : vector<128x128xf32>
    %integer_pow3A_1514 = arith.mulf %sub3A_1513, %sub3A_1513 : vector<128x128xf32>
    %min3A_1515 = arith.minimumf %min3A_1444, %integer_pow3A_1514 : vector<128x128xf32>
    %sub3A_1516 = vector.broadcast %slice3A_1510 : vector<128x1xf32> to vector<128x128xf32>
    %sub3A_1517 = vector.broadcast %slice3A_1284 : vector<1x128xf32> to vector<128x128xf32>
    %sub3A_1518 = arith.subf %sub3A_1516, %sub3A_1517 : vector<128x128xf32>
    %integer_pow3A_1519 = arith.mulf %sub3A_1518, %sub3A_1518 : vector<128x128xf32>
    %min3A_1520 = arith.minimumf %min3A_1449, %integer_pow3A_1519 : vector<128x128xf32>
    %sub3A_1521 = vector.broadcast %slice3A_1510 : vector<128x1xf32> to vector<128x128xf32>
    %sub3A_1522 = vector.broadcast %slice3A_1285 : vector<1x128xf32> to vector<128x128xf32>
    %sub3A_1523 = arith.subf %sub3A_1521, %sub3A_1522 : vector<128x128xf32>
    %integer_pow3A_1524 = arith.mulf %sub3A_1523, %sub3A_1523 : vector<128x128xf32>
    %min3A_1525 = arith.minimumf %min3A_1454, %integer_pow3A_1524 : vector<128x128xf32>
    %sub3A_1526 = vector.broadcast %slice3A_1510 : vector<128x1xf32> to vector<128x128xf32>
    %sub3A_1527 = vector.broadcast %slice3A_1286 : vector<1x128xf32> to vector<128x128xf32>
    %sub3A_1528 = arith.subf %sub3A_1526, %sub3A_1527 : vector<128x128xf32>
    %integer_pow3A_1529 = arith.mulf %sub3A_1528, %sub3A_1528 : vector<128x128xf32>
    %min3A_1530 = arith.minimumf %min3A_1459, %integer_pow3A_1529 : vector<128x128xf32>
    %sub3A_1531 = vector.broadcast %slice3A_1510 : vector<128x1xf32> to vector<128x128xf32>
    %sub3A_1532 = vector.broadcast %slice3A_1287 : vector<1x128xf32> to vector<128x128xf32>
    %sub3A_1533 = arith.subf %sub3A_1531, %sub3A_1532 : vector<128x128xf32>
    %integer_pow3A_1534 = arith.mulf %sub3A_1533, %sub3A_1533 : vector<128x128xf32>
    %min3A_1535 = arith.minimumf %min3A_1464, %integer_pow3A_1534 : vector<128x128xf32>
    %sub3A_1536 = vector.broadcast %slice3A_1510 : vector<128x1xf32> to vector<128x128xf32>
    %sub3A_1537 = vector.broadcast %slice3A_1288 : vector<1x128xf32> to vector<128x128xf32>
    %sub3A_1538 = arith.subf %sub3A_1536, %sub3A_1537 : vector<128x128xf32>
    %integer_pow3A_1539 = arith.mulf %sub3A_1538, %sub3A_1538 : vector<128x128xf32>
    %min3A_1540 = arith.minimumf %min3A_1469, %integer_pow3A_1539 : vector<128x128xf32>
    %sub3A_1541 = vector.broadcast %slice3A_1510 : vector<128x1xf32> to vector<128x128xf32>
    %sub3A_1542 = vector.broadcast %slice3A_1289 : vector<1x128xf32> to vector<128x128xf32>
    %sub3A_1543 = arith.subf %sub3A_1541, %sub3A_1542 : vector<128x128xf32>
    %integer_pow3A_1544 = arith.mulf %sub3A_1543, %sub3A_1543 : vector<128x128xf32>
    %min3A_1545 = arith.minimumf %min3A_1474, %integer_pow3A_1544 : vector<128x128xf32>
    %sub3A_1546 = vector.broadcast %slice3A_1510 : vector<128x1xf32> to vector<128x128xf32>
    %sub3A_1547 = vector.broadcast %slice3A_1290 : vector<1x128xf32> to vector<128x128xf32>
    %sub3A_1548 = arith.subf %sub3A_1546, %sub3A_1547 : vector<128x128xf32>
    %integer_pow3A_1549 = arith.mulf %sub3A_1548, %sub3A_1548 : vector<128x128xf32>
    %min3A_1550 = arith.minimumf %min3A_1479, %integer_pow3A_1549 : vector<128x128xf32>
    %sub3A_1551 = vector.broadcast %slice3A_1510 : vector<128x1xf32> to vector<128x128xf32>
    %sub3A_1552 = vector.broadcast %slice3A_1291 : vector<1x128xf32> to vector<128x128xf32>
    %sub3A_1553 = arith.subf %sub3A_1551, %sub3A_1552 : vector<128x128xf32>
    %integer_pow3A_1554 = arith.mulf %sub3A_1553, %sub3A_1553 : vector<128x128xf32>
    %min3A_1555 = arith.minimumf %min3A_1484, %integer_pow3A_1554 : vector<128x128xf32>
    %sub3A_1556 = vector.broadcast %slice3A_1510 : vector<128x1xf32> to vector<128x128xf32>
    %sub3A_1557 = vector.broadcast %slice3A_1292 : vector<1x128xf32> to vector<128x128xf32>
    %sub3A_1558 = arith.subf %sub3A_1556, %sub3A_1557 : vector<128x128xf32>
    %integer_pow3A_1559 = arith.mulf %sub3A_1558, %sub3A_1558 : vector<128x128xf32>
    %min3A_1560 = arith.minimumf %min3A_1489, %integer_pow3A_1559 : vector<128x128xf32>
    %sub3A_1561 = vector.broadcast %slice3A_1510 : vector<128x1xf32> to vector<128x128xf32>
    %sub3A_1562 = vector.broadcast %slice3A_1293 : vector<1x128xf32> to vector<128x128xf32>
    %sub3A_1563 = arith.subf %sub3A_1561, %sub3A_1562 : vector<128x128xf32>
    %integer_pow3A_1564 = arith.mulf %sub3A_1563, %sub3A_1563 : vector<128x128xf32>
    %min3A_1565 = arith.minimumf %min3A_1494, %integer_pow3A_1564 : vector<128x128xf32>
    %sub3A_1566 = vector.broadcast %slice3A_1510 : vector<128x1xf32> to vector<128x128xf32>
    %sub3A_1567 = vector.broadcast %slice3A_1294 : vector<1x128xf32> to vector<128x128xf32>
    %sub3A_1568 = arith.subf %sub3A_1566, %sub3A_1567 : vector<128x128xf32>
    %integer_pow3A_1569 = arith.mulf %sub3A_1568, %sub3A_1568 : vector<128x128xf32>
    %min3A_1570 = arith.minimumf %min3A_1499, %integer_pow3A_1569 : vector<128x128xf32>
    %sub3A_1571 = vector.broadcast %slice3A_1510 : vector<128x1xf32> to vector<128x128xf32>
    %sub3A_1572 = vector.broadcast %slice3A_1295 : vector<1x128xf32> to vector<128x128xf32>
    %sub3A_1573 = arith.subf %sub3A_1571, %sub3A_1572 : vector<128x128xf32>
    %integer_pow3A_1574 = arith.mulf %sub3A_1573, %sub3A_1573 : vector<128x128xf32>
    %min3A_1575 = arith.minimumf %min3A_1504, %integer_pow3A_1574 : vector<128x128xf32>
    %sub3A_1576 = vector.broadcast %slice3A_1510 : vector<128x1xf32> to vector<128x128xf32>
    %sub3A_1577 = vector.broadcast %slice3A_1296 : vector<1x128xf32> to vector<128x128xf32>
    %sub3A_1578 = arith.subf %sub3A_1576, %sub3A_1577 : vector<128x128xf32>
    %integer_pow3A_1579 = arith.mulf %sub3A_1578, %sub3A_1578 : vector<128x128xf32>
    %min3A_1580 = arith.minimumf %min3A_1509, %integer_pow3A_1579 : vector<128x128xf32>
    %slice3A_1581 = vector.extract_strided_slice %transpose3A {offsets = [0, 4], sizes = [128, 1], strides = [1, 1]} : vector<128x16xf32> to vector<128x1xf32>
    %sub3A_1582 = vector.broadcast %slice3A_1581 : vector<128x1xf32> to vector<128x128xf32>
    %sub3A_1583 = vector.broadcast %slice3A_1283 : vector<1x128xf32> to vector<128x128xf32>
    %sub3A_1584 = arith.subf %sub3A_1582, %sub3A_1583 : vector<128x128xf32>
    %integer_pow3A_1585 = arith.mulf %sub3A_1584, %sub3A_1584 : vector<128x128xf32>
    %min3A_1586 = arith.minimumf %min3A_1515, %integer_pow3A_1585 : vector<128x128xf32>
    %sub3A_1587 = vector.broadcast %slice3A_1581 : vector<128x1xf32> to vector<128x128xf32>
    %sub3A_1588 = vector.broadcast %slice3A_1284 : vector<1x128xf32> to vector<128x128xf32>
    %sub3A_1589 = arith.subf %sub3A_1587, %sub3A_1588 : vector<128x128xf32>
    %integer_pow3A_1590 = arith.mulf %sub3A_1589, %sub3A_1589 : vector<128x128xf32>
    %min3A_1591 = arith.minimumf %min3A_1520, %integer_pow3A_1590 : vector<128x128xf32>
    %sub3A_1592 = vector.broadcast %slice3A_1581 : vector<128x1xf32> to vector<128x128xf32>
    %sub3A_1593 = vector.broadcast %slice3A_1285 : vector<1x128xf32> to vector<128x128xf32>
    %sub3A_1594 = arith.subf %sub3A_1592, %sub3A_1593 : vector<128x128xf32>
    %integer_pow3A_1595 = arith.mulf %sub3A_1594, %sub3A_1594 : vector<128x128xf32>
    %min3A_1596 = arith.minimumf %min3A_1525, %integer_pow3A_1595 : vector<128x128xf32>
    %sub3A_1597 = vector.broadcast %slice3A_1581 : vector<128x1xf32> to vector<128x128xf32>
    %sub3A_1598 = vector.broadcast %slice3A_1286 : vector<1x128xf32> to vector<128x128xf32>
    %sub3A_1599 = arith.subf %sub3A_1597, %sub3A_1598 : vector<128x128xf32>
    %integer_pow3A_1600 = arith.mulf %sub3A_1599, %sub3A_1599 : vector<128x128xf32>
    %min3A_1601 = arith.minimumf %min3A_1530, %integer_pow3A_1600 : vector<128x128xf32>
    %sub3A_1602 = vector.broadcast %slice3A_1581 : vector<128x1xf32> to vector<128x128xf32>
    %sub3A_1603 = vector.broadcast %slice3A_1287 : vector<1x128xf32> to vector<128x128xf32>
    %sub3A_1604 = arith.subf %sub3A_1602, %sub3A_1603 : vector<128x128xf32>
    %integer_pow3A_1605 = arith.mulf %sub3A_1604, %sub3A_1604 : vector<128x128xf32>
    %min3A_1606 = arith.minimumf %min3A_1535, %integer_pow3A_1605 : vector<128x128xf32>
    %sub3A_1607 = vector.broadcast %slice3A_1581 : vector<128x1xf32> to vector<128x128xf32>
    %sub3A_1608 = vector.broadcast %slice3A_1288 : vector<1x128xf32> to vector<128x128xf32>
    %sub3A_1609 = arith.subf %sub3A_1607, %sub3A_1608 : vector<128x128xf32>
    %integer_pow3A_1610 = arith.mulf %sub3A_1609, %sub3A_1609 : vector<128x128xf32>
    %min3A_1611 = arith.minimumf %min3A_1540, %integer_pow3A_1610 : vector<128x128xf32>
    %sub3A_1612 = vector.broadcast %slice3A_1581 : vector<128x1xf32> to vector<128x128xf32>
    %sub3A_1613 = vector.broadcast %slice3A_1289 : vector<1x128xf32> to vector<128x128xf32>
    %sub3A_1614 = arith.subf %sub3A_1612, %sub3A_1613 : vector<128x128xf32>
    %integer_pow3A_1615 = arith.mulf %sub3A_1614, %sub3A_1614 : vector<128x128xf32>
    %min3A_1616 = arith.minimumf %min3A_1545, %integer_pow3A_1615 : vector<128x128xf32>
    %sub3A_1617 = vector.broadcast %slice3A_1581 : vector<128x1xf32> to vector<128x128xf32>
    %sub3A_1618 = vector.broadcast %slice3A_1290 : vector<1x128xf32> to vector<128x128xf32>
    %sub3A_1619 = arith.subf %sub3A_1617, %sub3A_1618 : vector<128x128xf32>
    %integer_pow3A_1620 = arith.mulf %sub3A_1619, %sub3A_1619 : vector<128x128xf32>
    %min3A_1621 = arith.minimumf %min3A_1550, %integer_pow3A_1620 : vector<128x128xf32>
    %sub3A_1622 = vector.broadcast %slice3A_1581 : vector<128x1xf32> to vector<128x128xf32>
    %sub3A_1623 = vector.broadcast %slice3A_1291 : vector<1x128xf32> to vector<128x128xf32>
    %sub3A_1624 = arith.subf %sub3A_1622, %sub3A_1623 : vector<128x128xf32>
    %integer_pow3A_1625 = arith.mulf %sub3A_1624, %sub3A_1624 : vector<128x128xf32>
    %min3A_1626 = arith.minimumf %min3A_1555, %integer_pow3A_1625 : vector<128x128xf32>
    %sub3A_1627 = vector.broadcast %slice3A_1581 : vector<128x1xf32> to vector<128x128xf32>
    %sub3A_1628 = vector.broadcast %slice3A_1292 : vector<1x128xf32> to vector<128x128xf32>
    %sub3A_1629 = arith.subf %sub3A_1627, %sub3A_1628 : vector<128x128xf32>
    %integer_pow3A_1630 = arith.mulf %sub3A_1629, %sub3A_1629 : vector<128x128xf32>
    %min3A_1631 = arith.minimumf %min3A_1560, %integer_pow3A_1630 : vector<128x128xf32>
    %sub3A_1632 = vector.broadcast %slice3A_1581 : vector<128x1xf32> to vector<128x128xf32>
    %sub3A_1633 = vector.broadcast %slice3A_1293 : vector<1x128xf32> to vector<128x128xf32>
    %sub3A_1634 = arith.subf %sub3A_1632, %sub3A_1633 : vector<128x128xf32>
    %integer_pow3A_1635 = arith.mulf %sub3A_1634, %sub3A_1634 : vector<128x128xf32>
    %min3A_1636 = arith.minimumf %min3A_1565, %integer_pow3A_1635 : vector<128x128xf32>
    %sub3A_1637 = vector.broadcast %slice3A_1581 : vector<128x1xf32> to vector<128x128xf32>
    %sub3A_1638 = vector.broadcast %slice3A_1294 : vector<1x128xf32> to vector<128x128xf32>
    %sub3A_1639 = arith.subf %sub3A_1637, %sub3A_1638 : vector<128x128xf32>
    %integer_pow3A_1640 = arith.mulf %sub3A_1639, %sub3A_1639 : vector<128x128xf32>
    %min3A_1641 = arith.minimumf %min3A_1570, %integer_pow3A_1640 : vector<128x128xf32>
    %sub3A_1642 = vector.broadcast %slice3A_1581 : vector<128x1xf32> to vector<128x128xf32>
    %sub3A_1643 = vector.broadcast %slice3A_1295 : vector<1x128xf32> to vector<128x128xf32>
    %sub3A_1644 = arith.subf %sub3A_1642, %sub3A_1643 : vector<128x128xf32>
    %integer_pow3A_1645 = arith.mulf %sub3A_1644, %sub3A_1644 : vector<128x128xf32>
    %min3A_1646 = arith.minimumf %min3A_1575, %integer_pow3A_1645 : vector<128x128xf32>
    %sub3A_1647 = vector.broadcast %slice3A_1581 : vector<128x1xf32> to vector<128x128xf32>
    %sub3A_1648 = vector.broadcast %slice3A_1296 : vector<1x128xf32> to vector<128x128xf32>
    %sub3A_1649 = arith.subf %sub3A_1647, %sub3A_1648 : vector<128x128xf32>
    %integer_pow3A_1650 = arith.mulf %sub3A_1649, %sub3A_1649 : vector<128x128xf32>
    %min3A_1651 = arith.minimumf %min3A_1580, %integer_pow3A_1650 : vector<128x128xf32>
    %slice3A_1652 = vector.extract_strided_slice %transpose3A {offsets = [0, 5], sizes = [128, 1], strides = [1, 1]} : vector<128x16xf32> to vector<128x1xf32>
    %sub3A_1653 = vector.broadcast %slice3A_1652 : vector<128x1xf32> to vector<128x128xf32>
    %sub3A_1654 = vector.broadcast %slice3A_1283 : vector<1x128xf32> to vector<128x128xf32>
    %sub3A_1655 = arith.subf %sub3A_1653, %sub3A_1654 : vector<128x128xf32>
    %integer_pow3A_1656 = arith.mulf %sub3A_1655, %sub3A_1655 : vector<128x128xf32>
    %min3A_1657 = arith.minimumf %min3A_1586, %integer_pow3A_1656 : vector<128x128xf32>
    %sub3A_1658 = vector.broadcast %slice3A_1652 : vector<128x1xf32> to vector<128x128xf32>
    %sub3A_1659 = vector.broadcast %slice3A_1284 : vector<1x128xf32> to vector<128x128xf32>
    %sub3A_1660 = arith.subf %sub3A_1658, %sub3A_1659 : vector<128x128xf32>
    %integer_pow3A_1661 = arith.mulf %sub3A_1660, %sub3A_1660 : vector<128x128xf32>
    %min3A_1662 = arith.minimumf %min3A_1591, %integer_pow3A_1661 : vector<128x128xf32>
    %sub3A_1663 = vector.broadcast %slice3A_1652 : vector<128x1xf32> to vector<128x128xf32>
    %sub3A_1664 = vector.broadcast %slice3A_1285 : vector<1x128xf32> to vector<128x128xf32>
    %sub3A_1665 = arith.subf %sub3A_1663, %sub3A_1664 : vector<128x128xf32>
    %integer_pow3A_1666 = arith.mulf %sub3A_1665, %sub3A_1665 : vector<128x128xf32>
    %min3A_1667 = arith.minimumf %min3A_1596, %integer_pow3A_1666 : vector<128x128xf32>
    %sub3A_1668 = vector.broadcast %slice3A_1652 : vector<128x1xf32> to vector<128x128xf32>
    %sub3A_1669 = vector.broadcast %slice3A_1286 : vector<1x128xf32> to vector<128x128xf32>
    %sub3A_1670 = arith.subf %sub3A_1668, %sub3A_1669 : vector<128x128xf32>
    %integer_pow3A_1671 = arith.mulf %sub3A_1670, %sub3A_1670 : vector<128x128xf32>
    %min3A_1672 = arith.minimumf %min3A_1601, %integer_pow3A_1671 : vector<128x128xf32>
    %sub3A_1673 = vector.broadcast %slice3A_1652 : vector<128x1xf32> to vector<128x128xf32>
    %sub3A_1674 = vector.broadcast %slice3A_1287 : vector<1x128xf32> to vector<128x128xf32>
    %sub3A_1675 = arith.subf %sub3A_1673, %sub3A_1674 : vector<128x128xf32>
    %integer_pow3A_1676 = arith.mulf %sub3A_1675, %sub3A_1675 : vector<128x128xf32>
    %min3A_1677 = arith.minimumf %min3A_1606, %integer_pow3A_1676 : vector<128x128xf32>
    %sub3A_1678 = vector.broadcast %slice3A_1652 : vector<128x1xf32> to vector<128x128xf32>
    %sub3A_1679 = vector.broadcast %slice3A_1288 : vector<1x128xf32> to vector<128x128xf32>
    %sub3A_1680 = arith.subf %sub3A_1678, %sub3A_1679 : vector<128x128xf32>
    %integer_pow3A_1681 = arith.mulf %sub3A_1680, %sub3A_1680 : vector<128x128xf32>
    %min3A_1682 = arith.minimumf %min3A_1611, %integer_pow3A_1681 : vector<128x128xf32>
    %sub3A_1683 = vector.broadcast %slice3A_1652 : vector<128x1xf32> to vector<128x128xf32>
    %sub3A_1684 = vector.broadcast %slice3A_1289 : vector<1x128xf32> to vector<128x128xf32>
    %sub3A_1685 = arith.subf %sub3A_1683, %sub3A_1684 : vector<128x128xf32>
    %integer_pow3A_1686 = arith.mulf %sub3A_1685, %sub3A_1685 : vector<128x128xf32>
    %min3A_1687 = arith.minimumf %min3A_1616, %integer_pow3A_1686 : vector<128x128xf32>
    %sub3A_1688 = vector.broadcast %slice3A_1652 : vector<128x1xf32> to vector<128x128xf32>
    %sub3A_1689 = vector.broadcast %slice3A_1290 : vector<1x128xf32> to vector<128x128xf32>
    %sub3A_1690 = arith.subf %sub3A_1688, %sub3A_1689 : vector<128x128xf32>
    %integer_pow3A_1691 = arith.mulf %sub3A_1690, %sub3A_1690 : vector<128x128xf32>
    %min3A_1692 = arith.minimumf %min3A_1621, %integer_pow3A_1691 : vector<128x128xf32>
    %sub3A_1693 = vector.broadcast %slice3A_1652 : vector<128x1xf32> to vector<128x128xf32>
    %sub3A_1694 = vector.broadcast %slice3A_1291 : vector<1x128xf32> to vector<128x128xf32>
    %sub3A_1695 = arith.subf %sub3A_1693, %sub3A_1694 : vector<128x128xf32>
    %integer_pow3A_1696 = arith.mulf %sub3A_1695, %sub3A_1695 : vector<128x128xf32>
    %min3A_1697 = arith.minimumf %min3A_1626, %integer_pow3A_1696 : vector<128x128xf32>
    %sub3A_1698 = vector.broadcast %slice3A_1652 : vector<128x1xf32> to vector<128x128xf32>
    %sub3A_1699 = vector.broadcast %slice3A_1292 : vector<1x128xf32> to vector<128x128xf32>
    %sub3A_1700 = arith.subf %sub3A_1698, %sub3A_1699 : vector<128x128xf32>
    %integer_pow3A_1701 = arith.mulf %sub3A_1700, %sub3A_1700 : vector<128x128xf32>
    %min3A_1702 = arith.minimumf %min3A_1631, %integer_pow3A_1701 : vector<128x128xf32>
    %sub3A_1703 = vector.broadcast %slice3A_1652 : vector<128x1xf32> to vector<128x128xf32>
    %sub3A_1704 = vector.broadcast %slice3A_1293 : vector<1x128xf32> to vector<128x128xf32>
    %sub3A_1705 = arith.subf %sub3A_1703, %sub3A_1704 : vector<128x128xf32>
    %integer_pow3A_1706 = arith.mulf %sub3A_1705, %sub3A_1705 : vector<128x128xf32>
    %min3A_1707 = arith.minimumf %min3A_1636, %integer_pow3A_1706 : vector<128x128xf32>
    %sub3A_1708 = vector.broadcast %slice3A_1652 : vector<128x1xf32> to vector<128x128xf32>
    %sub3A_1709 = vector.broadcast %slice3A_1294 : vector<1x128xf32> to vector<128x128xf32>
    %sub3A_1710 = arith.subf %sub3A_1708, %sub3A_1709 : vector<128x128xf32>
    %integer_pow3A_1711 = arith.mulf %sub3A_1710, %sub3A_1710 : vector<128x128xf32>
    %min3A_1712 = arith.minimumf %min3A_1641, %integer_pow3A_1711 : vector<128x128xf32>
    %sub3A_1713 = vector.broadcast %slice3A_1652 : vector<128x1xf32> to vector<128x128xf32>
    %sub3A_1714 = vector.broadcast %slice3A_1295 : vector<1x128xf32> to vector<128x128xf32>
    %sub3A_1715 = arith.subf %sub3A_1713, %sub3A_1714 : vector<128x128xf32>
    %integer_pow3A_1716 = arith.mulf %sub3A_1715, %sub3A_1715 : vector<128x128xf32>
    %min3A_1717 = arith.minimumf %min3A_1646, %integer_pow3A_1716 : vector<128x128xf32>
    %sub3A_1718 = vector.broadcast %slice3A_1652 : vector<128x1xf32> to vector<128x128xf32>
    %sub3A_1719 = vector.broadcast %slice3A_1296 : vector<1x128xf32> to vector<128x128xf32>
    %sub3A_1720 = arith.subf %sub3A_1718, %sub3A_1719 : vector<128x128xf32>
    %integer_pow3A_1721 = arith.mulf %sub3A_1720, %sub3A_1720 : vector<128x128xf32>
    %min3A_1722 = arith.minimumf %min3A_1651, %integer_pow3A_1721 : vector<128x128xf32>
    %slice3A_1723 = vector.extract_strided_slice %transpose3A {offsets = [0, 6], sizes = [128, 1], strides = [1, 1]} : vector<128x16xf32> to vector<128x1xf32>
    %sub3A_1724 = vector.broadcast %slice3A_1723 : vector<128x1xf32> to vector<128x128xf32>
    %sub3A_1725 = vector.broadcast %slice3A_1283 : vector<1x128xf32> to vector<128x128xf32>
    %sub3A_1726 = arith.subf %sub3A_1724, %sub3A_1725 : vector<128x128xf32>
    %integer_pow3A_1727 = arith.mulf %sub3A_1726, %sub3A_1726 : vector<128x128xf32>
    %min3A_1728 = arith.minimumf %min3A_1657, %integer_pow3A_1727 : vector<128x128xf32>
    %sub3A_1729 = vector.broadcast %slice3A_1723 : vector<128x1xf32> to vector<128x128xf32>
    %sub3A_1730 = vector.broadcast %slice3A_1284 : vector<1x128xf32> to vector<128x128xf32>
    %sub3A_1731 = arith.subf %sub3A_1729, %sub3A_1730 : vector<128x128xf32>
    %integer_pow3A_1732 = arith.mulf %sub3A_1731, %sub3A_1731 : vector<128x128xf32>
    %min3A_1733 = arith.minimumf %min3A_1662, %integer_pow3A_1732 : vector<128x128xf32>
    %sub3A_1734 = vector.broadcast %slice3A_1723 : vector<128x1xf32> to vector<128x128xf32>
    %sub3A_1735 = vector.broadcast %slice3A_1285 : vector<1x128xf32> to vector<128x128xf32>
    %sub3A_1736 = arith.subf %sub3A_1734, %sub3A_1735 : vector<128x128xf32>
    %integer_pow3A_1737 = arith.mulf %sub3A_1736, %sub3A_1736 : vector<128x128xf32>
    %min3A_1738 = arith.minimumf %min3A_1667, %integer_pow3A_1737 : vector<128x128xf32>
    %sub3A_1739 = vector.broadcast %slice3A_1723 : vector<128x1xf32> to vector<128x128xf32>
    %sub3A_1740 = vector.broadcast %slice3A_1286 : vector<1x128xf32> to vector<128x128xf32>
    %sub3A_1741 = arith.subf %sub3A_1739, %sub3A_1740 : vector<128x128xf32>
    %integer_pow3A_1742 = arith.mulf %sub3A_1741, %sub3A_1741 : vector<128x128xf32>
    %min3A_1743 = arith.minimumf %min3A_1672, %integer_pow3A_1742 : vector<128x128xf32>
    %sub3A_1744 = vector.broadcast %slice3A_1723 : vector<128x1xf32> to vector<128x128xf32>
    %sub3A_1745 = vector.broadcast %slice3A_1287 : vector<1x128xf32> to vector<128x128xf32>
    %sub3A_1746 = arith.subf %sub3A_1744, %sub3A_1745 : vector<128x128xf32>
    %integer_pow3A_1747 = arith.mulf %sub3A_1746, %sub3A_1746 : vector<128x128xf32>
    %min3A_1748 = arith.minimumf %min3A_1677, %integer_pow3A_1747 : vector<128x128xf32>
    %sub3A_1749 = vector.broadcast %slice3A_1723 : vector<128x1xf32> to vector<128x128xf32>
    %sub3A_1750 = vector.broadcast %slice3A_1288 : vector<1x128xf32> to vector<128x128xf32>
    %sub3A_1751 = arith.subf %sub3A_1749, %sub3A_1750 : vector<128x128xf32>
    %integer_pow3A_1752 = arith.mulf %sub3A_1751, %sub3A_1751 : vector<128x128xf32>
    %min3A_1753 = arith.minimumf %min3A_1682, %integer_pow3A_1752 : vector<128x128xf32>
    %sub3A_1754 = vector.broadcast %slice3A_1723 : vector<128x1xf32> to vector<128x128xf32>
    %sub3A_1755 = vector.broadcast %slice3A_1289 : vector<1x128xf32> to vector<128x128xf32>
    %sub3A_1756 = arith.subf %sub3A_1754, %sub3A_1755 : vector<128x128xf32>
    %integer_pow3A_1757 = arith.mulf %sub3A_1756, %sub3A_1756 : vector<128x128xf32>
    %min3A_1758 = arith.minimumf %min3A_1687, %integer_pow3A_1757 : vector<128x128xf32>
    %sub3A_1759 = vector.broadcast %slice3A_1723 : vector<128x1xf32> to vector<128x128xf32>
    %sub3A_1760 = vector.broadcast %slice3A_1290 : vector<1x128xf32> to vector<128x128xf32>
    %sub3A_1761 = arith.subf %sub3A_1759, %sub3A_1760 : vector<128x128xf32>
    %integer_pow3A_1762 = arith.mulf %sub3A_1761, %sub3A_1761 : vector<128x128xf32>
    %min3A_1763 = arith.minimumf %min3A_1692, %integer_pow3A_1762 : vector<128x128xf32>
    %sub3A_1764 = vector.broadcast %slice3A_1723 : vector<128x1xf32> to vector<128x128xf32>
    %sub3A_1765 = vector.broadcast %slice3A_1291 : vector<1x128xf32> to vector<128x128xf32>
    %sub3A_1766 = arith.subf %sub3A_1764, %sub3A_1765 : vector<128x128xf32>
    %integer_pow3A_1767 = arith.mulf %sub3A_1766, %sub3A_1766 : vector<128x128xf32>
    %min3A_1768 = arith.minimumf %min3A_1697, %integer_pow3A_1767 : vector<128x128xf32>
    %sub3A_1769 = vector.broadcast %slice3A_1723 : vector<128x1xf32> to vector<128x128xf32>
    %sub3A_1770 = vector.broadcast %slice3A_1292 : vector<1x128xf32> to vector<128x128xf32>
    %sub3A_1771 = arith.subf %sub3A_1769, %sub3A_1770 : vector<128x128xf32>
    %integer_pow3A_1772 = arith.mulf %sub3A_1771, %sub3A_1771 : vector<128x128xf32>
    %min3A_1773 = arith.minimumf %min3A_1702, %integer_pow3A_1772 : vector<128x128xf32>
    %sub3A_1774 = vector.broadcast %slice3A_1723 : vector<128x1xf32> to vector<128x128xf32>
    %sub3A_1775 = vector.broadcast %slice3A_1293 : vector<1x128xf32> to vector<128x128xf32>
    %sub3A_1776 = arith.subf %sub3A_1774, %sub3A_1775 : vector<128x128xf32>
    %integer_pow3A_1777 = arith.mulf %sub3A_1776, %sub3A_1776 : vector<128x128xf32>
    %min3A_1778 = arith.minimumf %min3A_1707, %integer_pow3A_1777 : vector<128x128xf32>
    %sub3A_1779 = vector.broadcast %slice3A_1723 : vector<128x1xf32> to vector<128x128xf32>
    %sub3A_1780 = vector.broadcast %slice3A_1294 : vector<1x128xf32> to vector<128x128xf32>
    %sub3A_1781 = arith.subf %sub3A_1779, %sub3A_1780 : vector<128x128xf32>
    %integer_pow3A_1782 = arith.mulf %sub3A_1781, %sub3A_1781 : vector<128x128xf32>
    %min3A_1783 = arith.minimumf %min3A_1712, %integer_pow3A_1782 : vector<128x128xf32>
    %sub3A_1784 = vector.broadcast %slice3A_1723 : vector<128x1xf32> to vector<128x128xf32>
    %sub3A_1785 = vector.broadcast %slice3A_1295 : vector<1x128xf32> to vector<128x128xf32>
    %sub3A_1786 = arith.subf %sub3A_1784, %sub3A_1785 : vector<128x128xf32>
    %integer_pow3A_1787 = arith.mulf %sub3A_1786, %sub3A_1786 : vector<128x128xf32>
    %min3A_1788 = arith.minimumf %min3A_1717, %integer_pow3A_1787 : vector<128x128xf32>
    %sub3A_1789 = vector.broadcast %slice3A_1723 : vector<128x1xf32> to vector<128x128xf32>
    %sub3A_1790 = vector.broadcast %slice3A_1296 : vector<1x128xf32> to vector<128x128xf32>
    %sub3A_1791 = arith.subf %sub3A_1789, %sub3A_1790 : vector<128x128xf32>
    %integer_pow3A_1792 = arith.mulf %sub3A_1791, %sub3A_1791 : vector<128x128xf32>
    %min3A_1793 = arith.minimumf %min3A_1722, %integer_pow3A_1792 : vector<128x128xf32>
    %slice3A_1794 = vector.extract_strided_slice %transpose3A {offsets = [0, 7], sizes = [128, 1], strides = [1, 1]} : vector<128x16xf32> to vector<128x1xf32>
    %sub3A_1795 = vector.broadcast %slice3A_1794 : vector<128x1xf32> to vector<128x128xf32>
    %sub3A_1796 = vector.broadcast %slice3A_1283 : vector<1x128xf32> to vector<128x128xf32>
    %sub3A_1797 = arith.subf %sub3A_1795, %sub3A_1796 : vector<128x128xf32>
    %integer_pow3A_1798 = arith.mulf %sub3A_1797, %sub3A_1797 : vector<128x128xf32>
    %min3A_1799 = arith.minimumf %min3A_1728, %integer_pow3A_1798 : vector<128x128xf32>
    %sub3A_1800 = vector.broadcast %slice3A_1794 : vector<128x1xf32> to vector<128x128xf32>
    %sub3A_1801 = vector.broadcast %slice3A_1284 : vector<1x128xf32> to vector<128x128xf32>
    %sub3A_1802 = arith.subf %sub3A_1800, %sub3A_1801 : vector<128x128xf32>
    %integer_pow3A_1803 = arith.mulf %sub3A_1802, %sub3A_1802 : vector<128x128xf32>
    %min3A_1804 = arith.minimumf %min3A_1733, %integer_pow3A_1803 : vector<128x128xf32>
    %sub3A_1805 = vector.broadcast %slice3A_1794 : vector<128x1xf32> to vector<128x128xf32>
    %sub3A_1806 = vector.broadcast %slice3A_1285 : vector<1x128xf32> to vector<128x128xf32>
    %sub3A_1807 = arith.subf %sub3A_1805, %sub3A_1806 : vector<128x128xf32>
    %integer_pow3A_1808 = arith.mulf %sub3A_1807, %sub3A_1807 : vector<128x128xf32>
    %min3A_1809 = arith.minimumf %min3A_1738, %integer_pow3A_1808 : vector<128x128xf32>
    %sub3A_1810 = vector.broadcast %slice3A_1794 : vector<128x1xf32> to vector<128x128xf32>
    %sub3A_1811 = vector.broadcast %slice3A_1286 : vector<1x128xf32> to vector<128x128xf32>
    %sub3A_1812 = arith.subf %sub3A_1810, %sub3A_1811 : vector<128x128xf32>
    %integer_pow3A_1813 = arith.mulf %sub3A_1812, %sub3A_1812 : vector<128x128xf32>
    %min3A_1814 = arith.minimumf %min3A_1743, %integer_pow3A_1813 : vector<128x128xf32>
    %sub3A_1815 = vector.broadcast %slice3A_1794 : vector<128x1xf32> to vector<128x128xf32>
    %sub3A_1816 = vector.broadcast %slice3A_1287 : vector<1x128xf32> to vector<128x128xf32>
    %sub3A_1817 = arith.subf %sub3A_1815, %sub3A_1816 : vector<128x128xf32>
    %integer_pow3A_1818 = arith.mulf %sub3A_1817, %sub3A_1817 : vector<128x128xf32>
    %min3A_1819 = arith.minimumf %min3A_1748, %integer_pow3A_1818 : vector<128x128xf32>
    %sub3A_1820 = vector.broadcast %slice3A_1794 : vector<128x1xf32> to vector<128x128xf32>
    %sub3A_1821 = vector.broadcast %slice3A_1288 : vector<1x128xf32> to vector<128x128xf32>
    %sub3A_1822 = arith.subf %sub3A_1820, %sub3A_1821 : vector<128x128xf32>
    %integer_pow3A_1823 = arith.mulf %sub3A_1822, %sub3A_1822 : vector<128x128xf32>
    %min3A_1824 = arith.minimumf %min3A_1753, %integer_pow3A_1823 : vector<128x128xf32>
    %sub3A_1825 = vector.broadcast %slice3A_1794 : vector<128x1xf32> to vector<128x128xf32>
    %sub3A_1826 = vector.broadcast %slice3A_1289 : vector<1x128xf32> to vector<128x128xf32>
    %sub3A_1827 = arith.subf %sub3A_1825, %sub3A_1826 : vector<128x128xf32>
    %integer_pow3A_1828 = arith.mulf %sub3A_1827, %sub3A_1827 : vector<128x128xf32>
    %min3A_1829 = arith.minimumf %min3A_1758, %integer_pow3A_1828 : vector<128x128xf32>
    %sub3A_1830 = vector.broadcast %slice3A_1794 : vector<128x1xf32> to vector<128x128xf32>
    %sub3A_1831 = vector.broadcast %slice3A_1290 : vector<1x128xf32> to vector<128x128xf32>
    %sub3A_1832 = arith.subf %sub3A_1830, %sub3A_1831 : vector<128x128xf32>
    %integer_pow3A_1833 = arith.mulf %sub3A_1832, %sub3A_1832 : vector<128x128xf32>
    %min3A_1834 = arith.minimumf %min3A_1763, %integer_pow3A_1833 : vector<128x128xf32>
    %sub3A_1835 = vector.broadcast %slice3A_1794 : vector<128x1xf32> to vector<128x128xf32>
    %sub3A_1836 = vector.broadcast %slice3A_1291 : vector<1x128xf32> to vector<128x128xf32>
    %sub3A_1837 = arith.subf %sub3A_1835, %sub3A_1836 : vector<128x128xf32>
    %integer_pow3A_1838 = arith.mulf %sub3A_1837, %sub3A_1837 : vector<128x128xf32>
    %min3A_1839 = arith.minimumf %min3A_1768, %integer_pow3A_1838 : vector<128x128xf32>
    %sub3A_1840 = vector.broadcast %slice3A_1794 : vector<128x1xf32> to vector<128x128xf32>
    %sub3A_1841 = vector.broadcast %slice3A_1292 : vector<1x128xf32> to vector<128x128xf32>
    %sub3A_1842 = arith.subf %sub3A_1840, %sub3A_1841 : vector<128x128xf32>
    %integer_pow3A_1843 = arith.mulf %sub3A_1842, %sub3A_1842 : vector<128x128xf32>
    %min3A_1844 = arith.minimumf %min3A_1773, %integer_pow3A_1843 : vector<128x128xf32>
    %sub3A_1845 = vector.broadcast %slice3A_1794 : vector<128x1xf32> to vector<128x128xf32>
    %sub3A_1846 = vector.broadcast %slice3A_1293 : vector<1x128xf32> to vector<128x128xf32>
    %sub3A_1847 = arith.subf %sub3A_1845, %sub3A_1846 : vector<128x128xf32>
    %integer_pow3A_1848 = arith.mulf %sub3A_1847, %sub3A_1847 : vector<128x128xf32>
    %min3A_1849 = arith.minimumf %min3A_1778, %integer_pow3A_1848 : vector<128x128xf32>
    %sub3A_1850 = vector.broadcast %slice3A_1794 : vector<128x1xf32> to vector<128x128xf32>
    %sub3A_1851 = vector.broadcast %slice3A_1294 : vector<1x128xf32> to vector<128x128xf32>
    %sub3A_1852 = arith.subf %sub3A_1850, %sub3A_1851 : vector<128x128xf32>
    %integer_pow3A_1853 = arith.mulf %sub3A_1852, %sub3A_1852 : vector<128x128xf32>
    %min3A_1854 = arith.minimumf %min3A_1783, %integer_pow3A_1853 : vector<128x128xf32>
    %sub3A_1855 = vector.broadcast %slice3A_1794 : vector<128x1xf32> to vector<128x128xf32>
    %sub3A_1856 = vector.broadcast %slice3A_1295 : vector<1x128xf32> to vector<128x128xf32>
    %sub3A_1857 = arith.subf %sub3A_1855, %sub3A_1856 : vector<128x128xf32>
    %integer_pow3A_1858 = arith.mulf %sub3A_1857, %sub3A_1857 : vector<128x128xf32>
    %min3A_1859 = arith.minimumf %min3A_1788, %integer_pow3A_1858 : vector<128x128xf32>
    %sub3A_1860 = vector.broadcast %slice3A_1794 : vector<128x1xf32> to vector<128x128xf32>
    %sub3A_1861 = vector.broadcast %slice3A_1296 : vector<1x128xf32> to vector<128x128xf32>
    %sub3A_1862 = arith.subf %sub3A_1860, %sub3A_1861 : vector<128x128xf32>
    %integer_pow3A_1863 = arith.mulf %sub3A_1862, %sub3A_1862 : vector<128x128xf32>
    %min3A_1864 = arith.minimumf %min3A_1793, %integer_pow3A_1863 : vector<128x128xf32>
    %slice3A_1865 = vector.extract_strided_slice %transpose3A {offsets = [0, 8], sizes = [128, 1], strides = [1, 1]} : vector<128x16xf32> to vector<128x1xf32>
    %sub3A_1866 = vector.broadcast %slice3A_1865 : vector<128x1xf32> to vector<128x128xf32>
    %sub3A_1867 = vector.broadcast %slice3A_1283 : vector<1x128xf32> to vector<128x128xf32>
    %sub3A_1868 = arith.subf %sub3A_1866, %sub3A_1867 : vector<128x128xf32>
    %integer_pow3A_1869 = arith.mulf %sub3A_1868, %sub3A_1868 : vector<128x128xf32>
    %min3A_1870 = arith.minimumf %min3A_1799, %integer_pow3A_1869 : vector<128x128xf32>
    %sub3A_1871 = vector.broadcast %slice3A_1865 : vector<128x1xf32> to vector<128x128xf32>
    %sub3A_1872 = vector.broadcast %slice3A_1284 : vector<1x128xf32> to vector<128x128xf32>
    %sub3A_1873 = arith.subf %sub3A_1871, %sub3A_1872 : vector<128x128xf32>
    %integer_pow3A_1874 = arith.mulf %sub3A_1873, %sub3A_1873 : vector<128x128xf32>
    %min3A_1875 = arith.minimumf %min3A_1804, %integer_pow3A_1874 : vector<128x128xf32>
    %sub3A_1876 = vector.broadcast %slice3A_1865 : vector<128x1xf32> to vector<128x128xf32>
    %sub3A_1877 = vector.broadcast %slice3A_1285 : vector<1x128xf32> to vector<128x128xf32>
    %sub3A_1878 = arith.subf %sub3A_1876, %sub3A_1877 : vector<128x128xf32>
    %integer_pow3A_1879 = arith.mulf %sub3A_1878, %sub3A_1878 : vector<128x128xf32>
    %min3A_1880 = arith.minimumf %min3A_1809, %integer_pow3A_1879 : vector<128x128xf32>
    %sub3A_1881 = vector.broadcast %slice3A_1865 : vector<128x1xf32> to vector<128x128xf32>
    %sub3A_1882 = vector.broadcast %slice3A_1286 : vector<1x128xf32> to vector<128x128xf32>
    %sub3A_1883 = arith.subf %sub3A_1881, %sub3A_1882 : vector<128x128xf32>
    %integer_pow3A_1884 = arith.mulf %sub3A_1883, %sub3A_1883 : vector<128x128xf32>
    %min3A_1885 = arith.minimumf %min3A_1814, %integer_pow3A_1884 : vector<128x128xf32>
    %sub3A_1886 = vector.broadcast %slice3A_1865 : vector<128x1xf32> to vector<128x128xf32>
    %sub3A_1887 = vector.broadcast %slice3A_1287 : vector<1x128xf32> to vector<128x128xf32>
    %sub3A_1888 = arith.subf %sub3A_1886, %sub3A_1887 : vector<128x128xf32>
    %integer_pow3A_1889 = arith.mulf %sub3A_1888, %sub3A_1888 : vector<128x128xf32>
    %min3A_1890 = arith.minimumf %min3A_1819, %integer_pow3A_1889 : vector<128x128xf32>
    %sub3A_1891 = vector.broadcast %slice3A_1865 : vector<128x1xf32> to vector<128x128xf32>
    %sub3A_1892 = vector.broadcast %slice3A_1288 : vector<1x128xf32> to vector<128x128xf32>
    %sub3A_1893 = arith.subf %sub3A_1891, %sub3A_1892 : vector<128x128xf32>
    %integer_pow3A_1894 = arith.mulf %sub3A_1893, %sub3A_1893 : vector<128x128xf32>
    %min3A_1895 = arith.minimumf %min3A_1824, %integer_pow3A_1894 : vector<128x128xf32>
    %sub3A_1896 = vector.broadcast %slice3A_1865 : vector<128x1xf32> to vector<128x128xf32>
    %sub3A_1897 = vector.broadcast %slice3A_1289 : vector<1x128xf32> to vector<128x128xf32>
    %sub3A_1898 = arith.subf %sub3A_1896, %sub3A_1897 : vector<128x128xf32>
    %integer_pow3A_1899 = arith.mulf %sub3A_1898, %sub3A_1898 : vector<128x128xf32>
    %min3A_1900 = arith.minimumf %min3A_1829, %integer_pow3A_1899 : vector<128x128xf32>
    %sub3A_1901 = vector.broadcast %slice3A_1865 : vector<128x1xf32> to vector<128x128xf32>
    %sub3A_1902 = vector.broadcast %slice3A_1290 : vector<1x128xf32> to vector<128x128xf32>
    %sub3A_1903 = arith.subf %sub3A_1901, %sub3A_1902 : vector<128x128xf32>
    %integer_pow3A_1904 = arith.mulf %sub3A_1903, %sub3A_1903 : vector<128x128xf32>
    %min3A_1905 = arith.minimumf %min3A_1834, %integer_pow3A_1904 : vector<128x128xf32>
    %sub3A_1906 = vector.broadcast %slice3A_1865 : vector<128x1xf32> to vector<128x128xf32>
    %sub3A_1907 = vector.broadcast %slice3A_1291 : vector<1x128xf32> to vector<128x128xf32>
    %sub3A_1908 = arith.subf %sub3A_1906, %sub3A_1907 : vector<128x128xf32>
    %integer_pow3A_1909 = arith.mulf %sub3A_1908, %sub3A_1908 : vector<128x128xf32>
    %min3A_1910 = arith.minimumf %min3A_1839, %integer_pow3A_1909 : vector<128x128xf32>
    %sub3A_1911 = vector.broadcast %slice3A_1865 : vector<128x1xf32> to vector<128x128xf32>
    %sub3A_1912 = vector.broadcast %slice3A_1292 : vector<1x128xf32> to vector<128x128xf32>
    %sub3A_1913 = arith.subf %sub3A_1911, %sub3A_1912 : vector<128x128xf32>
    %integer_pow3A_1914 = arith.mulf %sub3A_1913, %sub3A_1913 : vector<128x128xf32>
    %min3A_1915 = arith.minimumf %min3A_1844, %integer_pow3A_1914 : vector<128x128xf32>
    %sub3A_1916 = vector.broadcast %slice3A_1865 : vector<128x1xf32> to vector<128x128xf32>
    %sub3A_1917 = vector.broadcast %slice3A_1293 : vector<1x128xf32> to vector<128x128xf32>
    %sub3A_1918 = arith.subf %sub3A_1916, %sub3A_1917 : vector<128x128xf32>
    %integer_pow3A_1919 = arith.mulf %sub3A_1918, %sub3A_1918 : vector<128x128xf32>
    %min3A_1920 = arith.minimumf %min3A_1849, %integer_pow3A_1919 : vector<128x128xf32>
    %sub3A_1921 = vector.broadcast %slice3A_1865 : vector<128x1xf32> to vector<128x128xf32>
    %sub3A_1922 = vector.broadcast %slice3A_1294 : vector<1x128xf32> to vector<128x128xf32>
    %sub3A_1923 = arith.subf %sub3A_1921, %sub3A_1922 : vector<128x128xf32>
    %integer_pow3A_1924 = arith.mulf %sub3A_1923, %sub3A_1923 : vector<128x128xf32>
    %min3A_1925 = arith.minimumf %min3A_1854, %integer_pow3A_1924 : vector<128x128xf32>
    %sub3A_1926 = vector.broadcast %slice3A_1865 : vector<128x1xf32> to vector<128x128xf32>
    %sub3A_1927 = vector.broadcast %slice3A_1295 : vector<1x128xf32> to vector<128x128xf32>
    %sub3A_1928 = arith.subf %sub3A_1926, %sub3A_1927 : vector<128x128xf32>
    %integer_pow3A_1929 = arith.mulf %sub3A_1928, %sub3A_1928 : vector<128x128xf32>
    %min3A_1930 = arith.minimumf %min3A_1859, %integer_pow3A_1929 : vector<128x128xf32>
    %sub3A_1931 = vector.broadcast %slice3A_1865 : vector<128x1xf32> to vector<128x128xf32>
    %sub3A_1932 = vector.broadcast %slice3A_1296 : vector<1x128xf32> to vector<128x128xf32>
    %sub3A_1933 = arith.subf %sub3A_1931, %sub3A_1932 : vector<128x128xf32>
    %integer_pow3A_1934 = arith.mulf %sub3A_1933, %sub3A_1933 : vector<128x128xf32>
    %min3A_1935 = arith.minimumf %min3A_1864, %integer_pow3A_1934 : vector<128x128xf32>
    %slice3A_1936 = vector.extract_strided_slice %transpose3A {offsets = [0, 9], sizes = [128, 1], strides = [1, 1]} : vector<128x16xf32> to vector<128x1xf32>
    %sub3A_1937 = vector.broadcast %slice3A_1936 : vector<128x1xf32> to vector<128x128xf32>
    %sub3A_1938 = vector.broadcast %slice3A_1283 : vector<1x128xf32> to vector<128x128xf32>
    %sub3A_1939 = arith.subf %sub3A_1937, %sub3A_1938 : vector<128x128xf32>
    %integer_pow3A_1940 = arith.mulf %sub3A_1939, %sub3A_1939 : vector<128x128xf32>
    %min3A_1941 = arith.minimumf %min3A_1870, %integer_pow3A_1940 : vector<128x128xf32>
    %sub3A_1942 = vector.broadcast %slice3A_1936 : vector<128x1xf32> to vector<128x128xf32>
    %sub3A_1943 = vector.broadcast %slice3A_1284 : vector<1x128xf32> to vector<128x128xf32>
    %sub3A_1944 = arith.subf %sub3A_1942, %sub3A_1943 : vector<128x128xf32>
    %integer_pow3A_1945 = arith.mulf %sub3A_1944, %sub3A_1944 : vector<128x128xf32>
    %min3A_1946 = arith.minimumf %min3A_1875, %integer_pow3A_1945 : vector<128x128xf32>
    %sub3A_1947 = vector.broadcast %slice3A_1936 : vector<128x1xf32> to vector<128x128xf32>
    %sub3A_1948 = vector.broadcast %slice3A_1285 : vector<1x128xf32> to vector<128x128xf32>
    %sub3A_1949 = arith.subf %sub3A_1947, %sub3A_1948 : vector<128x128xf32>
    %integer_pow3A_1950 = arith.mulf %sub3A_1949, %sub3A_1949 : vector<128x128xf32>
    %min3A_1951 = arith.minimumf %min3A_1880, %integer_pow3A_1950 : vector<128x128xf32>
    %sub3A_1952 = vector.broadcast %slice3A_1936 : vector<128x1xf32> to vector<128x128xf32>
    %sub3A_1953 = vector.broadcast %slice3A_1286 : vector<1x128xf32> to vector<128x128xf32>
    %sub3A_1954 = arith.subf %sub3A_1952, %sub3A_1953 : vector<128x128xf32>
    %integer_pow3A_1955 = arith.mulf %sub3A_1954, %sub3A_1954 : vector<128x128xf32>
    %min3A_1956 = arith.minimumf %min3A_1885, %integer_pow3A_1955 : vector<128x128xf32>
    %sub3A_1957 = vector.broadcast %slice3A_1936 : vector<128x1xf32> to vector<128x128xf32>
    %sub3A_1958 = vector.broadcast %slice3A_1287 : vector<1x128xf32> to vector<128x128xf32>
    %sub3A_1959 = arith.subf %sub3A_1957, %sub3A_1958 : vector<128x128xf32>
    %integer_pow3A_1960 = arith.mulf %sub3A_1959, %sub3A_1959 : vector<128x128xf32>
    %min3A_1961 = arith.minimumf %min3A_1890, %integer_pow3A_1960 : vector<128x128xf32>
    %sub3A_1962 = vector.broadcast %slice3A_1936 : vector<128x1xf32> to vector<128x128xf32>
    %sub3A_1963 = vector.broadcast %slice3A_1288 : vector<1x128xf32> to vector<128x128xf32>
    %sub3A_1964 = arith.subf %sub3A_1962, %sub3A_1963 : vector<128x128xf32>
    %integer_pow3A_1965 = arith.mulf %sub3A_1964, %sub3A_1964 : vector<128x128xf32>
    %min3A_1966 = arith.minimumf %min3A_1895, %integer_pow3A_1965 : vector<128x128xf32>
    %sub3A_1967 = vector.broadcast %slice3A_1936 : vector<128x1xf32> to vector<128x128xf32>
    %sub3A_1968 = vector.broadcast %slice3A_1289 : vector<1x128xf32> to vector<128x128xf32>
    %sub3A_1969 = arith.subf %sub3A_1967, %sub3A_1968 : vector<128x128xf32>
    %integer_pow3A_1970 = arith.mulf %sub3A_1969, %sub3A_1969 : vector<128x128xf32>
    %min3A_1971 = arith.minimumf %min3A_1900, %integer_pow3A_1970 : vector<128x128xf32>
    %sub3A_1972 = vector.broadcast %slice3A_1936 : vector<128x1xf32> to vector<128x128xf32>
    %sub3A_1973 = vector.broadcast %slice3A_1290 : vector<1x128xf32> to vector<128x128xf32>
    %sub3A_1974 = arith.subf %sub3A_1972, %sub3A_1973 : vector<128x128xf32>
    %integer_pow3A_1975 = arith.mulf %sub3A_1974, %sub3A_1974 : vector<128x128xf32>
    %min3A_1976 = arith.minimumf %min3A_1905, %integer_pow3A_1975 : vector<128x128xf32>
    %sub3A_1977 = vector.broadcast %slice3A_1936 : vector<128x1xf32> to vector<128x128xf32>
    %sub3A_1978 = vector.broadcast %slice3A_1291 : vector<1x128xf32> to vector<128x128xf32>
    %sub3A_1979 = arith.subf %sub3A_1977, %sub3A_1978 : vector<128x128xf32>
    %integer_pow3A_1980 = arith.mulf %sub3A_1979, %sub3A_1979 : vector<128x128xf32>
    %min3A_1981 = arith.minimumf %min3A_1910, %integer_pow3A_1980 : vector<128x128xf32>
    %sub3A_1982 = vector.broadcast %slice3A_1936 : vector<128x1xf32> to vector<128x128xf32>
    %sub3A_1983 = vector.broadcast %slice3A_1292 : vector<1x128xf32> to vector<128x128xf32>
    %sub3A_1984 = arith.subf %sub3A_1982, %sub3A_1983 : vector<128x128xf32>
    %integer_pow3A_1985 = arith.mulf %sub3A_1984, %sub3A_1984 : vector<128x128xf32>
    %min3A_1986 = arith.minimumf %min3A_1915, %integer_pow3A_1985 : vector<128x128xf32>
    %sub3A_1987 = vector.broadcast %slice3A_1936 : vector<128x1xf32> to vector<128x128xf32>
    %sub3A_1988 = vector.broadcast %slice3A_1293 : vector<1x128xf32> to vector<128x128xf32>
    %sub3A_1989 = arith.subf %sub3A_1987, %sub3A_1988 : vector<128x128xf32>
    %integer_pow3A_1990 = arith.mulf %sub3A_1989, %sub3A_1989 : vector<128x128xf32>
    %min3A_1991 = arith.minimumf %min3A_1920, %integer_pow3A_1990 : vector<128x128xf32>
    %sub3A_1992 = vector.broadcast %slice3A_1936 : vector<128x1xf32> to vector<128x128xf32>
    %sub3A_1993 = vector.broadcast %slice3A_1294 : vector<1x128xf32> to vector<128x128xf32>
    %sub3A_1994 = arith.subf %sub3A_1992, %sub3A_1993 : vector<128x128xf32>
    %integer_pow3A_1995 = arith.mulf %sub3A_1994, %sub3A_1994 : vector<128x128xf32>
    %min3A_1996 = arith.minimumf %min3A_1925, %integer_pow3A_1995 : vector<128x128xf32>
    %sub3A_1997 = vector.broadcast %slice3A_1936 : vector<128x1xf32> to vector<128x128xf32>
    %sub3A_1998 = vector.broadcast %slice3A_1295 : vector<1x128xf32> to vector<128x128xf32>
    %sub3A_1999 = arith.subf %sub3A_1997, %sub3A_1998 : vector<128x128xf32>
    %integer_pow3A_2000 = arith.mulf %sub3A_1999, %sub3A_1999 : vector<128x128xf32>
    %min3A_2001 = arith.minimumf %min3A_1930, %integer_pow3A_2000 : vector<128x128xf32>
    %sub3A_2002 = vector.broadcast %slice3A_1936 : vector<128x1xf32> to vector<128x128xf32>
    %sub3A_2003 = vector.broadcast %slice3A_1296 : vector<1x128xf32> to vector<128x128xf32>
    %sub3A_2004 = arith.subf %sub3A_2002, %sub3A_2003 : vector<128x128xf32>
    %integer_pow3A_2005 = arith.mulf %sub3A_2004, %sub3A_2004 : vector<128x128xf32>
    %min3A_2006 = arith.minimumf %min3A_1935, %integer_pow3A_2005 : vector<128x128xf32>
    %slice3A_2007 = vector.extract_strided_slice %transpose3A {offsets = [0, 10], sizes = [128, 1], strides = [1, 1]} : vector<128x16xf32> to vector<128x1xf32>
    %sub3A_2008 = vector.broadcast %slice3A_2007 : vector<128x1xf32> to vector<128x128xf32>
    %sub3A_2009 = vector.broadcast %slice3A_1283 : vector<1x128xf32> to vector<128x128xf32>
    %sub3A_2010 = arith.subf %sub3A_2008, %sub3A_2009 : vector<128x128xf32>
    %integer_pow3A_2011 = arith.mulf %sub3A_2010, %sub3A_2010 : vector<128x128xf32>
    %min3A_2012 = arith.minimumf %min3A_1941, %integer_pow3A_2011 : vector<128x128xf32>
    %sub3A_2013 = vector.broadcast %slice3A_2007 : vector<128x1xf32> to vector<128x128xf32>
    %sub3A_2014 = vector.broadcast %slice3A_1284 : vector<1x128xf32> to vector<128x128xf32>
    %sub3A_2015 = arith.subf %sub3A_2013, %sub3A_2014 : vector<128x128xf32>
    %integer_pow3A_2016 = arith.mulf %sub3A_2015, %sub3A_2015 : vector<128x128xf32>
    %min3A_2017 = arith.minimumf %min3A_1946, %integer_pow3A_2016 : vector<128x128xf32>
    %sub3A_2018 = vector.broadcast %slice3A_2007 : vector<128x1xf32> to vector<128x128xf32>
    %sub3A_2019 = vector.broadcast %slice3A_1285 : vector<1x128xf32> to vector<128x128xf32>
    %sub3A_2020 = arith.subf %sub3A_2018, %sub3A_2019 : vector<128x128xf32>
    %integer_pow3A_2021 = arith.mulf %sub3A_2020, %sub3A_2020 : vector<128x128xf32>
    %min3A_2022 = arith.minimumf %min3A_1951, %integer_pow3A_2021 : vector<128x128xf32>
    %sub3A_2023 = vector.broadcast %slice3A_2007 : vector<128x1xf32> to vector<128x128xf32>
    %sub3A_2024 = vector.broadcast %slice3A_1286 : vector<1x128xf32> to vector<128x128xf32>
    %sub3A_2025 = arith.subf %sub3A_2023, %sub3A_2024 : vector<128x128xf32>
    %integer_pow3A_2026 = arith.mulf %sub3A_2025, %sub3A_2025 : vector<128x128xf32>
    %min3A_2027 = arith.minimumf %min3A_1956, %integer_pow3A_2026 : vector<128x128xf32>
    %sub3A_2028 = vector.broadcast %slice3A_2007 : vector<128x1xf32> to vector<128x128xf32>
    %sub3A_2029 = vector.broadcast %slice3A_1287 : vector<1x128xf32> to vector<128x128xf32>
    %sub3A_2030 = arith.subf %sub3A_2028, %sub3A_2029 : vector<128x128xf32>
    %integer_pow3A_2031 = arith.mulf %sub3A_2030, %sub3A_2030 : vector<128x128xf32>
    %min3A_2032 = arith.minimumf %min3A_1961, %integer_pow3A_2031 : vector<128x128xf32>
    %sub3A_2033 = vector.broadcast %slice3A_2007 : vector<128x1xf32> to vector<128x128xf32>
    %sub3A_2034 = vector.broadcast %slice3A_1288 : vector<1x128xf32> to vector<128x128xf32>
    %sub3A_2035 = arith.subf %sub3A_2033, %sub3A_2034 : vector<128x128xf32>
    %integer_pow3A_2036 = arith.mulf %sub3A_2035, %sub3A_2035 : vector<128x128xf32>
    %min3A_2037 = arith.minimumf %min3A_1966, %integer_pow3A_2036 : vector<128x128xf32>
    %sub3A_2038 = vector.broadcast %slice3A_2007 : vector<128x1xf32> to vector<128x128xf32>
    %sub3A_2039 = vector.broadcast %slice3A_1289 : vector<1x128xf32> to vector<128x128xf32>
    %sub3A_2040 = arith.subf %sub3A_2038, %sub3A_2039 : vector<128x128xf32>
    %integer_pow3A_2041 = arith.mulf %sub3A_2040, %sub3A_2040 : vector<128x128xf32>
    %min3A_2042 = arith.minimumf %min3A_1971, %integer_pow3A_2041 : vector<128x128xf32>
    %sub3A_2043 = vector.broadcast %slice3A_2007 : vector<128x1xf32> to vector<128x128xf32>
    %sub3A_2044 = vector.broadcast %slice3A_1290 : vector<1x128xf32> to vector<128x128xf32>
    %sub3A_2045 = arith.subf %sub3A_2043, %sub3A_2044 : vector<128x128xf32>
    %integer_pow3A_2046 = arith.mulf %sub3A_2045, %sub3A_2045 : vector<128x128xf32>
    %min3A_2047 = arith.minimumf %min3A_1976, %integer_pow3A_2046 : vector<128x128xf32>
    %sub3A_2048 = vector.broadcast %slice3A_2007 : vector<128x1xf32> to vector<128x128xf32>
    %sub3A_2049 = vector.broadcast %slice3A_1291 : vector<1x128xf32> to vector<128x128xf32>
    %sub3A_2050 = arith.subf %sub3A_2048, %sub3A_2049 : vector<128x128xf32>
    %integer_pow3A_2051 = arith.mulf %sub3A_2050, %sub3A_2050 : vector<128x128xf32>
    %min3A_2052 = arith.minimumf %min3A_1981, %integer_pow3A_2051 : vector<128x128xf32>
    %sub3A_2053 = vector.broadcast %slice3A_2007 : vector<128x1xf32> to vector<128x128xf32>
    %sub3A_2054 = vector.broadcast %slice3A_1292 : vector<1x128xf32> to vector<128x128xf32>
    %sub3A_2055 = arith.subf %sub3A_2053, %sub3A_2054 : vector<128x128xf32>
    %integer_pow3A_2056 = arith.mulf %sub3A_2055, %sub3A_2055 : vector<128x128xf32>
    %min3A_2057 = arith.minimumf %min3A_1986, %integer_pow3A_2056 : vector<128x128xf32>
    %sub3A_2058 = vector.broadcast %slice3A_2007 : vector<128x1xf32> to vector<128x128xf32>
    %sub3A_2059 = vector.broadcast %slice3A_1293 : vector<1x128xf32> to vector<128x128xf32>
    %sub3A_2060 = arith.subf %sub3A_2058, %sub3A_2059 : vector<128x128xf32>
    %integer_pow3A_2061 = arith.mulf %sub3A_2060, %sub3A_2060 : vector<128x128xf32>
    %min3A_2062 = arith.minimumf %min3A_1991, %integer_pow3A_2061 : vector<128x128xf32>
    %sub3A_2063 = vector.broadcast %slice3A_2007 : vector<128x1xf32> to vector<128x128xf32>
    %sub3A_2064 = vector.broadcast %slice3A_1294 : vector<1x128xf32> to vector<128x128xf32>
    %sub3A_2065 = arith.subf %sub3A_2063, %sub3A_2064 : vector<128x128xf32>
    %integer_pow3A_2066 = arith.mulf %sub3A_2065, %sub3A_2065 : vector<128x128xf32>
    %min3A_2067 = arith.minimumf %min3A_1996, %integer_pow3A_2066 : vector<128x128xf32>
    %sub3A_2068 = vector.broadcast %slice3A_2007 : vector<128x1xf32> to vector<128x128xf32>
    %sub3A_2069 = vector.broadcast %slice3A_1295 : vector<1x128xf32> to vector<128x128xf32>
    %sub3A_2070 = arith.subf %sub3A_2068, %sub3A_2069 : vector<128x128xf32>
    %integer_pow3A_2071 = arith.mulf %sub3A_2070, %sub3A_2070 : vector<128x128xf32>
    %min3A_2072 = arith.minimumf %min3A_2001, %integer_pow3A_2071 : vector<128x128xf32>
    %sub3A_2073 = vector.broadcast %slice3A_2007 : vector<128x1xf32> to vector<128x128xf32>
    %sub3A_2074 = vector.broadcast %slice3A_1296 : vector<1x128xf32> to vector<128x128xf32>
    %sub3A_2075 = arith.subf %sub3A_2073, %sub3A_2074 : vector<128x128xf32>
    %integer_pow3A_2076 = arith.mulf %sub3A_2075, %sub3A_2075 : vector<128x128xf32>
    %min3A_2077 = arith.minimumf %min3A_2006, %integer_pow3A_2076 : vector<128x128xf32>
    %slice3A_2078 = vector.extract_strided_slice %transpose3A {offsets = [0, 11], sizes = [128, 1], strides = [1, 1]} : vector<128x16xf32> to vector<128x1xf32>
    %sub3A_2079 = vector.broadcast %slice3A_2078 : vector<128x1xf32> to vector<128x128xf32>
    %sub3A_2080 = vector.broadcast %slice3A_1283 : vector<1x128xf32> to vector<128x128xf32>
    %sub3A_2081 = arith.subf %sub3A_2079, %sub3A_2080 : vector<128x128xf32>
    %integer_pow3A_2082 = arith.mulf %sub3A_2081, %sub3A_2081 : vector<128x128xf32>
    %min3A_2083 = arith.minimumf %min3A_2012, %integer_pow3A_2082 : vector<128x128xf32>
    %sub3A_2084 = vector.broadcast %slice3A_2078 : vector<128x1xf32> to vector<128x128xf32>
    %sub3A_2085 = vector.broadcast %slice3A_1284 : vector<1x128xf32> to vector<128x128xf32>
    %sub3A_2086 = arith.subf %sub3A_2084, %sub3A_2085 : vector<128x128xf32>
    %integer_pow3A_2087 = arith.mulf %sub3A_2086, %sub3A_2086 : vector<128x128xf32>
    %min3A_2088 = arith.minimumf %min3A_2017, %integer_pow3A_2087 : vector<128x128xf32>
    %sub3A_2089 = vector.broadcast %slice3A_2078 : vector<128x1xf32> to vector<128x128xf32>
    %sub3A_2090 = vector.broadcast %slice3A_1285 : vector<1x128xf32> to vector<128x128xf32>
    %sub3A_2091 = arith.subf %sub3A_2089, %sub3A_2090 : vector<128x128xf32>
    %integer_pow3A_2092 = arith.mulf %sub3A_2091, %sub3A_2091 : vector<128x128xf32>
    %min3A_2093 = arith.minimumf %min3A_2022, %integer_pow3A_2092 : vector<128x128xf32>
    %sub3A_2094 = vector.broadcast %slice3A_2078 : vector<128x1xf32> to vector<128x128xf32>
    %sub3A_2095 = vector.broadcast %slice3A_1286 : vector<1x128xf32> to vector<128x128xf32>
    %sub3A_2096 = arith.subf %sub3A_2094, %sub3A_2095 : vector<128x128xf32>
    %integer_pow3A_2097 = arith.mulf %sub3A_2096, %sub3A_2096 : vector<128x128xf32>
    %min3A_2098 = arith.minimumf %min3A_2027, %integer_pow3A_2097 : vector<128x128xf32>
    %sub3A_2099 = vector.broadcast %slice3A_2078 : vector<128x1xf32> to vector<128x128xf32>
    %sub3A_2100 = vector.broadcast %slice3A_1287 : vector<1x128xf32> to vector<128x128xf32>
    %sub3A_2101 = arith.subf %sub3A_2099, %sub3A_2100 : vector<128x128xf32>
    %integer_pow3A_2102 = arith.mulf %sub3A_2101, %sub3A_2101 : vector<128x128xf32>
    %min3A_2103 = arith.minimumf %min3A_2032, %integer_pow3A_2102 : vector<128x128xf32>
    %sub3A_2104 = vector.broadcast %slice3A_2078 : vector<128x1xf32> to vector<128x128xf32>
    %sub3A_2105 = vector.broadcast %slice3A_1288 : vector<1x128xf32> to vector<128x128xf32>
    %sub3A_2106 = arith.subf %sub3A_2104, %sub3A_2105 : vector<128x128xf32>
    %integer_pow3A_2107 = arith.mulf %sub3A_2106, %sub3A_2106 : vector<128x128xf32>
    %min3A_2108 = arith.minimumf %min3A_2037, %integer_pow3A_2107 : vector<128x128xf32>
    %sub3A_2109 = vector.broadcast %slice3A_2078 : vector<128x1xf32> to vector<128x128xf32>
    %sub3A_2110 = vector.broadcast %slice3A_1289 : vector<1x128xf32> to vector<128x128xf32>
    %sub3A_2111 = arith.subf %sub3A_2109, %sub3A_2110 : vector<128x128xf32>
    %integer_pow3A_2112 = arith.mulf %sub3A_2111, %sub3A_2111 : vector<128x128xf32>
    %min3A_2113 = arith.minimumf %min3A_2042, %integer_pow3A_2112 : vector<128x128xf32>
    %sub3A_2114 = vector.broadcast %slice3A_2078 : vector<128x1xf32> to vector<128x128xf32>
    %sub3A_2115 = vector.broadcast %slice3A_1290 : vector<1x128xf32> to vector<128x128xf32>
    %sub3A_2116 = arith.subf %sub3A_2114, %sub3A_2115 : vector<128x128xf32>
    %integer_pow3A_2117 = arith.mulf %sub3A_2116, %sub3A_2116 : vector<128x128xf32>
    %min3A_2118 = arith.minimumf %min3A_2047, %integer_pow3A_2117 : vector<128x128xf32>
    %sub3A_2119 = vector.broadcast %slice3A_2078 : vector<128x1xf32> to vector<128x128xf32>
    %sub3A_2120 = vector.broadcast %slice3A_1291 : vector<1x128xf32> to vector<128x128xf32>
    %sub3A_2121 = arith.subf %sub3A_2119, %sub3A_2120 : vector<128x128xf32>
    %integer_pow3A_2122 = arith.mulf %sub3A_2121, %sub3A_2121 : vector<128x128xf32>
    %min3A_2123 = arith.minimumf %min3A_2052, %integer_pow3A_2122 : vector<128x128xf32>
    %sub3A_2124 = vector.broadcast %slice3A_2078 : vector<128x1xf32> to vector<128x128xf32>
    %sub3A_2125 = vector.broadcast %slice3A_1292 : vector<1x128xf32> to vector<128x128xf32>
    %sub3A_2126 = arith.subf %sub3A_2124, %sub3A_2125 : vector<128x128xf32>
    %integer_pow3A_2127 = arith.mulf %sub3A_2126, %sub3A_2126 : vector<128x128xf32>
    %min3A_2128 = arith.minimumf %min3A_2057, %integer_pow3A_2127 : vector<128x128xf32>
    %sub3A_2129 = vector.broadcast %slice3A_2078 : vector<128x1xf32> to vector<128x128xf32>
    %sub3A_2130 = vector.broadcast %slice3A_1293 : vector<1x128xf32> to vector<128x128xf32>
    %sub3A_2131 = arith.subf %sub3A_2129, %sub3A_2130 : vector<128x128xf32>
    %integer_pow3A_2132 = arith.mulf %sub3A_2131, %sub3A_2131 : vector<128x128xf32>
    %min3A_2133 = arith.minimumf %min3A_2062, %integer_pow3A_2132 : vector<128x128xf32>
    %sub3A_2134 = vector.broadcast %slice3A_2078 : vector<128x1xf32> to vector<128x128xf32>
    %sub3A_2135 = vector.broadcast %slice3A_1294 : vector<1x128xf32> to vector<128x128xf32>
    %sub3A_2136 = arith.subf %sub3A_2134, %sub3A_2135 : vector<128x128xf32>
    %integer_pow3A_2137 = arith.mulf %sub3A_2136, %sub3A_2136 : vector<128x128xf32>
    %min3A_2138 = arith.minimumf %min3A_2067, %integer_pow3A_2137 : vector<128x128xf32>
    %sub3A_2139 = vector.broadcast %slice3A_2078 : vector<128x1xf32> to vector<128x128xf32>
    %sub3A_2140 = vector.broadcast %slice3A_1295 : vector<1x128xf32> to vector<128x128xf32>
    %sub3A_2141 = arith.subf %sub3A_2139, %sub3A_2140 : vector<128x128xf32>
    %integer_pow3A_2142 = arith.mulf %sub3A_2141, %sub3A_2141 : vector<128x128xf32>
    %min3A_2143 = arith.minimumf %min3A_2072, %integer_pow3A_2142 : vector<128x128xf32>
    %sub3A_2144 = vector.broadcast %slice3A_2078 : vector<128x1xf32> to vector<128x128xf32>
    %sub3A_2145 = vector.broadcast %slice3A_1296 : vector<1x128xf32> to vector<128x128xf32>
    %sub3A_2146 = arith.subf %sub3A_2144, %sub3A_2145 : vector<128x128xf32>
    %integer_pow3A_2147 = arith.mulf %sub3A_2146, %sub3A_2146 : vector<128x128xf32>
    %min3A_2148 = arith.minimumf %min3A_2077, %integer_pow3A_2147 : vector<128x128xf32>
    %slice3A_2149 = vector.extract_strided_slice %transpose3A {offsets = [0, 12], sizes = [128, 1], strides = [1, 1]} : vector<128x16xf32> to vector<128x1xf32>
    %sub3A_2150 = vector.broadcast %slice3A_2149 : vector<128x1xf32> to vector<128x128xf32>
    %sub3A_2151 = vector.broadcast %slice3A_1283 : vector<1x128xf32> to vector<128x128xf32>
    %sub3A_2152 = arith.subf %sub3A_2150, %sub3A_2151 : vector<128x128xf32>
    %integer_pow3A_2153 = arith.mulf %sub3A_2152, %sub3A_2152 : vector<128x128xf32>
    %min3A_2154 = arith.minimumf %min3A_2083, %integer_pow3A_2153 : vector<128x128xf32>
    %sub3A_2155 = vector.broadcast %slice3A_2149 : vector<128x1xf32> to vector<128x128xf32>
    %sub3A_2156 = vector.broadcast %slice3A_1284 : vector<1x128xf32> to vector<128x128xf32>
    %sub3A_2157 = arith.subf %sub3A_2155, %sub3A_2156 : vector<128x128xf32>
    %integer_pow3A_2158 = arith.mulf %sub3A_2157, %sub3A_2157 : vector<128x128xf32>
    %min3A_2159 = arith.minimumf %min3A_2088, %integer_pow3A_2158 : vector<128x128xf32>
    %sub3A_2160 = vector.broadcast %slice3A_2149 : vector<128x1xf32> to vector<128x128xf32>
    %sub3A_2161 = vector.broadcast %slice3A_1285 : vector<1x128xf32> to vector<128x128xf32>
    %sub3A_2162 = arith.subf %sub3A_2160, %sub3A_2161 : vector<128x128xf32>
    %integer_pow3A_2163 = arith.mulf %sub3A_2162, %sub3A_2162 : vector<128x128xf32>
    %min3A_2164 = arith.minimumf %min3A_2093, %integer_pow3A_2163 : vector<128x128xf32>
    %sub3A_2165 = vector.broadcast %slice3A_2149 : vector<128x1xf32> to vector<128x128xf32>
    %sub3A_2166 = vector.broadcast %slice3A_1286 : vector<1x128xf32> to vector<128x128xf32>
    %sub3A_2167 = arith.subf %sub3A_2165, %sub3A_2166 : vector<128x128xf32>
    %integer_pow3A_2168 = arith.mulf %sub3A_2167, %sub3A_2167 : vector<128x128xf32>
    %min3A_2169 = arith.minimumf %min3A_2098, %integer_pow3A_2168 : vector<128x128xf32>
    %sub3A_2170 = vector.broadcast %slice3A_2149 : vector<128x1xf32> to vector<128x128xf32>
    %sub3A_2171 = vector.broadcast %slice3A_1287 : vector<1x128xf32> to vector<128x128xf32>
    %sub3A_2172 = arith.subf %sub3A_2170, %sub3A_2171 : vector<128x128xf32>
    %integer_pow3A_2173 = arith.mulf %sub3A_2172, %sub3A_2172 : vector<128x128xf32>
    %min3A_2174 = arith.minimumf %min3A_2103, %integer_pow3A_2173 : vector<128x128xf32>
    %sub3A_2175 = vector.broadcast %slice3A_2149 : vector<128x1xf32> to vector<128x128xf32>
    %sub3A_2176 = vector.broadcast %slice3A_1288 : vector<1x128xf32> to vector<128x128xf32>
    %sub3A_2177 = arith.subf %sub3A_2175, %sub3A_2176 : vector<128x128xf32>
    %integer_pow3A_2178 = arith.mulf %sub3A_2177, %sub3A_2177 : vector<128x128xf32>
    %min3A_2179 = arith.minimumf %min3A_2108, %integer_pow3A_2178 : vector<128x128xf32>
    %sub3A_2180 = vector.broadcast %slice3A_2149 : vector<128x1xf32> to vector<128x128xf32>
    %sub3A_2181 = vector.broadcast %slice3A_1289 : vector<1x128xf32> to vector<128x128xf32>
    %sub3A_2182 = arith.subf %sub3A_2180, %sub3A_2181 : vector<128x128xf32>
    %integer_pow3A_2183 = arith.mulf %sub3A_2182, %sub3A_2182 : vector<128x128xf32>
    %min3A_2184 = arith.minimumf %min3A_2113, %integer_pow3A_2183 : vector<128x128xf32>
    %sub3A_2185 = vector.broadcast %slice3A_2149 : vector<128x1xf32> to vector<128x128xf32>
    %sub3A_2186 = vector.broadcast %slice3A_1290 : vector<1x128xf32> to vector<128x128xf32>
    %sub3A_2187 = arith.subf %sub3A_2185, %sub3A_2186 : vector<128x128xf32>
    %integer_pow3A_2188 = arith.mulf %sub3A_2187, %sub3A_2187 : vector<128x128xf32>
    %min3A_2189 = arith.minimumf %min3A_2118, %integer_pow3A_2188 : vector<128x128xf32>
    %sub3A_2190 = vector.broadcast %slice3A_2149 : vector<128x1xf32> to vector<128x128xf32>
    %sub3A_2191 = vector.broadcast %slice3A_1291 : vector<1x128xf32> to vector<128x128xf32>
    %sub3A_2192 = arith.subf %sub3A_2190, %sub3A_2191 : vector<128x128xf32>
    %integer_pow3A_2193 = arith.mulf %sub3A_2192, %sub3A_2192 : vector<128x128xf32>
    %min3A_2194 = arith.minimumf %min3A_2123, %integer_pow3A_2193 : vector<128x128xf32>
    %sub3A_2195 = vector.broadcast %slice3A_2149 : vector<128x1xf32> to vector<128x128xf32>
    %sub3A_2196 = vector.broadcast %slice3A_1292 : vector<1x128xf32> to vector<128x128xf32>
    %sub3A_2197 = arith.subf %sub3A_2195, %sub3A_2196 : vector<128x128xf32>
    %integer_pow3A_2198 = arith.mulf %sub3A_2197, %sub3A_2197 : vector<128x128xf32>
    %min3A_2199 = arith.minimumf %min3A_2128, %integer_pow3A_2198 : vector<128x128xf32>
    %sub3A_2200 = vector.broadcast %slice3A_2149 : vector<128x1xf32> to vector<128x128xf32>
    %sub3A_2201 = vector.broadcast %slice3A_1293 : vector<1x128xf32> to vector<128x128xf32>
    %sub3A_2202 = arith.subf %sub3A_2200, %sub3A_2201 : vector<128x128xf32>
    %integer_pow3A_2203 = arith.mulf %sub3A_2202, %sub3A_2202 : vector<128x128xf32>
    %min3A_2204 = arith.minimumf %min3A_2133, %integer_pow3A_2203 : vector<128x128xf32>
    %sub3A_2205 = vector.broadcast %slice3A_2149 : vector<128x1xf32> to vector<128x128xf32>
    %sub3A_2206 = vector.broadcast %slice3A_1294 : vector<1x128xf32> to vector<128x128xf32>
    %sub3A_2207 = arith.subf %sub3A_2205, %sub3A_2206 : vector<128x128xf32>
    %integer_pow3A_2208 = arith.mulf %sub3A_2207, %sub3A_2207 : vector<128x128xf32>
    %min3A_2209 = arith.minimumf %min3A_2138, %integer_pow3A_2208 : vector<128x128xf32>
    %sub3A_2210 = vector.broadcast %slice3A_2149 : vector<128x1xf32> to vector<128x128xf32>
    %sub3A_2211 = vector.broadcast %slice3A_1295 : vector<1x128xf32> to vector<128x128xf32>
    %sub3A_2212 = arith.subf %sub3A_2210, %sub3A_2211 : vector<128x128xf32>
    %integer_pow3A_2213 = arith.mulf %sub3A_2212, %sub3A_2212 : vector<128x128xf32>
    %min3A_2214 = arith.minimumf %min3A_2143, %integer_pow3A_2213 : vector<128x128xf32>
    %sub3A_2215 = vector.broadcast %slice3A_2149 : vector<128x1xf32> to vector<128x128xf32>
    %sub3A_2216 = vector.broadcast %slice3A_1296 : vector<1x128xf32> to vector<128x128xf32>
    %sub3A_2217 = arith.subf %sub3A_2215, %sub3A_2216 : vector<128x128xf32>
    %integer_pow3A_2218 = arith.mulf %sub3A_2217, %sub3A_2217 : vector<128x128xf32>
    %min3A_2219 = arith.minimumf %min3A_2148, %integer_pow3A_2218 : vector<128x128xf32>
    %slice3A_2220 = vector.extract_strided_slice %transpose3A {offsets = [0, 13], sizes = [128, 1], strides = [1, 1]} : vector<128x16xf32> to vector<128x1xf32>
    %sub3A_2221 = vector.broadcast %slice3A_2220 : vector<128x1xf32> to vector<128x128xf32>
    %sub3A_2222 = vector.broadcast %slice3A_1283 : vector<1x128xf32> to vector<128x128xf32>
    %sub3A_2223 = arith.subf %sub3A_2221, %sub3A_2222 : vector<128x128xf32>
    %integer_pow3A_2224 = arith.mulf %sub3A_2223, %sub3A_2223 : vector<128x128xf32>
    %min3A_2225 = arith.minimumf %min3A_2154, %integer_pow3A_2224 : vector<128x128xf32>
    %sub3A_2226 = vector.broadcast %slice3A_2220 : vector<128x1xf32> to vector<128x128xf32>
    %sub3A_2227 = vector.broadcast %slice3A_1284 : vector<1x128xf32> to vector<128x128xf32>
    %sub3A_2228 = arith.subf %sub3A_2226, %sub3A_2227 : vector<128x128xf32>
    %integer_pow3A_2229 = arith.mulf %sub3A_2228, %sub3A_2228 : vector<128x128xf32>
    %min3A_2230 = arith.minimumf %min3A_2159, %integer_pow3A_2229 : vector<128x128xf32>
    %sub3A_2231 = vector.broadcast %slice3A_2220 : vector<128x1xf32> to vector<128x128xf32>
    %sub3A_2232 = vector.broadcast %slice3A_1285 : vector<1x128xf32> to vector<128x128xf32>
    %sub3A_2233 = arith.subf %sub3A_2231, %sub3A_2232 : vector<128x128xf32>
    %integer_pow3A_2234 = arith.mulf %sub3A_2233, %sub3A_2233 : vector<128x128xf32>
    %min3A_2235 = arith.minimumf %min3A_2164, %integer_pow3A_2234 : vector<128x128xf32>
    %sub3A_2236 = vector.broadcast %slice3A_2220 : vector<128x1xf32> to vector<128x128xf32>
    %sub3A_2237 = vector.broadcast %slice3A_1286 : vector<1x128xf32> to vector<128x128xf32>
    %sub3A_2238 = arith.subf %sub3A_2236, %sub3A_2237 : vector<128x128xf32>
    %integer_pow3A_2239 = arith.mulf %sub3A_2238, %sub3A_2238 : vector<128x128xf32>
    %min3A_2240 = arith.minimumf %min3A_2169, %integer_pow3A_2239 : vector<128x128xf32>
    %sub3A_2241 = vector.broadcast %slice3A_2220 : vector<128x1xf32> to vector<128x128xf32>
    %sub3A_2242 = vector.broadcast %slice3A_1287 : vector<1x128xf32> to vector<128x128xf32>
    %sub3A_2243 = arith.subf %sub3A_2241, %sub3A_2242 : vector<128x128xf32>
    %integer_pow3A_2244 = arith.mulf %sub3A_2243, %sub3A_2243 : vector<128x128xf32>
    %min3A_2245 = arith.minimumf %min3A_2174, %integer_pow3A_2244 : vector<128x128xf32>
    %sub3A_2246 = vector.broadcast %slice3A_2220 : vector<128x1xf32> to vector<128x128xf32>
    %sub3A_2247 = vector.broadcast %slice3A_1288 : vector<1x128xf32> to vector<128x128xf32>
    %sub3A_2248 = arith.subf %sub3A_2246, %sub3A_2247 : vector<128x128xf32>
    %integer_pow3A_2249 = arith.mulf %sub3A_2248, %sub3A_2248 : vector<128x128xf32>
    %min3A_2250 = arith.minimumf %min3A_2179, %integer_pow3A_2249 : vector<128x128xf32>
    %sub3A_2251 = vector.broadcast %slice3A_2220 : vector<128x1xf32> to vector<128x128xf32>
    %sub3A_2252 = vector.broadcast %slice3A_1289 : vector<1x128xf32> to vector<128x128xf32>
    %sub3A_2253 = arith.subf %sub3A_2251, %sub3A_2252 : vector<128x128xf32>
    %integer_pow3A_2254 = arith.mulf %sub3A_2253, %sub3A_2253 : vector<128x128xf32>
    %min3A_2255 = arith.minimumf %min3A_2184, %integer_pow3A_2254 : vector<128x128xf32>
    %sub3A_2256 = vector.broadcast %slice3A_2220 : vector<128x1xf32> to vector<128x128xf32>
    %sub3A_2257 = vector.broadcast %slice3A_1290 : vector<1x128xf32> to vector<128x128xf32>
    %sub3A_2258 = arith.subf %sub3A_2256, %sub3A_2257 : vector<128x128xf32>
    %integer_pow3A_2259 = arith.mulf %sub3A_2258, %sub3A_2258 : vector<128x128xf32>
    %min3A_2260 = arith.minimumf %min3A_2189, %integer_pow3A_2259 : vector<128x128xf32>
    %sub3A_2261 = vector.broadcast %slice3A_2220 : vector<128x1xf32> to vector<128x128xf32>
    %sub3A_2262 = vector.broadcast %slice3A_1291 : vector<1x128xf32> to vector<128x128xf32>
    %sub3A_2263 = arith.subf %sub3A_2261, %sub3A_2262 : vector<128x128xf32>
    %integer_pow3A_2264 = arith.mulf %sub3A_2263, %sub3A_2263 : vector<128x128xf32>
    %min3A_2265 = arith.minimumf %min3A_2194, %integer_pow3A_2264 : vector<128x128xf32>
    %sub3A_2266 = vector.broadcast %slice3A_2220 : vector<128x1xf32> to vector<128x128xf32>
    %sub3A_2267 = vector.broadcast %slice3A_1292 : vector<1x128xf32> to vector<128x128xf32>
    %sub3A_2268 = arith.subf %sub3A_2266, %sub3A_2267 : vector<128x128xf32>
    %integer_pow3A_2269 = arith.mulf %sub3A_2268, %sub3A_2268 : vector<128x128xf32>
    %min3A_2270 = arith.minimumf %min3A_2199, %integer_pow3A_2269 : vector<128x128xf32>
    %sub3A_2271 = vector.broadcast %slice3A_2220 : vector<128x1xf32> to vector<128x128xf32>
    %sub3A_2272 = vector.broadcast %slice3A_1293 : vector<1x128xf32> to vector<128x128xf32>
    %sub3A_2273 = arith.subf %sub3A_2271, %sub3A_2272 : vector<128x128xf32>
    %integer_pow3A_2274 = arith.mulf %sub3A_2273, %sub3A_2273 : vector<128x128xf32>
    %min3A_2275 = arith.minimumf %min3A_2204, %integer_pow3A_2274 : vector<128x128xf32>
    %sub3A_2276 = vector.broadcast %slice3A_2220 : vector<128x1xf32> to vector<128x128xf32>
    %sub3A_2277 = vector.broadcast %slice3A_1294 : vector<1x128xf32> to vector<128x128xf32>
    %sub3A_2278 = arith.subf %sub3A_2276, %sub3A_2277 : vector<128x128xf32>
    %integer_pow3A_2279 = arith.mulf %sub3A_2278, %sub3A_2278 : vector<128x128xf32>
    %min3A_2280 = arith.minimumf %min3A_2209, %integer_pow3A_2279 : vector<128x128xf32>
    %sub3A_2281 = vector.broadcast %slice3A_2220 : vector<128x1xf32> to vector<128x128xf32>
    %sub3A_2282 = vector.broadcast %slice3A_1295 : vector<1x128xf32> to vector<128x128xf32>
    %sub3A_2283 = arith.subf %sub3A_2281, %sub3A_2282 : vector<128x128xf32>
    %integer_pow3A_2284 = arith.mulf %sub3A_2283, %sub3A_2283 : vector<128x128xf32>
    %min3A_2285 = arith.minimumf %min3A_2214, %integer_pow3A_2284 : vector<128x128xf32>
    %sub3A_2286 = vector.broadcast %slice3A_2220 : vector<128x1xf32> to vector<128x128xf32>
    %sub3A_2287 = vector.broadcast %slice3A_1296 : vector<1x128xf32> to vector<128x128xf32>
    %sub3A_2288 = arith.subf %sub3A_2286, %sub3A_2287 : vector<128x128xf32>
    %integer_pow3A_2289 = arith.mulf %sub3A_2288, %sub3A_2288 : vector<128x128xf32>
    %min3A_2290 = arith.minimumf %min3A_2219, %integer_pow3A_2289 : vector<128x128xf32>
    %slice3A_2291 = vector.extract_strided_slice %transpose3A {offsets = [0, 14], sizes = [128, 1], strides = [1, 1]} : vector<128x16xf32> to vector<128x1xf32>
    %sub3A_2292 = vector.broadcast %slice3A_2291 : vector<128x1xf32> to vector<128x128xf32>
    %sub3A_2293 = vector.broadcast %slice3A_1283 : vector<1x128xf32> to vector<128x128xf32>
    %sub3A_2294 = arith.subf %sub3A_2292, %sub3A_2293 : vector<128x128xf32>
    %integer_pow3A_2295 = arith.mulf %sub3A_2294, %sub3A_2294 : vector<128x128xf32>
    %min3A_2296 = arith.minimumf %min3A_2225, %integer_pow3A_2295 : vector<128x128xf32>
    %sub3A_2297 = vector.broadcast %slice3A_2291 : vector<128x1xf32> to vector<128x128xf32>
    %sub3A_2298 = vector.broadcast %slice3A_1284 : vector<1x128xf32> to vector<128x128xf32>
    %sub3A_2299 = arith.subf %sub3A_2297, %sub3A_2298 : vector<128x128xf32>
    %integer_pow3A_2300 = arith.mulf %sub3A_2299, %sub3A_2299 : vector<128x128xf32>
    %min3A_2301 = arith.minimumf %min3A_2230, %integer_pow3A_2300 : vector<128x128xf32>
    %sub3A_2302 = vector.broadcast %slice3A_2291 : vector<128x1xf32> to vector<128x128xf32>
    %sub3A_2303 = vector.broadcast %slice3A_1285 : vector<1x128xf32> to vector<128x128xf32>
    %sub3A_2304 = arith.subf %sub3A_2302, %sub3A_2303 : vector<128x128xf32>
    %integer_pow3A_2305 = arith.mulf %sub3A_2304, %sub3A_2304 : vector<128x128xf32>
    %min3A_2306 = arith.minimumf %min3A_2235, %integer_pow3A_2305 : vector<128x128xf32>
    %sub3A_2307 = vector.broadcast %slice3A_2291 : vector<128x1xf32> to vector<128x128xf32>
    %sub3A_2308 = vector.broadcast %slice3A_1286 : vector<1x128xf32> to vector<128x128xf32>
    %sub3A_2309 = arith.subf %sub3A_2307, %sub3A_2308 : vector<128x128xf32>
    %integer_pow3A_2310 = arith.mulf %sub3A_2309, %sub3A_2309 : vector<128x128xf32>
    %min3A_2311 = arith.minimumf %min3A_2240, %integer_pow3A_2310 : vector<128x128xf32>
    %sub3A_2312 = vector.broadcast %slice3A_2291 : vector<128x1xf32> to vector<128x128xf32>
    %sub3A_2313 = vector.broadcast %slice3A_1287 : vector<1x128xf32> to vector<128x128xf32>
    %sub3A_2314 = arith.subf %sub3A_2312, %sub3A_2313 : vector<128x128xf32>
    %integer_pow3A_2315 = arith.mulf %sub3A_2314, %sub3A_2314 : vector<128x128xf32>
    %min3A_2316 = arith.minimumf %min3A_2245, %integer_pow3A_2315 : vector<128x128xf32>
    %sub3A_2317 = vector.broadcast %slice3A_2291 : vector<128x1xf32> to vector<128x128xf32>
    %sub3A_2318 = vector.broadcast %slice3A_1288 : vector<1x128xf32> to vector<128x128xf32>
    %sub3A_2319 = arith.subf %sub3A_2317, %sub3A_2318 : vector<128x128xf32>
    %integer_pow3A_2320 = arith.mulf %sub3A_2319, %sub3A_2319 : vector<128x128xf32>
    %min3A_2321 = arith.minimumf %min3A_2250, %integer_pow3A_2320 : vector<128x128xf32>
    %sub3A_2322 = vector.broadcast %slice3A_2291 : vector<128x1xf32> to vector<128x128xf32>
    %sub3A_2323 = vector.broadcast %slice3A_1289 : vector<1x128xf32> to vector<128x128xf32>
    %sub3A_2324 = arith.subf %sub3A_2322, %sub3A_2323 : vector<128x128xf32>
    %integer_pow3A_2325 = arith.mulf %sub3A_2324, %sub3A_2324 : vector<128x128xf32>
    %min3A_2326 = arith.minimumf %min3A_2255, %integer_pow3A_2325 : vector<128x128xf32>
    %sub3A_2327 = vector.broadcast %slice3A_2291 : vector<128x1xf32> to vector<128x128xf32>
    %sub3A_2328 = vector.broadcast %slice3A_1290 : vector<1x128xf32> to vector<128x128xf32>
    %sub3A_2329 = arith.subf %sub3A_2327, %sub3A_2328 : vector<128x128xf32>
    %integer_pow3A_2330 = arith.mulf %sub3A_2329, %sub3A_2329 : vector<128x128xf32>
    %min3A_2331 = arith.minimumf %min3A_2260, %integer_pow3A_2330 : vector<128x128xf32>
    %sub3A_2332 = vector.broadcast %slice3A_2291 : vector<128x1xf32> to vector<128x128xf32>
    %sub3A_2333 = vector.broadcast %slice3A_1291 : vector<1x128xf32> to vector<128x128xf32>
    %sub3A_2334 = arith.subf %sub3A_2332, %sub3A_2333 : vector<128x128xf32>
    %integer_pow3A_2335 = arith.mulf %sub3A_2334, %sub3A_2334 : vector<128x128xf32>
    %min3A_2336 = arith.minimumf %min3A_2265, %integer_pow3A_2335 : vector<128x128xf32>
    %sub3A_2337 = vector.broadcast %slice3A_2291 : vector<128x1xf32> to vector<128x128xf32>
    %sub3A_2338 = vector.broadcast %slice3A_1292 : vector<1x128xf32> to vector<128x128xf32>
    %sub3A_2339 = arith.subf %sub3A_2337, %sub3A_2338 : vector<128x128xf32>
    %integer_pow3A_2340 = arith.mulf %sub3A_2339, %sub3A_2339 : vector<128x128xf32>
    %min3A_2341 = arith.minimumf %min3A_2270, %integer_pow3A_2340 : vector<128x128xf32>
    %sub3A_2342 = vector.broadcast %slice3A_2291 : vector<128x1xf32> to vector<128x128xf32>
    %sub3A_2343 = vector.broadcast %slice3A_1293 : vector<1x128xf32> to vector<128x128xf32>
    %sub3A_2344 = arith.subf %sub3A_2342, %sub3A_2343 : vector<128x128xf32>
    %integer_pow3A_2345 = arith.mulf %sub3A_2344, %sub3A_2344 : vector<128x128xf32>
    %min3A_2346 = arith.minimumf %min3A_2275, %integer_pow3A_2345 : vector<128x128xf32>
    %sub3A_2347 = vector.broadcast %slice3A_2291 : vector<128x1xf32> to vector<128x128xf32>
    %sub3A_2348 = vector.broadcast %slice3A_1294 : vector<1x128xf32> to vector<128x128xf32>
    %sub3A_2349 = arith.subf %sub3A_2347, %sub3A_2348 : vector<128x128xf32>
    %integer_pow3A_2350 = arith.mulf %sub3A_2349, %sub3A_2349 : vector<128x128xf32>
    %min3A_2351 = arith.minimumf %min3A_2280, %integer_pow3A_2350 : vector<128x128xf32>
    %sub3A_2352 = vector.broadcast %slice3A_2291 : vector<128x1xf32> to vector<128x128xf32>
    %sub3A_2353 = vector.broadcast %slice3A_1295 : vector<1x128xf32> to vector<128x128xf32>
    %sub3A_2354 = arith.subf %sub3A_2352, %sub3A_2353 : vector<128x128xf32>
    %integer_pow3A_2355 = arith.mulf %sub3A_2354, %sub3A_2354 : vector<128x128xf32>
    %min3A_2356 = arith.minimumf %min3A_2285, %integer_pow3A_2355 : vector<128x128xf32>
    %sub3A_2357 = vector.broadcast %slice3A_2291 : vector<128x1xf32> to vector<128x128xf32>
    %sub3A_2358 = vector.broadcast %slice3A_1296 : vector<1x128xf32> to vector<128x128xf32>
    %sub3A_2359 = arith.subf %sub3A_2357, %sub3A_2358 : vector<128x128xf32>
    %integer_pow3A_2360 = arith.mulf %sub3A_2359, %sub3A_2359 : vector<128x128xf32>
    %min3A_2361 = arith.minimumf %min3A_2290, %integer_pow3A_2360 : vector<128x128xf32>
    %slice3A_2362 = vector.extract_strided_slice %transpose3A {offsets = [0, 15], sizes = [128, 1], strides = [1, 1]} : vector<128x16xf32> to vector<128x1xf32>
    %sub3A_2363 = vector.broadcast %slice3A_2362 : vector<128x1xf32> to vector<128x128xf32>
    %sub3A_2364 = vector.broadcast %slice3A_1283 : vector<1x128xf32> to vector<128x128xf32>
    %sub3A_2365 = arith.subf %sub3A_2363, %sub3A_2364 : vector<128x128xf32>
    %integer_pow3A_2366 = arith.mulf %sub3A_2365, %sub3A_2365 : vector<128x128xf32>
    %min3A_2367 = arith.minimumf %min3A_2296, %integer_pow3A_2366 : vector<128x128xf32>
    %sub3A_2368 = vector.broadcast %slice3A_2362 : vector<128x1xf32> to vector<128x128xf32>
    %sub3A_2369 = vector.broadcast %slice3A_1284 : vector<1x128xf32> to vector<128x128xf32>
    %sub3A_2370 = arith.subf %sub3A_2368, %sub3A_2369 : vector<128x128xf32>
    %integer_pow3A_2371 = arith.mulf %sub3A_2370, %sub3A_2370 : vector<128x128xf32>
    %min3A_2372 = arith.minimumf %min3A_2301, %integer_pow3A_2371 : vector<128x128xf32>
    %sub3A_2373 = vector.broadcast %slice3A_2362 : vector<128x1xf32> to vector<128x128xf32>
    %sub3A_2374 = vector.broadcast %slice3A_1285 : vector<1x128xf32> to vector<128x128xf32>
    %sub3A_2375 = arith.subf %sub3A_2373, %sub3A_2374 : vector<128x128xf32>
    %integer_pow3A_2376 = arith.mulf %sub3A_2375, %sub3A_2375 : vector<128x128xf32>
    %min3A_2377 = arith.minimumf %min3A_2306, %integer_pow3A_2376 : vector<128x128xf32>
    %sub3A_2378 = vector.broadcast %slice3A_2362 : vector<128x1xf32> to vector<128x128xf32>
    %sub3A_2379 = vector.broadcast %slice3A_1286 : vector<1x128xf32> to vector<128x128xf32>
    %sub3A_2380 = arith.subf %sub3A_2378, %sub3A_2379 : vector<128x128xf32>
    %integer_pow3A_2381 = arith.mulf %sub3A_2380, %sub3A_2380 : vector<128x128xf32>
    %min3A_2382 = arith.minimumf %min3A_2311, %integer_pow3A_2381 : vector<128x128xf32>
    %sub3A_2383 = vector.broadcast %slice3A_2362 : vector<128x1xf32> to vector<128x128xf32>
    %sub3A_2384 = vector.broadcast %slice3A_1287 : vector<1x128xf32> to vector<128x128xf32>
    %sub3A_2385 = arith.subf %sub3A_2383, %sub3A_2384 : vector<128x128xf32>
    %integer_pow3A_2386 = arith.mulf %sub3A_2385, %sub3A_2385 : vector<128x128xf32>
    %min3A_2387 = arith.minimumf %min3A_2316, %integer_pow3A_2386 : vector<128x128xf32>
    %sub3A_2388 = vector.broadcast %slice3A_2362 : vector<128x1xf32> to vector<128x128xf32>
    %sub3A_2389 = vector.broadcast %slice3A_1288 : vector<1x128xf32> to vector<128x128xf32>
    %sub3A_2390 = arith.subf %sub3A_2388, %sub3A_2389 : vector<128x128xf32>
    %integer_pow3A_2391 = arith.mulf %sub3A_2390, %sub3A_2390 : vector<128x128xf32>
    %min3A_2392 = arith.minimumf %min3A_2321, %integer_pow3A_2391 : vector<128x128xf32>
    %sub3A_2393 = vector.broadcast %slice3A_2362 : vector<128x1xf32> to vector<128x128xf32>
    %sub3A_2394 = vector.broadcast %slice3A_1289 : vector<1x128xf32> to vector<128x128xf32>
    %sub3A_2395 = arith.subf %sub3A_2393, %sub3A_2394 : vector<128x128xf32>
    %integer_pow3A_2396 = arith.mulf %sub3A_2395, %sub3A_2395 : vector<128x128xf32>
    %min3A_2397 = arith.minimumf %min3A_2326, %integer_pow3A_2396 : vector<128x128xf32>
    %sub3A_2398 = vector.broadcast %slice3A_2362 : vector<128x1xf32> to vector<128x128xf32>
    %sub3A_2399 = vector.broadcast %slice3A_1290 : vector<1x128xf32> to vector<128x128xf32>
    %sub3A_2400 = arith.subf %sub3A_2398, %sub3A_2399 : vector<128x128xf32>
    %integer_pow3A_2401 = arith.mulf %sub3A_2400, %sub3A_2400 : vector<128x128xf32>
    %min3A_2402 = arith.minimumf %min3A_2331, %integer_pow3A_2401 : vector<128x128xf32>
    %sub3A_2403 = vector.broadcast %slice3A_2362 : vector<128x1xf32> to vector<128x128xf32>
    %sub3A_2404 = vector.broadcast %slice3A_1291 : vector<1x128xf32> to vector<128x128xf32>
    %sub3A_2405 = arith.subf %sub3A_2403, %sub3A_2404 : vector<128x128xf32>
    %integer_pow3A_2406 = arith.mulf %sub3A_2405, %sub3A_2405 : vector<128x128xf32>
    %min3A_2407 = arith.minimumf %min3A_2336, %integer_pow3A_2406 : vector<128x128xf32>
    %sub3A_2408 = vector.broadcast %slice3A_2362 : vector<128x1xf32> to vector<128x128xf32>
    %sub3A_2409 = vector.broadcast %slice3A_1292 : vector<1x128xf32> to vector<128x128xf32>
    %sub3A_2410 = arith.subf %sub3A_2408, %sub3A_2409 : vector<128x128xf32>
    %integer_pow3A_2411 = arith.mulf %sub3A_2410, %sub3A_2410 : vector<128x128xf32>
    %min3A_2412 = arith.minimumf %min3A_2341, %integer_pow3A_2411 : vector<128x128xf32>
    %sub3A_2413 = vector.broadcast %slice3A_2362 : vector<128x1xf32> to vector<128x128xf32>
    %sub3A_2414 = vector.broadcast %slice3A_1293 : vector<1x128xf32> to vector<128x128xf32>
    %sub3A_2415 = arith.subf %sub3A_2413, %sub3A_2414 : vector<128x128xf32>
    %integer_pow3A_2416 = arith.mulf %sub3A_2415, %sub3A_2415 : vector<128x128xf32>
    %min3A_2417 = arith.minimumf %min3A_2346, %integer_pow3A_2416 : vector<128x128xf32>
    %sub3A_2418 = vector.broadcast %slice3A_2362 : vector<128x1xf32> to vector<128x128xf32>
    %sub3A_2419 = vector.broadcast %slice3A_1294 : vector<1x128xf32> to vector<128x128xf32>
    %sub3A_2420 = arith.subf %sub3A_2418, %sub3A_2419 : vector<128x128xf32>
    %integer_pow3A_2421 = arith.mulf %sub3A_2420, %sub3A_2420 : vector<128x128xf32>
    %min3A_2422 = arith.minimumf %min3A_2351, %integer_pow3A_2421 : vector<128x128xf32>
    %sub3A_2423 = vector.broadcast %slice3A_2362 : vector<128x1xf32> to vector<128x128xf32>
    %sub3A_2424 = vector.broadcast %slice3A_1295 : vector<1x128xf32> to vector<128x128xf32>
    %sub3A_2425 = arith.subf %sub3A_2423, %sub3A_2424 : vector<128x128xf32>
    %integer_pow3A_2426 = arith.mulf %sub3A_2425, %sub3A_2425 : vector<128x128xf32>
    %min3A_2427 = arith.minimumf %min3A_2356, %integer_pow3A_2426 : vector<128x128xf32>
    %sub3A_2428 = vector.broadcast %slice3A_2362 : vector<128x1xf32> to vector<128x128xf32>
    %sub3A_2429 = vector.broadcast %slice3A_1296 : vector<1x128xf32> to vector<128x128xf32>
    %sub3A_2430 = arith.subf %sub3A_2428, %sub3A_2429 : vector<128x128xf32>
    %integer_pow3A_2431 = arith.mulf %sub3A_2430, %sub3A_2430 : vector<128x128xf32>
    %min3A_2432 = arith.minimumf %min3A_2361, %integer_pow3A_2431 : vector<128x128xf32>
    %reduce_min3A_2433 = arith.constant dense<0x7F800000> : vector<128xf32>
    %reduce_min3A_2434 = vector.multi_reduction <minimumf>, %min3A_2367, %reduce_min3A_2433 [0] : vector<128x128xf32> to vector<128xf32>
    %broadcast_in_dim3A_2435 = vector.shape_cast %reduce_min3A_2434 : vector<128xf32> to vector<1x128xf32>
    %add3A_2436 = arith.constant 256 : i32
    %add3A_2437 = vector.broadcast %add3A_2436 : i32 to vector<1x128xi32>
    %add3A_2438 = arith.addi %iota3A_24, %add3A_2437 : vector<1x128xi32>
    %lt3A_2439 = arith.constant 2046 : i32
    %lt3A_2440 = vector.broadcast %lt3A_2439 : i32 to vector<1x128xi32>
    %lt3A_2441 = arith.cmpi slt, %add3A_2438, %lt3A_2440 : vector<1x128xi32>
    %jit3A_2442 = arith.constant 0.000000e+00 : f32
    %broadcast_in_dim3A_2443 = vector.broadcast %jit3A_2442 : f32 to vector<1x128xf32>
    %select_n3A_2444 = arith.select %lt3A_2441, %broadcast_in_dim3A_2435, %broadcast_in_dim3A_2443 : vector<1x128xi1>, vector<1x128xf32>
    %reduce_sum3A_2445 = vector.shape_cast %select_n3A_2444 : vector<1x128xf32> to vector<1x1x128xf32>
    %reduce_sum3A_2446 = arith.constant dense<0.000000e+00> : vector<1xf32>
    %reduce_sum3A_2447 = vector.multi_reduction <add>, %reduce_sum3A_2445, %reduce_sum3A_2446 [1, 2] : vector<1x1x128xf32> to vector<1xf32>
    %reduce_sum3A_2448 = vector.shape_cast %reduce_sum3A_2447 : vector<1xf32> to vector<1x1x1xf32>
    %reduce_sum3A_2449 = vector.extract %reduce_sum3A_2448[0, 0, 0] : f32 from vector<1x1x1xf32>
    %add3A_2450 = arith.constant 0.000000e+00 : f32
    %add3A_2451 = arith.addf %add3A_2450, %reduce_sum3A_2449 : f32
    %reduce_min3A_2452 = arith.constant dense<0x7F800000> : vector<128xf32>
    %reduce_min3A_2453 = vector.multi_reduction <minimumf>, %min3A_2372, %reduce_min3A_2452 [0] : vector<128x128xf32> to vector<128xf32>
    %broadcast_in_dim3A_2454 = vector.shape_cast %reduce_min3A_2453 : vector<128xf32> to vector<1x128xf32>
    %add3A_2455 = arith.constant 384 : i32
    %add3A_2456 = vector.broadcast %add3A_2455 : i32 to vector<1x128xi32>
    %add3A_2457 = arith.addi %iota3A_24, %add3A_2456 : vector<1x128xi32>
    %lt3A_2458 = arith.constant 2046 : i32
    %lt3A_2459 = vector.broadcast %lt3A_2458 : i32 to vector<1x128xi32>
    %lt3A_2460 = arith.cmpi slt, %add3A_2457, %lt3A_2459 : vector<1x128xi32>
    %jit3A_2461 = arith.constant 0.000000e+00 : f32
    %broadcast_in_dim3A_2462 = vector.broadcast %jit3A_2461 : f32 to vector<1x128xf32>
    %select_n3A_2463 = arith.select %lt3A_2460, %broadcast_in_dim3A_2454, %broadcast_in_dim3A_2462 : vector<1x128xi1>, vector<1x128xf32>
    %reduce_sum3A_2464 = vector.shape_cast %select_n3A_2463 : vector<1x128xf32> to vector<1x1x128xf32>
    %reduce_sum3A_2465 = arith.constant dense<0.000000e+00> : vector<1xf32>
    %reduce_sum3A_2466 = vector.multi_reduction <add>, %reduce_sum3A_2464, %reduce_sum3A_2465 [1, 2] : vector<1x1x128xf32> to vector<1xf32>
    %reduce_sum3A_2467 = vector.shape_cast %reduce_sum3A_2466 : vector<1xf32> to vector<1x1x1xf32>
    %reduce_sum3A_2468 = vector.extract %reduce_sum3A_2467[0, 0, 0] : f32 from vector<1x1x1xf32>
    %add3A_2469 = arith.addf %add3A_2451, %reduce_sum3A_2468 : f32
    %reduce_min3A_2470 = arith.constant dense<0x7F800000> : vector<128xf32>
    %reduce_min3A_2471 = vector.multi_reduction <minimumf>, %min3A_2377, %reduce_min3A_2470 [0] : vector<128x128xf32> to vector<128xf32>
    %broadcast_in_dim3A_2472 = vector.shape_cast %reduce_min3A_2471 : vector<128xf32> to vector<1x128xf32>
    %add3A_2473 = arith.constant 512 : i32
    %add3A_2474 = vector.broadcast %add3A_2473 : i32 to vector<1x128xi32>
    %add3A_2475 = arith.addi %iota3A_24, %add3A_2474 : vector<1x128xi32>
    %lt3A_2476 = arith.constant 2046 : i32
    %lt3A_2477 = vector.broadcast %lt3A_2476 : i32 to vector<1x128xi32>
    %lt3A_2478 = arith.cmpi slt, %add3A_2475, %lt3A_2477 : vector<1x128xi32>
    %jit3A_2479 = arith.constant 0.000000e+00 : f32
    %broadcast_in_dim3A_2480 = vector.broadcast %jit3A_2479 : f32 to vector<1x128xf32>
    %select_n3A_2481 = arith.select %lt3A_2478, %broadcast_in_dim3A_2472, %broadcast_in_dim3A_2480 : vector<1x128xi1>, vector<1x128xf32>
    %reduce_sum3A_2482 = vector.shape_cast %select_n3A_2481 : vector<1x128xf32> to vector<1x1x128xf32>
    %reduce_sum3A_2483 = arith.constant dense<0.000000e+00> : vector<1xf32>
    %reduce_sum3A_2484 = vector.multi_reduction <add>, %reduce_sum3A_2482, %reduce_sum3A_2483 [1, 2] : vector<1x1x128xf32> to vector<1xf32>
    %reduce_sum3A_2485 = vector.shape_cast %reduce_sum3A_2484 : vector<1xf32> to vector<1x1x1xf32>
    %reduce_sum3A_2486 = vector.extract %reduce_sum3A_2485[0, 0, 0] : f32 from vector<1x1x1xf32>
    %add3A_2487 = arith.addf %add3A_2469, %reduce_sum3A_2486 : f32
    %reduce_min3A_2488 = arith.constant dense<0x7F800000> : vector<128xf32>
    %reduce_min3A_2489 = vector.multi_reduction <minimumf>, %min3A_2382, %reduce_min3A_2488 [0] : vector<128x128xf32> to vector<128xf32>
    %broadcast_in_dim3A_2490 = vector.shape_cast %reduce_min3A_2489 : vector<128xf32> to vector<1x128xf32>
    %add3A_2491 = arith.constant 640 : i32
    %add3A_2492 = vector.broadcast %add3A_2491 : i32 to vector<1x128xi32>
    %add3A_2493 = arith.addi %iota3A_24, %add3A_2492 : vector<1x128xi32>
    %lt3A_2494 = arith.constant 2046 : i32
    %lt3A_2495 = vector.broadcast %lt3A_2494 : i32 to vector<1x128xi32>
    %lt3A_2496 = arith.cmpi slt, %add3A_2493, %lt3A_2495 : vector<1x128xi32>
    %jit3A_2497 = arith.constant 0.000000e+00 : f32
    %broadcast_in_dim3A_2498 = vector.broadcast %jit3A_2497 : f32 to vector<1x128xf32>
    %select_n3A_2499 = arith.select %lt3A_2496, %broadcast_in_dim3A_2490, %broadcast_in_dim3A_2498 : vector<1x128xi1>, vector<1x128xf32>
    %reduce_sum3A_2500 = vector.shape_cast %select_n3A_2499 : vector<1x128xf32> to vector<1x1x128xf32>
    %reduce_sum3A_2501 = arith.constant dense<0.000000e+00> : vector<1xf32>
    %reduce_sum3A_2502 = vector.multi_reduction <add>, %reduce_sum3A_2500, %reduce_sum3A_2501 [1, 2] : vector<1x1x128xf32> to vector<1xf32>
    %reduce_sum3A_2503 = vector.shape_cast %reduce_sum3A_2502 : vector<1xf32> to vector<1x1x1xf32>
    %reduce_sum3A_2504 = vector.extract %reduce_sum3A_2503[0, 0, 0] : f32 from vector<1x1x1xf32>
    %add3A_2505 = arith.addf %add3A_2487, %reduce_sum3A_2504 : f32
    %reduce_min3A_2506 = arith.constant dense<0x7F800000> : vector<128xf32>
    %reduce_min3A_2507 = vector.multi_reduction <minimumf>, %min3A_2387, %reduce_min3A_2506 [0] : vector<128x128xf32> to vector<128xf32>
    %broadcast_in_dim3A_2508 = vector.shape_cast %reduce_min3A_2507 : vector<128xf32> to vector<1x128xf32>
    %add3A_2509 = arith.constant 768 : i32
    %add3A_2510 = vector.broadcast %add3A_2509 : i32 to vector<1x128xi32>
    %add3A_2511 = arith.addi %iota3A_24, %add3A_2510 : vector<1x128xi32>
    %lt3A_2512 = arith.constant 2046 : i32
    %lt3A_2513 = vector.broadcast %lt3A_2512 : i32 to vector<1x128xi32>
    %lt3A_2514 = arith.cmpi slt, %add3A_2511, %lt3A_2513 : vector<1x128xi32>
    %jit3A_2515 = arith.constant 0.000000e+00 : f32
    %broadcast_in_dim3A_2516 = vector.broadcast %jit3A_2515 : f32 to vector<1x128xf32>
    %select_n3A_2517 = arith.select %lt3A_2514, %broadcast_in_dim3A_2508, %broadcast_in_dim3A_2516 : vector<1x128xi1>, vector<1x128xf32>
    %reduce_sum3A_2518 = vector.shape_cast %select_n3A_2517 : vector<1x128xf32> to vector<1x1x128xf32>
    %reduce_sum3A_2519 = arith.constant dense<0.000000e+00> : vector<1xf32>
    %reduce_sum3A_2520 = vector.multi_reduction <add>, %reduce_sum3A_2518, %reduce_sum3A_2519 [1, 2] : vector<1x1x128xf32> to vector<1xf32>
    %reduce_sum3A_2521 = vector.shape_cast %reduce_sum3A_2520 : vector<1xf32> to vector<1x1x1xf32>
    %reduce_sum3A_2522 = vector.extract %reduce_sum3A_2521[0, 0, 0] : f32 from vector<1x1x1xf32>
    %add3A_2523 = arith.addf %add3A_2505, %reduce_sum3A_2522 : f32
    %reduce_min3A_2524 = arith.constant dense<0x7F800000> : vector<128xf32>
    %reduce_min3A_2525 = vector.multi_reduction <minimumf>, %min3A_2392, %reduce_min3A_2524 [0] : vector<128x128xf32> to vector<128xf32>
    %broadcast_in_dim3A_2526 = vector.shape_cast %reduce_min3A_2525 : vector<128xf32> to vector<1x128xf32>
    %add3A_2527 = arith.constant 896 : i32
    %add3A_2528 = vector.broadcast %add3A_2527 : i32 to vector<1x128xi32>
    %add3A_2529 = arith.addi %iota3A_24, %add3A_2528 : vector<1x128xi32>
    %lt3A_2530 = arith.constant 2046 : i32
    %lt3A_2531 = vector.broadcast %lt3A_2530 : i32 to vector<1x128xi32>
    %lt3A_2532 = arith.cmpi slt, %add3A_2529, %lt3A_2531 : vector<1x128xi32>
    %jit3A_2533 = arith.constant 0.000000e+00 : f32
    %broadcast_in_dim3A_2534 = vector.broadcast %jit3A_2533 : f32 to vector<1x128xf32>
    %select_n3A_2535 = arith.select %lt3A_2532, %broadcast_in_dim3A_2526, %broadcast_in_dim3A_2534 : vector<1x128xi1>, vector<1x128xf32>
    %reduce_sum3A_2536 = vector.shape_cast %select_n3A_2535 : vector<1x128xf32> to vector<1x1x128xf32>
    %reduce_sum3A_2537 = arith.constant dense<0.000000e+00> : vector<1xf32>
    %reduce_sum3A_2538 = vector.multi_reduction <add>, %reduce_sum3A_2536, %reduce_sum3A_2537 [1, 2] : vector<1x1x128xf32> to vector<1xf32>
    %reduce_sum3A_2539 = vector.shape_cast %reduce_sum3A_2538 : vector<1xf32> to vector<1x1x1xf32>
    %reduce_sum3A_2540 = vector.extract %reduce_sum3A_2539[0, 0, 0] : f32 from vector<1x1x1xf32>
    %add3A_2541 = arith.addf %add3A_2523, %reduce_sum3A_2540 : f32
    %reduce_min3A_2542 = arith.constant dense<0x7F800000> : vector<128xf32>
    %reduce_min3A_2543 = vector.multi_reduction <minimumf>, %min3A_2397, %reduce_min3A_2542 [0] : vector<128x128xf32> to vector<128xf32>
    %broadcast_in_dim3A_2544 = vector.shape_cast %reduce_min3A_2543 : vector<128xf32> to vector<1x128xf32>
    %add3A_2545 = arith.constant 1024 : i32
    %add3A_2546 = vector.broadcast %add3A_2545 : i32 to vector<1x128xi32>
    %add3A_2547 = arith.addi %iota3A_24, %add3A_2546 : vector<1x128xi32>
    %lt3A_2548 = arith.constant 2046 : i32
    %lt3A_2549 = vector.broadcast %lt3A_2548 : i32 to vector<1x128xi32>
    %lt3A_2550 = arith.cmpi slt, %add3A_2547, %lt3A_2549 : vector<1x128xi32>
    %jit3A_2551 = arith.constant 0.000000e+00 : f32
    %broadcast_in_dim3A_2552 = vector.broadcast %jit3A_2551 : f32 to vector<1x128xf32>
    %select_n3A_2553 = arith.select %lt3A_2550, %broadcast_in_dim3A_2544, %broadcast_in_dim3A_2552 : vector<1x128xi1>, vector<1x128xf32>
    %reduce_sum3A_2554 = vector.shape_cast %select_n3A_2553 : vector<1x128xf32> to vector<1x1x128xf32>
    %reduce_sum3A_2555 = arith.constant dense<0.000000e+00> : vector<1xf32>
    %reduce_sum3A_2556 = vector.multi_reduction <add>, %reduce_sum3A_2554, %reduce_sum3A_2555 [1, 2] : vector<1x1x128xf32> to vector<1xf32>
    %reduce_sum3A_2557 = vector.shape_cast %reduce_sum3A_2556 : vector<1xf32> to vector<1x1x1xf32>
    %reduce_sum3A_2558 = vector.extract %reduce_sum3A_2557[0, 0, 0] : f32 from vector<1x1x1xf32>
    %add3A_2559 = arith.addf %add3A_2541, %reduce_sum3A_2558 : f32
    %reduce_min3A_2560 = arith.constant dense<0x7F800000> : vector<128xf32>
    %reduce_min3A_2561 = vector.multi_reduction <minimumf>, %min3A_2402, %reduce_min3A_2560 [0] : vector<128x128xf32> to vector<128xf32>
    %broadcast_in_dim3A_2562 = vector.shape_cast %reduce_min3A_2561 : vector<128xf32> to vector<1x128xf32>
    %add3A_2563 = arith.constant 1152 : i32
    %add3A_2564 = vector.broadcast %add3A_2563 : i32 to vector<1x128xi32>
    %add3A_2565 = arith.addi %iota3A_24, %add3A_2564 : vector<1x128xi32>
    %lt3A_2566 = arith.constant 2046 : i32
    %lt3A_2567 = vector.broadcast %lt3A_2566 : i32 to vector<1x128xi32>
    %lt3A_2568 = arith.cmpi slt, %add3A_2565, %lt3A_2567 : vector<1x128xi32>
    %jit3A_2569 = arith.constant 0.000000e+00 : f32
    %broadcast_in_dim3A_2570 = vector.broadcast %jit3A_2569 : f32 to vector<1x128xf32>
    %select_n3A_2571 = arith.select %lt3A_2568, %broadcast_in_dim3A_2562, %broadcast_in_dim3A_2570 : vector<1x128xi1>, vector<1x128xf32>
    %reduce_sum3A_2572 = vector.shape_cast %select_n3A_2571 : vector<1x128xf32> to vector<1x1x128xf32>
    %reduce_sum3A_2573 = arith.constant dense<0.000000e+00> : vector<1xf32>
    %reduce_sum3A_2574 = vector.multi_reduction <add>, %reduce_sum3A_2572, %reduce_sum3A_2573 [1, 2] : vector<1x1x128xf32> to vector<1xf32>
    %reduce_sum3A_2575 = vector.shape_cast %reduce_sum3A_2574 : vector<1xf32> to vector<1x1x1xf32>
    %reduce_sum3A_2576 = vector.extract %reduce_sum3A_2575[0, 0, 0] : f32 from vector<1x1x1xf32>
    %add3A_2577 = arith.addf %add3A_2559, %reduce_sum3A_2576 : f32
    %reduce_min3A_2578 = arith.constant dense<0x7F800000> : vector<128xf32>
    %reduce_min3A_2579 = vector.multi_reduction <minimumf>, %min3A_2407, %reduce_min3A_2578 [0] : vector<128x128xf32> to vector<128xf32>
    %broadcast_in_dim3A_2580 = vector.shape_cast %reduce_min3A_2579 : vector<128xf32> to vector<1x128xf32>
    %add3A_2581 = arith.constant 1280 : i32
    %add3A_2582 = vector.broadcast %add3A_2581 : i32 to vector<1x128xi32>
    %add3A_2583 = arith.addi %iota3A_24, %add3A_2582 : vector<1x128xi32>
    %lt3A_2584 = arith.constant 2046 : i32
    %lt3A_2585 = vector.broadcast %lt3A_2584 : i32 to vector<1x128xi32>
    %lt3A_2586 = arith.cmpi slt, %add3A_2583, %lt3A_2585 : vector<1x128xi32>
    %jit3A_2587 = arith.constant 0.000000e+00 : f32
    %broadcast_in_dim3A_2588 = vector.broadcast %jit3A_2587 : f32 to vector<1x128xf32>
    %select_n3A_2589 = arith.select %lt3A_2586, %broadcast_in_dim3A_2580, %broadcast_in_dim3A_2588 : vector<1x128xi1>, vector<1x128xf32>
    %reduce_sum3A_2590 = vector.shape_cast %select_n3A_2589 : vector<1x128xf32> to vector<1x1x128xf32>
    %reduce_sum3A_2591 = arith.constant dense<0.000000e+00> : vector<1xf32>
    %reduce_sum3A_2592 = vector.multi_reduction <add>, %reduce_sum3A_2590, %reduce_sum3A_2591 [1, 2] : vector<1x1x128xf32> to vector<1xf32>
    %reduce_sum3A_2593 = vector.shape_cast %reduce_sum3A_2592 : vector<1xf32> to vector<1x1x1xf32>
    %reduce_sum3A_2594 = vector.extract %reduce_sum3A_2593[0, 0, 0] : f32 from vector<1x1x1xf32>
    %add3A_2595 = arith.addf %add3A_2577, %reduce_sum3A_2594 : f32
    %reduce_min3A_2596 = arith.constant dense<0x7F800000> : vector<128xf32>
    %reduce_min3A_2597 = vector.multi_reduction <minimumf>, %min3A_2412, %reduce_min3A_2596 [0] : vector<128x128xf32> to vector<128xf32>
    %broadcast_in_dim3A_2598 = vector.shape_cast %reduce_min3A_2597 : vector<128xf32> to vector<1x128xf32>
    %add3A_2599 = arith.constant 1408 : i32
    %add3A_2600 = vector.broadcast %add3A_2599 : i32 to vector<1x128xi32>
    %add3A_2601 = arith.addi %iota3A_24, %add3A_2600 : vector<1x128xi32>
    %lt3A_2602 = arith.constant 2046 : i32
    %lt3A_2603 = vector.broadcast %lt3A_2602 : i32 to vector<1x128xi32>
    %lt3A_2604 = arith.cmpi slt, %add3A_2601, %lt3A_2603 : vector<1x128xi32>
    %jit3A_2605 = arith.constant 0.000000e+00 : f32
    %broadcast_in_dim3A_2606 = vector.broadcast %jit3A_2605 : f32 to vector<1x128xf32>
    %select_n3A_2607 = arith.select %lt3A_2604, %broadcast_in_dim3A_2598, %broadcast_in_dim3A_2606 : vector<1x128xi1>, vector<1x128xf32>
    %reduce_sum3A_2608 = vector.shape_cast %select_n3A_2607 : vector<1x128xf32> to vector<1x1x128xf32>
    %reduce_sum3A_2609 = arith.constant dense<0.000000e+00> : vector<1xf32>
    %reduce_sum3A_2610 = vector.multi_reduction <add>, %reduce_sum3A_2608, %reduce_sum3A_2609 [1, 2] : vector<1x1x128xf32> to vector<1xf32>
    %reduce_sum3A_2611 = vector.shape_cast %reduce_sum3A_2610 : vector<1xf32> to vector<1x1x1xf32>
    %reduce_sum3A_2612 = vector.extract %reduce_sum3A_2611[0, 0, 0] : f32 from vector<1x1x1xf32>
    %add3A_2613 = arith.addf %add3A_2595, %reduce_sum3A_2612 : f32
    %reduce_min3A_2614 = arith.constant dense<0x7F800000> : vector<128xf32>
    %reduce_min3A_2615 = vector.multi_reduction <minimumf>, %min3A_2417, %reduce_min3A_2614 [0] : vector<128x128xf32> to vector<128xf32>
    %broadcast_in_dim3A_2616 = vector.shape_cast %reduce_min3A_2615 : vector<128xf32> to vector<1x128xf32>
    %add3A_2617 = arith.constant 1536 : i32
    %add3A_2618 = vector.broadcast %add3A_2617 : i32 to vector<1x128xi32>
    %add3A_2619 = arith.addi %iota3A_24, %add3A_2618 : vector<1x128xi32>
    %lt3A_2620 = arith.constant 2046 : i32
    %lt3A_2621 = vector.broadcast %lt3A_2620 : i32 to vector<1x128xi32>
    %lt3A_2622 = arith.cmpi slt, %add3A_2619, %lt3A_2621 : vector<1x128xi32>
    %jit3A_2623 = arith.constant 0.000000e+00 : f32
    %broadcast_in_dim3A_2624 = vector.broadcast %jit3A_2623 : f32 to vector<1x128xf32>
    %select_n3A_2625 = arith.select %lt3A_2622, %broadcast_in_dim3A_2616, %broadcast_in_dim3A_2624 : vector<1x128xi1>, vector<1x128xf32>
    %reduce_sum3A_2626 = vector.shape_cast %select_n3A_2625 : vector<1x128xf32> to vector<1x1x128xf32>
    %reduce_sum3A_2627 = arith.constant dense<0.000000e+00> : vector<1xf32>
    %reduce_sum3A_2628 = vector.multi_reduction <add>, %reduce_sum3A_2626, %reduce_sum3A_2627 [1, 2] : vector<1x1x128xf32> to vector<1xf32>
    %reduce_sum3A_2629 = vector.shape_cast %reduce_sum3A_2628 : vector<1xf32> to vector<1x1x1xf32>
    %reduce_sum3A_2630 = vector.extract %reduce_sum3A_2629[0, 0, 0] : f32 from vector<1x1x1xf32>
    %add3A_2631 = arith.addf %add3A_2613, %reduce_sum3A_2630 : f32
    %reduce_min3A_2632 = arith.constant dense<0x7F800000> : vector<128xf32>
    %reduce_min3A_2633 = vector.multi_reduction <minimumf>, %min3A_2422, %reduce_min3A_2632 [0] : vector<128x128xf32> to vector<128xf32>
    %broadcast_in_dim3A_2634 = vector.shape_cast %reduce_min3A_2633 : vector<128xf32> to vector<1x128xf32>
    %add3A_2635 = arith.constant 1664 : i32
    %add3A_2636 = vector.broadcast %add3A_2635 : i32 to vector<1x128xi32>
    %add3A_2637 = arith.addi %iota3A_24, %add3A_2636 : vector<1x128xi32>
    %lt3A_2638 = arith.constant 2046 : i32
    %lt3A_2639 = vector.broadcast %lt3A_2638 : i32 to vector<1x128xi32>
    %lt3A_2640 = arith.cmpi slt, %add3A_2637, %lt3A_2639 : vector<1x128xi32>
    %jit3A_2641 = arith.constant 0.000000e+00 : f32
    %broadcast_in_dim3A_2642 = vector.broadcast %jit3A_2641 : f32 to vector<1x128xf32>
    %select_n3A_2643 = arith.select %lt3A_2640, %broadcast_in_dim3A_2634, %broadcast_in_dim3A_2642 : vector<1x128xi1>, vector<1x128xf32>
    %reduce_sum3A_2644 = vector.shape_cast %select_n3A_2643 : vector<1x128xf32> to vector<1x1x128xf32>
    %reduce_sum3A_2645 = arith.constant dense<0.000000e+00> : vector<1xf32>
    %reduce_sum3A_2646 = vector.multi_reduction <add>, %reduce_sum3A_2644, %reduce_sum3A_2645 [1, 2] : vector<1x1x128xf32> to vector<1xf32>
    %reduce_sum3A_2647 = vector.shape_cast %reduce_sum3A_2646 : vector<1xf32> to vector<1x1x1xf32>
    %reduce_sum3A_2648 = vector.extract %reduce_sum3A_2647[0, 0, 0] : f32 from vector<1x1x1xf32>
    %add3A_2649 = arith.addf %add3A_2631, %reduce_sum3A_2648 : f32
    %reduce_min3A_2650 = arith.constant dense<0x7F800000> : vector<128xf32>
    %reduce_min3A_2651 = vector.multi_reduction <minimumf>, %min3A_2427, %reduce_min3A_2650 [0] : vector<128x128xf32> to vector<128xf32>
    %broadcast_in_dim3A_2652 = vector.shape_cast %reduce_min3A_2651 : vector<128xf32> to vector<1x128xf32>
    %add3A_2653 = arith.constant 1792 : i32
    %add3A_2654 = vector.broadcast %add3A_2653 : i32 to vector<1x128xi32>
    %add3A_2655 = arith.addi %iota3A_24, %add3A_2654 : vector<1x128xi32>
    %lt3A_2656 = arith.constant 2046 : i32
    %lt3A_2657 = vector.broadcast %lt3A_2656 : i32 to vector<1x128xi32>
    %lt3A_2658 = arith.cmpi slt, %add3A_2655, %lt3A_2657 : vector<1x128xi32>
    %jit3A_2659 = arith.constant 0.000000e+00 : f32
    %broadcast_in_dim3A_2660 = vector.broadcast %jit3A_2659 : f32 to vector<1x128xf32>
    %select_n3A_2661 = arith.select %lt3A_2658, %broadcast_in_dim3A_2652, %broadcast_in_dim3A_2660 : vector<1x128xi1>, vector<1x128xf32>
    %reduce_sum3A_2662 = vector.shape_cast %select_n3A_2661 : vector<1x128xf32> to vector<1x1x128xf32>
    %reduce_sum3A_2663 = arith.constant dense<0.000000e+00> : vector<1xf32>
    %reduce_sum3A_2664 = vector.multi_reduction <add>, %reduce_sum3A_2662, %reduce_sum3A_2663 [1, 2] : vector<1x1x128xf32> to vector<1xf32>
    %reduce_sum3A_2665 = vector.shape_cast %reduce_sum3A_2664 : vector<1xf32> to vector<1x1x1xf32>
    %reduce_sum3A_2666 = vector.extract %reduce_sum3A_2665[0, 0, 0] : f32 from vector<1x1x1xf32>
    %add3A_2667 = arith.addf %add3A_2649, %reduce_sum3A_2666 : f32
    %reduce_min3A_2668 = arith.constant dense<0x7F800000> : vector<128xf32>
    %reduce_min3A_2669 = vector.multi_reduction <minimumf>, %min3A_2432, %reduce_min3A_2668 [0] : vector<128x128xf32> to vector<128xf32>
    %broadcast_in_dim3A_2670 = vector.shape_cast %reduce_min3A_2669 : vector<128xf32> to vector<1x128xf32>
    %add3A_2671 = arith.constant 1920 : i32
    %add3A_2672 = vector.broadcast %add3A_2671 : i32 to vector<1x128xi32>
    %add3A_2673 = arith.addi %iota3A_24, %add3A_2672 : vector<1x128xi32>
    %lt3A_2674 = arith.constant 2046 : i32
    %lt3A_2675 = vector.broadcast %lt3A_2674 : i32 to vector<1x128xi32>
    %lt3A_2676 = arith.cmpi slt, %add3A_2673, %lt3A_2675 : vector<1x128xi32>
    %jit3A_2677 = arith.constant 0.000000e+00 : f32
    %broadcast_in_dim3A_2678 = vector.broadcast %jit3A_2677 : f32 to vector<1x128xf32>
    %select_n3A_2679 = arith.select %lt3A_2676, %broadcast_in_dim3A_2670, %broadcast_in_dim3A_2678 : vector<1x128xi1>, vector<1x128xf32>
    %reduce_sum3A_2680 = vector.shape_cast %select_n3A_2679 : vector<1x128xf32> to vector<1x1x128xf32>
    %reduce_sum3A_2681 = arith.constant dense<0.000000e+00> : vector<1xf32>
    %reduce_sum3A_2682 = vector.multi_reduction <add>, %reduce_sum3A_2680, %reduce_sum3A_2681 [1, 2] : vector<1x1x128xf32> to vector<1xf32>
    %reduce_sum3A_2683 = vector.shape_cast %reduce_sum3A_2682 : vector<1xf32> to vector<1x1x1xf32>
    %reduce_sum3A_2684 = vector.extract %reduce_sum3A_2683[0, 0, 0] : f32 from vector<1x1x1xf32>
    %add3A_2685 = arith.addf %add3A_2667, %reduce_sum3A_2684 : f32
    %mul3A_2686 = arith.constant 1.22070313E-4 : f32
    %mul3A_2687 = arith.mulf %add3A_1282, %mul3A_2686 : f32
    %mul3A_2688 = arith.constant 1.22189638E-4 : f32
    %mul3A_2689 = arith.mulf %add3A_2685, %mul3A_2688 : f32
    %add3A_2690 = arith.addf %mul3A_2687, %mul3A_2689 : f32
    %iota3A_2691 = tpu.iota {dimensions = array<i32: 0>} : vector<8x16xi32>
    %iota3A_2692 = tpu.iota {dimensions = array<i32: 1>} : vector<8x16xi32>
    %eq3A = arith.constant 0 : i32
    %eq3A_2693 = vector.broadcast %eq3A : i32 to vector<8x16xi32>
    %eq3A_2694 = arith.cmpi eq, %iota3A_2691, %eq3A_2693 : vector<8x16xi32>
    %eq3A_2695 = arith.constant 0 : i32
    %eq3A_2696 = vector.broadcast %eq3A_2695 : i32 to vector<8x16xi32>
    %eq3A_2697 = arith.cmpi eq, %iota3A_2692, %eq3A_2696 : vector<8x16xi32>
    %and3A = arith.andi %eq3A_2694, %eq3A_2697 : vector<8x16xi1>
    %jit3A_2698 = arith.constant 0.000000e+00 : f32
    %broadcast_in_dim3A_2699 = vector.broadcast %add3A_2690 : f32 to vector<8x16xf32>
    %broadcast_in_dim3A_2700 = vector.broadcast %jit3A_2698 : f32 to vector<8x16xf32>
    %select_n3A_2701 = arith.select %and3A, %broadcast_in_dim3A_2699, %broadcast_in_dim3A_2700 : vector<8x16xi1>, vector<8x16xf32>
    %swap3A = arith.constant 0 : index
    %swap3A_2702 = arith.constant 0 : index
    %swap3A_2703 = vector.load %arg3[%swap3A, %swap3A_2702] : memref<8x16xf32, #tpu.memory_space<vmem>>, vector<8x16xf32>
    tpu.vector_store %arg3[%swap3A, %swap3A_2702], %select_n3A_2701 {strides = array<i32>} : memref<8x16xf32, #tpu.memory_space<vmem>>, vector<8x16xf32>,
    return
  }
  func.func @transform_0(%arg0: i32) -> (i32, i32, i32, i32) {
    %c0_i32 = arith.constant 0 : i32
    %c31_i32 = arith.constant 31 : i32
    %c0_i32_0 = arith.constant 0 : i32
    %c0_i32_1 = arith.constant 0 : i32
    return %arg0, %c0_i32, %c31_i32, %c0_i32_0 : i32, i32, i32, i32
  }
  func.func @transform_1(%arg0: i32) -> (i32, i32, i32) {
    %c0_i32 = arith.constant 0 : i32
    %c0_i32_0 = arith.constant 0 : i32
    %c0_i32_1 = arith.constant 0 : i32
    return %arg0, %c0_i32, %c0_i32_0 : i32, i32, i32
  }
  func.func @transform_2(%arg0: i32) -> (i32, i32) {
    %c0_i32 = arith.constant 0 : i32
    %c0_i32_0 = arith.constant 0 : i32
    return %arg0, %c0_i32 : i32, i32
  }
}

</mosaic_0001>

<sc_bundles>
// kernel: kernel.4.cloned.1.call-start
scs
__scs_entry_jumppad:
0x0: {  	(pc) =	sbr.rel $0x88, $3  }
0x1: {  	(tag) =	ssettag $0x0;
	lr =	simm.s32 $0x1  }
0x2: {  	[smem:$0x3F9F] =	sst lr;
	_ =	strace $0xD0000000  }
0x3: {  	_ = 	snop  }
0x4: {  	_ = 	snop  }
0x5: {  	_ = 	snop  }
0x6: {  	_ = 	snop  }
0x7: {  	_ = 	snop  }
__scs_overlays_trampoline_lowered:
0x8: {  	[smem:$0x3FAE] =	sst s0  }
0x9: {  	[smem:$0x3FAF] =	sst s1  }
0xa: {  	[smem:$0x3FB0] =	sst s2  }
0xb: {  	[smem:$0x3FB1] =	sst s3  }
0xc: {  	[smem:$0x3FB2] =	sst s4  }
0xd: {  	[smem:$0x3FB3] =	sst s5  }
0xe: {  	[smem:$0x3FB4] =	sst s6  }
0xf: {  	[smem:$0x3FB5] =	sst s7  }
0x10: {  	[smem:$0x3FB6] =	sst s8  }
0x11: {  	[smem:$0x3FB7] =	sst s9;
	s0 =	simm.s32 @!p0 $0x0  }
0x12: {  	s1 =	sld [smem:$0x3F9D];
	s0 =	simm.s32 @p0 $0x1  }
0x13: {  	[smem:$0x3FB8] =	sst s0;
	s0 =	simm.s32 @!p1 $0x0  }
0x14: {  	s2 =	sld [smem:$0x3F9C];
	s0 =	simm.s32 @p1 $0x1  }
0x15: {  	[smem:$0x3FB9] =	sst s0;
	s0 =	simm.s32 @!p2 $0x0  }
0x16: {  	s3 =	sld [smem:$0x3FDB];
	s0 =	simm.s32 @p2 $0x1  }
0x17: {  	s4 =	simm.s32 $0x1BF5;
	[smem:$0x3FBB] =	sst s0  }
0x18: {  	s0 =	sld [smem:$0x3F9E];
	_ =	swait.ge [sflag:s4], $0x0  }
0x19: {  	s7 =	sld [smem:$0x3F9F]  }
0x1a: {  	s8 =	sadd.s32 $0xFFFFE003, lr  }
0x1b: {  	s9 =	sadd.s32 $0xFFFFFEF7, lr;
	s5 =	simm.s32 $0xFFFFFFFF;
	p2 =	slt.u32 s8, $0xFFFFF086  }
0x1c: {  	p1 =	slt.u32 s9, $0xF7A;
	s5 =	simm.s32 @!p2 $0x0  }
0x1d: {  	s5 =	simm.s32 @p1 $0x1;
	p0 =	seq.s32 s7, s2  }
0x1e: {  	s7 =	smul.u32 @!p0 $0xF7A, s2;
	p2 =	seq.s32 @!p0 s5, $0x0  }
0x1f: {  	s9 =	smul.u32 $0xF7A, s1;
	s8 =	simm.s32 @!p0 $0x1BF5;
	p2 =	por !p2, p0  }
0x20: {  	[sflag:s8] =	ssyncset.s32 @!p0 $0xFFFFF086;
	s6 =	sadd.s32 @!p0 s3, s7;
	s7 =	simm.s32 @!p0 $0x108  }
0x21: {  	s3 =	sadd.s32 s3, s9;
	s6 =	sadd.s32 @!p0 $0x88, s6;
	s7 =	simm.s32 @p2 $0x1082  }
0x22: {  	[simem:s7], [sflag:s8] =	dma.local @!p0 [hbm:s6], $0xF7A  }
0x23: {  	s9 =	sor.u32 $0xD0000000, s2;
	s6 =	simm.s32 $0x108;
	_ =	swait.ge @!p0 [sflag:s8], $0x0  }
0x24: {  	s3 =	sadd.s32 $0x88, s3;
	s6 =	simm.s32 @!p1 $0x1082;
	[sflag:s4] =	ssyncset.s32 $0xFFFFF086  }
0x25: {  	[simem:s6], [sflag:s4] =	dma.local [hbm:s3], $0xF7A  }
0x26: {  	[smem:$0x3F9F] =	sst s1;
	(tag) =	ssettag s2;
	_ =	strace s9  }
0x27: {  	s1 =	sld [smem:$0x3FAF]  }
0x28: {  	s2 =	sld [smem:$0x3FB0]  }
0x29: {  	s4 =	sld [smem:$0x3FB2]  }
0x2a: {  	p0 =	seq.s32 s5, $0x0;
	s5 =	sld [smem:$0x3FB3]  }
0x2b: {  	s6 =	sld [smem:$0x3FB4]  }
0x2c: {  	s7 =	sld [smem:$0x3FB5]  }
0x2d: {  	s3 =	simm.s32 $0x108;
	s8 =	sld [smem:$0x3FB6]  }
0x2e: {  	s3 =	simm.s32 @!p0 $0x1082;
	s9 =	sld [smem:$0x3FB7]  }
0x2f: {  	lr =	sadd.s32 s0, s3;
	s0 =	sld [smem:$0x3FAE]  }
0x30: {  	s3 =	sld [smem:$0x3FB1]  }
0x31: {  	[smem:$0x3FBA] =	sst s10  }
0x32: {  	s10 =	sld [smem:$0x3FB8];
	_ =	sdelay $0x3  }
0x33: {  	p0 =	seq.s32 s10, $0x1;
	s10 =	sld [smem:$0x3FBA];
	_ =	sdelay $0x3  }
0x34: {  	[smem:$0x3FBA] =	sst s10  }
0x35: {  	s10 =	sld [smem:$0x3FB9];
	_ =	sdelay $0x3  }
0x36: {  	p1 =	seq.s32 s10, $0x1;
	s10 =	sld [smem:$0x3FBA];
	_ =	sdelay $0x3  }
0x37: {  	[smem:$0x3FBA] =	sst s10  }
0x38: {  	s10 =	sld [smem:$0x3FBB]  }
0x39: {  	_ = 	snop;
	(pc) =	sbr.ind lr, $3  }
0x3a: {  	_ = 	snop  }
0x3b: {  	_ = 	snop  }
0x3c: {  	p2 =	seq.s32 s10, $0x1;
	s10 =	sld [smem:$0x3FBA]  }
0x3d: {  	_ =	shalt  }
0x3e: {  	_ =	shalt  }
0x3f: {  	_ =	shalt  }
0x40: {  	_ =	shalt  }
0x41: {  	_ =	shalt  }
0x42: {  	_ =	shalt  }
0x43: {  	_ =	shalt  }
0x44: {  	_ =	shalt  }
0x45: {  	_ =	shalt  }
0x46: {  	_ =	shalt  }
0x47: {  	_ =	shalt  }
0x48: {  	_ =	shalt  }
0x49: {  	_ =	shalt  }
0x4a: {  	_ =	shalt  }
0x4b: {  	_ =	shalt  }
0x4c: {  	_ =	shalt  }
0x4d: {  	_ =	shalt  }
0x4e: {  	_ =	shalt  }
0x4f: {  	_ =	shalt  }
0x50: {  	_ =	shalt  }
0x51: {  	_ =	shalt  }
0x52: {  	_ =	shalt  }
0x53: {  	_ =	shalt  }
0x54: {  	_ =	shalt  }
0x55: {  	_ =	shalt  }
0x56: {  	_ =	shalt  }
0x57: {  	_ =	shalt  }
0x58: {  	_ =	shalt  }
0x59: {  	_ =	shalt  }
0x5a: {  	_ =	shalt  }
0x5b: {  	_ =	shalt  }
0x5c: {  	_ =	shalt  }
0x5d: {  	_ =	shalt  }
0x5e: {  	_ =	shalt  }
0x5f: {  	_ =	shalt  }
0x60: {  	_ =	shalt  }
0x61: {  	_ =	shalt  }
0x62: {  	_ =	shalt  }
0x63: {  	_ =	shalt  }
0x64: {  	_ =	shalt  }
0x65: {  	_ =	shalt  }
0x66: {  	_ =	shalt  }
0x67: {  	_ =	shalt  }
0x68: {  	_ =	shalt  }
0x69: {  	_ =	shalt  }
0x6a: {  	_ =	shalt  }
0x6b: {  	_ =	shalt  }
0x6c: {  	_ =	shalt  }
0x6d: {  	_ =	shalt  }
0x6e: {  	_ =	shalt  }
0x6f: {  	_ =	shalt  }
0x70: {  	_ =	shalt  }
0x71: {  	_ =	shalt  }
0x72: {  	_ =	shalt  }
0x73: {  	_ =	shalt  }
0x74: {  	_ =	shalt  }
0x75: {  	_ =	shalt  }
0x76: {  	_ =	shalt  }
0x77: {  	_ =	shalt  }
0x78: {  	_ =	shalt  }
0x79: {  	_ =	shalt  }
0x7a: {  	_ =	shalt  }
0x7b: {  	_ =	shalt  }
0x7c: {  	_ =	shalt  }
0x7d: {  	_ =	shalt  }
0x7e: {  	_ =	shalt  }
0x7f: {  	_ =	shalt  }
0x80: {  	_ =	shalt  }
0x81: {  	_ =	shalt  }
0x82: {  	_ =	shalt  }
0x83: {  	_ =	shalt  }
0x84: {  	_ =	shalt  }
0x85: {  	_ =	shalt  }
0x86: {  	_ =	shalt  }
0x87: {  	_ =	shalt  }
.Lfunc_end0:
.L_simem_size_0:
called_computation_lowered:
.L_overlay_start_0:
0x88: {  	s2 =	sld [smem:$0x3FD9]  }
0x89: {  	s3 =	sld [smem:$0x3FFE];
	_ =	sdelay $0x1  }
0x8a: {  	s1 =	srdreg.scid  }
0x8b: {  	s0 =	sand.u32 $0x1, s1  }
0x8c: {  	s17 =	sshll.u32 s0, $0xA;
	s2 =	sadd.s32 s3, s2  }
0x8d: {  	s2 =	sadd.s32 s2, s17  }
0x8e: {  	[smem:$0x3FC6] =	sst s2  }
0x8f: {  	_ = 	snop  }
0x90: {  	s2 =	sld [smem:$0x3FC9]  }
0x91: {  	s18 =	sld [smem:$0x3FC8];
	(tm) =	ssettm $0x1  }
0x92: {  	s4 =	sld [smem:$0x3FFB];
	_ =	sdelay $0x3  }
0x93: {  	_ =	strace s4  }
0x94: {  	s4 =	sld [smem:$0x3FFC];
	_ =	sdelay $0x3  }
0x95: {  	_ =	strace s4  }
0x96: {  	s4 =	sld [smem:$0x3FFD];
	_ =	sdelay $0x3  }
0x97: {  	_ =	strace s4  }
0x98: {  	_ =	strace $0x8FFFFFFF  }
0x99: {  	s19 =	sld [smem:$0x3FDB];
	_ =	sdelay $0x1  }
0x9a: {  	s5 =	simm.s32 $_scs_section_size  }
0x9b: {  	s6 =	simm.s32 $_size__tile_overlayer_lowered;
	s7 =	simm.s32 $_tile_overlayer_lowered  }
0x9c: {  	s22 =	simm.s32 $0x1BFF;
	s21 =	sshll.u32 s7, $0x1;
	s4 =	sadd.s32 s5, s19  }
0x9d: {  	s8 =	simm.s32 $0x0;
	s20 =	sshll.u32 s6, $0x1;
	s6 =	sadd.s32 s21, s4  }
0x9e: {  	[timem:s8], [sflag:s22] =	dma.local [hbm:s6], s20  }
0x9f: {  	_ =	swait.ge [sflag:s22], s20  }
0xa0: {  	s5 =	ssub.s32 $0x0, s20;
	[sflag:s22] =	ssyncset.done $0x0  }
0xa1: {  	[sflag:s22] =	ssyncadd.s32 s5;
	_ =	sdelay $0x1  }
0xa2: {  	s23 =	simm.s32 $0x1B8B  }
0xa3: {  	_ =	swait.ge [sflag:s23], $0x1  }
0xa4: {  	[sflag:s23] =	ssyncset.done $0x0  }
0xa5: {  	s25 =	simm.s32 $0x1B8E;
	s24 =	sld [smem:$0x3FFE];
	[sflag:s23] =	ssyncadd.s32 $0xFFFFFFFF  }
0xa6: {  	s26 =	simm.s32 $execute0_lowered;
	[smem:$0x3FD2] =	sst s25  }
0xa7: {  	s6 =	sshll.u32 s26, $0x1;
	_ =	strace $0x80000046;
	[dreg:$0x1] =	wrdreg $0xFFFFFFFF  }
0xa8: {  	s28 =	simm.s32 $_size_execute0_lowered;
	s4 =	sadd.s32 s4, s6;
	[dreg:$0x0] =	wrdreg $0x0  }
0xa9: {  	s6 =	sshll.u32 s28, $0x1;
	[dreg:$0x2] =	wrdreg s4  }
0xaa: {  	[dreg:$0x3] =	wrdreg s6  }
0xab: {  	[dreg:$0x4] =	wrdreg $0xC0  }
0xac: {  	_ =	task [dreg:s8], $0x5FFFF  }
0xad: {  	[dreg:$0x1] =	wrdreg $0xFFFFFFFF  }
0xae: {  	[dreg:$0x0] =	wrdreg $0x60  }
0xaf: {  	[dreg:$0x2] =	wrdreg s2  }
0xb0: {  	[dreg:$0x3] =	wrdreg s18  }
0xb1: {  	[dreg:$0x4] =	wrdreg s24  }
0xb2: {  	[dreg:$0x5] =	wrdreg $0x9  }
0xb3: {  	_ =	task.clear_ibuf [dreg:s8], $0x6FFFF;
	_ =	strace $0x90000046  }
0xb4: {  	s29 =	simm.s32 $0x9;
	_ =	strace $0x80000048  }
0xb5: {  	_ =	swait.ge [sflag:s29], $0x1  }
0xb6: {  	[sflag:s29] =	ssyncadd.s32 $0xFFFFFFFF  }
0xb7: {  	_ =	strace $0x90000048  }
0xb8: {  	_ =	sfence  }
0xb9: {  	s30 =	sld [smem:$0x0];
	_ =	sdelay $0x2  }
0xba: {  	s31 =	sshll.u32 s1, $0xD;
	s1 =	sshrl.u32 s1, $0x2  }
0xbb: {  	s3 =	sand.u32 $0x4000, s31;
	s1 =	sadd.s32 s1, s30  }
0xbc: {  	s0 =	sor.u32 s3, s0;
	s1 =	sshll.u32 s1, $0x11  }
0xbd: {  	s0 =	sor.u32 s1, s0  }
0xbe: {  	s0 =	sadd.s32 $0x8F2B, s0  }
0xbf: {  	[sflag:s0] =	ssyncadd.remote.s32 $0x1  }
0xc0: {  	_ =	sfence.sel $0xFFFF  }
0xc1: {  	[dreg:$0x0] =	wrdreg $0xFFFFFFFF;
	(pc) =	sbr.abs _section_cstart, $3  }
0xc2: {  	[dreg:$0x1] =	wrdreg $0xFFFFFFFF  }
0xc3: {  	_ =	task.clear_ibuf [dreg:s8], $0x2FFFF;
	_ =	strace $0x9FFFFFFF  }
0xc4: {  	(tm) =	ssettm $0x7FFFFFFF  }
0xc5: {  	_ =	shalt  }
tec
execute0_lowered:
.L_overlay_start_1:
0x0: {  	(tag) =	ssettag $0x1  }
0x1: {  	s0 =	srdreg.scid;
	s1 =	rddreg [dreg:$0x0]  }
0x2: {  	s9 =	stileid.u32;
	s5 =	rddreg [dreg:$0x1]  }
0x3: {  	s3 =	rddreg [dreg:$0x2];
	s7 =	simm.s32 $0x1;
	s28 =	simm.s32 $0x1E00  }
0x4: {  	s29 =	simm.s32 $0x3000;
	s30 =	simm.s32 $0x2000;
	s0 =	sand.u32 $0x1, s0  }
0x5: {  	s31 =	simm.s32 $0x2800;
	s6 =	sand.u32 $0x7, s9;
	s2 =	sshll.u32 s0, $0x4  }
0x6: {  	p1 =	sne.s32 s6, $0x0;
	s0 =	ssub.s32 $0x2, s0;
	s4 =	sor.u32 s9, s2  }
0x7: {  	s2 =	simm.s32 $0x0;
	s9 =	sshll.u32 s9, $0x4;
	s23 =	sshrl.u32 s0, $0x1  }
0x8: {  	p0 =	seq.s32 s4, $0x0;
	[smem:$0x7FF] =	sst s2;
	s8 =	sshrl.u32 s4, $0x3  }
0x9: {  	s22 =	sand.u32 $0x70, s9;
	s0 =	ssub.s32 s0, s23;
	p0 =	por !p1, !p0  }
0xa: {  	s25 =	sshll.u32 s4, $0x4;
	_ =	strace $0x80000047;
	p0 =	por !p0, !p0  }
0xb: {  	s9 =	sand.u32 $0x180, s25;
	s25 =	simm.s32 $0x1A00;
	s7 =	simm.s32 @!p0 $0x0  }
0xc: {  	s7 =	ssub.s32 s8, s7;
	s8 =	sadd.s32 s22, s3;
	s3 =	simm.s32 $0x1  }
0xd: {  	s22 =	sshll.u32 s6, $0x5;
	s10 =	sshll.u32 s7, $0x10;
	s7 =	sshll.u32 s7, $0x8  }
0xe: {  	s26 =	sadd.s32 s9, s8;
	s23 =	sor.u32 $0x10, s22;
	s24 =	sand.u32 $0x1FFF0000, s10  }
0xf: {  	s7 =	sand.u32 $0x1FFFFF00, s7;
	s6 =	sadd.s32 $0x400, s26;
	s26 =	simm.s32 $0x1C00  }
0x10: {  	v0 =	vlaneseq.u32;
	v5 =	vimm.s32 $0x0;
	v6 =	vimm.s32 $0x1;
	s1 =	sadd.s32 s24, s1;
	s5 =	sadd.s32 s5, s7;
	s7 =	smax.u32 s0, $0x1  }
0x11: {  	v7 =	vimm.s32 $0x2;
	v8 =	vimm.s32 $0x3;
	v9 =	vimm.s32 $0x4;
	s0 =	simm.s32 $0x0;
	s4 =	sadd.s32 $0xF850, s1;
	s8 =	sadd.s32 $0xF8D0, s1  }
0x12: {  	v10 =	vimm.s32 $0x5;
	v11 =	vimm.s32 $0x6;
	v12 =	vimm.s32 $0x7;
	s9 =	sadd.s32 $0xF950, s1;
	s10 =	sadd.s32 $0xF9D0, s1;
	s11 =	sadd.s32 $0xFA50, s1  }
0x13: {  	v13 =	vimm.s32 $0x8;
	v14 =	vimm.s32 $0x9;
	v15 =	vimm.s32 $0xA;
	s12 =	sadd.s32 $0xFAD0, s1;
	s13 =	sadd.s32 $0xFB50, s1;
	s14 =	sadd.s32 $0xFBD0, s1  }
0x14: {  	v16 =	vimm.s32 $0xB;
	v17 =	vimm.s32 $0xC;
	v18 =	vimm.s32 $0xD;
	s15 =	sadd.s32 $0xFC50, s1;
	s16 =	sadd.s32 $0xFCD0, s1;
	s17 =	sadd.s32 $0xFD50, s1  }
0x15: {  	v19 =	vimm.s32 $0xE;
	v20 =	vimm.s32 $0xF;
	v3 =	vadd.s32 $0x1, v0;
	s18 =	sadd.s32 $0xFDD0, s1;
	s19 =	sadd.s32 $0xFE50, s1;
	s20 =	sadd.s32 $0xFED0, s1  }
0x16: {  	v4 =	vadd.s32 $0x2, v0;
	v1 =	vor.u32 s22, v0;
	v2 =	vor.u32 s23, v0;
	s21 =	sadd.s32 $0xFF50, s1;
	s22 =	sadd.s32 $0xFFD0, s1;
	s1 =	simm.s32 $0x3800  }
.LBB2_1:
0x17: {  	[tilespmem:s2], [sflag:$0x1] =	stream.linear.gather [hbm4b:s4+s2], $0x180, $0x38;
	[tilespmem:$0x3880] =	vst v63  }
0x18: {  	s23 =	simm.s32 $0x200  }
0x19: {  	[tilespmem:s23], [sflag:$0x1] =	stream.linear.gather [hbm4b:s8+s2], $0x180, $0x38;
	[tilespmem:$0x3880] =	vst v63  }
0x1a: {  	s24 =	simm.s32 $0x400  }
0x1b: {  	[tilespmem:s24], [sflag:$0x1] =	stream.linear.gather [hbm4b:s9+s2], $0x180, $0x38;
	[tilespmem:$0x3880] =	vst v63  }
0x1c: {  	s24 =	simm.s32 $0x600  }
0x1d: {  	[tilespmem:s24], [sflag:$0x1] =	stream.linear.gather [hbm4b:s10+s2], $0x180, $0x38;
	[tilespmem:$0x3880] =	vst v63  }
0x1e: {  	s24 =	simm.s32 $0x800  }
0x1f: {  	[tilespmem:s24], [sflag:$0x1] =	stream.linear.gather [hbm4b:s11+s2], $0x180, $0x38;
	[tilespmem:$0x3880] =	vst v63  }
0x20: {  	s24 =	simm.s32 $0xA00  }
0x21: {  	[tilespmem:s24], [sflag:$0x1] =	stream.linear.gather [hbm4b:s12+s2], $0x180, $0x38;
	[tilespmem:$0x3880] =	vst v63  }
0x22: {  	s24 =	simm.s32 $0xC00  }
0x23: {  	[tilespmem:s24], [sflag:$0x1] =	stream.linear.gather [hbm4b:s13+s2], $0x180, $0x38;
	[tilespmem:$0x3880] =	vst v63  }
0x24: {  	s24 =	simm.s32 $0xE00  }
0x25: {  	[tilespmem:s24], [sflag:$0x1] =	stream.linear.gather [hbm4b:s14+s2], $0x180, $0x38;
	[tilespmem:$0x3880] =	vst v63  }
0x26: {  	s24 =	simm.s32 $0x1000  }
0x27: {  	[tilespmem:s24], [sflag:$0x1] =	stream.linear.gather [hbm4b:s15+s2], $0x180, $0x38;
	[tilespmem:$0x3880] =	vst v63  }
0x28: {  	s24 =	simm.s32 $0x1200  }
0x29: {  	[tilespmem:s24], [sflag:$0x1] =	stream.linear.gather [hbm4b:s16+s2], $0x180, $0x38;
	[tilespmem:$0x3880] =	vst v63  }
0x2a: {  	s24 =	simm.s32 $0x1400  }
0x2b: {  	[tilespmem:s24], [sflag:$0x1] =	stream.linear.gather [hbm4b:s17+s2], $0x180, $0x38;
	[tilespmem:$0x3880] =	vst v63  }
0x2c: {  	s24 =	simm.s32 $0x1600  }
0x2d: {  	[tilespmem:s24], [sflag:$0x1] =	stream.linear.gather [hbm4b:s18+s2], $0x180, $0x38;
	[tilespmem:$0x3880] =	vst v63  }
0x2e: {  	s24 =	simm.s32 $0x1800  }
0x2f: {  	[tilespmem:s24], [sflag:$0x1] =	stream.linear.gather [hbm4b:s19+s2], $0x180, $0x38;
	[tilespmem:$0x3880] =	vst v63  }
0x30: {  	_ = 	snop  }
0x31: {  	[tilespmem:s25], [sflag:$0x1] =	stream.linear.gather [hbm4b:s20+s2], $0x180, $0x38;
	[tilespmem:$0x3880] =	vst v63  }
0x32: {  	_ = 	snop  }
0x33: {  	[tilespmem:s26], [sflag:$0x1] =	stream.linear.gather [hbm4b:s21+s2], $0x180, $0x38;
	[tilespmem:$0x3880] =	vst v63  }
0x34: {  	v22 =	vmov s2  }
0x35: {  	v21 =	vor.u32 s2, v0;
	v22 =	vshll.u32 v22, $0x2;
	[tilespmem:s28], [sflag:$0x1] =	stream.linear.gather [hbm4b:s22+s2], $0x180, $0x38;
	[tilespmem:$0x3880] =	vst v63  }
0x36: {  	v23 =	vand.u32 $0x7F, v21;
	v22 =	vand.u32 $0x1E00, v22;
	_ =	swait.ge [sflag:s3], $0x1800  }
0x37: {  	v22 =	vor.u32 v23, v22;
	[sflag:s3] =	ssyncset.done $0x0  }
0x38: {  	v23 =	vor.u32 $0x80, v22;
	[sflag:s3] =	ssyncadd.s32 $0xFFFFE800  }
0x39: {  	[tilespmem:s29], [sflag:$0x1] =	stream.linear.gather [hbm4b:s5+s2], $0x800, $0x38;
	[tilespmem:$0x3880] =	vst v63  }
0x3a: {  	_ =	swait.ge [sflag:s3], $0x800  }
0x3b: {  	v25 =	vor.u32 $0x100, v22;
	[sflag:s3] =	ssyncset.done $0x0  }
0x3c: {  	[sflag:s3] =	ssyncadd.s32 $0xFFFFF800  }
0x3d: {  	v23 =	vld.idx.msk [tilespmem:v23+s2+$0x0], $0xffff  }
0x3e: {  	s24 =	simm.s32 $0x10;
	v24 =	vld.idx.msk [tilespmem:v22+s2+$0x0], $0xffff  }
0x3f: {  	v26 =	vmov s24  }
0x40: {  	v26 =	vshll.u32 v26, $0x2;
	v25 =	vld.idx.msk [tilespmem:v25+s2+$0x0], $0xffff;
	v22 =	vor.u32 s24, v0;
	s24 =	simm.s32 $0x20  }
.LBB2_2:
0x41: {  	p0 =	sne.s32 s24, $0x7F0;
	v27 =	vand.u32 $0x7F, v22;
	v26 =	vand.u32 $0x1E00, v26  }
0x42: {  	v26 =	vor.u32 v27, v26  }
0x43: {  	v23 =	vadd.f32 v23, v24;
	v27 =	vor.u32 $0x80, v26;
	_ =	sdelay $0x1  }
0x44: {  	v23 =	vadd.f32 v25, v23  }
0x45: {  	v25 =	vor.u32 $0x100, v26  }
0x46: {  	s23 =	simm.s32 $0x0;
	[tilespmem:v21+s30+$0x0] =	vst.idx.msk $0xffff, v23;
	v21 =	vmov v22  }
.Ltmp0:
0x47: {  	v23 =	vld.idx.msk [tilespmem:v27+s23+$0x0], $0xffff;
	(pc) =	sbr.rel @p0 .LBB2_2-.Ltmp0, $3  }
0x48: {  	v24 =	vld.idx.msk [tilespmem:v26+s23+$0x0], $0xffff;
	_ =	sdelay $0x1  }
0x49: {  	v26 =	vmov s24;
	v25 =	vld.idx.msk [tilespmem:v25+s23+$0x0], $0xffff  }
0x4a: {  	v22 =	vor.u32 s24, v0;
	s24 =	sadd.s32 $0x10, s24;
	v26 =	vshll.u32 v26, $0x2  }
0x4b: {  	v27 =	vand.u32 $0x7F, v22;
	v26 =	vand.u32 $0x1E00, v26  }
0x4c: {  	v26 =	vor.u32 v27, v26;
	v23 =	vadd.f32 v23, v24  }
0x4d: {  	v27 =	vor.u32 $0x80, v26  }
0x4e: {  	v23 =	vadd.f32 v25, v23  }
0x4f: {  	v63 =	vor.u32 $0x100, v26  }
0x50: {  	[tilespmem:v21+s30+$0x0] =	vst.idx.msk $0xffff, v23  }
0x51: {  	v23 =	vld.idx.msk [tilespmem:v26+s23+$0x0], $0xffff  }
0x52: {  	v21 =	vld.idx.msk [tilespmem:v27+s23+$0x0], $0xffff;
	_ =	sdelay $0x1  }
0x53: {  	v24 =	vld.idx.msk [tilespmem:v63+s23+$0x0], $0xffff;
	_ =	sdelay $0x1  }
0x54: {  	p1 =	por $0x1, $0x1  }
.Ltmp1:
0x55: {  	v21 =	vadd.f32 v21, v23;
	(pc) =	sbr.rel @!p1 .LBB2_4-.Ltmp1, $4  }
0x56: {  	_ = 	snop  }
0x57: {  	v21 =	vadd.f32 v24, v21  }
0x58: {  	v23 =	vadd.s32 s23, v3  }
0x59: {  	s24 =	simm.s32 $0x10;
	p0 =	por $0x0, $0x0;
	vm0 =	vlt.s32 v23, $0x7FF;
	[tilespmem:v22+s30+$0x0] =	vst.idx.msk $0xffff, v21  }
0x5a: {  	v22 =	vnsel vm0, $0x7FF, v23  }
0x5b: {  	v21 =	vor.u32 s23, v0;
	v23 =	vadd.s32 s23, v4  }
0x5c: {  	vm0 =	vlt.s32 v23, $0x7FF  }
0x5d: {  	v23 =	vnsel vm0, $0x7FF, v23;
	_ =	sdelay $0x1  }
0x5e: {  	v22 =	vld.idx.msk [tilespmem:v22+s30+$0x0], $0xffff  }
0x5f: {  	v24 =	vld.idx.msk [tilespmem:v21+s30+$0x0], $0xffff;
	_ =	sdelay $0x1  }
0x60: {  	p1 =	por $0x1, $0x1;
	v25 =	vld.idx.msk [tilespmem:v23+s30+$0x0], $0xffff  }
.Ltmp2:
0x61: {  	_ = 	snop;
	(pc) =	sbr.rel @!p1 .LBB2_6-.Ltmp2, $4  }
0x62: {  	_ = 	snop  }
0x63: {  	v22 =	vadd.f32 v22, v24  }
0x64: {  	v23 =	vadd.s32 s24, v3  }
0x65: {  	s23 =	simm.s32 $0x20;
	p0 =	por $0x1, $0x1;
	vm0 =	vlt.s32 v23, $0x7FF;
	v22 =	vadd.f32 v25, v22  }
.LBB2_7:
0x66: {  	p1 =	sne.s32 s23, $0x7F0;
	v23 =	vnsel vm0, $0x7FF, v23  }
0x67: {  	v24 =	vor.u32 s24, v0;
	v25 =	vadd.s32 s24, v4;
	s24 =	smov.u32 s23;
	v22 =	vmul.f32 $1.111111120e-01, v22  }
0x68: {  	vm1 =	vlt.u32 v21, $0x7FE;
	vm0 =	vlt.s32 v25, $0x7FF  }
0x69: {  	v25 =	vnsel vm0, $0x7FF, v25;
	v22 =	vnsel vm1, $0x7F800000, v22  }
0x6a: {  	[tilespmem:v21+s31+$0x0] =	vst.idx.msk $0xffff, v22;
	v21 =	vmov v24  }
0x6b: {  	v22 =	vld.idx.msk [tilespmem:v23+s30+$0x0], $0xffff  }
0x6c: {  	v23 =	vld.idx.msk [tilespmem:v24+s30+$0x0], $0xffff;
	_ =	sdelay $0x1  }
0x6d: {  	v24 =	vld.idx.msk [tilespmem:v25+s30+$0x0], $0xffff;
	_ =	sdelay $0x1  }
.Ltmp3:
0x6e: {  	(pc) =	sbr.rel @p1 .LBB2_7-.Ltmp3, $4  }
0x6f: {  	_ = 	snop  }
0x70: {  	v22 =	vadd.f32 v22, v23  }
0x71: {  	v23 =	vadd.s32 s23, v3  }
0x72: {  	s23 =	sadd.s32 $0x10, s23;
	vm0 =	vlt.s32 v23, $0x7FF;
	v22 =	vadd.f32 v24, v22  }
0x73: {  	s23 =	smov.u32 s24  }
.LBB2_9:
0x74: {  	v23 =	vnsel vm0, $0x7FF, v23  }
0x75: {  	v24 =	vor.u32 s23, v0;
	v25 =	vadd.s32 s23, v4;
	v22 =	vmul.f32 @p0 $1.111111120e-01, v22  }
0x76: {  	vm1 =	vlt.u32 @p0 v21, $0x7FE;
	vm14 =	vlt.s32 v25, $0x7FF  }
0x77: {  	v25 =	vnsel vm14, $0x7FF, v25;
	v22 =	vnsel @p0 vm1, $0x7F800000, v22  }
0x78: {  	[tilespmem:v21+s31+$0x0] =	vst.idx.msk @p0 $0xffff, v22  }
0x79: {  	v21 =	vld.idx.msk [tilespmem:v23+s30+$0x0], $0xffff  }
0x7a: {  	v22 =	vld.idx.msk [tilespmem:v24+s30+$0x0], $0xffff;
	_ =	sdelay $0x1  }
0x7b: {  	v23 =	vld.idx.msk [tilespmem:v25+s30+$0x0], $0xffff;
	_ =	sdelay $0x2  }
0x7c: {  	v21 =	vadd.f32 v21, v22;
	_ =	sdelay $0x1  }
0x7d: {  	s24 =	simm.s32 $0x0;
	v21 =	vadd.f32 v23, v21  }
0x7e: {  	v22 =	vor.u32 s24, v0  }
0x7f: {  	v21 =	vmul.f32 $1.111111120e-01, v21  }
0x80: {  	vm15 =	vlt.u32 v24, $0x7FE  }
0x81: {  	v21 =	vnsel vm15, $0x7F800000, v21  }
0x82: {  	[tilespmem:v24+s31+$0x0] =	vst.idx.msk $0xffff, v21  }
0x83: {  	v30 =	vld.idx.msk [tilespmem:v22+s31+$0x0], $0xffff;
	_ =	sdelay $0x2  }
0x84: {  	v23 =	vld.idx.msk [tilespmem:v1+s29+$0x0], $0xffff  }
0x85: {  	v21 =	vld.idx.msk [tilespmem:v2+s29+$0x0], $0xffff  }
0x86: {  	v24 =	vperm.xlane v30, v5  }
0x87: {  	v27 =	vperm.xlane v30, v20;
	v28 =	vperm.xlane v30, v7  }
0x88: {  	v26 =	vperm.xlane v30, v18;
	v38 =	vperm.xlane v30, v13  }
0x89: {  	v32 =	vimm.f32 $+Inf;
	v35 =	vperm.xlane v30, v10;
	v46 =	vperm.xlane v30, v17  }
0x8a: {  	v36 =	vperm.xlane v30, v12;
	v25 =	vsub.f32 v23, v24;
	v22 =	vsub.f32 v21, v27  }
0x8b: {  	v39 =	vperm.xlane v30, v16;
	v31 =	vsub.f32 v21, v24;
	v24 =	vsub.f32 v23, v27  }
0x8c: {  	v41 =	vperm.xlane v30, v11;
	v27 =	vsub.f32 v21, v28;
	v40 =	vsub.f32 v23, v28  }
0x8d: {  	v62 =	vperm.xlane v30, v8;
	v61 =	vsub.f32 v23, v35;
	v42 =	vsub.f32 v21, v39  }
0x8e: {  	v44 =	vperm.xlane v30, v6;
	v35 =	vsub.f32 v21, v35;
	v47 =	vsub.f32 v21, v36  }
0x8f: {  	v34 =	vperm.xlane v30, v15;
	v48 =	vsub.f32 v23, v62;
	v36 =	vsub.f32 v23, v36  }
0x90: {  	v33 =	vperm.xlane v30, v14;
	v53 =	vsub.f32 v21, v44;
	v63 =	vsub.f32 v23, v41  }
0x91: {  	v54 =	vsub.f32 v21, v38;
	v29 =	vmul.f32 v25, v25;
	v25 =	vperm.xlane v30, v19  }
0x92: {  	v51 =	vsub.f32 v23, v44;
	v37 =	vmul.f32 v31, v31;
	v31 =	vmul.f32 v27, v27  }
0x93: {  	v38 =	vsub.f32 v23, v38;
	v30 =	vperm.xlane v30, v9;
	v35 =	vmul.f32 v35, v35  }
0x94: {  	v27 =	vsub.f32 v23, v39;
	v43 =	vmul.f32 v40, v40;
	v36 =	vmul.f32 v36, v36  }
0x95: {  	v39 =	vsub.f32 v21, v62;
	v44 =	vmul.f32 v63, v63;
	v49 =	vmul.f32 v48, v48  }
0x96: {  	v29 =	vmin.f32 v32, v29;
	v37 =	vmin.f32 v32, v37;
	v50 =	vsub.f32 v21, v30  }
0x97: {  	v32 =	vmul.f32 v61, v61;
	v52 =	vsub.f32 v23, v30;
	v30 =	vsub.f32 v21, v41  }
0x98: {  	v40 =	vsub.f32 v21, v46;
	v45 =	vmul.f32 v39, v39;
	v41 =	vmul.f32 v47, v47  }
0x99: {  	v47 =	vsub.f32 v23, v46;
	v46 =	vmul.f32 v38, v38;
	v39 =	vmul.f32 v30, v30  }
0x9a: {  	v28 =	vsub.f32 v21, v34;
	v30 =	vmul.f32 v42, v42;
	v48 =	vmul.f32 v52, v52  }
0x9b: {  	s23 =	simm.s32 $0x10;
	v38 =	vsub.f32 v23, v25;
	v42 =	vmul.f32 v54, v54;
	v52 =	vmul.f32 v53, v53  }
.LBB2_10:
0x9c: {  	p0 =	sne.s32 s23, $0x7F0;
	v50 =	vmul.f32 v50, v50;
	v53 =	vsub.f32 v21, v33;
	v54 =	vsub.f32 v21, v26;
	s24 =	smov.u32 s23;
	s23 =	sadd.s32 $0x10, s23  }
0x9d: {  	v51 =	vmul.f32 v51, v51;
	v34 =	vsub.f32 v23, v34;
	v26 =	vsub.f32 v23, v26  }
0x9e: {  	v33 =	vsub.f32 v23, v33;
	v37 =	vmin.f32 v37, v52;
	v52 =	vmul.f32 v54, v54  }
0x9f: {  	v29 =	vmin.f32 v29, v51;
	v31 =	vmin.f32 v37, v31;
	v34 =	vmul.f32 v34, v34  }
0xa0: {  	v33 =	vmul.f32 v33, v33;
	v29 =	vmin.f32 v29, v43;
	v31 =	vmin.f32 v31, v45  }
0xa1: {  	v28 =	vmul.f32 v28, v28;
	v29 =	vmin.f32 v29, v49;
	v31 =	vmin.f32 v31, v50  }
0xa2: {  	v37 =	vor.u32 s24, v0;
	v29 =	vmin.f32 v29, v48;
	v31 =	vmin.f32 v31, v35  }
0xa3: {  	v29 =	vmin.f32 v29, v32;
	v31 =	vmin.f32 v31, v39;
	v32 =	vmul.f32 v53, v53  }
0xa4: {  	v27 =	vmul.f32 v27, v27;
	v35 =	vmul.f32 v47, v47;
	v29 =	vmin.f32 v29, v44  }
0xa5: {  	v31 =	vmin.f32 v31, v41;
	v29 =	vmin.f32 v29, v36;
	v36 =	vmul.f32 v40, v40  }
0xa6: {  	v26 =	vmul.f32 v26, v26;
	v31 =	vmin.f32 v31, v42;
	v29 =	vmin.f32 v29, v46  }
0xa7: {  	v25 =	vsub.f32 v21, v25;
	v31 =	vmin.f32 v31, v32;
	v29 =	vmin.f32 v29, v33;
	v39 =	vld.idx.msk [tilespmem:v37+s31+$0x0], $0xffff  }
0xa8: {  	v28 =	vmin.f32 v31, v28;
	v31 =	vmul.f32 v38, v38;
	v29 =	vmin.f32 v29, v34  }
0xa9: {  	v25 =	vmul.f32 v25, v25;
	v28 =	vmin.f32 v28, v30;
	v27 =	vmin.f32 v29, v27  }
0xaa: {  	v24 =	vmul.f32 v24, v24;
	v28 =	vmin.f32 v28, v36;
	v27 =	vmin.f32 v27, v35  }
0xab: {  	v22 =	vmul.f32 v22, v22;
	v26 =	vmin.f32 v27, v26;
	v27 =	vmin.f32 v28, v52  }
0xac: {  	v28 =	vmin.f32 v26, v31;
	v25 =	vmin.f32 v27, v25  }
0xad: {  	v27 =	vperm.xlane v39, v5;
	v29 =	vperm.xlane v39, v20;
	v30 =	vmin.f32 v25, v22  }
0xae: {  	v31 =	vperm.xlane v39, v7;
	v26 =	vperm.xlane v39, v18;
	v28 =	vmin.f32 v28, v24  }
0xaf: {  	v38 =	vperm.xlane v39, v13;
	v24 =	vsub.f32 v23, v27;
	v22 =	vsub.f32 v21, v29  }
0xb0: {  	v32 =	vperm.xlane v39, v10;
	v46 =	vperm.xlane v39, v17;
	v27 =	vsub.f32 v21, v27  }
0xb1: {  	v25 =	vperm.xlane v39, v19;
	v33 =	vmul.f32 v24, v24;
	v24 =	vsub.f32 v23, v29  }
0xb2: {  	v36 =	vperm.xlane v39, v12;
	v40 =	vperm.xlane v39, v16;
	v35 =	vsub.f32 v21, v31  }
0xb3: {  	v34 =	vperm.xlane v39, v15;
	v37 =	vmul.f32 v27, v27;
	v29 =	vmin.f32 v28, v33  }
0xb4: {  	v41 =	vsub.f32 v23, v31;
	v31 =	vmul.f32 v35, v35;
	v33 =	vperm.xlane v39, v14  }
0xb5: {  	v42 =	vperm.xlane v39, v11;
	v27 =	vsub.f32 v23, v40;
	v28 =	vsub.f32 v21, v34  }
0xb6: {  	v40 =	vsub.f32 v21, v40;
	v37 =	vmin.f32 v30, v37;
	v30 =	vsub.f32 v23, v32  }
0xb7: {  	v44 =	vperm.xlane v39, v6;
	v43 =	vsub.f32 v21, v32;
	v35 =	vperm.xlane v39, v8  }
0xb8: {  	v47 =	vsub.f32 v21, v36;
	v39 =	vperm.xlane v39, v9;
	v32 =	vmul.f32 v30, v30  }
0xb9: {  	v48 =	vsub.f32 v23, v35;
	v30 =	vsub.f32 v21, v35;
	v35 =	vmul.f32 v43, v43  }
0xba: {  	v36 =	vsub.f32 v23, v36;
	v43 =	vmul.f32 v41, v41;
	v50 =	vsub.f32 v21, v39  }
0xbb: {  	v52 =	vsub.f32 v23, v39;
	v45 =	vmul.f32 v30, v30;
	v30 =	vsub.f32 v21, v42  }
0xbc: {  	v53 =	vsub.f32 v21, v44;
	v36 =	vmul.f32 v36, v36;
	v41 =	vsub.f32 v23, v42  }
.Ltmp4:
0xbd: {  	v42 =	vsub.f32 v21, v38;
	v39 =	vmul.f32 v30, v30;
	v30 =	vmul.f32 v40, v40;
	(pc) =	sbr.rel @p0 .LBB2_10-.Ltmp4, $4  }
0xbe: {  	v51 =	vsub.f32 v23, v44;
	v44 =	vmul.f32 v41, v41;
	v38 =	vsub.f32 v23, v38  }
0xbf: {  	v49 =	vmul.f32 v48, v48;
	v41 =	vmul.f32 v47, v47;
	v40 =	vsub.f32 v21, v46  }
0xc0: {  	v48 =	vmul.f32 v52, v52;
	v47 =	vsub.f32 v23, v46;
	v42 =	vmul.f32 v42, v42  }
0xc1: {  	v52 =	vmul.f32 v53, v53;
	v46 =	vmul.f32 v38, v38;
	v38 =	vsub.f32 v23, v25  }
0xc2: {  	v50 =	vmul.f32 v50, v50;
	v53 =	vsub.f32 v21, v33;
	v54 =	vsub.f32 v21, v26  }
0xc3: {  	v51 =	vmul.f32 v51, v51;
	v34 =	vsub.f32 v23, v34;
	v26 =	vsub.f32 v23, v26  }
0xc4: {  	v23 =	vsub.f32 v23, v33;
	v28 =	vmul.f32 v28, v28;
	v37 =	vmin.f32 v37, v52  }
0xc5: {  	v27 =	vmul.f32 v27, v27;
	v29 =	vmin.f32 v29, v51;
	v31 =	vmin.f32 v37, v31  }
0xc6: {  	s23 =	simm.s32 $0x0;
	v21 =	vsub.f32 v21, v25;
	v29 =	vmin.f32 v29, v43;
	v31 =	vmin.f32 v31, v45  }
0xc7: {  	v29 =	vmin.f32 v29, v49;
	v31 =	vmin.f32 v31, v50;
	v50 =	vor.u32 s23, v0  }
0xc8: {  	v22 =	vmul.f32 v22, v22;
	v24 =	vmul.f32 v24, v24;
	v29 =	vmin.f32 v29, v48  }
0xc9: {  	v52 =	vmul.f32 v40, v40;
	v63 =	vmul.f32 v54, v54;
	v29 =	vmin.f32 v29, v32  }
0xca: {  	v34 =	vmul.f32 v34, v34;
	v31 =	vmin.f32 v31, v35;
	v29 =	vmin.f32 v29, v44  }
0xcb: {  	v23 =	vmul.f32 v23, v23;
	v31 =	vmin.f32 v31, v39;
	v29 =	vmin.f32 v29, v36  }
0xcc: {  	v49 =	vmul.f32 v53, v53;
	v31 =	vmin.f32 v31, v41;
	v29 =	vmin.f32 v29, v46;
	v53 =	vld.idx.msk [tilespmem:v50+s29+$0x0], $0xffff  }
0xcd: {  	v51 =	vmul.f32 v47, v47;
	v31 =	vmin.f32 v31, v42;
	v23 =	vmin.f32 v29, v23  }
0xce: {  	v26 =	vmul.f32 v26, v26;
	v31 =	vmin.f32 v31, v49;
	v23 =	vmin.f32 v23, v34  }
0xcf: {  	v21 =	vmul.f32 v21, v21;
	v25 =	vmin.f32 v31, v28;
	v23 =	vmin.f32 v23, v27  }
0xd0: {  	v28 =	vmul.f32 v38, v38;
	v25 =	vmin.f32 v25, v30;
	v29 =	vmin.f32 v23, v51  }
0xd1: {  	v27 =	vmin.f32 v25, v52;
	v25 =	vld.idx.msk [tilespmem:v1+s31+$0x0], $0xffff;
	v26 =	vmin.f32 v29, v26;
	v29 =	vperm.xlane v53, v20  }
0xd2: {  	v60 =	vimm.f32 $+Inf;
	v30 =	vperm.xlane v53, v7;
	v40 =	vperm.xlane v53, v13  }
0xd3: {  	v27 =	vmin.f32 v27, v63;
	v62 =	vperm.xlane v53, v10;
	v48 =	vperm.xlane v53, v17  }
0xd4: {  	v23 =	vld.idx.msk [tilespmem:v2+s31+$0x0], $0xffff;
	v21 =	vmin.f32 v27, v21;
	v63 =	vperm.xlane v53, v12;
	v54 =	vperm.xlane v53, v16  }
0xd5: {  	v36 =	vperm.xlane v53, v15;
	v57 =	vperm.xlane v53, v11;
	v26 =	vmin.f32 v26, v28  }
0xd6: {  	v21 =	vmin.f32 v21, v22;
	v22 =	vmin.f32 v26, v24;
	v56 =	vsub.f32 v25, v30  }
0xd7: {  	v26 =	vperm.xlane v53, v5;
	v58 =	vsub.f32 v25, v62;
	v38 =	vsub.f32 v25, v63  }
0xd8: {  	v35 =	vperm.xlane v53, v14;
	v43 =	vsub.f32 v25, v57;
	v49 =	vsub.f32 v25, v48  }
0xd9: {  	v45 =	vperm.xlane v53, v6;
	v27 =	vsub.f32 v25, v26;
	v24 =	vsub.f32 v23, v29  }
0xda: {  	v59 =	vperm.xlane v53, v8;
	v61 =	vsub.f32 v23, v26;
	v26 =	vsub.f32 v25, v29  }
0xdb: {  	v32 =	vperm.xlane v53, v9;
	v29 =	vsub.f32 v23, v30;
	v30 =	vsub.f32 v23, v36  }
0xdc: {  	v28 =	vperm.xlane v53, v18;
	v44 =	vsub.f32 v23, v54;
	v37 =	vsub.f32 v23, v62  }
0xdd: {  	v41 =	vsub.f32 v23, v59;
	v52 =	vsub.f32 v23, v32;
	v34 =	vmul.f32 v58, v58  }
0xde: {  	v62 =	vsub.f32 v25, v32;
	v42 =	vmul.f32 v56, v56;
	v38 =	vmul.f32 v38, v38  }
0xdf: {  	v56 =	vsub.f32 v23, v40;
	v46 =	vmul.f32 v43, v43;
	v31 =	vmul.f32 v27, v27  }
0xe0: {  	v40 =	vsub.f32 v25, v40;
	v27 =	vperm.xlane v53, v19;
	v55 =	vmul.f32 v61, v61  }
0xe1: {  	v33 =	vmul.f32 v29, v29;
	v29 =	vsub.f32 v25, v54;
	v37 =	vmul.f32 v37, v37  }
0xe2: {  	v61 =	vsub.f32 v25, v59;
	v47 =	vmul.f32 v41, v41;
	v32 =	vmul.f32 v44, v44  }
0xe3: {  	v44 =	vsub.f32 v23, v48;
	v50 =	vmul.f32 v62, v62;
	v31 =	vmin.f32 v60, v31  }
0xe4: {  	v39 =	vmin.f32 v60, v55;
	v60 =	vsub.f32 v23, v63;
	v63 =	vsub.f32 v23, v57  }
0xe5: {  	v48 =	vmul.f32 v40, v40;
	v55 =	vsub.f32 v23, v45;
	v51 =	vmul.f32 v61, v61  }
0xe6: {  	v53 =	vsub.f32 v25, v45;
	v45 =	vmul.f32 v56, v56;
	v41 =	vmul.f32 v63, v63  }
0xe7: {  	s23 =	simm.s32 $0x10;
	v40 =	vsub.f32 v25, v27;
	v43 =	vmul.f32 v60, v60;
	v54 =	vmul.f32 v55, v55  }
.LBB2_12:
0xe8: {  	p0 =	sne.s32 s23, $0x7F0;
	v52 =	vmul.f32 v52, v52;
	v55 =	vsub.f32 v23, v35;
	v56 =	vsub.f32 v23, v28;
	s24 =	smov.u32 s23;
	s23 =	sadd.s32 $0x10, s23  }
0xe9: {  	v53 =	vmul.f32 v53, v53;
	v36 =	vsub.f32 v25, v36;
	v28 =	vsub.f32 v25, v28  }
0xea: {  	v35 =	vsub.f32 v25, v35;
	v39 =	vmin.f32 v39, v54;
	v54 =	vmul.f32 v56, v56  }
0xeb: {  	v31 =	vmin.f32 v31, v53;
	v33 =	vmin.f32 v39, v33;
	v36 =	vmul.f32 v36, v36  }
0xec: {  	v35 =	vmul.f32 v35, v35;
	v31 =	vmin.f32 v31, v42;
	v33 =	vmin.f32 v33, v47  }
0xed: {  	v30 =	vmul.f32 v30, v30;
	v31 =	vmin.f32 v31, v51;
	v33 =	vmin.f32 v33, v52  }
0xee: {  	v39 =	vor.u32 s24, v0;
	v31 =	vmin.f32 v31, v50;
	v33 =	vmin.f32 v33, v37  }
0xef: {  	v31 =	vmin.f32 v31, v34;
	v33 =	vmin.f32 v33, v41;
	v34 =	vmul.f32 v55, v55  }
0xf0: {  	v29 =	vmul.f32 v29, v29;
	v37 =	vmul.f32 v49, v49;
	v31 =	vmin.f32 v31, v46  }
0xf1: {  	v33 =	vmin.f32 v33, v43;
	v31 =	vmin.f32 v31, v38;
	v38 =	vmul.f32 v44, v44  }
0xf2: {  	v28 =	vmul.f32 v28, v28;
	v33 =	vmin.f32 v33, v45;
	v31 =	vmin.f32 v31, v48  }
0xf3: {  	v27 =	vsub.f32 v23, v27;
	v33 =	vmin.f32 v33, v34;
	v31 =	vmin.f32 v31, v35;
	v41 =	vld.idx.msk [tilespmem:v39+s29+$0x0], $0xffff  }
0xf4: {  	v30 =	vmin.f32 v33, v30;
	v33 =	vmul.f32 v40, v40;
	v31 =	vmin.f32 v31, v36  }
0xf5: {  	v27 =	vmul.f32 v27, v27;
	v30 =	vmin.f32 v30, v32;
	v29 =	vmin.f32 v31, v29  }
0xf6: {  	v26 =	vmul.f32 v26, v26;
	v30 =	vmin.f32 v30, v38;
	v29 =	vmin.f32 v29, v37  }
0xf7: {  	v24 =	vmul.f32 v24, v24;
	v28 =	vmin.f32 v29, v28;
	v29 =	vmin.f32 v30, v54  }
0xf8: {  	v30 =	vmin.f32 v28, v33;
	v27 =	vmin.f32 v29, v27  }
0xf9: {  	v29 =	vperm.xlane v41, v5;
	v31 =	vperm.xlane v41, v20;
	v32 =	vmin.f32 v27, v24  }
0xfa: {  	v33 =	vperm.xlane v41, v7;
	v28 =	vperm.xlane v41, v18;
	v30 =	vmin.f32 v30, v26  }
0xfb: {  	v40 =	vperm.xlane v41, v13;
	v26 =	vsub.f32 v25, v29;
	v24 =	vsub.f32 v23, v31  }
0xfc: {  	v34 =	vperm.xlane v41, v10;
	v48 =	vperm.xlane v41, v17;
	v29 =	vsub.f32 v23, v29  }
0xfd: {  	v27 =	vperm.xlane v41, v19;
	v35 =	vmul.f32 v26, v26;
	v26 =	vsub.f32 v25, v31  }
0xfe: {  	v38 =	vperm.xlane v41, v12;
	v42 =	vperm.xlane v41, v16;
	v37 =	vsub.f32 v23, v33  }
0xff: {  	v36 =	vperm.xlane v41, v15;
	v39 =	vmul.f32 v29, v29;
	v31 =	vmin.f32 v30, v35  }
0x100: {  	v43 =	vsub.f32 v25, v33;
	v33 =	vmul.f32 v37, v37;
	v35 =	vperm.xlane v41, v14  }
0x101: {  	v44 =	vperm.xlane v41, v11;
	v29 =	vsub.f32 v25, v42;
	v30 =	vsub.f32 v23, v36  }
0x102: {  	v45 =	vsub.f32 v23, v42;
	v39 =	vmin.f32 v32, v39;
	v32 =	vsub.f32 v25, v34  }
0x103: {  	v46 =	vperm.xlane v41, v6;
	v37 =	vperm.xlane v41, v8;
	v42 =	vsub.f32 v23, v34  }
0x104: {  	v49 =	vsub.f32 v23, v38;
	v41 =	vperm.xlane v41, v9;
	v34 =	vmul.f32 v32, v32  }
0x105: {  	v50 =	vsub.f32 v25, v37;
	v32 =	vsub.f32 v23, v37;
	v37 =	vmul.f32 v42, v42  }
0x106: {  	v38 =	vsub.f32 v25, v38;
	v42 =	vmul.f32 v43, v43;
	v52 =	vsub.f32 v23, v41  }
0x107: {  	v54 =	vsub.f32 v25, v41;
	v47 =	vmul.f32 v32, v32;
	v32 =	vsub.f32 v23, v44  }
0x108: {  	v55 =	vsub.f32 v23, v46;
	v38 =	vmul.f32 v38, v38;
	v43 =	vsub.f32 v25, v44  }
.Ltmp5:
0x109: {  	v56 =	vsub.f32 v23, v40;
	v41 =	vmul.f32 v32, v32;
	v32 =	vmul.f32 v45, v45;
	(pc) =	sbr.rel @p0 .LBB2_12-.Ltmp5, $4  }
0x10a: {  	v53 =	vsub.f32 v25, v46;
	v40 =	vsub.f32 v25, v40;
	v46 =	vmul.f32 v43, v43  }
0x10b: {  	v51 =	vmul.f32 v50, v50;
	v43 =	vmul.f32 v49, v49;
	v44 =	vsub.f32 v23, v48  }
0x10c: {  	v50 =	vmul.f32 v54, v54;
	v49 =	vsub.f32 v25, v48;
	v45 =	vmul.f32 v56, v56  }
0x10d: {  	v54 =	vmul.f32 v55, v55;
	v48 =	vmul.f32 v40, v40;
	v40 =	vsub.f32 v25, v27  }
0x10e: {  	v52 =	vmul.f32 v52, v52;
	v55 =	vsub.f32 v23, v35  }
0x10f: {  	v56 =	vsub.f32 v23, v28;
	v53 =	vmul.f32 v53, v53;
	v36 =	vsub.f32 v25, v36  }
0x110: {  	v63 =	vsub.f32 v25, v28;
	v30 =	vmul.f32 v30, v30;
	v29 =	vmul.f32 v29, v29  }
0x111: {  	v58 =	vmul.f32 v49, v49;
	v39 =	vmin.f32 v39, v54;
	v31 =	vmin.f32 v31, v53  }
0x112: {  	v59 =	vmul.f32 v44, v44;
	v33 =	vmin.f32 v39, v33;
	v31 =	vmin.f32 v31, v42  }
0x113: {  	v23 =	vsub.f32 v23, v27;
	v33 =	vmin.f32 v33, v47;
	v31 =	vmin.f32 v31, v51  }
0x114: {  	v26 =	vmul.f32 v26, v26;
	v33 =	vmin.f32 v33, v52;
	v31 =	vmin.f32 v31, v50  }
0x115: {  	v54 =	vsub.f32 v25, v35;
	v33 =	vmin.f32 v33, v37;
	v31 =	vmin.f32 v31, v34  }
0x116: {  	v57 =	vmul.f32 v55, v55;
	v33 =	vmin.f32 v33, v41;
	v31 =	vmin.f32 v31, v46  }
0x117: {  	v25 =	vmul.f32 v54, v54;
	v33 =	vmin.f32 v33, v43;
	v31 =	vmin.f32 v31, v38  }
0x118: {  	v36 =	vmul.f32 v36, v36;
	v33 =	vmin.f32 v33, v45;
	v31 =	vmin.f32 v31, v48  }
0x119: {  	v62 =	vmul.f32 v40, v40;
	v60 =	vmin.f32 v33, v57;
	v25 =	vmin.f32 v31, v25  }
0x11a: {  	v56 =	vmul.f32 v56, v56;
	v61 =	vmin.f32 v60, v30;
	v25 =	vmin.f32 v25, v36  }
0x11b: {  	v28 =	vmul.f32 v63, v63;
	v27 =	vmin.f32 v61, v32;
	v25 =	vmin.f32 v25, v29  }
0x11c: {  	v23 =	vmul.f32 v23, v23;
	v27 =	vmin.f32 v27, v59;
	v25 =	vmin.f32 v25, v58  }
0x11d: {  	v24 =	vmul.f32 v24, v24;
	v27 =	vmin.f32 v27, v56;
	v25 =	vmin.f32 v25, v28  }
0x11e: {  	v23 =	vmin.f32 v27, v23;
	v25 =	vmin.f32 v25, v62  }
0x11f: {  	v23 =	vmin.f32 v23, v24;
	v63 =	vmin.f32 v25, v26  }
0x120: {  	v21 =	vadd.f32 v21, v22;
	v22 =	vadd.f32 v23, v63;
	_ =	sdelay $0x1  }
0x121: {  	v21 =	vmul.f32 $1.220703130e-04, v21;
	v22 =	vmul.f32 $1.221896380e-04, v22;
	_ =	sdelay $0x1  }
0x122: {  	v21 =	vadd.f32 v22, v21  }
0x123: {  	s0 =	sadd.s32 $0x1, s0  }
0x124: {  	p0 =	sne.s32 s0, s7;
	[tilespmem:$0x3800] =	vst v21  }
0x125: {  	[hbm4b:s6+s2] =	stream.linear.scatter [tilespmem:s1], [sflag:$0x1], $0x80, $0x38;
	[tilespmem:$0x3880] =	vst v63  }
.Ltmp6:
0x126: {  	_ = 	snop;
	(pc) =	sbr.rel @p0 .LBB2_1-.Ltmp6, $4  }
.Ltmp7:
0x127: {  	_ = 	snop;
	(pc) =	sbr.rel @!p0 .LBB2_14-.Ltmp7, $4  }
0x128: {  	_ =	swait.ge [sflag:s3], $0x80  }
0x129: {  	[sflag:s3] =	ssyncset.done $0x0  }
0x12a: {  	[sflag:s3] =	ssyncadd.s32 $0xFFFFFF80  }
0x12b: {  	_ = 	snop  }
.LBB2_4:
.Ltmp8:
0x12c: {  	(pc) =	sbr.rel .LBB2_9-.Ltmp8, $2  }
0x12d: {  	_ =	sdelay $0x2  }
0x12e: {  	_ = 	snop  }
.LBB2_6:
.Ltmp9:
0x12f: {  	(pc) =	sbr.rel .LBB2_9-.Ltmp9, $2  }
0x130: {  	_ =	sdelay $0x2  }
0x131: {  	s23 =	simm.s32 $0x10  }
.LBB2_14:
0x132: {  	_ =	sfence.sel $0x180000  }
0x133: {  	[bflag:$0x0] =	sbarrier.arrive $0xFFFF  }
0x134: {  	_ =	strace $0x90000047  }
0x135: {  	s0 =	stileid.u32;
	[bflag:$0x2] =	sbarrier.arrive $0xFFFF  }
0x136: {  	p0 =	sne.s32 s0, $0x0;
	s0 =	rddreg [dreg:$0x3]  }
0x137: {  	s0 =	sadd.s32 @!p0 $0x100000, s0  }
0x138: {  	[sflag:s0] =	ssyncadd.tile.s32 @!p0 $0x1;
	_ =	shalt  }
.Lfunc_end2:
_tile_overlayer_lowered:
.L_overlay_start_2:
0x139: {  	(tag) =	ssettag $0x2  }
0x13a: {  	s0 =	rddreg [dreg:$0x0];
	s2 =	stileid.u32  }
0x13b: {  	s1 =	rddreg [dreg:$0x1];
	p0 =	sne.s32 s2, $0x0  }
0x13c: {  	s3 =	rddreg [dreg:$0x2];
	[bflag:$0x3] =	sbarrier.arrive $0xFFFF;
	s2 =	simm.s32 @!p0 $0x1C01  }
0x13d: {  	[timem:s3], [sflag:s2] =	dma.local @!p0 [hbm:s0], s1  }
0x13e: {  	s0 =	simm.s32 @!p0 $0x1  }
0x13f: {  	_ =	swait.ge @!p0 [sflag:s0], s1  }
0x140: {  	s1 =	ssub.s32 @!p0 $0x0, s1;
	[sflag:s0] =	ssyncset.done @!p0 $0x0  }
0x141: {  	[sflag:s0] =	ssyncadd.s32 @!p0 s1  }
0x142: {  	[bflag:$0x3] =	sbarrier.arrive $0xFFFF  }
0x143: {  	_ =	shalt  }

</sc_bundles>
